<compile_context>
chip_gen: v7x
topology: tpu7x:2x2x1
jax: 0.10.2.dev20260603
libtpu: 0.0.44.dev20260713+nightly
codegen_flags: <defaults>
</compile_context>

<pallas_src>
import functools

import jax
import jax.numpy as jnp
from jax import lax
from jax.experimental import pallas as pl
from jax.experimental.pallas import tpu as pltpu
from jax.experimental.pallas import tpu_sc as plsc

N = 10000
E = 320000
D = 128

NC = 2
NS = 16
NW = NC * NS
K = 80
NCHUNK = 125
EPT = E // NW
NP = 10112
RPT = NP // NS
DW = 16

@functools.lru_cache(maxsize=None)
def _mesh():
    return plsc.VectorSubcoreMesh(core_axis_name="c", subcore_axis_name="s",
                                  num_cores=NC, num_subcores=NS)


def _zero_rows(ref, nrows, ncol16):
    def body(i, _):
        for j in range(ncol16):
            ref[i, pl.ds(j * 16, 16)] = jnp.zeros((16,), jnp.float32)
        return 0
    lax.fori_loop(0, nrows, body, 0)


RI = 5
RD = 5
RW = 4
RB = 4


_SPANS = [(j * K, K) for j in range(RPT // K)] + (
    [(RPT - RPT % K, RPT % K)] if RPT % K else [])


def _fill_span(buf, dst, d_base):
    for off, sz in _SPANS:
        pltpu.sync_copy(buf.at[pl.ds(0, sz)],
                        dst.at[pl.ds(d_base + off, sz)])


def _writeout_sync(shared, buf, out_hbm, r0, o0):
    for off, sz in _SPANS:
        pltpu.sync_copy(shared.at[pl.ds(r0 + off, sz)],
                        buf.at[pl.ds(0, sz)])
        pltpu.sync_copy(buf.at[pl.ds(0, sz)],
                        out_hbm.at[pl.ds(o0 + off, sz)])


def _deg_body(dst_hbm, out_hbm, buf_v, idx_v, deg_sh, sem_i, sem_s):
    c = lax.axis_index("c")
    s = lax.axis_index("s")
    t = s * NC + c
    r0 = s * RPT

    def ifire(ci, u):
        base = pl.multiple_of(t * EPT + ci * K, 8)
        pltpu.async_copy(dst_hbm.at[pl.ds(base, K)], idx_v.at[ci],
                         sem_i.at[u])

    def idrain(u):
        pltpu.make_async_copy(dst_hbm.at[pl.ds(0, K)], idx_v.at[0],
                              sem_i.at[u]).wait()

    _zero_rows(buf_v, K, DW // 16)
    _fill_span(buf_v, deg_sh, r0)

    def ones_row(i, _):
        buf_v[i, :] = jnp.ones((DW,), jnp.float32)
        return 0
    lax.fori_loop(0, K, ones_row, 0)

    for u in range(RI):
        ifire(u, u)

    def istep(gi, _):
        for u in range(RI):
            idrain(u)
            ifire(gi * RI + u, u)
        return 0
    lax.fori_loop(1, NCHUNK // RI, istep, 0)
    for u in range(RI):
        idrain(u)
    plsc.subcore_barrier()

    def start_s(ci, u):
        pltpu.async_copy(buf_v, deg_sh.at[idx_v.at[ci]], sem_s.at[u],
                         add=True)

    def wait_s(u):
        pltpu.make_async_copy(buf_v, deg_sh.at[idx_v.at[0]],
                              sem_s.at[u]).wait()

    for u in range(RD):
        start_s(u, u)

    def step(gi, _):
        for u in range(RD):
            wait_s(u)
            start_s(gi * RD + u, u)
        return 0
    lax.fori_loop(1, NCHUNK // RD, step, 0)
    for u in range(RD):
        wait_s(u)
    plsc.subcore_barrier()

    _writeout_sync(deg_sh, buf_v, out_hbm, r0, c * NP + r0)


@functools.lru_cache(maxsize=None)
def _sc_deg():
    return pl.kernel(
        _deg_body,
        out_type=jax.ShapeDtypeStruct((NC * NP, DW), jnp.float32),
        mesh=_mesh(),
        scratch_types=[
            pltpu.VMEM((K, DW), jnp.float32),
            pltpu.VMEM((NCHUNK, K), jnp.int32),
            pltpu.VMEM_SHARED((NP, DW), jnp.float32),
            pltpu.SemaphoreType.DMA((RI,)),
            pltpu.SemaphoreType.DMA((RD,)),
        ],
    )


def _agg_body(y_hbm, src_hbm, dst_hbm, out_hbm, bufs_v, srcr_v, dstr_v,
              acc_sh, sem_is, sem_id, sem_g, sem_s):
    c = lax.axis_index("c")
    s = lax.axis_index("s")
    t = s * NC + c
    r0 = s * RPT
    _zero_rows(bufs_v.at[0], K, D // 16)
    _fill_span(bufs_v.at[0], acc_sh, r0)
    plsc.subcore_barrier()

    def start_il(ci, u):
        base = pl.multiple_of(t * EPT, 8) + ci * K
        pltpu.async_copy(src_hbm.at[pl.ds(base, K)], srcr_v.at[u],
                         sem_is.at[u])
        pltpu.async_copy(dst_hbm.at[pl.ds(base, K)], dstr_v.at[u],
                         sem_id.at[u])

    def wait_il(u):
        pltpu.make_async_copy(src_hbm.at[pl.ds(0, K)], srcr_v.at[u],
                              sem_is.at[u]).wait()
        pltpu.make_async_copy(dst_hbm.at[pl.ds(0, K)], dstr_v.at[u],
                              sem_id.at[u]).wait()

    def start_g(u):
        pltpu.async_copy(y_hbm.at[srcr_v.at[u]], bufs_v.at[u], sem_g.at[u])

    def wait_g(u):
        pltpu.make_async_copy(y_hbm.at[srcr_v.at[u]], bufs_v.at[u],
                              sem_g.at[u]).wait()

    def start_s(u):
        pltpu.async_copy(bufs_v.at[u], acc_sh.at[dstr_v.at[u]],
                         sem_s.at[u], add=True)

    def wait_s(u):
        pltpu.make_async_copy(bufs_v.at[u], acc_sh.at[dstr_v.at[u]],
                              sem_s.at[u]).wait()

    LAST = NCHUNK - 1
    start_il(0, 0)
    start_il(1, 1)
    start_il(2, 2)
    wait_il(0)
    start_g(0)
    wait_il(1)
    start_g(1)
    for i in range(RB):
        if i >= 1:
            wait_s(i - 1)
        start_il(i + 3, (i + 3) % RB)
        wait_il((i + 2) % RB)
        start_g((i + 2) % RB)
        wait_g(i)
        start_s(i)

    def step(gi, _):
        for u in range(RB):
            i = gi * RB + u
            wait_s((u + 3) % RB)
            start_il(jnp.minimum(i + 3, LAST), (u + 3) % RB)
            wait_il((u + 2) % RB)
            start_g((u + 2) % RB)
            wait_g(u)
            start_s(u)
        return 0
    lax.fori_loop(1, NCHUNK // RB, step, 0)

    wait_s(3)
    wait_g(0)
    start_s(0)
    wait_s(0)
    wait_g(1)
    wait_il(2)
    plsc.subcore_barrier()

    _writeout_sync(acc_sh, bufs_v.at[0], out_hbm, r0, c * NP + r0)


@functools.lru_cache(maxsize=None)
def _sc_agg():
    return pl.kernel(
        _agg_body,
        out_type=jax.ShapeDtypeStruct((NC * NP, D), jnp.float32),
        mesh=_mesh(),
        scratch_types=[
            pltpu.VMEM((RB, K, D), jnp.float32),
            pltpu.VMEM((RB, K), jnp.int32),
            pltpu.VMEM((RB, K), jnp.int32),
            pltpu.VMEM_SHARED((NP, D), jnp.float32),
            pltpu.SemaphoreType.DMA((RB,)),
            pltpu.SemaphoreType.DMA((RB,)),
            pltpu.SemaphoreType.DMA((RB,)),
            pltpu.SemaphoreType.DMA((RB,)),
        ],
    )


_RB = 1000


def _mmscale_body(x_ref, w_ref, da_ref, db_ref, y_ref):
    deg = da_ref[0, :, 0:1] + db_ref[0, :, 0:1] + 1.0
    xw = jnp.dot(x_ref[...], w_ref[...], preferred_element_type=jnp.float32)
    y_ref[...] = xw * lax.rsqrt(deg)


def _tc_mmscale(x, W, degp3):
    return pl.pallas_call(
        _mmscale_body,
        grid=(N // _RB,),
        in_specs=[
            pl.BlockSpec((_RB, D), lambda i: (i, 0)),
            pl.BlockSpec((D, D), lambda i: (0, 0)),
            pl.BlockSpec((1, _RB, DW), lambda i: (0, i, 0)),
            pl.BlockSpec((1, _RB, DW), lambda i: (1, i, 0)),
        ],
        out_specs=pl.BlockSpec((_RB, D), lambda i: (i, 0)),
        out_shape=jax.ShapeDtypeStruct((N, D), jnp.float32),
    )(x, W, degp3, degp3)


def _final_body(aa_ref, ab_ref, y_ref, da_ref, db_ref, b_ref, o_ref):
    deg = da_ref[0, :, 0:1] + db_ref[0, :, 0:1] + 1.0
    dinv = lax.rsqrt(deg)
    acc = aa_ref[0] + ab_ref[0] + y_ref[...]
    o_ref[...] = jnp.maximum(dinv * acc + b_ref[...], 0.0)


def _tc_final(aggp3, y, degp3, b):
    return pl.pallas_call(
        _final_body,
        grid=(N // _RB,),
        in_specs=[
            pl.BlockSpec((1, _RB, D), lambda i: (0, i, 0)),
            pl.BlockSpec((1, _RB, D), lambda i: (1, i, 0)),
            pl.BlockSpec((_RB, D), lambda i: (i, 0)),
            pl.BlockSpec((1, _RB, DW), lambda i: (0, i, 0)),
            pl.BlockSpec((1, _RB, DW), lambda i: (1, i, 0)),
            pl.BlockSpec((1, D), lambda i: (0, 0)),
        ],
        out_specs=pl.BlockSpec((_RB, D), lambda i: (i, 0)),
        out_shape=jax.ShapeDtypeStruct((N, D), jnp.float32),
    )(aggp3, aggp3, y, degp3, degp3, b)


def kernel(x, edge_index, W, b):
    src = edge_index[0].astype(jnp.int32)
    dst = edge_index[1].astype(jnp.int32)

    degp = _sc_deg()(dst)
    degp3 = degp.reshape(NC, NP, DW)
    y = _tc_mmscale(x, W, degp3)
    aggp = _sc_agg()(y, src, dst)
    aggp3 = aggp.reshape(NC, NP, D)
    return _tc_final(aggp3, y, degp3, b.reshape(1, D).astype(jnp.float32))

# --- scband reference (transcript-rebuilt; emitter-appended) ---
"""Pipeline reference for scband-simple-gcn-27530740368060 (READ-ONLY COPY).

The authoritative reference and input builder live on the scoring server;
editing this copy changes nothing except your own understanding.
"""

import jax, jax.numpy as jnp
import numpy as np

N_NODES = 10000
N_EDGES = 320000
IN_DIM = 128
HIDDEN_DIM = 128


def setup_inputs(seed: int = 0) -> dict:
    key = jax.random.key(seed)
    k_x, k_ei, k_w, k_b = jax.random.split(key, 4)
    x = jax.random.normal(k_x, (N_NODES, IN_DIM), dtype=jnp.float32)
    edge_index = jax.random.randint(k_ei, (2, N_EDGES), 0, N_NODES, dtype=jnp.int64)
    # GCNConv learned parameters (glorot-style init for weight, zeros for bias)
    scale = float(np.sqrt(6.0 / (IN_DIM + HIDDEN_DIM)))
    W = jax.random.uniform(k_w, (IN_DIM, HIDDEN_DIM), dtype=jnp.float32, minval=-scale, maxval=scale)
    b = jnp.zeros((HIDDEN_DIM,), dtype=jnp.float32)
    return {"x": x, "edge_index": edge_index, "W": W, "b": b}


def reference(x, edge_index, W, b):
    # Faithful GCNConv (PyG semantics): add self-loops, symmetric deg^{-1/2}
    # normalization, linear transform, scatter-add aggregation, bias, then ReLU.
    N = x.shape[0]
    src = edge_index[0]
    dst = edge_index[1]
    loop = jnp.arange(N, dtype=edge_index.dtype)
    src = jnp.concatenate([src, loop], axis=0)
    dst = jnp.concatenate([dst, loop], axis=0)

    xw = x @ W  # [N, hidden]

    # degree computed on destination nodes (with self-loops), edge weight = 1
    deg = jnp.zeros((N,), dtype=xw.dtype).at[dst].add(1.0)
    deg_inv_sqrt = jnp.where(deg > 0, jax.lax.rsqrt(deg), 0.0)
    norm = deg_inv_sqrt[src] * deg_inv_sqrt[dst]  # [E + N]

    msg = xw[src] * norm[:, None]  # gather + scale
    out = jax.ops.segment_sum(msg, dst, num_segments=N)  # scatter-add
    out = out + b
    return jax.nn.relu(out)

if __name__ == "__main__":
    import jax
    _d = setup_inputs()
    print(jax.jit(kernel)(*tuple(_d.values())))

</pallas_src>

<mosaic_0001>
#map = affine_map<(d0, d1) -> (0, 0)>
#map1 = affine_map<(d0, d1) -> (0)>
module attributes {stable_mosaic.version = 14 : i64} {
  func.func @_agg_body(%arg0: i32, %arg1: i32, %arg2: memref<10000x128xf32, #tpu.memory_space<hbm>>, %arg3: memref<320000xi32, #tpu.memory_space<hbm>>, %arg4: memref<320000xi32, #tpu.memory_space<hbm>>, %arg5: memref<20224x128xf32, #tpu.memory_space<hbm>>, %arg6: memref<4x80x128xf32, #tpu.memory_space<vmem>>, %arg7: memref<4x80xi32, #tpu.memory_space<vmem>>, %arg8: memref<4x80xi32, #tpu.memory_space<vmem>>, %arg9: memref<10112x128xf32, #tpu.memory_space<vmem_shared>>, %arg10: memref<4x!tpu.dma_semaphore, #tpu.memory_space<semaphore_mem>>, %arg11: memref<4x!tpu.dma_semaphore, #tpu.memory_space<semaphore_mem>>, %arg12: memref<4x!tpu.dma_semaphore, #tpu.memory_space<semaphore_mem>>, %arg13: memref<4x!tpu.dma_semaphore, #tpu.memory_space<semaphore_mem>>) attributes {dimension_semantics = [#tpu.dimension_semantics<core_parallel>, #tpu.dimension_semantics<subcore_parallel>], iteration_bounds = array<i64: 2, 16>, scalar_prefetch = 0 : i64, scratch_operands = 8 : i64, tpu.core_type = #tpu.core_type<sc_vector_subcore>, window_params = [{transform_indices = #map}, {transform_indices = #map1}, {transform_indices = #map1}, {transform_indices = #map}]} {
    %mul3A = arith.constant 2 : i32
    %mul3A_0 = arith.muli %arg1, %mul3A : i32
    %add3A = arith.addi %mul3A_0, %arg0 : i32
    %mul3A_1 = arith.constant 632 : i32
    %mul3A_2 = arith.muli %arg1, %mul3A_1 : i32
    %scan3A = arith.constant 0 : i32
    %scan3A_3 = arith.constant 0 : i32
    %scan3A_4 = arith.constant 0 : i32
    %scan3A_5 = arith.constant 80 : i32
    %scan3A_6 = arith.addi %scan3A_4, %scan3A_5 : i32
    %scan3A_7 = arith.constant 1 : i32
    %scan3A_8 = scf.for %scan3A_818 = %scan3A_4 to %scan3A_6 step %scan3A_7 iter_args(%scan3A_819 = %scan3A_3) -> (i32)  : i32 {
      %broadcast_in_dim3A = arith.constant 0.000000e+00 : f32
      %broadcast_in_dim3A_820 = vector.broadcast %broadcast_in_dim3A : f32 to vector<16xf32>
      %swap3A = arith.constant 0 : i32
      %swap3A_821 = arith.constant 0 : i32
      %swap3A_822 = tpu.memref_slice %arg6[%scan3A, %swap3A, %swap3A_821] : memref<4x80x128xf32, #tpu.memory_space<vmem>> -> memref<1x80x128xf32, #tpu.memory_space<vmem>>
      %swap3A_823 = tpu.memref_squeeze %swap3A_822 : memref<1x80x128xf32, #tpu.memory_space<vmem>> -> memref<80x128xf32, #tpu.memory_space<vmem>>
      %swap3A_824 = arith.index_cast %scan3A_818 : i32 to index
      %swap3A_825 = arith.constant 0 : index
      %swap3A_826 = tpu.vector_load %swap3A_823[%swap3A_824, %swap3A_825] {strides = array<i32>} : memref<80x128xf32, #tpu.memory_space<vmem>>, vector<1x16xf32>,
      %swap3A_827 = vector.shape_cast %swap3A_826 : vector<1x16xf32> to vector<16xf32>
      %swap3A_828 = vector.shape_cast %broadcast_in_dim3A_820 : vector<16xf32> to vector<1x16xf32>
      tpu.vector_store %swap3A_823[%swap3A_824, %swap3A_825], %swap3A_828 {strides = array<i32>} : memref<80x128xf32, #tpu.memory_space<vmem>>, vector<1x16xf32>,
      %broadcast_in_dim3A_829 = arith.constant 0.000000e+00 : f32
      %broadcast_in_dim3A_830 = vector.broadcast %broadcast_in_dim3A_829 : f32 to vector<16xf32>
      %swap3A_831 = arith.constant 0 : i32
      %swap3A_832 = arith.constant 0 : i32
      %swap3A_833 = tpu.memref_slice %arg6[%scan3A, %swap3A_831, %swap3A_832] : memref<4x80x128xf32, #tpu.memory_space<vmem>> -> memref<1x80x128xf32, #tpu.memory_space<vmem>>
      %swap3A_834 = tpu.memref_squeeze %swap3A_833 : memref<1x80x128xf32, #tpu.memory_space<vmem>> -> memref<80x128xf32, #tpu.memory_space<vmem>>
      %swap3A_835 = arith.index_cast %scan3A_818 : i32 to index
      %swap3A_836 = arith.constant 16 : index
      %swap3A_837 = tpu.vector_load %swap3A_834[%swap3A_835, %swap3A_836] {strides = array<i32>} : memref<80x128xf32, #tpu.memory_space<vmem>>, vector<1x16xf32>,
      %swap3A_838 = vector.shape_cast %swap3A_837 : vector<1x16xf32> to vector<16xf32>
      %swap3A_839 = vector.shape_cast %broadcast_in_dim3A_830 : vector<16xf32> to vector<1x16xf32>
      tpu.vector_store %swap3A_834[%swap3A_835, %swap3A_836], %swap3A_839 {strides = array<i32>} : memref<80x128xf32, #tpu.memory_space<vmem>>, vector<1x16xf32>,
      %broadcast_in_dim3A_840 = arith.constant 0.000000e+00 : f32
      %broadcast_in_dim3A_841 = vector.broadcast %broadcast_in_dim3A_840 : f32 to vector<16xf32>
      %swap3A_842 = arith.constant 0 : i32
      %swap3A_843 = arith.constant 0 : i32
      %swap3A_844 = tpu.memref_slice %arg6[%scan3A, %swap3A_842, %swap3A_843] : memref<4x80x128xf32, #tpu.memory_space<vmem>> -> memref<1x80x128xf32, #tpu.memory_space<vmem>>
      %swap3A_845 = tpu.memref_squeeze %swap3A_844 : memref<1x80x128xf32, #tpu.memory_space<vmem>> -> memref<80x128xf32, #tpu.memory_space<vmem>>
      %swap3A_846 = arith.index_cast %scan3A_818 : i32 to index
      %swap3A_847 = arith.constant 32 : index
      %swap3A_848 = tpu.vector_load %swap3A_845[%swap3A_846, %swap3A_847] {strides = array<i32>} : memref<80x128xf32, #tpu.memory_space<vmem>>, vector<1x16xf32>,
      %swap3A_849 = vector.shape_cast %swap3A_848 : vector<1x16xf32> to vector<16xf32>
      %swap3A_850 = vector.shape_cast %broadcast_in_dim3A_841 : vector<16xf32> to vector<1x16xf32>
      tpu.vector_store %swap3A_845[%swap3A_846, %swap3A_847], %swap3A_850 {strides = array<i32>} : memref<80x128xf32, #tpu.memory_space<vmem>>, vector<1x16xf32>,
      %broadcast_in_dim3A_851 = arith.constant 0.000000e+00 : f32
      %broadcast_in_dim3A_852 = vector.broadcast %broadcast_in_dim3A_851 : f32 to vector<16xf32>
      %swap3A_853 = arith.constant 0 : i32
      %swap3A_854 = arith.constant 0 : i32
      %swap3A_855 = tpu.memref_slice %arg6[%scan3A, %swap3A_853, %swap3A_854] : memref<4x80x128xf32, #tpu.memory_space<vmem>> -> memref<1x80x128xf32, #tpu.memory_space<vmem>>
      %swap3A_856 = tpu.memref_squeeze %swap3A_855 : memref<1x80x128xf32, #tpu.memory_space<vmem>> -> memref<80x128xf32, #tpu.memory_space<vmem>>
      %swap3A_857 = arith.index_cast %scan3A_818 : i32 to index
      %swap3A_858 = arith.constant 48 : index
      %swap3A_859 = tpu.vector_load %swap3A_856[%swap3A_857, %swap3A_858] {strides = array<i32>} : memref<80x128xf32, #tpu.memory_space<vmem>>, vector<1x16xf32>,
      %swap3A_860 = vector.shape_cast %swap3A_859 : vector<1x16xf32> to vector<16xf32>
      %swap3A_861 = vector.shape_cast %broadcast_in_dim3A_852 : vector<16xf32> to vector<1x16xf32>
      tpu.vector_store %swap3A_856[%swap3A_857, %swap3A_858], %swap3A_861 {strides = array<i32>} : memref<80x128xf32, #tpu.memory_space<vmem>>, vector<1x16xf32>,
      %broadcast_in_dim3A_862 = arith.constant 0.000000e+00 : f32
      %broadcast_in_dim3A_863 = vector.broadcast %broadcast_in_dim3A_862 : f32 to vector<16xf32>
      %swap3A_864 = arith.constant 0 : i32
      %swap3A_865 = arith.constant 0 : i32
      %swap3A_866 = tpu.memref_slice %arg6[%scan3A, %swap3A_864, %swap3A_865] : memref<4x80x128xf32, #tpu.memory_space<vmem>> -> memref<1x80x128xf32, #tpu.memory_space<vmem>>
      %swap3A_867 = tpu.memref_squeeze %swap3A_866 : memref<1x80x128xf32, #tpu.memory_space<vmem>> -> memref<80x128xf32, #tpu.memory_space<vmem>>
      %swap3A_868 = arith.index_cast %scan3A_818 : i32 to index
      %swap3A_869 = arith.constant 64 : index
      %swap3A_870 = tpu.vector_load %swap3A_867[%swap3A_868, %swap3A_869] {strides = array<i32>} : memref<80x128xf32, #tpu.memory_space<vmem>>, vector<1x16xf32>,
      %swap3A_871 = vector.shape_cast %swap3A_870 : vector<1x16xf32> to vector<16xf32>
      %swap3A_872 = vector.shape_cast %broadcast_in_dim3A_863 : vector<16xf32> to vector<1x16xf32>
      tpu.vector_store %swap3A_867[%swap3A_868, %swap3A_869], %swap3A_872 {strides = array<i32>} : memref<80x128xf32, #tpu.memory_space<vmem>>, vector<1x16xf32>,
      %broadcast_in_dim3A_873 = arith.constant 0.000000e+00 : f32
      %broadcast_in_dim3A_874 = vector.broadcast %broadcast_in_dim3A_873 : f32 to vector<16xf32>
      %swap3A_875 = arith.constant 0 : i32
      %swap3A_876 = arith.constant 0 : i32
      %swap3A_877 = tpu.memref_slice %arg6[%scan3A, %swap3A_875, %swap3A_876] : memref<4x80x128xf32, #tpu.memory_space<vmem>> -> memref<1x80x128xf32, #tpu.memory_space<vmem>>
      %swap3A_878 = tpu.memref_squeeze %swap3A_877 : memref<1x80x128xf32, #tpu.memory_space<vmem>> -> memref<80x128xf32, #tpu.memory_space<vmem>>
      %swap3A_879 = arith.index_cast %scan3A_818 : i32 to index
      %swap3A_880 = arith.constant 80 : index
      %swap3A_881 = tpu.vector_load %swap3A_878[%swap3A_879, %swap3A_880] {strides = array<i32>} : memref<80x128xf32, #tpu.memory_space<vmem>>, vector<1x16xf32>,
      %swap3A_882 = vector.shape_cast %swap3A_881 : vector<1x16xf32> to vector<16xf32>
      %swap3A_883 = vector.shape_cast %broadcast_in_dim3A_874 : vector<16xf32> to vector<1x16xf32>
      tpu.vector_store %swap3A_878[%swap3A_879, %swap3A_880], %swap3A_883 {strides = array<i32>} : memref<80x128xf32, #tpu.memory_space<vmem>>, vector<1x16xf32>,
      %broadcast_in_dim3A_884 = arith.constant 0.000000e+00 : f32
      %broadcast_in_dim3A_885 = vector.broadcast %broadcast_in_dim3A_884 : f32 to vector<16xf32>
      %swap3A_886 = arith.constant 0 : i32
      %swap3A_887 = arith.constant 0 : i32
      %swap3A_888 = tpu.memref_slice %arg6[%scan3A, %swap3A_886, %swap3A_887] : memref<4x80x128xf32, #tpu.memory_space<vmem>> -> memref<1x80x128xf32, #tpu.memory_space<vmem>>
      %swap3A_889 = tpu.memref_squeeze %swap3A_888 : memref<1x80x128xf32, #tpu.memory_space<vmem>> -> memref<80x128xf32, #tpu.memory_space<vmem>>
      %swap3A_890 = arith.index_cast %scan3A_818 : i32 to index
      %swap3A_891 = arith.constant 96 : index
      %swap3A_892 = tpu.vector_load %swap3A_889[%swap3A_890, %swap3A_891] {strides = array<i32>} : memref<80x128xf32, #tpu.memory_space<vmem>>, vector<1x16xf32>,
      %swap3A_893 = vector.shape_cast %swap3A_892 : vector<1x16xf32> to vector<16xf32>
      %swap3A_894 = vector.shape_cast %broadcast_in_dim3A_885 : vector<16xf32> to vector<1x16xf32>
      tpu.vector_store %swap3A_889[%swap3A_890, %swap3A_891], %swap3A_894 {strides = array<i32>} : memref<80x128xf32, #tpu.memory_space<vmem>>, vector<1x16xf32>,
      %broadcast_in_dim3A_895 = arith.constant 0.000000e+00 : f32
      %broadcast_in_dim3A_896 = vector.broadcast %broadcast_in_dim3A_895 : f32 to vector<16xf32>
      %swap3A_897 = arith.constant 0 : i32
      %swap3A_898 = arith.constant 0 : i32
      %swap3A_899 = tpu.memref_slice %arg6[%scan3A, %swap3A_897, %swap3A_898] : memref<4x80x128xf32, #tpu.memory_space<vmem>> -> memref<1x80x128xf32, #tpu.memory_space<vmem>>
      %swap3A_900 = tpu.memref_squeeze %swap3A_899 : memref<1x80x128xf32, #tpu.memory_space<vmem>> -> memref<80x128xf32, #tpu.memory_space<vmem>>
      %swap3A_901 = arith.index_cast %scan3A_818 : i32 to index
      %swap3A_902 = arith.constant 112 : index
      %swap3A_903 = tpu.vector_load %swap3A_900[%swap3A_901, %swap3A_902] {strides = array<i32>} : memref<80x128xf32, #tpu.memory_space<vmem>>, vector<1x16xf32>,
      %swap3A_904 = vector.shape_cast %swap3A_903 : vector<1x16xf32> to vector<16xf32>
      %swap3A_905 = vector.shape_cast %broadcast_in_dim3A_896 : vector<16xf32> to vector<1x16xf32>
      tpu.vector_store %swap3A_900[%swap3A_901, %swap3A_902], %swap3A_905 {strides = array<i32>} : memref<80x128xf32, #tpu.memory_space<vmem>>, vector<1x16xf32>,
      %scan3A_906 = arith.constant 0 : i32
      scf.yield %scan3A_906 : i32
    }
    %scan3A_9 = arith.constant 80 : i32
    %add3A_10 = arith.constant 0 : i32
    %add3A_11 = arith.addi %mul3A_2, %add3A_10 : i32
    %run_scoped3A = arith.constant 0 : i32
    "tpu.region"() ({
      %run_scoped3A_818 = tpu.sem_alloc : memref<!tpu.dma_semaphore, #tpu.memory_space<semaphore_mem>>
      %dma_start3A_819 = arith.constant 0 : i32
      %dma_start3A_820 = arith.constant 0 : i32
      %dma_start3A_821 = tpu.memref_slice %arg6[%run_scoped3A, %dma_start3A_819, %dma_start3A_820] : memref<4x80x128xf32, #tpu.memory_space<vmem>> -> memref<1x80x128xf32, #tpu.memory_space<vmem>>
      %dma_start3A_822 = tpu.memref_squeeze %dma_start3A_821 : memref<1x80x128xf32, #tpu.memory_space<vmem>> -> memref<80x128xf32, #tpu.memory_space<vmem>>
      %dma_start3A_823 = arith.constant 0 : i32
      %dma_start3A_824 = arith.constant 0 : i32
      %dma_start3A_825 = tpu.memref_slice %dma_start3A_822[%dma_start3A_823, %dma_start3A_824] : memref<80x128xf32, #tpu.memory_space<vmem>> -> memref<80x128xf32, #tpu.memory_space<vmem>>
      %dma_start3A_826 = arith.constant 0 : i32
      %dma_start3A_827 = tpu.memref_slice %arg9[%add3A_11, %dma_start3A_826] : memref<10112x128xf32, #tpu.memory_space<vmem_shared>> -> memref<80x128xf32, #tpu.memory_space<vmem_shared>>
      %dma_start3A_828 = arith.constant 0 : i32
      %dma_start3A_829 = tpu.memref_slice %arg9[%add3A_11, %dma_start3A_828] : memref<10112x128xf32, #tpu.memory_space<vmem_shared>> -> memref<80x128xf32, #tpu.memory_space<vmem_shared>>
      %dma_start3A_830 = arith.constant 0 : i32
      %dma_start3A_831 = arith.constant 0 : i32
      %dma_start3A_832 = tpu.memref_slice %arg6[%run_scoped3A, %dma_start3A_830, %dma_start3A_831] : memref<4x80x128xf32, #tpu.memory_space<vmem>> -> memref<1x80x128xf32, #tpu.memory_space<vmem>>
      %dma_start3A_833 = tpu.memref_squeeze %dma_start3A_832 : memref<1x80x128xf32, #tpu.memory_space<vmem>> -> memref<80x128xf32, #tpu.memory_space<vmem>>
      %dma_start3A_834 = arith.constant 0 : i32
      %dma_start3A_835 = arith.constant 0 : i32
      %dma_start3A_836 = tpu.memref_slice %dma_start3A_833[%dma_start3A_834, %dma_start3A_835] : memref<80x128xf32, #tpu.memory_space<vmem>> -> memref<80x128xf32, #tpu.memory_space<vmem>>
      tpu.enqueue_dma source(%dma_start3A_836 : memref<80x128xf32, #tpu.memory_space<vmem>>) target(%dma_start3A_829 : memref<80x128xf32, #tpu.memory_space<vmem_shared>>) target_semaphore(%run_scoped3A_818 : memref<!tpu.dma_semaphore, #tpu.memory_space<semaphore_mem>>)
      %dma_wait3A_837 = arith.constant 0 : i32
      %dma_wait3A_838 = arith.constant 0 : i32
      %dma_wait3A_839 = tpu.memref_slice %arg6[%run_scoped3A, %dma_wait3A_837, %dma_wait3A_838] : memref<4x80x128xf32, #tpu.memory_space<vmem>> -> memref<1x80x128xf32, #tpu.memory_space<vmem>>
      %dma_wait3A_840 = tpu.memref_squeeze %dma_wait3A_839 : memref<1x80x128xf32, #tpu.memory_space<vmem>> -> memref<80x128xf32, #tpu.memory_space<vmem>>
      %dma_wait3A_841 = arith.constant 0 : i32
      %dma_wait3A_842 = arith.constant 0 : i32
      %dma_wait3A_843 = tpu.memref_slice %dma_wait3A_840[%dma_wait3A_841, %dma_wait3A_842] : memref<80x128xf32, #tpu.memory_space<vmem>> -> memref<80x128xf32, #tpu.memory_space<vmem>>
      %dma_wait3A_844 = arith.constant 0 : i32
      %dma_wait3A_845 = tpu.memref_slice %arg9[%add3A_11, %dma_wait3A_844] : memref<10112x128xf32, #tpu.memory_space<vmem_shared>> -> memref<80x128xf32, #tpu.memory_space<vmem_shared>>
      %dma_wait3A_846 = arith.constant 0 : i32
      %dma_wait3A_847 = tpu.memref_slice %arg9[%add3A_11, %dma_wait3A_846] : memref<10112x128xf32, #tpu.memory_space<vmem_shared>> -> memref<80x128xf32, #tpu.memory_space<vmem_shared>>
      %dma_wait3A_848 = arith.constant 0 : i32
      %dma_wait3A_849 = arith.constant 0 : i32
      %dma_wait3A_850 = tpu.memref_slice %arg6[%run_scoped3A, %dma_wait3A_848, %dma_wait3A_849] : memref<4x80x128xf32, #tpu.memory_space<vmem>> -> memref<1x80x128xf32, #tpu.memory_space<vmem>>
      %dma_wait3A_851 = tpu.memref_squeeze %dma_wait3A_850 : memref<1x80x128xf32, #tpu.memory_space<vmem>> -> memref<80x128xf32, #tpu.memory_space<vmem>>
      %dma_wait3A_852 = arith.constant 0 : i32
      %dma_wait3A_853 = arith.constant 0 : i32
      %dma_wait3A_854 = tpu.memref_slice %dma_wait3A_851[%dma_wait3A_852, %dma_wait3A_853] : memref<80x128xf32, #tpu.memory_space<vmem>> -> memref<80x128xf32, #tpu.memory_space<vmem>>
      tpu.wait_dma2 semaphore(%run_scoped3A_818 : memref<!tpu.dma_semaphore, #tpu.memory_space<semaphore_mem>>) src(%dma_wait3A_854 : memref<80x128xf32, #tpu.memory_space<vmem>>) dst(%dma_wait3A_847 : memref<80x128xf32, #tpu.memory_space<vmem_shared>>)
      tpu.yield
    }) : () -> ()
    %add3A_12 = arith.constant 80 : i32
    %add3A_13 = arith.addi %mul3A_2, %add3A_12 : i32
    %run_scoped3A_14 = arith.constant 0 : i32
    "tpu.region"() ({
      %run_scoped3A_818 = tpu.sem_alloc : memref<!tpu.dma_semaphore, #tpu.memory_space<semaphore_mem>>
      %dma_start3A_819 = arith.constant 0 : i32
      %dma_start3A_820 = arith.constant 0 : i32
      %dma_start3A_821 = tpu.memref_slice %arg6[%run_scoped3A_14, %dma_start3A_819, %dma_start3A_820] : memref<4x80x128xf32, #tpu.memory_space<vmem>> -> memref<1x80x128xf32, #tpu.memory_space<vmem>>
      %dma_start3A_822 = tpu.memref_squeeze %dma_start3A_821 : memref<1x80x128xf32, #tpu.memory_space<vmem>> -> memref<80x128xf32, #tpu.memory_space<vmem>>
      %dma_start3A_823 = arith.constant 0 : i32
      %dma_start3A_824 = arith.constant 0 : i32
      %dma_start3A_825 = tpu.memref_slice %dma_start3A_822[%dma_start3A_823, %dma_start3A_824] : memref<80x128xf32, #tpu.memory_space<vmem>> -> memref<80x128xf32, #tpu.memory_space<vmem>>
      %dma_start3A_826 = arith.constant 0 : i32
      %dma_start3A_827 = tpu.memref_slice %arg9[%add3A_13, %dma_start3A_826] : memref<10112x128xf32, #tpu.memory_space<vmem_shared>> -> memref<80x128xf32, #tpu.memory_space<vmem_shared>>
      %dma_start3A_828 = arith.constant 0 : i32
      %dma_start3A_829 = tpu.memref_slice %arg9[%add3A_13, %dma_start3A_828] : memref<10112x128xf32, #tpu.memory_space<vmem_shared>> -> memref<80x128xf32, #tpu.memory_space<vmem_shared>>
      %dma_start3A_830 = arith.constant 0 : i32
      %dma_start3A_831 = arith.constant 0 : i32
      %dma_start3A_832 = tpu.memref_slice %arg6[%run_scoped3A_14, %dma_start3A_830, %dma_start3A_831] : memref<4x80x128xf32, #tpu.memory_space<vmem>> -> memref<1x80x128xf32, #tpu.memory_space<vmem>>
      %dma_start3A_833 = tpu.memref_squeeze %dma_start3A_832 : memref<1x80x128xf32, #tpu.memory_space<vmem>> -> memref<80x128xf32, #tpu.memory_space<vmem>>
      %dma_start3A_834 = arith.constant 0 : i32
      %dma_start3A_835 = arith.constant 0 : i32
      %dma_start3A_836 = tpu.memref_slice %dma_start3A_833[%dma_start3A_834, %dma_start3A_835] : memref<80x128xf32, #tpu.memory_space<vmem>> -> memref<80x128xf32, #tpu.memory_space<vmem>>
      tpu.enqueue_dma source(%dma_start3A_836 : memref<80x128xf32, #tpu.memory_space<vmem>>) target(%dma_start3A_829 : memref<80x128xf32, #tpu.memory_space<vmem_shared>>) target_semaphore(%run_scoped3A_818 : memref<!tpu.dma_semaphore, #tpu.memory_space<semaphore_mem>>)
      %dma_wait3A_837 = arith.constant 0 : i32
      %dma_wait3A_838 = arith.constant 0 : i32
      %dma_wait3A_839 = tpu.memref_slice %arg6[%run_scoped3A_14, %dma_wait3A_837, %dma_wait3A_838] : memref<4x80x128xf32, #tpu.memory_space<vmem>> -> memref<1x80x128xf32, #tpu.memory_space<vmem>>
      %dma_wait3A_840 = tpu.memref_squeeze %dma_wait3A_839 : memref<1x80x128xf32, #tpu.memory_space<vmem>> -> memref<80x128xf32, #tpu.memory_space<vmem>>
      %dma_wait3A_841 = arith.constant 0 : i32
      %dma_wait3A_842 = arith.constant 0 : i32
      %dma_wait3A_843 = tpu.memref_slice %dma_wait3A_840[%dma_wait3A_841, %dma_wait3A_842] : memref<80x128xf32, #tpu.memory_space<vmem>> -> memref<80x128xf32, #tpu.memory_space<vmem>>
      %dma_wait3A_844 = arith.constant 0 : i32
      %dma_wait3A_845 = tpu.memref_slice %arg9[%add3A_13, %dma_wait3A_844] : memref<10112x128xf32, #tpu.memory_space<vmem_shared>> -> memref<80x128xf32, #tpu.memory_space<vmem_shared>>
      %dma_wait3A_846 = arith.constant 0 : i32
      %dma_wait3A_847 = tpu.memref_slice %arg9[%add3A_13, %dma_wait3A_846] : memref<10112x128xf32, #tpu.memory_space<vmem_shared>> -> memref<80x128xf32, #tpu.memory_space<vmem_shared>>
      %dma_wait3A_848 = arith.constant 0 : i32
      %dma_wait3A_849 = arith.constant 0 : i32
      %dma_wait3A_850 = tpu.memref_slice %arg6[%run_scoped3A_14, %dma_wait3A_848, %dma_wait3A_849] : memref<4x80x128xf32, #tpu.memory_space<vmem>> -> memref<1x80x128xf32, #tpu.memory_space<vmem>>
      %dma_wait3A_851 = tpu.memref_squeeze %dma_wait3A_850 : memref<1x80x128xf32, #tpu.memory_space<vmem>> -> memref<80x128xf32, #tpu.memory_space<vmem>>
      %dma_wait3A_852 = arith.constant 0 : i32
      %dma_wait3A_853 = arith.constant 0 : i32
      %dma_wait3A_854 = tpu.memref_slice %dma_wait3A_851[%dma_wait3A_852, %dma_wait3A_853] : memref<80x128xf32, #tpu.memory_space<vmem>> -> memref<80x128xf32, #tpu.memory_space<vmem>>
      tpu.wait_dma2 semaphore(%run_scoped3A_818 : memref<!tpu.dma_semaphore, #tpu.memory_space<semaphore_mem>>) src(%dma_wait3A_854 : memref<80x128xf32, #tpu.memory_space<vmem>>) dst(%dma_wait3A_847 : memref<80x128xf32, #tpu.memory_space<vmem_shared>>)
      tpu.yield
    }) : () -> ()
    %add3A_15 = arith.constant 160 : i32
    %add3A_16 = arith.addi %mul3A_2, %add3A_15 : i32
    %run_scoped3A_17 = arith.constant 0 : i32
    "tpu.region"() ({
      %run_scoped3A_818 = tpu.sem_alloc : memref<!tpu.dma_semaphore, #tpu.memory_space<semaphore_mem>>
      %dma_start3A_819 = arith.constant 0 : i32
      %dma_start3A_820 = arith.constant 0 : i32
      %dma_start3A_821 = tpu.memref_slice %arg6[%run_scoped3A_17, %dma_start3A_819, %dma_start3A_820] : memref<4x80x128xf32, #tpu.memory_space<vmem>> -> memref<1x80x128xf32, #tpu.memory_space<vmem>>
      %dma_start3A_822 = tpu.memref_squeeze %dma_start3A_821 : memref<1x80x128xf32, #tpu.memory_space<vmem>> -> memref<80x128xf32, #tpu.memory_space<vmem>>
      %dma_start3A_823 = arith.constant 0 : i32
      %dma_start3A_824 = arith.constant 0 : i32
      %dma_start3A_825 = tpu.memref_slice %dma_start3A_822[%dma_start3A_823, %dma_start3A_824] : memref<80x128xf32, #tpu.memory_space<vmem>> -> memref<80x128xf32, #tpu.memory_space<vmem>>
      %dma_start3A_826 = arith.constant 0 : i32
      %dma_start3A_827 = tpu.memref_slice %arg9[%add3A_16, %dma_start3A_826] : memref<10112x128xf32, #tpu.memory_space<vmem_shared>> -> memref<80x128xf32, #tpu.memory_space<vmem_shared>>
      %dma_start3A_828 = arith.constant 0 : i32
      %dma_start3A_829 = tpu.memref_slice %arg9[%add3A_16, %dma_start3A_828] : memref<10112x128xf32, #tpu.memory_space<vmem_shared>> -> memref<80x128xf32, #tpu.memory_space<vmem_shared>>
      %dma_start3A_830 = arith.constant 0 : i32
      %dma_start3A_831 = arith.constant 0 : i32
      %dma_start3A_832 = tpu.memref_slice %arg6[%run_scoped3A_17, %dma_start3A_830, %dma_start3A_831] : memref<4x80x128xf32, #tpu.memory_space<vmem>> -> memref<1x80x128xf32, #tpu.memory_space<vmem>>
      %dma_start3A_833 = tpu.memref_squeeze %dma_start3A_832 : memref<1x80x128xf32, #tpu.memory_space<vmem>> -> memref<80x128xf32, #tpu.memory_space<vmem>>
      %dma_start3A_834 = arith.constant 0 : i32
      %dma_start3A_835 = arith.constant 0 : i32
      %dma_start3A_836 = tpu.memref_slice %dma_start3A_833[%dma_start3A_834, %dma_start3A_835] : memref<80x128xf32, #tpu.memory_space<vmem>> -> memref<80x128xf32, #tpu.memory_space<vmem>>
      tpu.enqueue_dma source(%dma_start3A_836 : memref<80x128xf32, #tpu.memory_space<vmem>>) target(%dma_start3A_829 : memref<80x128xf32, #tpu.memory_space<vmem_shared>>) target_semaphore(%run_scoped3A_818 : memref<!tpu.dma_semaphore, #tpu.memory_space<semaphore_mem>>)
      %dma_wait3A_837 = arith.constant 0 : i32
      %dma_wait3A_838 = arith.constant 0 : i32
      %dma_wait3A_839 = tpu.memref_slice %arg6[%run_scoped3A_17, %dma_wait3A_837, %dma_wait3A_838] : memref<4x80x128xf32, #tpu.memory_space<vmem>> -> memref<1x80x128xf32, #tpu.memory_space<vmem>>
      %dma_wait3A_840 = tpu.memref_squeeze %dma_wait3A_839 : memref<1x80x128xf32, #tpu.memory_space<vmem>> -> memref<80x128xf32, #tpu.memory_space<vmem>>
      %dma_wait3A_841 = arith.constant 0 : i32
      %dma_wait3A_842 = arith.constant 0 : i32
      %dma_wait3A_843 = tpu.memref_slice %dma_wait3A_840[%dma_wait3A_841, %dma_wait3A_842] : memref<80x128xf32, #tpu.memory_space<vmem>> -> memref<80x128xf32, #tpu.memory_space<vmem>>
      %dma_wait3A_844 = arith.constant 0 : i32
      %dma_wait3A_845 = tpu.memref_slice %arg9[%add3A_16, %dma_wait3A_844] : memref<10112x128xf32, #tpu.memory_space<vmem_shared>> -> memref<80x128xf32, #tpu.memory_space<vmem_shared>>
      %dma_wait3A_846 = arith.constant 0 : i32
      %dma_wait3A_847 = tpu.memref_slice %arg9[%add3A_16, %dma_wait3A_846] : memref<10112x128xf32, #tpu.memory_space<vmem_shared>> -> memref<80x128xf32, #tpu.memory_space<vmem_shared>>
      %dma_wait3A_848 = arith.constant 0 : i32
      %dma_wait3A_849 = arith.constant 0 : i32
      %dma_wait3A_850 = tpu.memref_slice %arg6[%run_scoped3A_17, %dma_wait3A_848, %dma_wait3A_849] : memref<4x80x128xf32, #tpu.memory_space<vmem>> -> memref<1x80x128xf32, #tpu.memory_space<vmem>>
      %dma_wait3A_851 = tpu.memref_squeeze %dma_wait3A_850 : memref<1x80x128xf32, #tpu.memory_space<vmem>> -> memref<80x128xf32, #tpu.memory_space<vmem>>
      %dma_wait3A_852 = arith.constant 0 : i32
      %dma_wait3A_853 = arith.constant 0 : i32
      %dma_wait3A_854 = tpu.memref_slice %dma_wait3A_851[%dma_wait3A_852, %dma_wait3A_853] : memref<80x128xf32, #tpu.memory_space<vmem>> -> memref<80x128xf32, #tpu.memory_space<vmem>>
      tpu.wait_dma2 semaphore(%run_scoped3A_818 : memref<!tpu.dma_semaphore, #tpu.memory_space<semaphore_mem>>) src(%dma_wait3A_854 : memref<80x128xf32, #tpu.memory_space<vmem>>) dst(%dma_wait3A_847 : memref<80x128xf32, #tpu.memory_space<vmem_shared>>)
      tpu.yield
    }) : () -> ()
    %add3A_18 = arith.constant 240 : i32
    %add3A_19 = arith.addi %mul3A_2, %add3A_18 : i32
    %run_scoped3A_20 = arith.constant 0 : i32
    "tpu.region"() ({
      %run_scoped3A_818 = tpu.sem_alloc : memref<!tpu.dma_semaphore, #tpu.memory_space<semaphore_mem>>
      %dma_start3A_819 = arith.constant 0 : i32
      %dma_start3A_820 = arith.constant 0 : i32
      %dma_start3A_821 = tpu.memref_slice %arg6[%run_scoped3A_20, %dma_start3A_819, %dma_start3A_820] : memref<4x80x128xf32, #tpu.memory_space<vmem>> -> memref<1x80x128xf32, #tpu.memory_space<vmem>>
      %dma_start3A_822 = tpu.memref_squeeze %dma_start3A_821 : memref<1x80x128xf32, #tpu.memory_space<vmem>> -> memref<80x128xf32, #tpu.memory_space<vmem>>
      %dma_start3A_823 = arith.constant 0 : i32
      %dma_start3A_824 = arith.constant 0 : i32
      %dma_start3A_825 = tpu.memref_slice %dma_start3A_822[%dma_start3A_823, %dma_start3A_824] : memref<80x128xf32, #tpu.memory_space<vmem>> -> memref<80x128xf32, #tpu.memory_space<vmem>>
      %dma_start3A_826 = arith.constant 0 : i32
      %dma_start3A_827 = tpu.memref_slice %arg9[%add3A_19, %dma_start3A_826] : memref<10112x128xf32, #tpu.memory_space<vmem_shared>> -> memref<80x128xf32, #tpu.memory_space<vmem_shared>>
      %dma_start3A_828 = arith.constant 0 : i32
      %dma_start3A_829 = tpu.memref_slice %arg9[%add3A_19, %dma_start3A_828] : memref<10112x128xf32, #tpu.memory_space<vmem_shared>> -> memref<80x128xf32, #tpu.memory_space<vmem_shared>>
      %dma_start3A_830 = arith.constant 0 : i32
      %dma_start3A_831 = arith.constant 0 : i32
      %dma_start3A_832 = tpu.memref_slice %arg6[%run_scoped3A_20, %dma_start3A_830, %dma_start3A_831] : memref<4x80x128xf32, #tpu.memory_space<vmem>> -> memref<1x80x128xf32, #tpu.memory_space<vmem>>
      %dma_start3A_833 = tpu.memref_squeeze %dma_start3A_832 : memref<1x80x128xf32, #tpu.memory_space<vmem>> -> memref<80x128xf32, #tpu.memory_space<vmem>>
      %dma_start3A_834 = arith.constant 0 : i32
      %dma_start3A_835 = arith.constant 0 : i32
      %dma_start3A_836 = tpu.memref_slice %dma_start3A_833[%dma_start3A_834, %dma_start3A_835] : memref<80x128xf32, #tpu.memory_space<vmem>> -> memref<80x128xf32, #tpu.memory_space<vmem>>
      tpu.enqueue_dma source(%dma_start3A_836 : memref<80x128xf32, #tpu.memory_space<vmem>>) target(%dma_start3A_829 : memref<80x128xf32, #tpu.memory_space<vmem_shared>>) target_semaphore(%run_scoped3A_818 : memref<!tpu.dma_semaphore, #tpu.memory_space<semaphore_mem>>)
      %dma_wait3A_837 = arith.constant 0 : i32
      %dma_wait3A_838 = arith.constant 0 : i32
      %dma_wait3A_839 = tpu.memref_slice %arg6[%run_scoped3A_20, %dma_wait3A_837, %dma_wait3A_838] : memref<4x80x128xf32, #tpu.memory_space<vmem>> -> memref<1x80x128xf32, #tpu.memory_space<vmem>>
      %dma_wait3A_840 = tpu.memref_squeeze %dma_wait3A_839 : memref<1x80x128xf32, #tpu.memory_space<vmem>> -> memref<80x128xf32, #tpu.memory_space<vmem>>
      %dma_wait3A_841 = arith.constant 0 : i32
      %dma_wait3A_842 = arith.constant 0 : i32
      %dma_wait3A_843 = tpu.memref_slice %dma_wait3A_840[%dma_wait3A_841, %dma_wait3A_842] : memref<80x128xf32, #tpu.memory_space<vmem>> -> memref<80x128xf32, #tpu.memory_space<vmem>>
      %dma_wait3A_844 = arith.constant 0 : i32
      %dma_wait3A_845 = tpu.memref_slice %arg9[%add3A_19, %dma_wait3A_844] : memref<10112x128xf32, #tpu.memory_space<vmem_shared>> -> memref<80x128xf32, #tpu.memory_space<vmem_shared>>
      %dma_wait3A_846 = arith.constant 0 : i32
      %dma_wait3A_847 = tpu.memref_slice %arg9[%add3A_19, %dma_wait3A_846] : memref<10112x128xf32, #tpu.memory_space<vmem_shared>> -> memref<80x128xf32, #tpu.memory_space<vmem_shared>>
      %dma_wait3A_848 = arith.constant 0 : i32
      %dma_wait3A_849 = arith.constant 0 : i32
      %dma_wait3A_850 = tpu.memref_slice %arg6[%run_scoped3A_20, %dma_wait3A_848, %dma_wait3A_849] : memref<4x80x128xf32, #tpu.memory_space<vmem>> -> memref<1x80x128xf32, #tpu.memory_space<vmem>>
      %dma_wait3A_851 = tpu.memref_squeeze %dma_wait3A_850 : memref<1x80x128xf32, #tpu.memory_space<vmem>> -> memref<80x128xf32, #tpu.memory_space<vmem>>
      %dma_wait3A_852 = arith.constant 0 : i32
      %dma_wait3A_853 = arith.constant 0 : i32
      %dma_wait3A_854 = tpu.memref_slice %dma_wait3A_851[%dma_wait3A_852, %dma_wait3A_853] : memref<80x128xf32, #tpu.memory_space<vmem>> -> memref<80x128xf32, #tpu.memory_space<vmem>>
      tpu.wait_dma2 semaphore(%run_scoped3A_818 : memref<!tpu.dma_semaphore, #tpu.memory_space<semaphore_mem>>) src(%dma_wait3A_854 : memref<80x128xf32, #tpu.memory_space<vmem>>) dst(%dma_wait3A_847 : memref<80x128xf32, #tpu.memory_space<vmem_shared>>)
      tpu.yield
    }) : () -> ()
    %add3A_21 = arith.constant 320 : i32
    %add3A_22 = arith.addi %mul3A_2, %add3A_21 : i32
    %run_scoped3A_23 = arith.constant 0 : i32
    "tpu.region"() ({
      %run_scoped3A_818 = tpu.sem_alloc : memref<!tpu.dma_semaphore, #tpu.memory_space<semaphore_mem>>
      %dma_start3A_819 = arith.constant 0 : i32
      %dma_start3A_820 = arith.constant 0 : i32
      %dma_start3A_821 = tpu.memref_slice %arg6[%run_scoped3A_23, %dma_start3A_819, %dma_start3A_820] : memref<4x80x128xf32, #tpu.memory_space<vmem>> -> memref<1x80x128xf32, #tpu.memory_space<vmem>>
      %dma_start3A_822 = tpu.memref_squeeze %dma_start3A_821 : memref<1x80x128xf32, #tpu.memory_space<vmem>> -> memref<80x128xf32, #tpu.memory_space<vmem>>
      %dma_start3A_823 = arith.constant 0 : i32
      %dma_start3A_824 = arith.constant 0 : i32
      %dma_start3A_825 = tpu.memref_slice %dma_start3A_822[%dma_start3A_823, %dma_start3A_824] : memref<80x128xf32, #tpu.memory_space<vmem>> -> memref<80x128xf32, #tpu.memory_space<vmem>>
      %dma_start3A_826 = arith.constant 0 : i32
      %dma_start3A_827 = tpu.memref_slice %arg9[%add3A_22, %dma_start3A_826] : memref<10112x128xf32, #tpu.memory_space<vmem_shared>> -> memref<80x128xf32, #tpu.memory_space<vmem_shared>>
      %dma_start3A_828 = arith.constant 0 : i32
      %dma_start3A_829 = tpu.memref_slice %arg9[%add3A_22, %dma_start3A_828] : memref<10112x128xf32, #tpu.memory_space<vmem_shared>> -> memref<80x128xf32, #tpu.memory_space<vmem_shared>>
      %dma_start3A_830 = arith.constant 0 : i32
      %dma_start3A_831 = arith.constant 0 : i32
      %dma_start3A_832 = tpu.memref_slice %arg6[%run_scoped3A_23, %dma_start3A_830, %dma_start3A_831] : memref<4x80x128xf32, #tpu.memory_space<vmem>> -> memref<1x80x128xf32, #tpu.memory_space<vmem>>
      %dma_start3A_833 = tpu.memref_squeeze %dma_start3A_832 : memref<1x80x128xf32, #tpu.memory_space<vmem>> -> memref<80x128xf32, #tpu.memory_space<vmem>>
      %dma_start3A_834 = arith.constant 0 : i32
      %dma_start3A_835 = arith.constant 0 : i32
      %dma_start3A_836 = tpu.memref_slice %dma_start3A_833[%dma_start3A_834, %dma_start3A_835] : memref<80x128xf32, #tpu.memory_space<vmem>> -> memref<80x128xf32, #tpu.memory_space<vmem>>
      tpu.enqueue_dma source(%dma_start3A_836 : memref<80x128xf32, #tpu.memory_space<vmem>>) target(%dma_start3A_829 : memref<80x128xf32, #tpu.memory_space<vmem_shared>>) target_semaphore(%run_scoped3A_818 : memref<!tpu.dma_semaphore, #tpu.memory_space<semaphore_mem>>)
      %dma_wait3A_837 = arith.constant 0 : i32
      %dma_wait3A_838 = arith.constant 0 : i32
      %dma_wait3A_839 = tpu.memref_slice %arg6[%run_scoped3A_23, %dma_wait3A_837, %dma_wait3A_838] : memref<4x80x128xf32, #tpu.memory_space<vmem>> -> memref<1x80x128xf32, #tpu.memory_space<vmem>>
      %dma_wait3A_840 = tpu.memref_squeeze %dma_wait3A_839 : memref<1x80x128xf32, #tpu.memory_space<vmem>> -> memref<80x128xf32, #tpu.memory_space<vmem>>
      %dma_wait3A_841 = arith.constant 0 : i32
      %dma_wait3A_842 = arith.constant 0 : i32
      %dma_wait3A_843 = tpu.memref_slice %dma_wait3A_840[%dma_wait3A_841, %dma_wait3A_842] : memref<80x128xf32, #tpu.memory_space<vmem>> -> memref<80x128xf32, #tpu.memory_space<vmem>>
      %dma_wait3A_844 = arith.constant 0 : i32
      %dma_wait3A_845 = tpu.memref_slice %arg9[%add3A_22, %dma_wait3A_844] : memref<10112x128xf32, #tpu.memory_space<vmem_shared>> -> memref<80x128xf32, #tpu.memory_space<vmem_shared>>
      %dma_wait3A_846 = arith.constant 0 : i32
      %dma_wait3A_847 = tpu.memref_slice %arg9[%add3A_22, %dma_wait3A_846] : memref<10112x128xf32, #tpu.memory_space<vmem_shared>> -> memref<80x128xf32, #tpu.memory_space<vmem_shared>>
      %dma_wait3A_848 = arith.constant 0 : i32
      %dma_wait3A_849 = arith.constant 0 : i32
      %dma_wait3A_850 = tpu.memref_slice %arg6[%run_scoped3A_23, %dma_wait3A_848, %dma_wait3A_849] : memref<4x80x128xf32, #tpu.memory_space<vmem>> -> memref<1x80x128xf32, #tpu.memory_space<vmem>>
      %dma_wait3A_851 = tpu.memref_squeeze %dma_wait3A_850 : memref<1x80x128xf32, #tpu.memory_space<vmem>> -> memref<80x128xf32, #tpu.memory_space<vmem>>
      %dma_wait3A_852 = arith.constant 0 : i32
      %dma_wait3A_853 = arith.constant 0 : i32
      %dma_wait3A_854 = tpu.memref_slice %dma_wait3A_851[%dma_wait3A_852, %dma_wait3A_853] : memref<80x128xf32, #tpu.memory_space<vmem>> -> memref<80x128xf32, #tpu.memory_space<vmem>>
      tpu.wait_dma2 semaphore(%run_scoped3A_818 : memref<!tpu.dma_semaphore, #tpu.memory_space<semaphore_mem>>) src(%dma_wait3A_854 : memref<80x128xf32, #tpu.memory_space<vmem>>) dst(%dma_wait3A_847 : memref<80x128xf32, #tpu.memory_space<vmem_shared>>)
      tpu.yield
    }) : () -> ()
    %add3A_24 = arith.constant 400 : i32
    %add3A_25 = arith.addi %mul3A_2, %add3A_24 : i32
    %run_scoped3A_26 = arith.constant 0 : i32
    "tpu.region"() ({
      %run_scoped3A_818 = tpu.sem_alloc : memref<!tpu.dma_semaphore, #tpu.memory_space<semaphore_mem>>
      %dma_start3A_819 = arith.constant 0 : i32
      %dma_start3A_820 = arith.constant 0 : i32
      %dma_start3A_821 = tpu.memref_slice %arg6[%run_scoped3A_26, %dma_start3A_819, %dma_start3A_820] : memref<4x80x128xf32, #tpu.memory_space<vmem>> -> memref<1x80x128xf32, #tpu.memory_space<vmem>>
      %dma_start3A_822 = tpu.memref_squeeze %dma_start3A_821 : memref<1x80x128xf32, #tpu.memory_space<vmem>> -> memref<80x128xf32, #tpu.memory_space<vmem>>
      %dma_start3A_823 = arith.constant 0 : i32
      %dma_start3A_824 = arith.constant 0 : i32
      %dma_start3A_825 = tpu.memref_slice %dma_start3A_822[%dma_start3A_823, %dma_start3A_824] : memref<80x128xf32, #tpu.memory_space<vmem>> -> memref<80x128xf32, #tpu.memory_space<vmem>>
      %dma_start3A_826 = arith.constant 0 : i32
      %dma_start3A_827 = tpu.memref_slice %arg9[%add3A_25, %dma_start3A_826] : memref<10112x128xf32, #tpu.memory_space<vmem_shared>> -> memref<80x128xf32, #tpu.memory_space<vmem_shared>>
      %dma_start3A_828 = arith.constant 0 : i32
      %dma_start3A_829 = tpu.memref_slice %arg9[%add3A_25, %dma_start3A_828] : memref<10112x128xf32, #tpu.memory_space<vmem_shared>> -> memref<80x128xf32, #tpu.memory_space<vmem_shared>>
      %dma_start3A_830 = arith.constant 0 : i32
      %dma_start3A_831 = arith.constant 0 : i32
      %dma_start3A_832 = tpu.memref_slice %arg6[%run_scoped3A_26, %dma_start3A_830, %dma_start3A_831] : memref<4x80x128xf32, #tpu.memory_space<vmem>> -> memref<1x80x128xf32, #tpu.memory_space<vmem>>
      %dma_start3A_833 = tpu.memref_squeeze %dma_start3A_832 : memref<1x80x128xf32, #tpu.memory_space<vmem>> -> memref<80x128xf32, #tpu.memory_space<vmem>>
      %dma_start3A_834 = arith.constant 0 : i32
      %dma_start3A_835 = arith.constant 0 : i32
      %dma_start3A_836 = tpu.memref_slice %dma_start3A_833[%dma_start3A_834, %dma_start3A_835] : memref<80x128xf32, #tpu.memory_space<vmem>> -> memref<80x128xf32, #tpu.memory_space<vmem>>
      tpu.enqueue_dma source(%dma_start3A_836 : memref<80x128xf32, #tpu.memory_space<vmem>>) target(%dma_start3A_829 : memref<80x128xf32, #tpu.memory_space<vmem_shared>>) target_semaphore(%run_scoped3A_818 : memref<!tpu.dma_semaphore, #tpu.memory_space<semaphore_mem>>)
      %dma_wait3A_837 = arith.constant 0 : i32
      %dma_wait3A_838 = arith.constant 0 : i32
      %dma_wait3A_839 = tpu.memref_slice %arg6[%run_scoped3A_26, %dma_wait3A_837, %dma_wait3A_838] : memref<4x80x128xf32, #tpu.memory_space<vmem>> -> memref<1x80x128xf32, #tpu.memory_space<vmem>>
      %dma_wait3A_840 = tpu.memref_squeeze %dma_wait3A_839 : memref<1x80x128xf32, #tpu.memory_space<vmem>> -> memref<80x128xf32, #tpu.memory_space<vmem>>
      %dma_wait3A_841 = arith.constant 0 : i32
      %dma_wait3A_842 = arith.constant 0 : i32
      %dma_wait3A_843 = tpu.memref_slice %dma_wait3A_840[%dma_wait3A_841, %dma_wait3A_842] : memref<80x128xf32, #tpu.memory_space<vmem>> -> memref<80x128xf32, #tpu.memory_space<vmem>>
      %dma_wait3A_844 = arith.constant 0 : i32
      %dma_wait3A_845 = tpu.memref_slice %arg9[%add3A_25, %dma_wait3A_844] : memref<10112x128xf32, #tpu.memory_space<vmem_shared>> -> memref<80x128xf32, #tpu.memory_space<vmem_shared>>
      %dma_wait3A_846 = arith.constant 0 : i32
      %dma_wait3A_847 = tpu.memref_slice %arg9[%add3A_25, %dma_wait3A_846] : memref<10112x128xf32, #tpu.memory_space<vmem_shared>> -> memref<80x128xf32, #tpu.memory_space<vmem_shared>>
      %dma_wait3A_848 = arith.constant 0 : i32
      %dma_wait3A_849 = arith.constant 0 : i32
      %dma_wait3A_850 = tpu.memref_slice %arg6[%run_scoped3A_26, %dma_wait3A_848, %dma_wait3A_849] : memref<4x80x128xf32, #tpu.memory_space<vmem>> -> memref<1x80x128xf32, #tpu.memory_space<vmem>>
      %dma_wait3A_851 = tpu.memref_squeeze %dma_wait3A_850 : memref<1x80x128xf32, #tpu.memory_space<vmem>> -> memref<80x128xf32, #tpu.memory_space<vmem>>
      %dma_wait3A_852 = arith.constant 0 : i32
      %dma_wait3A_853 = arith.constant 0 : i32
      %dma_wait3A_854 = tpu.memref_slice %dma_wait3A_851[%dma_wait3A_852, %dma_wait3A_853] : memref<80x128xf32, #tpu.memory_space<vmem>> -> memref<80x128xf32, #tpu.memory_space<vmem>>
      tpu.wait_dma2 semaphore(%run_scoped3A_818 : memref<!tpu.dma_semaphore, #tpu.memory_space<semaphore_mem>>) src(%dma_wait3A_854 : memref<80x128xf32, #tpu.memory_space<vmem>>) dst(%dma_wait3A_847 : memref<80x128xf32, #tpu.memory_space<vmem_shared>>)
      tpu.yield
    }) : () -> ()
    %add3A_27 = arith.constant 480 : i32
    %add3A_28 = arith.addi %mul3A_2, %add3A_27 : i32
    %run_scoped3A_29 = arith.constant 0 : i32
    "tpu.region"() ({
      %run_scoped3A_818 = tpu.sem_alloc : memref<!tpu.dma_semaphore, #tpu.memory_space<semaphore_mem>>
      %dma_start3A_819 = arith.constant 0 : i32
      %dma_start3A_820 = arith.constant 0 : i32
      %dma_start3A_821 = tpu.memref_slice %arg6[%run_scoped3A_29, %dma_start3A_819, %dma_start3A_820] : memref<4x80x128xf32, #tpu.memory_space<vmem>> -> memref<1x80x128xf32, #tpu.memory_space<vmem>>
      %dma_start3A_822 = tpu.memref_squeeze %dma_start3A_821 : memref<1x80x128xf32, #tpu.memory_space<vmem>> -> memref<80x128xf32, #tpu.memory_space<vmem>>
      %dma_start3A_823 = arith.constant 0 : i32
      %dma_start3A_824 = arith.constant 0 : i32
      %dma_start3A_825 = tpu.memref_slice %dma_start3A_822[%dma_start3A_823, %dma_start3A_824] : memref<80x128xf32, #tpu.memory_space<vmem>> -> memref<80x128xf32, #tpu.memory_space<vmem>>
      %dma_start3A_826 = arith.constant 0 : i32
      %dma_start3A_827 = tpu.memref_slice %arg9[%add3A_28, %dma_start3A_826] : memref<10112x128xf32, #tpu.memory_space<vmem_shared>> -> memref<80x128xf32, #tpu.memory_space<vmem_shared>>
      %dma_start3A_828 = arith.constant 0 : i32
      %dma_start3A_829 = tpu.memref_slice %arg9[%add3A_28, %dma_start3A_828] : memref<10112x128xf32, #tpu.memory_space<vmem_shared>> -> memref<80x128xf32, #tpu.memory_space<vmem_shared>>
      %dma_start3A_830 = arith.constant 0 : i32
      %dma_start3A_831 = arith.constant 0 : i32
      %dma_start3A_832 = tpu.memref_slice %arg6[%run_scoped3A_29, %dma_start3A_830, %dma_start3A_831] : memref<4x80x128xf32, #tpu.memory_space<vmem>> -> memref<1x80x128xf32, #tpu.memory_space<vmem>>
      %dma_start3A_833 = tpu.memref_squeeze %dma_start3A_832 : memref<1x80x128xf32, #tpu.memory_space<vmem>> -> memref<80x128xf32, #tpu.memory_space<vmem>>
      %dma_start3A_834 = arith.constant 0 : i32
      %dma_start3A_835 = arith.constant 0 : i32
      %dma_start3A_836 = tpu.memref_slice %dma_start3A_833[%dma_start3A_834, %dma_start3A_835] : memref<80x128xf32, #tpu.memory_space<vmem>> -> memref<80x128xf32, #tpu.memory_space<vmem>>
      tpu.enqueue_dma source(%dma_start3A_836 : memref<80x128xf32, #tpu.memory_space<vmem>>) target(%dma_start3A_829 : memref<80x128xf32, #tpu.memory_space<vmem_shared>>) target_semaphore(%run_scoped3A_818 : memref<!tpu.dma_semaphore, #tpu.memory_space<semaphore_mem>>)
      %dma_wait3A_837 = arith.constant 0 : i32
      %dma_wait3A_838 = arith.constant 0 : i32
      %dma_wait3A_839 = tpu.memref_slice %arg6[%run_scoped3A_29, %dma_wait3A_837, %dma_wait3A_838] : memref<4x80x128xf32, #tpu.memory_space<vmem>> -> memref<1x80x128xf32, #tpu.memory_space<vmem>>
      %dma_wait3A_840 = tpu.memref_squeeze %dma_wait3A_839 : memref<1x80x128xf32, #tpu.memory_space<vmem>> -> memref<80x128xf32, #tpu.memory_space<vmem>>
      %dma_wait3A_841 = arith.constant 0 : i32
      %dma_wait3A_842 = arith.constant 0 : i32
      %dma_wait3A_843 = tpu.memref_slice %dma_wait3A_840[%dma_wait3A_841, %dma_wait3A_842] : memref<80x128xf32, #tpu.memory_space<vmem>> -> memref<80x128xf32, #tpu.memory_space<vmem>>
      %dma_wait3A_844 = arith.constant 0 : i32
      %dma_wait3A_845 = tpu.memref_slice %arg9[%add3A_28, %dma_wait3A_844] : memref<10112x128xf32, #tpu.memory_space<vmem_shared>> -> memref<80x128xf32, #tpu.memory_space<vmem_shared>>
      %dma_wait3A_846 = arith.constant 0 : i32
      %dma_wait3A_847 = tpu.memref_slice %arg9[%add3A_28, %dma_wait3A_846] : memref<10112x128xf32, #tpu.memory_space<vmem_shared>> -> memref<80x128xf32, #tpu.memory_space<vmem_shared>>
      %dma_wait3A_848 = arith.constant 0 : i32
      %dma_wait3A_849 = arith.constant 0 : i32
      %dma_wait3A_850 = tpu.memref_slice %arg6[%run_scoped3A_29, %dma_wait3A_848, %dma_wait3A_849] : memref<4x80x128xf32, #tpu.memory_space<vmem>> -> memref<1x80x128xf32, #tpu.memory_space<vmem>>
      %dma_wait3A_851 = tpu.memref_squeeze %dma_wait3A_850 : memref<1x80x128xf32, #tpu.memory_space<vmem>> -> memref<80x128xf32, #tpu.memory_space<vmem>>
      %dma_wait3A_852 = arith.constant 0 : i32
      %dma_wait3A_853 = arith.constant 0 : i32
      %dma_wait3A_854 = tpu.memref_slice %dma_wait3A_851[%dma_wait3A_852, %dma_wait3A_853] : memref<80x128xf32, #tpu.memory_space<vmem>> -> memref<80x128xf32, #tpu.memory_space<vmem>>
      tpu.wait_dma2 semaphore(%run_scoped3A_818 : memref<!tpu.dma_semaphore, #tpu.memory_space<semaphore_mem>>) src(%dma_wait3A_854 : memref<80x128xf32, #tpu.memory_space<vmem>>) dst(%dma_wait3A_847 : memref<80x128xf32, #tpu.memory_space<vmem_shared>>)
      tpu.yield
    }) : () -> ()
    %add3A_30 = arith.constant 560 : i32
    %add3A_31 = arith.addi %mul3A_2, %add3A_30 : i32
    %run_scoped3A_32 = arith.constant 0 : i32
    "tpu.region"() ({
      %run_scoped3A_818 = tpu.sem_alloc : memref<!tpu.dma_semaphore, #tpu.memory_space<semaphore_mem>>
      %dma_start3A_819 = arith.constant 0 : i32
      %dma_start3A_820 = arith.constant 0 : i32
      %dma_start3A_821 = tpu.memref_slice %arg6[%run_scoped3A_32, %dma_start3A_819, %dma_start3A_820] : memref<4x80x128xf32, #tpu.memory_space<vmem>> -> memref<1x80x128xf32, #tpu.memory_space<vmem>>
      %dma_start3A_822 = tpu.memref_squeeze %dma_start3A_821 : memref<1x80x128xf32, #tpu.memory_space<vmem>> -> memref<80x128xf32, #tpu.memory_space<vmem>>
      %dma_start3A_823 = arith.constant 0 : i32
      %dma_start3A_824 = arith.constant 0 : i32
      %dma_start3A_825 = tpu.memref_slice %dma_start3A_822[%dma_start3A_823, %dma_start3A_824] : memref<80x128xf32, #tpu.memory_space<vmem>> -> memref<72x128xf32, #tpu.memory_space<vmem>>
      %dma_start3A_826 = arith.constant 0 : i32
      %dma_start3A_827 = tpu.memref_slice %arg9[%add3A_31, %dma_start3A_826] : memref<10112x128xf32, #tpu.memory_space<vmem_shared>> -> memref<72x128xf32, #tpu.memory_space<vmem_shared>>
      %dma_start3A_828 = arith.constant 0 : i32
      %dma_start3A_829 = tpu.memref_slice %arg9[%add3A_31, %dma_start3A_828] : memref<10112x128xf32, #tpu.memory_space<vmem_shared>> -> memref<72x128xf32, #tpu.memory_space<vmem_shared>>
      %dma_start3A_830 = arith.constant 0 : i32
      %dma_start3A_831 = arith.constant 0 : i32
      %dma_start3A_832 = tpu.memref_slice %arg6[%run_scoped3A_32, %dma_start3A_830, %dma_start3A_831] : memref<4x80x128xf32, #tpu.memory_space<vmem>> -> memref<1x80x128xf32, #tpu.memory_space<vmem>>
      %dma_start3A_833 = tpu.memref_squeeze %dma_start3A_832 : memref<1x80x128xf32, #tpu.memory_space<vmem>> -> memref<80x128xf32, #tpu.memory_space<vmem>>
      %dma_start3A_834 = arith.constant 0 : i32
      %dma_start3A_835 = arith.constant 0 : i32
      %dma_start3A_836 = tpu.memref_slice %dma_start3A_833[%dma_start3A_834, %dma_start3A_835] : memref<80x128xf32, #tpu.memory_space<vmem>> -> memref<72x128xf32, #tpu.memory_space<vmem>>
      tpu.enqueue_dma source(%dma_start3A_836 : memref<72x128xf32, #tpu.memory_space<vmem>>) target(%dma_start3A_829 : memref<72x128xf32, #tpu.memory_space<vmem_shared>>) target_semaphore(%run_scoped3A_818 : memref<!tpu.dma_semaphore, #tpu.memory_space<semaphore_mem>>)
      %dma_wait3A_837 = arith.constant 0 : i32
      %dma_wait3A_838 = arith.constant 0 : i32
      %dma_wait3A_839 = tpu.memref_slice %arg6[%run_scoped3A_32, %dma_wait3A_837, %dma_wait3A_838] : memref<4x80x128xf32, #tpu.memory_space<vmem>> -> memref<1x80x128xf32, #tpu.memory_space<vmem>>
      %dma_wait3A_840 = tpu.memref_squeeze %dma_wait3A_839 : memref<1x80x128xf32, #tpu.memory_space<vmem>> -> memref<80x128xf32, #tpu.memory_space<vmem>>
      %dma_wait3A_841 = arith.constant 0 : i32
      %dma_wait3A_842 = arith.constant 0 : i32
      %dma_wait3A_843 = tpu.memref_slice %dma_wait3A_840[%dma_wait3A_841, %dma_wait3A_842] : memref<80x128xf32, #tpu.memory_space<vmem>> -> memref<72x128xf32, #tpu.memory_space<vmem>>
      %dma_wait3A_844 = arith.constant 0 : i32
      %dma_wait3A_845 = tpu.memref_slice %arg9[%add3A_31, %dma_wait3A_844] : memref<10112x128xf32, #tpu.memory_space<vmem_shared>> -> memref<72x128xf32, #tpu.memory_space<vmem_shared>>
      %dma_wait3A_846 = arith.constant 0 : i32
      %dma_wait3A_847 = tpu.memref_slice %arg9[%add3A_31, %dma_wait3A_846] : memref<10112x128xf32, #tpu.memory_space<vmem_shared>> -> memref<72x128xf32, #tpu.memory_space<vmem_shared>>
      %dma_wait3A_848 = arith.constant 0 : i32
      %dma_wait3A_849 = arith.constant 0 : i32
      %dma_wait3A_850 = tpu.memref_slice %arg6[%run_scoped3A_32, %dma_wait3A_848, %dma_wait3A_849] : memref<4x80x128xf32, #tpu.memory_space<vmem>> -> memref<1x80x128xf32, #tpu.memory_space<vmem>>
      %dma_wait3A_851 = tpu.memref_squeeze %dma_wait3A_850 : memref<1x80x128xf32, #tpu.memory_space<vmem>> -> memref<80x128xf32, #tpu.memory_space<vmem>>
      %dma_wait3A_852 = arith.constant 0 : i32
      %dma_wait3A_853 = arith.constant 0 : i32
      %dma_wait3A_854 = tpu.memref_slice %dma_wait3A_851[%dma_wait3A_852, %dma_wait3A_853] : memref<80x128xf32, #tpu.memory_space<vmem>> -> memref<72x128xf32, #tpu.memory_space<vmem>>
      tpu.wait_dma2 semaphore(%run_scoped3A_818 : memref<!tpu.dma_semaphore, #tpu.memory_space<semaphore_mem>>) src(%dma_wait3A_854 : memref<72x128xf32, #tpu.memory_space<vmem>>) dst(%dma_wait3A_847 : memref<72x128xf32, #tpu.memory_space<vmem_shared>>)
      tpu.yield
    }) : () -> ()
    %barrier3A = arith.constant 0 : index
    tpu.barrier barrier_id(%barrier3A)
    %mul3A_33 = arith.constant 10000 : i32
    %mul3A_34 = arith.muli %add3A, %mul3A_33 : i32
    %multiple_of3A = tpu.assume_multiple %mul3A_34, 8 : i32
    %add3A_35 = arith.constant 0 : i32
    %add3A_36 = arith.addi %multiple_of3A, %add3A_35 : i32
    %dma_start3A = arith.constant 0 : i32
    %dma_start3A_37 = arith.constant 0 : i32
    %dma_start3A_38 = arith.constant 0 : i32
    %dma_start3A_39 = tpu.memref_slice %arg7[%dma_start3A, %dma_start3A_38] : memref<4x80xi32, #tpu.memory_space<vmem>> -> memref<1x80xi32, #tpu.memory_space<vmem>>
    %dma_start3A_40 = tpu.memref_squeeze %dma_start3A_39 : memref<1x80xi32, #tpu.memory_space<vmem>> -> memref<80xi32, #tpu.memory_space<vmem>>
    %dma_start3A_41 = tpu.memref_slice %arg3[%add3A_36] : memref<320000xi32, #tpu.memory_space<hbm>> -> memref<80xi32, #tpu.memory_space<hbm>>
    %dma_start3A_42 = tpu.memref_slice %arg10[%dma_start3A_37] : memref<4x!tpu.dma_semaphore, #tpu.memory_space<semaphore_mem>> -> memref<1x!tpu.dma_semaphore, #tpu.memory_space<semaphore_mem>>
    %dma_start3A_43 = tpu.memref_squeeze %dma_start3A_42 : memref<1x!tpu.dma_semaphore, #tpu.memory_space<semaphore_mem>> -> memref<!tpu.dma_semaphore, #tpu.memory_space<semaphore_mem>>
    %dma_start3A_44 = arith.constant 0 : i32
    %dma_start3A_45 = tpu.memref_slice %arg7[%dma_start3A, %dma_start3A_44] : memref<4x80xi32, #tpu.memory_space<vmem>> -> memref<1x80xi32, #tpu.memory_space<vmem>>
    %dma_start3A_46 = tpu.memref_squeeze %dma_start3A_45 : memref<1x80xi32, #tpu.memory_space<vmem>> -> memref<80xi32, #tpu.memory_space<vmem>>
    %dma_start3A_47 = tpu.memref_slice %arg3[%add3A_36] : memref<320000xi32, #tpu.memory_space<hbm>> -> memref<80xi32, #tpu.memory_space<hbm>>
    tpu.enqueue_dma source(%dma_start3A_47 : memref<80xi32, #tpu.memory_space<hbm>>) target(%dma_start3A_46 : memref<80xi32, #tpu.memory_space<vmem>>) target_semaphore(%dma_start3A_43 : memref<!tpu.dma_semaphore, #tpu.memory_space<semaphore_mem>>)
    %dma_start3A_48 = arith.constant 0 : i32
    %dma_start3A_49 = arith.constant 0 : i32
    %dma_start3A_50 = arith.constant 0 : i32
    %dma_start3A_51 = tpu.memref_slice %arg8[%dma_start3A_48, %dma_start3A_50] : memref<4x80xi32, #tpu.memory_space<vmem>> -> memref<1x80xi32, #tpu.memory_space<vmem>>
    %dma_start3A_52 = tpu.memref_squeeze %dma_start3A_51 : memref<1x80xi32, #tpu.memory_space<vmem>> -> memref<80xi32, #tpu.memory_space<vmem>>
    %dma_start3A_53 = tpu.memref_slice %arg4[%add3A_36] : memref<320000xi32, #tpu.memory_space<hbm>> -> memref<80xi32, #tpu.memory_space<hbm>>
    %dma_start3A_54 = tpu.memref_slice %arg11[%dma_start3A_49] : memref<4x!tpu.dma_semaphore, #tpu.memory_space<semaphore_mem>> -> memref<1x!tpu.dma_semaphore, #tpu.memory_space<semaphore_mem>>
    %dma_start3A_55 = tpu.memref_squeeze %dma_start3A_54 : memref<1x!tpu.dma_semaphore, #tpu.memory_space<semaphore_mem>> -> memref<!tpu.dma_semaphore, #tpu.memory_space<semaphore_mem>>
    %dma_start3A_56 = arith.constant 0 : i32
    %dma_start3A_57 = tpu.memref_slice %arg8[%dma_start3A_48, %dma_start3A_56] : memref<4x80xi32, #tpu.memory_space<vmem>> -> memref<1x80xi32, #tpu.memory_space<vmem>>
    %dma_start3A_58 = tpu.memref_squeeze %dma_start3A_57 : memref<1x80xi32, #tpu.memory_space<vmem>> -> memref<80xi32, #tpu.memory_space<vmem>>
    %dma_start3A_59 = tpu.memref_slice %arg4[%add3A_36] : memref<320000xi32, #tpu.memory_space<hbm>> -> memref<80xi32, #tpu.memory_space<hbm>>
    tpu.enqueue_dma source(%dma_start3A_59 : memref<80xi32, #tpu.memory_space<hbm>>) target(%dma_start3A_58 : memref<80xi32, #tpu.memory_space<vmem>>) target_semaphore(%dma_start3A_55 : memref<!tpu.dma_semaphore, #tpu.memory_space<semaphore_mem>>)
    %mul3A_60 = arith.constant 10000 : i32
    %mul3A_61 = arith.muli %add3A, %mul3A_60 : i32
    %multiple_of3A_62 = tpu.assume_multiple %mul3A_61, 8 : i32
    %add3A_63 = arith.constant 80 : i32
    %add3A_64 = arith.addi %multiple_of3A_62, %add3A_63 : i32
    %dma_start3A_65 = arith.constant 1 : i32
    %dma_start3A_66 = arith.constant 1 : i32
    %dma_start3A_67 = arith.constant 0 : i32
    %dma_start3A_68 = tpu.memref_slice %arg7[%dma_start3A_65, %dma_start3A_67] : memref<4x80xi32, #tpu.memory_space<vmem>> -> memref<1x80xi32, #tpu.memory_space<vmem>>
    %dma_start3A_69 = tpu.memref_squeeze %dma_start3A_68 : memref<1x80xi32, #tpu.memory_space<vmem>> -> memref<80xi32, #tpu.memory_space<vmem>>
    %dma_start3A_70 = tpu.memref_slice %arg3[%add3A_64] : memref<320000xi32, #tpu.memory_space<hbm>> -> memref<80xi32, #tpu.memory_space<hbm>>
    %dma_start3A_71 = tpu.memref_slice %arg10[%dma_start3A_66] : memref<4x!tpu.dma_semaphore, #tpu.memory_space<semaphore_mem>> -> memref<1x!tpu.dma_semaphore, #tpu.memory_space<semaphore_mem>>
    %dma_start3A_72 = tpu.memref_squeeze %dma_start3A_71 : memref<1x!tpu.dma_semaphore, #tpu.memory_space<semaphore_mem>> -> memref<!tpu.dma_semaphore, #tpu.memory_space<semaphore_mem>>
    %dma_start3A_73 = arith.constant 0 : i32
    %dma_start3A_74 = tpu.memref_slice %arg7[%dma_start3A_65, %dma_start3A_73] : memref<4x80xi32, #tpu.memory_space<vmem>> -> memref<1x80xi32, #tpu.memory_space<vmem>>
    %dma_start3A_75 = tpu.memref_squeeze %dma_start3A_74 : memref<1x80xi32, #tpu.memory_space<vmem>> -> memref<80xi32, #tpu.memory_space<vmem>>
    %dma_start3A_76 = tpu.memref_slice %arg3[%add3A_64] : memref<320000xi32, #tpu.memory_space<hbm>> -> memref<80xi32, #tpu.memory_space<hbm>>
    tpu.enqueue_dma source(%dma_start3A_76 : memref<80xi32, #tpu.memory_space<hbm>>) target(%dma_start3A_75 : memref<80xi32, #tpu.memory_space<vmem>>) target_semaphore(%dma_start3A_72 : memref<!tpu.dma_semaphore, #tpu.memory_space<semaphore_mem>>)
    %dma_start3A_77 = arith.constant 1 : i32
    %dma_start3A_78 = arith.constant 1 : i32
    %dma_start3A_79 = arith.constant 0 : i32
    %dma_start3A_80 = tpu.memref_slice %arg8[%dma_start3A_77, %dma_start3A_79] : memref<4x80xi32, #tpu.memory_space<vmem>> -> memref<1x80xi32, #tpu.memory_space<vmem>>
    %dma_start3A_81 = tpu.memref_squeeze %dma_start3A_80 : memref<1x80xi32, #tpu.memory_space<vmem>> -> memref<80xi32, #tpu.memory_space<vmem>>
    %dma_start3A_82 = tpu.memref_slice %arg4[%add3A_64] : memref<320000xi32, #tpu.memory_space<hbm>> -> memref<80xi32, #tpu.memory_space<hbm>>
    %dma_start3A_83 = tpu.memref_slice %arg11[%dma_start3A_78] : memref<4x!tpu.dma_semaphore, #tpu.memory_space<semaphore_mem>> -> memref<1x!tpu.dma_semaphore, #tpu.memory_space<semaphore_mem>>
    %dma_start3A_84 = tpu.memref_squeeze %dma_start3A_83 : memref<1x!tpu.dma_semaphore, #tpu.memory_space<semaphore_mem>> -> memref<!tpu.dma_semaphore, #tpu.memory_space<semaphore_mem>>
    %dma_start3A_85 = arith.constant 0 : i32
    %dma_start3A_86 = tpu.memref_slice %arg8[%dma_start3A_77, %dma_start3A_85] : memref<4x80xi32, #tpu.memory_space<vmem>> -> memref<1x80xi32, #tpu.memory_space<vmem>>
    %dma_start3A_87 = tpu.memref_squeeze %dma_start3A_86 : memref<1x80xi32, #tpu.memory_space<vmem>> -> memref<80xi32, #tpu.memory_space<vmem>>
    %dma_start3A_88 = tpu.memref_slice %arg4[%add3A_64] : memref<320000xi32, #tpu.memory_space<hbm>> -> memref<80xi32, #tpu.memory_space<hbm>>
    tpu.enqueue_dma source(%dma_start3A_88 : memref<80xi32, #tpu.memory_space<hbm>>) target(%dma_start3A_87 : memref<80xi32, #tpu.memory_space<vmem>>) target_semaphore(%dma_start3A_84 : memref<!tpu.dma_semaphore, #tpu.memory_space<semaphore_mem>>)
    %mul3A_89 = arith.constant 10000 : i32
    %mul3A_90 = arith.muli %add3A, %mul3A_89 : i32
    %multiple_of3A_91 = tpu.assume_multiple %mul3A_90, 8 : i32
    %add3A_92 = arith.constant 160 : i32
    %add3A_93 = arith.addi %multiple_of3A_91, %add3A_92 : i32
    %dma_start3A_94 = arith.constant 2 : i32
    %dma_start3A_95 = arith.constant 2 : i32
    %dma_start3A_96 = arith.constant 0 : i32
    %dma_start3A_97 = tpu.memref_slice %arg7[%dma_start3A_94, %dma_start3A_96] : memref<4x80xi32, #tpu.memory_space<vmem>> -> memref<1x80xi32, #tpu.memory_space<vmem>>
    %dma_start3A_98 = tpu.memref_squeeze %dma_start3A_97 : memref<1x80xi32, #tpu.memory_space<vmem>> -> memref<80xi32, #tpu.memory_space<vmem>>
    %dma_start3A_99 = tpu.memref_slice %arg3[%add3A_93] : memref<320000xi32, #tpu.memory_space<hbm>> -> memref<80xi32, #tpu.memory_space<hbm>>
    %dma_start3A_100 = tpu.memref_slice %arg10[%dma_start3A_95] : memref<4x!tpu.dma_semaphore, #tpu.memory_space<semaphore_mem>> -> memref<1x!tpu.dma_semaphore, #tpu.memory_space<semaphore_mem>>
    %dma_start3A_101 = tpu.memref_squeeze %dma_start3A_100 : memref<1x!tpu.dma_semaphore, #tpu.memory_space<semaphore_mem>> -> memref<!tpu.dma_semaphore, #tpu.memory_space<semaphore_mem>>
    %dma_start3A_102 = arith.constant 0 : i32
    %dma_start3A_103 = tpu.memref_slice %arg7[%dma_start3A_94, %dma_start3A_102] : memref<4x80xi32, #tpu.memory_space<vmem>> -> memref<1x80xi32, #tpu.memory_space<vmem>>
    %dma_start3A_104 = tpu.memref_squeeze %dma_start3A_103 : memref<1x80xi32, #tpu.memory_space<vmem>> -> memref<80xi32, #tpu.memory_space<vmem>>
    %dma_start3A_105 = tpu.memref_slice %arg3[%add3A_93] : memref<320000xi32, #tpu.memory_space<hbm>> -> memref<80xi32, #tpu.memory_space<hbm>>
    tpu.enqueue_dma source(%dma_start3A_105 : memref<80xi32, #tpu.memory_space<hbm>>) target(%dma_start3A_104 : memref<80xi32, #tpu.memory_space<vmem>>) target_semaphore(%dma_start3A_101 : memref<!tpu.dma_semaphore, #tpu.memory_space<semaphore_mem>>)
    %dma_start3A_106 = arith.constant 2 : i32
    %dma_start3A_107 = arith.constant 2 : i32
    %dma_start3A_108 = arith.constant 0 : i32
    %dma_start3A_109 = tpu.memref_slice %arg8[%dma_start3A_106, %dma_start3A_108] : memref<4x80xi32, #tpu.memory_space<vmem>> -> memref<1x80xi32, #tpu.memory_space<vmem>>
    %dma_start3A_110 = tpu.memref_squeeze %dma_start3A_109 : memref<1x80xi32, #tpu.memory_space<vmem>> -> memref<80xi32, #tpu.memory_space<vmem>>
    %dma_start3A_111 = tpu.memref_slice %arg4[%add3A_93] : memref<320000xi32, #tpu.memory_space<hbm>> -> memref<80xi32, #tpu.memory_space<hbm>>
    %dma_start3A_112 = tpu.memref_slice %arg11[%dma_start3A_107] : memref<4x!tpu.dma_semaphore, #tpu.memory_space<semaphore_mem>> -> memref<1x!tpu.dma_semaphore, #tpu.memory_space<semaphore_mem>>
    %dma_start3A_113 = tpu.memref_squeeze %dma_start3A_112 : memref<1x!tpu.dma_semaphore, #tpu.memory_space<semaphore_mem>> -> memref<!tpu.dma_semaphore, #tpu.memory_space<semaphore_mem>>
    %dma_start3A_114 = arith.constant 0 : i32
    %dma_start3A_115 = tpu.memref_slice %arg8[%dma_start3A_106, %dma_start3A_114] : memref<4x80xi32, #tpu.memory_space<vmem>> -> memref<1x80xi32, #tpu.memory_space<vmem>>
    %dma_start3A_116 = tpu.memref_squeeze %dma_start3A_115 : memref<1x80xi32, #tpu.memory_space<vmem>> -> memref<80xi32, #tpu.memory_space<vmem>>
    %dma_start3A_117 = tpu.memref_slice %arg4[%add3A_93] : memref<320000xi32, #tpu.memory_space<hbm>> -> memref<80xi32, #tpu.memory_space<hbm>>
    tpu.enqueue_dma source(%dma_start3A_117 : memref<80xi32, #tpu.memory_space<hbm>>) target(%dma_start3A_116 : memref<80xi32, #tpu.memory_space<vmem>>) target_semaphore(%dma_start3A_113 : memref<!tpu.dma_semaphore, #tpu.memory_space<semaphore_mem>>)
    %dma_wait3A = arith.constant 0 : i32
    %dma_wait3A_118 = arith.constant 0 : i32
    %dma_wait3A_119 = arith.constant 0 : i32
    %dma_wait3A_120 = tpu.memref_slice %arg7[%dma_wait3A, %dma_wait3A_119] : memref<4x80xi32, #tpu.memory_space<vmem>> -> memref<1x80xi32, #tpu.memory_space<vmem>>
    %dma_wait3A_121 = tpu.memref_squeeze %dma_wait3A_120 : memref<1x80xi32, #tpu.memory_space<vmem>> -> memref<80xi32, #tpu.memory_space<vmem>>
    %dma_wait3A_122 = arith.constant 0 : i32
    %dma_wait3A_123 = tpu.memref_slice %arg3[%dma_wait3A_122] : memref<320000xi32, #tpu.memory_space<hbm>> -> memref<80xi32, #tpu.memory_space<hbm>>
    %dma_wait3A_124 = tpu.memref_slice %arg10[%dma_wait3A_118] : memref<4x!tpu.dma_semaphore, #tpu.memory_space<semaphore_mem>> -> memref<1x!tpu.dma_semaphore, #tpu.memory_space<semaphore_mem>>
    %dma_wait3A_125 = tpu.memref_squeeze %dma_wait3A_124 : memref<1x!tpu.dma_semaphore, #tpu.memory_space<semaphore_mem>> -> memref<!tpu.dma_semaphore, #tpu.memory_space<semaphore_mem>>
    %dma_wait3A_126 = arith.constant 0 : i32
    %dma_wait3A_127 = tpu.memref_slice %arg7[%dma_wait3A, %dma_wait3A_126] : memref<4x80xi32, #tpu.memory_space<vmem>> -> memref<1x80xi32, #tpu.memory_space<vmem>>
    %dma_wait3A_128 = tpu.memref_squeeze %dma_wait3A_127 : memref<1x80xi32, #tpu.memory_space<vmem>> -> memref<80xi32, #tpu.memory_space<vmem>>
    %dma_wait3A_129 = arith.constant 0 : i32
    %dma_wait3A_130 = tpu.memref_slice %arg3[%dma_wait3A_129] : memref<320000xi32, #tpu.memory_space<hbm>> -> memref<80xi32, #tpu.memory_space<hbm>>
    tpu.wait_dma2 semaphore(%dma_wait3A_125 : memref<!tpu.dma_semaphore, #tpu.memory_space<semaphore_mem>>) src(%dma_wait3A_130 : memref<80xi32, #tpu.memory_space<hbm>>) dst(%dma_wait3A_128 : memref<80xi32, #tpu.memory_space<vmem>>)
    %dma_wait3A_131 = arith.constant 0 : i32
    %dma_wait3A_132 = arith.constant 0 : i32
    %dma_wait3A_133 = arith.constant 0 : i32
    %dma_wait3A_134 = tpu.memref_slice %arg8[%dma_wait3A_131, %dma_wait3A_133] : memref<4x80xi32, #tpu.memory_space<vmem>> -> memref<1x80xi32, #tpu.memory_space<vmem>>
    %dma_wait3A_135 = tpu.memref_squeeze %dma_wait3A_134 : memref<1x80xi32, #tpu.memory_space<vmem>> -> memref<80xi32, #tpu.memory_space<vmem>>
    %dma_wait3A_136 = arith.constant 0 : i32
    %dma_wait3A_137 = tpu.memref_slice %arg4[%dma_wait3A_136] : memref<320000xi32, #tpu.memory_space<hbm>> -> memref<80xi32, #tpu.memory_space<hbm>>
    %dma_wait3A_138 = tpu.memref_slice %arg11[%dma_wait3A_132] : memref<4x!tpu.dma_semaphore, #tpu.memory_space<semaphore_mem>> -> memref<1x!tpu.dma_semaphore, #tpu.memory_space<semaphore_mem>>
    %dma_wait3A_139 = tpu.memref_squeeze %dma_wait3A_138 : memref<1x!tpu.dma_semaphore, #tpu.memory_space<semaphore_mem>> -> memref<!tpu.dma_semaphore, #tpu.memory_space<semaphore_mem>>
    %dma_wait3A_140 = arith.constant 0 : i32
    %dma_wait3A_141 = tpu.memref_slice %arg8[%dma_wait3A_131, %dma_wait3A_140] : memref<4x80xi32, #tpu.memory_space<vmem>> -> memref<1x80xi32, #tpu.memory_space<vmem>>
    %dma_wait3A_142 = tpu.memref_squeeze %dma_wait3A_141 : memref<1x80xi32, #tpu.memory_space<vmem>> -> memref<80xi32, #tpu.memory_space<vmem>>
    %dma_wait3A_143 = arith.constant 0 : i32
    %dma_wait3A_144 = tpu.memref_slice %arg4[%dma_wait3A_143] : memref<320000xi32, #tpu.memory_space<hbm>> -> memref<80xi32, #tpu.memory_space<hbm>>
    tpu.wait_dma2 semaphore(%dma_wait3A_139 : memref<!tpu.dma_semaphore, #tpu.memory_space<semaphore_mem>>) src(%dma_wait3A_144 : memref<80xi32, #tpu.memory_space<hbm>>) dst(%dma_wait3A_142 : memref<80xi32, #tpu.memory_space<vmem>>)
    %dma_start3A_145 = arith.constant 0 : i32
    %dma_start3A_146 = arith.constant 0 : i32
    %dma_start3A_147 = arith.constant 0 : i32
    %dma_start3A_148 = arith.constant 0 : i32
    %dma_start3A_149 = arith.constant 0 : i32
    %dma_start3A_150 = tpu.memref_slice %arg6[%dma_start3A_146, %dma_start3A_148, %dma_start3A_149] : memref<4x80x128xf32, #tpu.memory_space<vmem>> -> memref<1x80x128xf32, #tpu.memory_space<vmem>>
    %dma_start3A_151 = tpu.memref_squeeze %dma_start3A_150 : memref<1x80x128xf32, #tpu.memory_space<vmem>> -> memref<80x128xf32, #tpu.memory_space<vmem>>
    %dma_start3A_152 = arith.constant 0 : i32
    %dma_start3A_153 = tpu.memref_slice %arg7[%dma_start3A_145, %dma_start3A_152] : memref<4x80xi32, #tpu.memory_space<vmem>> -> memref<1x80xi32, #tpu.memory_space<vmem>>
    %dma_start3A_154 = tpu.memref_squeeze %dma_start3A_153 : memref<1x80xi32, #tpu.memory_space<vmem>> -> memref<80xi32, #tpu.memory_space<vmem>>
    %dma_start3A_155 = arith.constant 0 : i32
    %dma_start3A_156 = arith.constant 0 : i32
    %dma_start3A_157 = tpu.memref_slice %arg2[%dma_start3A_155, %dma_start3A_156] : memref<10000x128xf32, #tpu.memory_space<hbm>> -> memref<10000x128xf32, #tpu.memory_space<hbm>>
    %dma_start3A_158 = tpu.memref_slice %arg12[%dma_start3A_147] : memref<4x!tpu.dma_semaphore, #tpu.memory_space<semaphore_mem>> -> memref<1x!tpu.dma_semaphore, #tpu.memory_space<semaphore_mem>>
    %dma_start3A_159 = tpu.memref_squeeze %dma_start3A_158 : memref<1x!tpu.dma_semaphore, #tpu.memory_space<semaphore_mem>> -> memref<!tpu.dma_semaphore, #tpu.memory_space<semaphore_mem>>
    tpu.enqueue_indirect_dma source(%dma_start3A_157 : memref<10000x128xf32, #tpu.memory_space<hbm>>) target(%dma_start3A_151 : memref<80x128xf32, #tpu.memory_space<vmem>>) offsets(%dma_start3A_154 : memref<80xi32, #tpu.memory_space<vmem>>) semaphore(%dma_start3A_159 : memref<!tpu.dma_semaphore, #tpu.memory_space<semaphore_mem>>)
    %dma_wait3A_160 = arith.constant 1 : i32
    %dma_wait3A_161 = arith.constant 1 : i32
    %dma_wait3A_162 = arith.constant 0 : i32
    %dma_wait3A_163 = tpu.memref_slice %arg7[%dma_wait3A_160, %dma_wait3A_162] : memref<4x80xi32, #tpu.memory_space<vmem>> -> memref<1x80xi32, #tpu.memory_space<vmem>>
    %dma_wait3A_164 = tpu.memref_squeeze %dma_wait3A_163 : memref<1x80xi32, #tpu.memory_space<vmem>> -> memref<80xi32, #tpu.memory_space<vmem>>
    %dma_wait3A_165 = arith.constant 0 : i32
    %dma_wait3A_166 = tpu.memref_slice %arg3[%dma_wait3A_165] : memref<320000xi32, #tpu.memory_space<hbm>> -> memref<80xi32, #tpu.memory_space<hbm>>
    %dma_wait3A_167 = tpu.memref_slice %arg10[%dma_wait3A_161] : memref<4x!tpu.dma_semaphore, #tpu.memory_space<semaphore_mem>> -> memref<1x!tpu.dma_semaphore, #tpu.memory_space<semaphore_mem>>
    %dma_wait3A_168 = tpu.memref_squeeze %dma_wait3A_167 : memref<1x!tpu.dma_semaphore, #tpu.memory_space<semaphore_mem>> -> memref<!tpu.dma_semaphore, #tpu.memory_space<semaphore_mem>>
    %dma_wait3A_169 = arith.constant 0 : i32
    %dma_wait3A_170 = tpu.memref_slice %arg7[%dma_wait3A_160, %dma_wait3A_169] : memref<4x80xi32, #tpu.memory_space<vmem>> -> memref<1x80xi32, #tpu.memory_space<vmem>>
    %dma_wait3A_171 = tpu.memref_squeeze %dma_wait3A_170 : memref<1x80xi32, #tpu.memory_space<vmem>> -> memref<80xi32, #tpu.memory_space<vmem>>
    %dma_wait3A_172 = arith.constant 0 : i32
    %dma_wait3A_173 = tpu.memref_slice %arg3[%dma_wait3A_172] : memref<320000xi32, #tpu.memory_space<hbm>> -> memref<80xi32, #tpu.memory_space<hbm>>
    tpu.wait_dma2 semaphore(%dma_wait3A_168 : memref<!tpu.dma_semaphore, #tpu.memory_space<semaphore_mem>>) src(%dma_wait3A_173 : memref<80xi32, #tpu.memory_space<hbm>>) dst(%dma_wait3A_171 : memref<80xi32, #tpu.memory_space<vmem>>)
    %dma_wait3A_174 = arith.constant 1 : i32
    %dma_wait3A_175 = arith.constant 1 : i32
    %dma_wait3A_176 = arith.constant 0 : i32
    %dma_wait3A_177 = tpu.memref_slice %arg8[%dma_wait3A_174, %dma_wait3A_176] : memref<4x80xi32, #tpu.memory_space<vmem>> -> memref<1x80xi32, #tpu.memory_space<vmem>>
    %dma_wait3A_178 = tpu.memref_squeeze %dma_wait3A_177 : memref<1x80xi32, #tpu.memory_space<vmem>> -> memref<80xi32, #tpu.memory_space<vmem>>
    %dma_wait3A_179 = arith.constant 0 : i32
    %dma_wait3A_180 = tpu.memref_slice %arg4[%dma_wait3A_179] : memref<320000xi32, #tpu.memory_space<hbm>> -> memref<80xi32, #tpu.memory_space<hbm>>
    %dma_wait3A_181 = tpu.memref_slice %arg11[%dma_wait3A_175] : memref<4x!tpu.dma_semaphore, #tpu.memory_space<semaphore_mem>> -> memref<1x!tpu.dma_semaphore, #tpu.memory_space<semaphore_mem>>
    %dma_wait3A_182 = tpu.memref_squeeze %dma_wait3A_181 : memref<1x!tpu.dma_semaphore, #tpu.memory_space<semaphore_mem>> -> memref<!tpu.dma_semaphore, #tpu.memory_space<semaphore_mem>>
    %dma_wait3A_183 = arith.constant 0 : i32
    %dma_wait3A_184 = tpu.memref_slice %arg8[%dma_wait3A_174, %dma_wait3A_183] : memref<4x80xi32, #tpu.memory_space<vmem>> -> memref<1x80xi32, #tpu.memory_space<vmem>>
    %dma_wait3A_185 = tpu.memref_squeeze %dma_wait3A_184 : memref<1x80xi32, #tpu.memory_space<vmem>> -> memref<80xi32, #tpu.memory_space<vmem>>
    %dma_wait3A_186 = arith.constant 0 : i32
    %dma_wait3A_187 = tpu.memref_slice %arg4[%dma_wait3A_186] : memref<320000xi32, #tpu.memory_space<hbm>> -> memref<80xi32, #tpu.memory_space<hbm>>
    tpu.wait_dma2 semaphore(%dma_wait3A_182 : memref<!tpu.dma_semaphore, #tpu.memory_space<semaphore_mem>>) src(%dma_wait3A_187 : memref<80xi32, #tpu.memory_space<hbm>>) dst(%dma_wait3A_185 : memref<80xi32, #tpu.memory_space<vmem>>)
    %dma_start3A_188 = arith.constant 1 : i32
    %dma_start3A_189 = arith.constant 1 : i32
    %dma_start3A_190 = arith.constant 1 : i32
    %dma_start3A_191 = arith.constant 0 : i32
    %dma_start3A_192 = arith.constant 0 : i32
    %dma_start3A_193 = tpu.memref_slice %arg6[%dma_start3A_189, %dma_start3A_191, %dma_start3A_192] : memref<4x80x128xf32, #tpu.memory_space<vmem>> -> memref<1x80x128xf32, #tpu.memory_space<vmem>>
    %dma_start3A_194 = tpu.memref_squeeze %dma_start3A_193 : memref<1x80x128xf32, #tpu.memory_space<vmem>> -> memref<80x128xf32, #tpu.memory_space<vmem>>
    %dma_start3A_195 = arith.constant 0 : i32
    %dma_start3A_196 = tpu.memref_slice %arg7[%dma_start3A_188, %dma_start3A_195] : memref<4x80xi32, #tpu.memory_space<vmem>> -> memref<1x80xi32, #tpu.memory_space<vmem>>
    %dma_start3A_197 = tpu.memref_squeeze %dma_start3A_196 : memref<1x80xi32, #tpu.memory_space<vmem>> -> memref<80xi32, #tpu.memory_space<vmem>>
    %dma_start3A_198 = arith.constant 0 : i32
    %dma_start3A_199 = arith.constant 0 : i32
    %dma_start3A_200 = tpu.memref_slice %arg2[%dma_start3A_198, %dma_start3A_199] : memref<10000x128xf32, #tpu.memory_space<hbm>> -> memref<10000x128xf32, #tpu.memory_space<hbm>>
    %dma_start3A_201 = tpu.memref_slice %arg12[%dma_start3A_190] : memref<4x!tpu.dma_semaphore, #tpu.memory_space<semaphore_mem>> -> memref<1x!tpu.dma_semaphore, #tpu.memory_space<semaphore_mem>>
    %dma_start3A_202 = tpu.memref_squeeze %dma_start3A_201 : memref<1x!tpu.dma_semaphore, #tpu.memory_space<semaphore_mem>> -> memref<!tpu.dma_semaphore, #tpu.memory_space<semaphore_mem>>
    tpu.enqueue_indirect_dma source(%dma_start3A_200 : memref<10000x128xf32, #tpu.memory_space<hbm>>) target(%dma_start3A_194 : memref<80x128xf32, #tpu.memory_space<vmem>>) offsets(%dma_start3A_197 : memref<80xi32, #tpu.memory_space<vmem>>) semaphore(%dma_start3A_202 : memref<!tpu.dma_semaphore, #tpu.memory_space<semaphore_mem>>)
    %mul3A_203 = arith.constant 10000 : i32
    %mul3A_204 = arith.muli %add3A, %mul3A_203 : i32
    %multiple_of3A_205 = tpu.assume_multiple %mul3A_204, 8 : i32
    %add3A_206 = arith.constant 240 : i32
    %add3A_207 = arith.addi %multiple_of3A_205, %add3A_206 : i32
    %dma_start3A_208 = arith.constant 3 : i32
    %dma_start3A_209 = arith.constant 3 : i32
    %dma_start3A_210 = arith.constant 0 : i32
    %dma_start3A_211 = tpu.memref_slice %arg7[%dma_start3A_208, %dma_start3A_210] : memref<4x80xi32, #tpu.memory_space<vmem>> -> memref<1x80xi32, #tpu.memory_space<vmem>>
    %dma_start3A_212 = tpu.memref_squeeze %dma_start3A_211 : memref<1x80xi32, #tpu.memory_space<vmem>> -> memref<80xi32, #tpu.memory_space<vmem>>
    %dma_start3A_213 = tpu.memref_slice %arg3[%add3A_207] : memref<320000xi32, #tpu.memory_space<hbm>> -> memref<80xi32, #tpu.memory_space<hbm>>
    %dma_start3A_214 = tpu.memref_slice %arg10[%dma_start3A_209] : memref<4x!tpu.dma_semaphore, #tpu.memory_space<semaphore_mem>> -> memref<1x!tpu.dma_semaphore, #tpu.memory_space<semaphore_mem>>
    %dma_start3A_215 = tpu.memref_squeeze %dma_start3A_214 : memref<1x!tpu.dma_semaphore, #tpu.memory_space<semaphore_mem>> -> memref<!tpu.dma_semaphore, #tpu.memory_space<semaphore_mem>>
    %dma_start3A_216 = arith.constant 0 : i32
    %dma_start3A_217 = tpu.memref_slice %arg7[%dma_start3A_208, %dma_start3A_216] : memref<4x80xi32, #tpu.memory_space<vmem>> -> memref<1x80xi32, #tpu.memory_space<vmem>>
    %dma_start3A_218 = tpu.memref_squeeze %dma_start3A_217 : memref<1x80xi32, #tpu.memory_space<vmem>> -> memref<80xi32, #tpu.memory_space<vmem>>
    %dma_start3A_219 = tpu.memref_slice %arg3[%add3A_207] : memref<320000xi32, #tpu.memory_space<hbm>> -> memref<80xi32, #tpu.memory_space<hbm>>
    tpu.enqueue_dma source(%dma_start3A_219 : memref<80xi32, #tpu.memory_space<hbm>>) target(%dma_start3A_218 : memref<80xi32, #tpu.memory_space<vmem>>) target_semaphore(%dma_start3A_215 : memref<!tpu.dma_semaphore, #tpu.memory_space<semaphore_mem>>)
    %dma_start3A_220 = arith.constant 3 : i32
    %dma_start3A_221 = arith.constant 3 : i32
    %dma_start3A_222 = arith.constant 0 : i32
    %dma_start3A_223 = tpu.memref_slice %arg8[%dma_start3A_220, %dma_start3A_222] : memref<4x80xi32, #tpu.memory_space<vmem>> -> memref<1x80xi32, #tpu.memory_space<vmem>>
    %dma_start3A_224 = tpu.memref_squeeze %dma_start3A_223 : memref<1x80xi32, #tpu.memory_space<vmem>> -> memref<80xi32, #tpu.memory_space<vmem>>
    %dma_start3A_225 = tpu.memref_slice %arg4[%add3A_207] : memref<320000xi32, #tpu.memory_space<hbm>> -> memref<80xi32, #tpu.memory_space<hbm>>
    %dma_start3A_226 = tpu.memref_slice %arg11[%dma_start3A_221] : memref<4x!tpu.dma_semaphore, #tpu.memory_space<semaphore_mem>> -> memref<1x!tpu.dma_semaphore, #tpu.memory_space<semaphore_mem>>
    %dma_start3A_227 = tpu.memref_squeeze %dma_start3A_226 : memref<1x!tpu.dma_semaphore, #tpu.memory_space<semaphore_mem>> -> memref<!tpu.dma_semaphore, #tpu.memory_space<semaphore_mem>>
    %dma_start3A_228 = arith.constant 0 : i32
    %dma_start3A_229 = tpu.memref_slice %arg8[%dma_start3A_220, %dma_start3A_228] : memref<4x80xi32, #tpu.memory_space<vmem>> -> memref<1x80xi32, #tpu.memory_space<vmem>>
    %dma_start3A_230 = tpu.memref_squeeze %dma_start3A_229 : memref<1x80xi32, #tpu.memory_space<vmem>> -> memref<80xi32, #tpu.memory_space<vmem>>
    %dma_start3A_231 = tpu.memref_slice %arg4[%add3A_207] : memref<320000xi32, #tpu.memory_space<hbm>> -> memref<80xi32, #tpu.memory_space<hbm>>
    tpu.enqueue_dma source(%dma_start3A_231 : memref<80xi32, #tpu.memory_space<hbm>>) target(%dma_start3A_230 : memref<80xi32, #tpu.memory_space<vmem>>) target_semaphore(%dma_start3A_227 : memref<!tpu.dma_semaphore, #tpu.memory_space<semaphore_mem>>)
    %dma_wait3A_232 = arith.constant 2 : i32
    %dma_wait3A_233 = arith.constant 2 : i32
    %dma_wait3A_234 = arith.constant 0 : i32
    %dma_wait3A_235 = tpu.memref_slice %arg7[%dma_wait3A_232, %dma_wait3A_234] : memref<4x80xi32, #tpu.memory_space<vmem>> -> memref<1x80xi32, #tpu.memory_space<vmem>>
    %dma_wait3A_236 = tpu.memref_squeeze %dma_wait3A_235 : memref<1x80xi32, #tpu.memory_space<vmem>> -> memref<80xi32, #tpu.memory_space<vmem>>
    %dma_wait3A_237 = arith.constant 0 : i32
    %dma_wait3A_238 = tpu.memref_slice %arg3[%dma_wait3A_237] : memref<320000xi32, #tpu.memory_space<hbm>> -> memref<80xi32, #tpu.memory_space<hbm>>
    %dma_wait3A_239 = tpu.memref_slice %arg10[%dma_wait3A_233] : memref<4x!tpu.dma_semaphore, #tpu.memory_space<semaphore_mem>> -> memref<1x!tpu.dma_semaphore, #tpu.memory_space<semaphore_mem>>
    %dma_wait3A_240 = tpu.memref_squeeze %dma_wait3A_239 : memref<1x!tpu.dma_semaphore, #tpu.memory_space<semaphore_mem>> -> memref<!tpu.dma_semaphore, #tpu.memory_space<semaphore_mem>>
    %dma_wait3A_241 = arith.constant 0 : i32
    %dma_wait3A_242 = tpu.memref_slice %arg7[%dma_wait3A_232, %dma_wait3A_241] : memref<4x80xi32, #tpu.memory_space<vmem>> -> memref<1x80xi32, #tpu.memory_space<vmem>>
    %dma_wait3A_243 = tpu.memref_squeeze %dma_wait3A_242 : memref<1x80xi32, #tpu.memory_space<vmem>> -> memref<80xi32, #tpu.memory_space<vmem>>
    %dma_wait3A_244 = arith.constant 0 : i32
    %dma_wait3A_245 = tpu.memref_slice %arg3[%dma_wait3A_244] : memref<320000xi32, #tpu.memory_space<hbm>> -> memref<80xi32, #tpu.memory_space<hbm>>
    tpu.wait_dma2 semaphore(%dma_wait3A_240 : memref<!tpu.dma_semaphore, #tpu.memory_space<semaphore_mem>>) src(%dma_wait3A_245 : memref<80xi32, #tpu.memory_space<hbm>>) dst(%dma_wait3A_243 : memref<80xi32, #tpu.memory_space<vmem>>)
    %dma_wait3A_246 = arith.constant 2 : i32
    %dma_wait3A_247 = arith.constant 2 : i32
    %dma_wait3A_248 = arith.constant 0 : i32
    %dma_wait3A_249 = tpu.memref_slice %arg8[%dma_wait3A_246, %dma_wait3A_248] : memref<4x80xi32, #tpu.memory_space<vmem>> -> memref<1x80xi32, #tpu.memory_space<vmem>>
    %dma_wait3A_250 = tpu.memref_squeeze %dma_wait3A_249 : memref<1x80xi32, #tpu.memory_space<vmem>> -> memref<80xi32, #tpu.memory_space<vmem>>
    %dma_wait3A_251 = arith.constant 0 : i32
    %dma_wait3A_252 = tpu.memref_slice %arg4[%dma_wait3A_251] : memref<320000xi32, #tpu.memory_space<hbm>> -> memref<80xi32, #tpu.memory_space<hbm>>
    %dma_wait3A_253 = tpu.memref_slice %arg11[%dma_wait3A_247] : memref<4x!tpu.dma_semaphore, #tpu.memory_space<semaphore_mem>> -> memref<1x!tpu.dma_semaphore, #tpu.memory_space<semaphore_mem>>
    %dma_wait3A_254 = tpu.memref_squeeze %dma_wait3A_253 : memref<1x!tpu.dma_semaphore, #tpu.memory_space<semaphore_mem>> -> memref<!tpu.dma_semaphore, #tpu.memory_space<semaphore_mem>>
    %dma_wait3A_255 = arith.constant 0 : i32
    %dma_wait3A_256 = tpu.memref_slice %arg8[%dma_wait3A_246, %dma_wait3A_255] : memref<4x80xi32, #tpu.memory_space<vmem>> -> memref<1x80xi32, #tpu.memory_space<vmem>>
    %dma_wait3A_257 = tpu.memref_squeeze %dma_wait3A_256 : memref<1x80xi32, #tpu.memory_space<vmem>> -> memref<80xi32, #tpu.memory_space<vmem>>
    %dma_wait3A_258 = arith.constant 0 : i32
    %dma_wait3A_259 = tpu.memref_slice %arg4[%dma_wait3A_258] : memref<320000xi32, #tpu.memory_space<hbm>> -> memref<80xi32, #tpu.memory_space<hbm>>
    tpu.wait_dma2 semaphore(%dma_wait3A_254 : memref<!tpu.dma_semaphore, #tpu.memory_space<semaphore_mem>>) src(%dma_wait3A_259 : memref<80xi32, #tpu.memory_space<hbm>>) dst(%dma_wait3A_257 : memref<80xi32, #tpu.memory_space<vmem>>)
    %dma_start3A_260 = arith.constant 2 : i32
    %dma_start3A_261 = arith.constant 2 : i32
    %dma_start3A_262 = arith.constant 2 : i32
    %dma_start3A_263 = arith.constant 0 : i32
    %dma_start3A_264 = arith.constant 0 : i32
    %dma_start3A_265 = tpu.memref_slice %arg6[%dma_start3A_261, %dma_start3A_263, %dma_start3A_264] : memref<4x80x128xf32, #tpu.memory_space<vmem>> -> memref<1x80x128xf32, #tpu.memory_space<vmem>>
    %dma_start3A_266 = tpu.memref_squeeze %dma_start3A_265 : memref<1x80x128xf32, #tpu.memory_space<vmem>> -> memref<80x128xf32, #tpu.memory_space<vmem>>
    %dma_start3A_267 = arith.constant 0 : i32
    %dma_start3A_268 = tpu.memref_slice %arg7[%dma_start3A_260, %dma_start3A_267] : memref<4x80xi32, #tpu.memory_space<vmem>> -> memref<1x80xi32, #tpu.memory_space<vmem>>
    %dma_start3A_269 = tpu.memref_squeeze %dma_start3A_268 : memref<1x80xi32, #tpu.memory_space<vmem>> -> memref<80xi32, #tpu.memory_space<vmem>>
    %dma_start3A_270 = arith.constant 0 : i32
    %dma_start3A_271 = arith.constant 0 : i32
    %dma_start3A_272 = tpu.memref_slice %arg2[%dma_start3A_270, %dma_start3A_271] : memref<10000x128xf32, #tpu.memory_space<hbm>> -> memref<10000x128xf32, #tpu.memory_space<hbm>>
    %dma_start3A_273 = tpu.memref_slice %arg12[%dma_start3A_262] : memref<4x!tpu.dma_semaphore, #tpu.memory_space<semaphore_mem>> -> memref<1x!tpu.dma_semaphore, #tpu.memory_space<semaphore_mem>>
    %dma_start3A_274 = tpu.memref_squeeze %dma_start3A_273 : memref<1x!tpu.dma_semaphore, #tpu.memory_space<semaphore_mem>> -> memref<!tpu.dma_semaphore, #tpu.memory_space<semaphore_mem>>
    tpu.enqueue_indirect_dma source(%dma_start3A_272 : memref<10000x128xf32, #tpu.memory_space<hbm>>) target(%dma_start3A_266 : memref<80x128xf32, #tpu.memory_space<vmem>>) offsets(%dma_start3A_269 : memref<80xi32, #tpu.memory_space<vmem>>) semaphore(%dma_start3A_274 : memref<!tpu.dma_semaphore, #tpu.memory_space<semaphore_mem>>)
    %dma_wait3A_275 = arith.constant 0 : i32
    %dma_wait3A_276 = arith.constant 0 : i32
    %dma_wait3A_277 = arith.constant 0 : i32
    %dma_wait3A_278 = arith.constant 0 : i32
    %dma_wait3A_279 = arith.constant 0 : i32
    %dma_wait3A_280 = tpu.memref_slice %arg6[%dma_wait3A_276, %dma_wait3A_278, %dma_wait3A_279] : memref<4x80x128xf32, #tpu.memory_space<vmem>> -> memref<1x80x128xf32, #tpu.memory_space<vmem>>
    %dma_wait3A_281 = tpu.memref_squeeze %dma_wait3A_280 : memref<1x80x128xf32, #tpu.memory_space<vmem>> -> memref<80x128xf32, #tpu.memory_space<vmem>>
    %dma_wait3A_282 = arith.constant 0 : i32
    %dma_wait3A_283 = tpu.memref_slice %arg7[%dma_wait3A_275, %dma_wait3A_282] : memref<4x80xi32, #tpu.memory_space<vmem>> -> memref<1x80xi32, #tpu.memory_space<vmem>>
    %dma_wait3A_284 = tpu.memref_squeeze %dma_wait3A_283 : memref<1x80xi32, #tpu.memory_space<vmem>> -> memref<80xi32, #tpu.memory_space<vmem>>
    %dma_wait3A_285 = arith.constant 0 : i32
    %dma_wait3A_286 = arith.constant 0 : i32
    %dma_wait3A_287 = tpu.memref_slice %arg2[%dma_wait3A_285, %dma_wait3A_286] : memref<10000x128xf32, #tpu.memory_space<hbm>> -> memref<10000x128xf32, #tpu.memory_space<hbm>>
    %dma_wait3A_288 = tpu.memref_slice %arg12[%dma_wait3A_277] : memref<4x!tpu.dma_semaphore, #tpu.memory_space<semaphore_mem>> -> memref<1x!tpu.dma_semaphore, #tpu.memory_space<semaphore_mem>>
    %dma_wait3A_289 = tpu.memref_squeeze %dma_wait3A_288 : memref<1x!tpu.dma_semaphore, #tpu.memory_space<semaphore_mem>> -> memref<!tpu.dma_semaphore, #tpu.memory_space<semaphore_mem>>
    tpu.wait_indirect_dma semaphore(%dma_wait3A_289 : memref<!tpu.dma_semaphore, #tpu.memory_space<semaphore_mem>>) src(%dma_wait3A_287 : memref<10000x128xf32, #tpu.memory_space<hbm>>) dst(%dma_wait3A_281 : memref<80x128xf32, #tpu.memory_space<vmem>>)
    %dma_start3A_290 = arith.constant 0 : i32
    %dma_start3A_291 = arith.constant 0 : i32
    %dma_start3A_292 = arith.constant 0 : i32
    %dma_start3A_293 = arith.constant 0 : i32
    %dma_start3A_294 = arith.constant 0 : i32
    %dma_start3A_295 = tpu.memref_slice %arg6[%dma_start3A_290, %dma_start3A_293, %dma_start3A_294] : memref<4x80x128xf32, #tpu.memory_space<vmem>> -> memref<1x80x128xf32, #tpu.memory_space<vmem>>
    %dma_start3A_296 = tpu.memref_squeeze %dma_start3A_295 : memref<1x80x128xf32, #tpu.memory_space<vmem>> -> memref<80x128xf32, #tpu.memory_space<vmem>>
    %dma_start3A_297 = arith.constant 0 : i32
    %dma_start3A_298 = tpu.memref_slice %arg8[%dma_start3A_291, %dma_start3A_297] : memref<4x80xi32, #tpu.memory_space<vmem>> -> memref<1x80xi32, #tpu.memory_space<vmem>>
    %dma_start3A_299 = tpu.memref_squeeze %dma_start3A_298 : memref<1x80xi32, #tpu.memory_space<vmem>> -> memref<80xi32, #tpu.memory_space<vmem>>
    %dma_start3A_300 = arith.constant 0 : i32
    %dma_start3A_301 = arith.constant 0 : i32
    %dma_start3A_302 = tpu.memref_slice %arg9[%dma_start3A_300, %dma_start3A_301] : memref<10112x128xf32, #tpu.memory_space<vmem_shared>> -> memref<10112x128xf32, #tpu.memory_space<vmem_shared>>
    %dma_start3A_303 = tpu.memref_slice %arg13[%dma_start3A_292] : memref<4x!tpu.dma_semaphore, #tpu.memory_space<semaphore_mem>> -> memref<1x!tpu.dma_semaphore, #tpu.memory_space<semaphore_mem>>
    %dma_start3A_304 = tpu.memref_squeeze %dma_start3A_303 : memref<1x!tpu.dma_semaphore, #tpu.memory_space<semaphore_mem>> -> memref<!tpu.dma_semaphore, #tpu.memory_space<semaphore_mem>>
    tpu.enqueue_indirect_dma source(%dma_start3A_296 : memref<80x128xf32, #tpu.memory_space<vmem>>) target(%dma_start3A_302 : memref<10112x128xf32, #tpu.memory_space<vmem_shared>>) offsets(%dma_start3A_299 : memref<80xi32, #tpu.memory_space<vmem>>) semaphore(%dma_start3A_304 : memref<!tpu.dma_semaphore, #tpu.memory_space<semaphore_mem>>) {add = true}
    %dma_wait3A_305 = arith.constant 0 : i32
    %dma_wait3A_306 = arith.constant 0 : i32
    %dma_wait3A_307 = arith.constant 0 : i32
    %dma_wait3A_308 = arith.constant 0 : i32
    %dma_wait3A_309 = arith.constant 0 : i32
    %dma_wait3A_310 = tpu.memref_slice %arg6[%dma_wait3A_305, %dma_wait3A_308, %dma_wait3A_309] : memref<4x80x128xf32, #tpu.memory_space<vmem>> -> memref<1x80x128xf32, #tpu.memory_space<vmem>>
    %dma_wait3A_311 = tpu.memref_squeeze %dma_wait3A_310 : memref<1x80x128xf32, #tpu.memory_space<vmem>> -> memref<80x128xf32, #tpu.memory_space<vmem>>
    %dma_wait3A_312 = arith.constant 0 : i32
    %dma_wait3A_313 = tpu.memref_slice %arg8[%dma_wait3A_306, %dma_wait3A_312] : memref<4x80xi32, #tpu.memory_space<vmem>> -> memref<1x80xi32, #tpu.memory_space<vmem>>
    %dma_wait3A_314 = tpu.memref_squeeze %dma_wait3A_313 : memref<1x80xi32, #tpu.memory_space<vmem>> -> memref<80xi32, #tpu.memory_space<vmem>>
    %dma_wait3A_315 = arith.constant 0 : i32
    %dma_wait3A_316 = arith.constant 0 : i32
    %dma_wait3A_317 = tpu.memref_slice %arg9[%dma_wait3A_315, %dma_wait3A_316] : memref<10112x128xf32, #tpu.memory_space<vmem_shared>> -> memref<10112x128xf32, #tpu.memory_space<vmem_shared>>
    %dma_wait3A_318 = tpu.memref_slice %arg13[%dma_wait3A_307] : memref<4x!tpu.dma_semaphore, #tpu.memory_space<semaphore_mem>> -> memref<1x!tpu.dma_semaphore, #tpu.memory_space<semaphore_mem>>
    %dma_wait3A_319 = tpu.memref_squeeze %dma_wait3A_318 : memref<1x!tpu.dma_semaphore, #tpu.memory_space<semaphore_mem>> -> memref<!tpu.dma_semaphore, #tpu.memory_space<semaphore_mem>>
    tpu.wait_indirect_dma semaphore(%dma_wait3A_319 : memref<!tpu.dma_semaphore, #tpu.memory_space<semaphore_mem>>) src(%dma_wait3A_311 : memref<80x128xf32, #tpu.memory_space<vmem>>) dst(%dma_wait3A_317 : memref<10112x128xf32, #tpu.memory_space<vmem_shared>>)
    %mul3A_320 = arith.constant 10000 : i32
    %mul3A_321 = arith.muli %add3A, %mul3A_320 : i32
    %multiple_of3A_322 = tpu.assume_multiple %mul3A_321, 8 : i32
    %add3A_323 = arith.constant 320 : i32
    %add3A_324 = arith.addi %multiple_of3A_322, %add3A_323 : i32
    %dma_start3A_325 = arith.constant 0 : i32
    %dma_start3A_326 = arith.constant 0 : i32
    %dma_start3A_327 = arith.constant 0 : i32
    %dma_start3A_328 = tpu.memref_slice %arg7[%dma_start3A_325, %dma_start3A_327] : memref<4x80xi32, #tpu.memory_space<vmem>> -> memref<1x80xi32, #tpu.memory_space<vmem>>
    %dma_start3A_329 = tpu.memref_squeeze %dma_start3A_328 : memref<1x80xi32, #tpu.memory_space<vmem>> -> memref<80xi32, #tpu.memory_space<vmem>>
    %dma_start3A_330 = tpu.memref_slice %arg3[%add3A_324] : memref<320000xi32, #tpu.memory_space<hbm>> -> memref<80xi32, #tpu.memory_space<hbm>>
    %dma_start3A_331 = tpu.memref_slice %arg10[%dma_start3A_326] : memref<4x!tpu.dma_semaphore, #tpu.memory_space<semaphore_mem>> -> memref<1x!tpu.dma_semaphore, #tpu.memory_space<semaphore_mem>>
    %dma_start3A_332 = tpu.memref_squeeze %dma_start3A_331 : memref<1x!tpu.dma_semaphore, #tpu.memory_space<semaphore_mem>> -> memref<!tpu.dma_semaphore, #tpu.memory_space<semaphore_mem>>
    %dma_start3A_333 = arith.constant 0 : i32
    %dma_start3A_334 = tpu.memref_slice %arg7[%dma_start3A_325, %dma_start3A_333] : memref<4x80xi32, #tpu.memory_space<vmem>> -> memref<1x80xi32, #tpu.memory_space<vmem>>
    %dma_start3A_335 = tpu.memref_squeeze %dma_start3A_334 : memref<1x80xi32, #tpu.memory_space<vmem>> -> memref<80xi32, #tpu.memory_space<vmem>>
    %dma_start3A_336 = tpu.memref_slice %arg3[%add3A_324] : memref<320000xi32, #tpu.memory_space<hbm>> -> memref<80xi32, #tpu.memory_space<hbm>>
    tpu.enqueue_dma source(%dma_start3A_336 : memref<80xi32, #tpu.memory_space<hbm>>) target(%dma_start3A_335 : memref<80xi32, #tpu.memory_space<vmem>>) target_semaphore(%dma_start3A_332 : memref<!tpu.dma_semaphore, #tpu.memory_space<semaphore_mem>>)
    %dma_start3A_337 = arith.constant 0 : i32
    %dma_start3A_338 = arith.constant 0 : i32
    %dma_start3A_339 = arith.constant 0 : i32
    %dma_start3A_340 = tpu.memref_slice %arg8[%dma_start3A_337, %dma_start3A_339] : memref<4x80xi32, #tpu.memory_space<vmem>> -> memref<1x80xi32, #tpu.memory_space<vmem>>
    %dma_start3A_341 = tpu.memref_squeeze %dma_start3A_340 : memref<1x80xi32, #tpu.memory_space<vmem>> -> memref<80xi32, #tpu.memory_space<vmem>>
    %dma_start3A_342 = tpu.memref_slice %arg4[%add3A_324] : memref<320000xi32, #tpu.memory_space<hbm>> -> memref<80xi32, #tpu.memory_space<hbm>>
    %dma_start3A_343 = tpu.memref_slice %arg11[%dma_start3A_338] : memref<4x!tpu.dma_semaphore, #tpu.memory_space<semaphore_mem>> -> memref<1x!tpu.dma_semaphore, #tpu.memory_space<semaphore_mem>>
    %dma_start3A_344 = tpu.memref_squeeze %dma_start3A_343 : memref<1x!tpu.dma_semaphore, #tpu.memory_space<semaphore_mem>> -> memref<!tpu.dma_semaphore, #tpu.memory_space<semaphore_mem>>
    %dma_start3A_345 = arith.constant 0 : i32
    %dma_start3A_346 = tpu.memref_slice %arg8[%dma_start3A_337, %dma_start3A_345] : memref<4x80xi32, #tpu.memory_space<vmem>> -> memref<1x80xi32, #tpu.memory_space<vmem>>
    %dma_start3A_347 = tpu.memref_squeeze %dma_start3A_346 : memref<1x80xi32, #tpu.memory_space<vmem>> -> memref<80xi32, #tpu.memory_space<vmem>>
    %dma_start3A_348 = tpu.memref_slice %arg4[%add3A_324] : memref<320000xi32, #tpu.memory_space<hbm>> -> memref<80xi32, #tpu.memory_space<hbm>>
    tpu.enqueue_dma source(%dma_start3A_348 : memref<80xi32, #tpu.memory_space<hbm>>) target(%dma_start3A_347 : memref<80xi32, #tpu.memory_space<vmem>>) target_semaphore(%dma_start3A_344 : memref<!tpu.dma_semaphore, #tpu.memory_space<semaphore_mem>>)
    %dma_wait3A_349 = arith.constant 3 : i32
    %dma_wait3A_350 = arith.constant 3 : i32
    %dma_wait3A_351 = arith.constant 0 : i32
    %dma_wait3A_352 = tpu.memref_slice %arg7[%dma_wait3A_349, %dma_wait3A_351] : memref<4x80xi32, #tpu.memory_space<vmem>> -> memref<1x80xi32, #tpu.memory_space<vmem>>
    %dma_wait3A_353 = tpu.memref_squeeze %dma_wait3A_352 : memref<1x80xi32, #tpu.memory_space<vmem>> -> memref<80xi32, #tpu.memory_space<vmem>>
    %dma_wait3A_354 = arith.constant 0 : i32
    %dma_wait3A_355 = tpu.memref_slice %arg3[%dma_wait3A_354] : memref<320000xi32, #tpu.memory_space<hbm>> -> memref<80xi32, #tpu.memory_space<hbm>>
    %dma_wait3A_356 = tpu.memref_slice %arg10[%dma_wait3A_350] : memref<4x!tpu.dma_semaphore, #tpu.memory_space<semaphore_mem>> -> memref<1x!tpu.dma_semaphore, #tpu.memory_space<semaphore_mem>>
    %dma_wait3A_357 = tpu.memref_squeeze %dma_wait3A_356 : memref<1x!tpu.dma_semaphore, #tpu.memory_space<semaphore_mem>> -> memref<!tpu.dma_semaphore, #tpu.memory_space<semaphore_mem>>
    %dma_wait3A_358 = arith.constant 0 : i32
    %dma_wait3A_359 = tpu.memref_slice %arg7[%dma_wait3A_349, %dma_wait3A_358] : memref<4x80xi32, #tpu.memory_space<vmem>> -> memref<1x80xi32, #tpu.memory_space<vmem>>
    %dma_wait3A_360 = tpu.memref_squeeze %dma_wait3A_359 : memref<1x80xi32, #tpu.memory_space<vmem>> -> memref<80xi32, #tpu.memory_space<vmem>>
    %dma_wait3A_361 = arith.constant 0 : i32
    %dma_wait3A_362 = tpu.memref_slice %arg3[%dma_wait3A_361] : memref<320000xi32, #tpu.memory_space<hbm>> -> memref<80xi32, #tpu.memory_space<hbm>>
    tpu.wait_dma2 semaphore(%dma_wait3A_357 : memref<!tpu.dma_semaphore, #tpu.memory_space<semaphore_mem>>) src(%dma_wait3A_362 : memref<80xi32, #tpu.memory_space<hbm>>) dst(%dma_wait3A_360 : memref<80xi32, #tpu.memory_space<vmem>>)
    %dma_wait3A_363 = arith.constant 3 : i32
    %dma_wait3A_364 = arith.constant 3 : i32
    %dma_wait3A_365 = arith.constant 0 : i32
    %dma_wait3A_366 = tpu.memref_slice %arg8[%dma_wait3A_363, %dma_wait3A_365] : memref<4x80xi32, #tpu.memory_space<vmem>> -> memref<1x80xi32, #tpu.memory_space<vmem>>
    %dma_wait3A_367 = tpu.memref_squeeze %dma_wait3A_366 : memref<1x80xi32, #tpu.memory_space<vmem>> -> memref<80xi32, #tpu.memory_space<vmem>>
    %dma_wait3A_368 = arith.constant 0 : i32
    %dma_wait3A_369 = tpu.memref_slice %arg4[%dma_wait3A_368] : memref<320000xi32, #tpu.memory_space<hbm>> -> memref<80xi32, #tpu.memory_space<hbm>>
    %dma_wait3A_370 = tpu.memref_slice %arg11[%dma_wait3A_364] : memref<4x!tpu.dma_semaphore, #tpu.memory_space<semaphore_mem>> -> memref<1x!tpu.dma_semaphore, #tpu.memory_space<semaphore_mem>>
    %dma_wait3A_371 = tpu.memref_squeeze %dma_wait3A_370 : memref<1x!tpu.dma_semaphore, #tpu.memory_space<semaphore_mem>> -> memref<!tpu.dma_semaphore, #tpu.memory_space<semaphore_mem>>
    %dma_wait3A_372 = arith.constant 0 : i32
    %dma_wait3A_373 = tpu.memref_slice %arg8[%dma_wait3A_363, %dma_wait3A_372] : memref<4x80xi32, #tpu.memory_space<vmem>> -> memref<1x80xi32, #tpu.memory_space<vmem>>
    %dma_wait3A_374 = tpu.memref_squeeze %dma_wait3A_373 : memref<1x80xi32, #tpu.memory_space<vmem>> -> memref<80xi32, #tpu.memory_space<vmem>>
    %dma_wait3A_375 = arith.constant 0 : i32
    %dma_wait3A_376 = tpu.memref_slice %arg4[%dma_wait3A_375] : memref<320000xi32, #tpu.memory_space<hbm>> -> memref<80xi32, #tpu.memory_space<hbm>>
    tpu.wait_dma2 semaphore(%dma_wait3A_371 : memref<!tpu.dma_semaphore, #tpu.memory_space<semaphore_mem>>) src(%dma_wait3A_376 : memref<80xi32, #tpu.memory_space<hbm>>) dst(%dma_wait3A_374 : memref<80xi32, #tpu.memory_space<vmem>>)
    %dma_start3A_377 = arith.constant 3 : i32
    %dma_start3A_378 = arith.constant 3 : i32
    %dma_start3A_379 = arith.constant 3 : i32
    %dma_start3A_380 = arith.constant 0 : i32
    %dma_start3A_381 = arith.constant 0 : i32
    %dma_start3A_382 = tpu.memref_slice %arg6[%dma_start3A_378, %dma_start3A_380, %dma_start3A_381] : memref<4x80x128xf32, #tpu.memory_space<vmem>> -> memref<1x80x128xf32, #tpu.memory_space<vmem>>
    %dma_start3A_383 = tpu.memref_squeeze %dma_start3A_382 : memref<1x80x128xf32, #tpu.memory_space<vmem>> -> memref<80x128xf32, #tpu.memory_space<vmem>>
    %dma_start3A_384 = arith.constant 0 : i32
    %dma_start3A_385 = tpu.memref_slice %arg7[%dma_start3A_377, %dma_start3A_384] : memref<4x80xi32, #tpu.memory_space<vmem>> -> memref<1x80xi32, #tpu.memory_space<vmem>>
    %dma_start3A_386 = tpu.memref_squeeze %dma_start3A_385 : memref<1x80xi32, #tpu.memory_space<vmem>> -> memref<80xi32, #tpu.memory_space<vmem>>
    %dma_start3A_387 = arith.constant 0 : i32
    %dma_start3A_388 = arith.constant 0 : i32
    %dma_start3A_389 = tpu.memref_slice %arg2[%dma_start3A_387, %dma_start3A_388] : memref<10000x128xf32, #tpu.memory_space<hbm>> -> memref<10000x128xf32, #tpu.memory_space<hbm>>
    %dma_start3A_390 = tpu.memref_slice %arg12[%dma_start3A_379] : memref<4x!tpu.dma_semaphore, #tpu.memory_space<semaphore_mem>> -> memref<1x!tpu.dma_semaphore, #tpu.memory_space<semaphore_mem>>
    %dma_start3A_391 = tpu.memref_squeeze %dma_start3A_390 : memref<1x!tpu.dma_semaphore, #tpu.memory_space<semaphore_mem>> -> memref<!tpu.dma_semaphore, #tpu.memory_space<semaphore_mem>>
    tpu.enqueue_indirect_dma source(%dma_start3A_389 : memref<10000x128xf32, #tpu.memory_space<hbm>>) target(%dma_start3A_383 : memref<80x128xf32, #tpu.memory_space<vmem>>) offsets(%dma_start3A_386 : memref<80xi32, #tpu.memory_space<vmem>>) semaphore(%dma_start3A_391 : memref<!tpu.dma_semaphore, #tpu.memory_space<semaphore_mem>>)
    %dma_wait3A_392 = arith.constant 1 : i32
    %dma_wait3A_393 = arith.constant 1 : i32
    %dma_wait3A_394 = arith.constant 1 : i32
    %dma_wait3A_395 = arith.constant 0 : i32
    %dma_wait3A_396 = arith.constant 0 : i32
    %dma_wait3A_397 = tpu.memref_slice %arg6[%dma_wait3A_393, %dma_wait3A_395, %dma_wait3A_396] : memref<4x80x128xf32, #tpu.memory_space<vmem>> -> memref<1x80x128xf32, #tpu.memory_space<vmem>>
    %dma_wait3A_398 = tpu.memref_squeeze %dma_wait3A_397 : memref<1x80x128xf32, #tpu.memory_space<vmem>> -> memref<80x128xf32, #tpu.memory_space<vmem>>
    %dma_wait3A_399 = arith.constant 0 : i32
    %dma_wait3A_400 = tpu.memref_slice %arg7[%dma_wait3A_392, %dma_wait3A_399] : memref<4x80xi32, #tpu.memory_space<vmem>> -> memref<1x80xi32, #tpu.memory_space<vmem>>
    %dma_wait3A_401 = tpu.memref_squeeze %dma_wait3A_400 : memref<1x80xi32, #tpu.memory_space<vmem>> -> memref<80xi32, #tpu.memory_space<vmem>>
    %dma_wait3A_402 = arith.constant 0 : i32
    %dma_wait3A_403 = arith.constant 0 : i32
    %dma_wait3A_404 = tpu.memref_slice %arg2[%dma_wait3A_402, %dma_wait3A_403] : memref<10000x128xf32, #tpu.memory_space<hbm>> -> memref<10000x128xf32, #tpu.memory_space<hbm>>
    %dma_wait3A_405 = tpu.memref_slice %arg12[%dma_wait3A_394] : memref<4x!tpu.dma_semaphore, #tpu.memory_space<semaphore_mem>> -> memref<1x!tpu.dma_semaphore, #tpu.memory_space<semaphore_mem>>
    %dma_wait3A_406 = tpu.memref_squeeze %dma_wait3A_405 : memref<1x!tpu.dma_semaphore, #tpu.memory_space<semaphore_mem>> -> memref<!tpu.dma_semaphore, #tpu.memory_space<semaphore_mem>>
    tpu.wait_indirect_dma semaphore(%dma_wait3A_406 : memref<!tpu.dma_semaphore, #tpu.memory_space<semaphore_mem>>) src(%dma_wait3A_404 : memref<10000x128xf32, #tpu.memory_space<hbm>>) dst(%dma_wait3A_398 : memref<80x128xf32, #tpu.memory_space<vmem>>)
    %dma_start3A_407 = arith.constant 1 : i32
    %dma_start3A_408 = arith.constant 1 : i32
    %dma_start3A_409 = arith.constant 1 : i32
    %dma_start3A_410 = arith.constant 0 : i32
    %dma_start3A_411 = arith.constant 0 : i32
    %dma_start3A_412 = tpu.memref_slice %arg6[%dma_start3A_407, %dma_start3A_410, %dma_start3A_411] : memref<4x80x128xf32, #tpu.memory_space<vmem>> -> memref<1x80x128xf32, #tpu.memory_space<vmem>>
    %dma_start3A_413 = tpu.memref_squeeze %dma_start3A_412 : memref<1x80x128xf32, #tpu.memory_space<vmem>> -> memref<80x128xf32, #tpu.memory_space<vmem>>
    %dma_start3A_414 = arith.constant 0 : i32
    %dma_start3A_415 = tpu.memref_slice %arg8[%dma_start3A_408, %dma_start3A_414] : memref<4x80xi32, #tpu.memory_space<vmem>> -> memref<1x80xi32, #tpu.memory_space<vmem>>
    %dma_start3A_416 = tpu.memref_squeeze %dma_start3A_415 : memref<1x80xi32, #tpu.memory_space<vmem>> -> memref<80xi32, #tpu.memory_space<vmem>>
    %dma_start3A_417 = arith.constant 0 : i32
    %dma_start3A_418 = arith.constant 0 : i32
    %dma_start3A_419 = tpu.memref_slice %arg9[%dma_start3A_417, %dma_start3A_418] : memref<10112x128xf32, #tpu.memory_space<vmem_shared>> -> memref<10112x128xf32, #tpu.memory_space<vmem_shared>>
    %dma_start3A_420 = tpu.memref_slice %arg13[%dma_start3A_409] : memref<4x!tpu.dma_semaphore, #tpu.memory_space<semaphore_mem>> -> memref<1x!tpu.dma_semaphore, #tpu.memory_space<semaphore_mem>>
    %dma_start3A_421 = tpu.memref_squeeze %dma_start3A_420 : memref<1x!tpu.dma_semaphore, #tpu.memory_space<semaphore_mem>> -> memref<!tpu.dma_semaphore, #tpu.memory_space<semaphore_mem>>
    tpu.enqueue_indirect_dma source(%dma_start3A_413 : memref<80x128xf32, #tpu.memory_space<vmem>>) target(%dma_start3A_419 : memref<10112x128xf32, #tpu.memory_space<vmem_shared>>) offsets(%dma_start3A_416 : memref<80xi32, #tpu.memory_space<vmem>>) semaphore(%dma_start3A_421 : memref<!tpu.dma_semaphore, #tpu.memory_space<semaphore_mem>>) {add = true}
    %dma_wait3A_422 = arith.constant 1 : i32
    %dma_wait3A_423 = arith.constant 1 : i32
    %dma_wait3A_424 = arith.constant 1 : i32
    %dma_wait3A_425 = arith.constant 0 : i32
    %dma_wait3A_426 = arith.constant 0 : i32
    %dma_wait3A_427 = tpu.memref_slice %arg6[%dma_wait3A_422, %dma_wait3A_425, %dma_wait3A_426] : memref<4x80x128xf32, #tpu.memory_space<vmem>> -> memref<1x80x128xf32, #tpu.memory_space<vmem>>
    %dma_wait3A_428 = tpu.memref_squeeze %dma_wait3A_427 : memref<1x80x128xf32, #tpu.memory_space<vmem>> -> memref<80x128xf32, #tpu.memory_space<vmem>>
    %dma_wait3A_429 = arith.constant 0 : i32
    %dma_wait3A_430 = tpu.memref_slice %arg8[%dma_wait3A_423, %dma_wait3A_429] : memref<4x80xi32, #tpu.memory_space<vmem>> -> memref<1x80xi32, #tpu.memory_space<vmem>>
    %dma_wait3A_431 = tpu.memref_squeeze %dma_wait3A_430 : memref<1x80xi32, #tpu.memory_space<vmem>> -> memref<80xi32, #tpu.memory_space<vmem>>
    %dma_wait3A_432 = arith.constant 0 : i32
    %dma_wait3A_433 = arith.constant 0 : i32
    %dma_wait3A_434 = tpu.memref_slice %arg9[%dma_wait3A_432, %dma_wait3A_433] : memref<10112x128xf32, #tpu.memory_space<vmem_shared>> -> memref<10112x128xf32, #tpu.memory_space<vmem_shared>>
    %dma_wait3A_435 = tpu.memref_slice %arg13[%dma_wait3A_424] : memref<4x!tpu.dma_semaphore, #tpu.memory_space<semaphore_mem>> -> memref<1x!tpu.dma_semaphore, #tpu.memory_space<semaphore_mem>>
    %dma_wait3A_436 = tpu.memref_squeeze %dma_wait3A_435 : memref<1x!tpu.dma_semaphore, #tpu.memory_space<semaphore_mem>> -> memref<!tpu.dma_semaphore, #tpu.memory_space<semaphore_mem>>
    tpu.wait_indirect_dma semaphore(%dma_wait3A_436 : memref<!tpu.dma_semaphore, #tpu.memory_space<semaphore_mem>>) src(%dma_wait3A_428 : memref<80x128xf32, #tpu.memory_space<vmem>>) dst(%dma_wait3A_434 : memref<10112x128xf32, #tpu.memory_space<vmem_shared>>)
    %mul3A_437 = arith.constant 10000 : i32
    %mul3A_438 = arith.muli %add3A, %mul3A_437 : i32
    %multiple_of3A_439 = tpu.assume_multiple %mul3A_438, 8 : i32
    %add3A_440 = arith.constant 400 : i32
    %add3A_441 = arith.addi %multiple_of3A_439, %add3A_440 : i32
    %dma_start3A_442 = arith.constant 1 : i32
    %dma_start3A_443 = arith.constant 1 : i32
    %dma_start3A_444 = arith.constant 0 : i32
    %dma_start3A_445 = tpu.memref_slice %arg7[%dma_start3A_442, %dma_start3A_444] : memref<4x80xi32, #tpu.memory_space<vmem>> -> memref<1x80xi32, #tpu.memory_space<vmem>>
    %dma_start3A_446 = tpu.memref_squeeze %dma_start3A_445 : memref<1x80xi32, #tpu.memory_space<vmem>> -> memref<80xi32, #tpu.memory_space<vmem>>
    %dma_start3A_447 = tpu.memref_slice %arg3[%add3A_441] : memref<320000xi32, #tpu.memory_space<hbm>> -> memref<80xi32, #tpu.memory_space<hbm>>
    %dma_start3A_448 = tpu.memref_slice %arg10[%dma_start3A_443] : memref<4x!tpu.dma_semaphore, #tpu.memory_space<semaphore_mem>> -> memref<1x!tpu.dma_semaphore, #tpu.memory_space<semaphore_mem>>
    %dma_start3A_449 = tpu.memref_squeeze %dma_start3A_448 : memref<1x!tpu.dma_semaphore, #tpu.memory_space<semaphore_mem>> -> memref<!tpu.dma_semaphore, #tpu.memory_space<semaphore_mem>>
    %dma_start3A_450 = arith.constant 0 : i32
    %dma_start3A_451 = tpu.memref_slice %arg7[%dma_start3A_442, %dma_start3A_450] : memref<4x80xi32, #tpu.memory_space<vmem>> -> memref<1x80xi32, #tpu.memory_space<vmem>>
    %dma_start3A_452 = tpu.memref_squeeze %dma_start3A_451 : memref<1x80xi32, #tpu.memory_space<vmem>> -> memref<80xi32, #tpu.memory_space<vmem>>
    %dma_start3A_453 = tpu.memref_slice %arg3[%add3A_441] : memref<320000xi32, #tpu.memory_space<hbm>> -> memref<80xi32, #tpu.memory_space<hbm>>
    tpu.enqueue_dma source(%dma_start3A_453 : memref<80xi32, #tpu.memory_space<hbm>>) target(%dma_start3A_452 : memref<80xi32, #tpu.memory_space<vmem>>) target_semaphore(%dma_start3A_449 : memref<!tpu.dma_semaphore, #tpu.memory_space<semaphore_mem>>)
    %dma_start3A_454 = arith.constant 1 : i32
    %dma_start3A_455 = arith.constant 1 : i32
    %dma_start3A_456 = arith.constant 0 : i32
    %dma_start3A_457 = tpu.memref_slice %arg8[%dma_start3A_454, %dma_start3A_456] : memref<4x80xi32, #tpu.memory_space<vmem>> -> memref<1x80xi32, #tpu.memory_space<vmem>>
    %dma_start3A_458 = tpu.memref_squeeze %dma_start3A_457 : memref<1x80xi32, #tpu.memory_space<vmem>> -> memref<80xi32, #tpu.memory_space<vmem>>
    %dma_start3A_459 = tpu.memref_slice %arg4[%add3A_441] : memref<320000xi32, #tpu.memory_space<hbm>> -> memref<80xi32, #tpu.memory_space<hbm>>
    %dma_start3A_460 = tpu.memref_slice %arg11[%dma_start3A_455] : memref<4x!tpu.dma_semaphore, #tpu.memory_space<semaphore_mem>> -> memref<1x!tpu.dma_semaphore, #tpu.memory_space<semaphore_mem>>
    %dma_start3A_461 = tpu.memref_squeeze %dma_start3A_460 : memref<1x!tpu.dma_semaphore, #tpu.memory_space<semaphore_mem>> -> memref<!tpu.dma_semaphore, #tpu.memory_space<semaphore_mem>>
    %dma_start3A_462 = arith.constant 0 : i32
    %dma_start3A_463 = tpu.memref_slice %arg8[%dma_start3A_454, %dma_start3A_462] : memref<4x80xi32, #tpu.memory_space<vmem>> -> memref<1x80xi32, #tpu.memory_space<vmem>>
    %dma_start3A_464 = tpu.memref_squeeze %dma_start3A_463 : memref<1x80xi32, #tpu.memory_space<vmem>> -> memref<80xi32, #tpu.memory_space<vmem>>
    %dma_start3A_465 = tpu.memref_slice %arg4[%add3A_441] : memref<320000xi32, #tpu.memory_space<hbm>> -> memref<80xi32, #tpu.memory_space<hbm>>
    tpu.enqueue_dma source(%dma_start3A_465 : memref<80xi32, #tpu.memory_space<hbm>>) target(%dma_start3A_464 : memref<80xi32, #tpu.memory_space<vmem>>) target_semaphore(%dma_start3A_461 : memref<!tpu.dma_semaphore, #tpu.memory_space<semaphore_mem>>)
    %dma_wait3A_466 = arith.constant 0 : i32
    %dma_wait3A_467 = arith.constant 0 : i32
    %dma_wait3A_468 = arith.constant 0 : i32
    %dma_wait3A_469 = tpu.memref_slice %arg7[%dma_wait3A_466, %dma_wait3A_468] : memref<4x80xi32, #tpu.memory_space<vmem>> -> memref<1x80xi32, #tpu.memory_space<vmem>>
    %dma_wait3A_470 = tpu.memref_squeeze %dma_wait3A_469 : memref<1x80xi32, #tpu.memory_space<vmem>> -> memref<80xi32, #tpu.memory_space<vmem>>
    %dma_wait3A_471 = arith.constant 0 : i32
    %dma_wait3A_472 = tpu.memref_slice %arg3[%dma_wait3A_471] : memref<320000xi32, #tpu.memory_space<hbm>> -> memref<80xi32, #tpu.memory_space<hbm>>
    %dma_wait3A_473 = tpu.memref_slice %arg10[%dma_wait3A_467] : memref<4x!tpu.dma_semaphore, #tpu.memory_space<semaphore_mem>> -> memref<1x!tpu.dma_semaphore, #tpu.memory_space<semaphore_mem>>
    %dma_wait3A_474 = tpu.memref_squeeze %dma_wait3A_473 : memref<1x!tpu.dma_semaphore, #tpu.memory_space<semaphore_mem>> -> memref<!tpu.dma_semaphore, #tpu.memory_space<semaphore_mem>>
    %dma_wait3A_475 = arith.constant 0 : i32
    %dma_wait3A_476 = tpu.memref_slice %arg7[%dma_wait3A_466, %dma_wait3A_475] : memref<4x80xi32, #tpu.memory_space<vmem>> -> memref<1x80xi32, #tpu.memory_space<vmem>>
    %dma_wait3A_477 = tpu.memref_squeeze %dma_wait3A_476 : memref<1x80xi32, #tpu.memory_space<vmem>> -> memref<80xi32, #tpu.memory_space<vmem>>
    %dma_wait3A_478 = arith.constant 0 : i32
    %dma_wait3A_479 = tpu.memref_slice %arg3[%dma_wait3A_478] : memref<320000xi32, #tpu.memory_space<hbm>> -> memref<80xi32, #tpu.memory_space<hbm>>
    tpu.wait_dma2 semaphore(%dma_wait3A_474 : memref<!tpu.dma_semaphore, #tpu.memory_space<semaphore_mem>>) src(%dma_wait3A_479 : memref<80xi32, #tpu.memory_space<hbm>>) dst(%dma_wait3A_477 : memref<80xi32, #tpu.memory_space<vmem>>)
    %dma_wait3A_480 = arith.constant 0 : i32
    %dma_wait3A_481 = arith.constant 0 : i32
    %dma_wait3A_482 = arith.constant 0 : i32
    %dma_wait3A_483 = tpu.memref_slice %arg8[%dma_wait3A_480, %dma_wait3A_482] : memref<4x80xi32, #tpu.memory_space<vmem>> -> memref<1x80xi32, #tpu.memory_space<vmem>>
    %dma_wait3A_484 = tpu.memref_squeeze %dma_wait3A_483 : memref<1x80xi32, #tpu.memory_space<vmem>> -> memref<80xi32, #tpu.memory_space<vmem>>
    %dma_wait3A_485 = arith.constant 0 : i32
    %dma_wait3A_486 = tpu.memref_slice %arg4[%dma_wait3A_485] : memref<320000xi32, #tpu.memory_space<hbm>> -> memref<80xi32, #tpu.memory_space<hbm>>
    %dma_wait3A_487 = tpu.memref_slice %arg11[%dma_wait3A_481] : memref<4x!tpu.dma_semaphore, #tpu.memory_space<semaphore_mem>> -> memref<1x!tpu.dma_semaphore, #tpu.memory_space<semaphore_mem>>
    %dma_wait3A_488 = tpu.memref_squeeze %dma_wait3A_487 : memref<1x!tpu.dma_semaphore, #tpu.memory_space<semaphore_mem>> -> memref<!tpu.dma_semaphore, #tpu.memory_space<semaphore_mem>>
    %dma_wait3A_489 = arith.constant 0 : i32
    %dma_wait3A_490 = tpu.memref_slice %arg8[%dma_wait3A_480, %dma_wait3A_489] : memref<4x80xi32, #tpu.memory_space<vmem>> -> memref<1x80xi32, #tpu.memory_space<vmem>>
    %dma_wait3A_491 = tpu.memref_squeeze %dma_wait3A_490 : memref<1x80xi32, #tpu.memory_space<vmem>> -> memref<80xi32, #tpu.memory_space<vmem>>
    %dma_wait3A_492 = arith.constant 0 : i32
    %dma_wait3A_493 = tpu.memref_slice %arg4[%dma_wait3A_492] : memref<320000xi32, #tpu.memory_space<hbm>> -> memref<80xi32, #tpu.memory_space<hbm>>
    tpu.wait_dma2 semaphore(%dma_wait3A_488 : memref<!tpu.dma_semaphore, #tpu.memory_space<semaphore_mem>>) src(%dma_wait3A_493 : memref<80xi32, #tpu.memory_space<hbm>>) dst(%dma_wait3A_491 : memref<80xi32, #tpu.memory_space<vmem>>)
    %dma_start3A_494 = arith.constant 0 : i32
    %dma_start3A_495 = arith.constant 0 : i32
    %dma_start3A_496 = arith.constant 0 : i32
    %dma_start3A_497 = arith.constant 0 : i32
    %dma_start3A_498 = arith.constant 0 : i32
    %dma_start3A_499 = tpu.memref_slice %arg6[%dma_start3A_495, %dma_start3A_497, %dma_start3A_498] : memref<4x80x128xf32, #tpu.memory_space<vmem>> -> memref<1x80x128xf32, #tpu.memory_space<vmem>>
    %dma_start3A_500 = tpu.memref_squeeze %dma_start3A_499 : memref<1x80x128xf32, #tpu.memory_space<vmem>> -> memref<80x128xf32, #tpu.memory_space<vmem>>
    %dma_start3A_501 = arith.constant 0 : i32
    %dma_start3A_502 = tpu.memref_slice %arg7[%dma_start3A_494, %dma_start3A_501] : memref<4x80xi32, #tpu.memory_space<vmem>> -> memref<1x80xi32, #tpu.memory_space<vmem>>
    %dma_start3A_503 = tpu.memref_squeeze %dma_start3A_502 : memref<1x80xi32, #tpu.memory_space<vmem>> -> memref<80xi32, #tpu.memory_space<vmem>>
    %dma_start3A_504 = arith.constant 0 : i32
    %dma_start3A_505 = arith.constant 0 : i32
    %dma_start3A_506 = tpu.memref_slice %arg2[%dma_start3A_504, %dma_start3A_505] : memref<10000x128xf32, #tpu.memory_space<hbm>> -> memref<10000x128xf32, #tpu.memory_space<hbm>>
    %dma_start3A_507 = tpu.memref_slice %arg12[%dma_start3A_496] : memref<4x!tpu.dma_semaphore, #tpu.memory_space<semaphore_mem>> -> memref<1x!tpu.dma_semaphore, #tpu.memory_space<semaphore_mem>>
    %dma_start3A_508 = tpu.memref_squeeze %dma_start3A_507 : memref<1x!tpu.dma_semaphore, #tpu.memory_space<semaphore_mem>> -> memref<!tpu.dma_semaphore, #tpu.memory_space<semaphore_mem>>
    tpu.enqueue_indirect_dma source(%dma_start3A_506 : memref<10000x128xf32, #tpu.memory_space<hbm>>) target(%dma_start3A_500 : memref<80x128xf32, #tpu.memory_space<vmem>>) offsets(%dma_start3A_503 : memref<80xi32, #tpu.memory_space<vmem>>) semaphore(%dma_start3A_508 : memref<!tpu.dma_semaphore, #tpu.memory_space<semaphore_mem>>)
    %dma_wait3A_509 = arith.constant 2 : i32
    %dma_wait3A_510 = arith.constant 2 : i32
    %dma_wait3A_511 = arith.constant 2 : i32
    %dma_wait3A_512 = arith.constant 0 : i32
    %dma_wait3A_513 = arith.constant 0 : i32
    %dma_wait3A_514 = tpu.memref_slice %arg6[%dma_wait3A_510, %dma_wait3A_512, %dma_wait3A_513] : memref<4x80x128xf32, #tpu.memory_space<vmem>> -> memref<1x80x128xf32, #tpu.memory_space<vmem>>
    %dma_wait3A_515 = tpu.memref_squeeze %dma_wait3A_514 : memref<1x80x128xf32, #tpu.memory_space<vmem>> -> memref<80x128xf32, #tpu.memory_space<vmem>>
    %dma_wait3A_516 = arith.constant 0 : i32
    %dma_wait3A_517 = tpu.memref_slice %arg7[%dma_wait3A_509, %dma_wait3A_516] : memref<4x80xi32, #tpu.memory_space<vmem>> -> memref<1x80xi32, #tpu.memory_space<vmem>>
    %dma_wait3A_518 = tpu.memref_squeeze %dma_wait3A_517 : memref<1x80xi32, #tpu.memory_space<vmem>> -> memref<80xi32, #tpu.memory_space<vmem>>
    %dma_wait3A_519 = arith.constant 0 : i32
    %dma_wait3A_520 = arith.constant 0 : i32
    %dma_wait3A_521 = tpu.memref_slice %arg2[%dma_wait3A_519, %dma_wait3A_520] : memref<10000x128xf32, #tpu.memory_space<hbm>> -> memref<10000x128xf32, #tpu.memory_space<hbm>>
    %dma_wait3A_522 = tpu.memref_slice %arg12[%dma_wait3A_511] : memref<4x!tpu.dma_semaphore, #tpu.memory_space<semaphore_mem>> -> memref<1x!tpu.dma_semaphore, #tpu.memory_space<semaphore_mem>>
    %dma_wait3A_523 = tpu.memref_squeeze %dma_wait3A_522 : memref<1x!tpu.dma_semaphore, #tpu.memory_space<semaphore_mem>> -> memref<!tpu.dma_semaphore, #tpu.memory_space<semaphore_mem>>
    tpu.wait_indirect_dma semaphore(%dma_wait3A_523 : memref<!tpu.dma_semaphore, #tpu.memory_space<semaphore_mem>>) src(%dma_wait3A_521 : memref<10000x128xf32, #tpu.memory_space<hbm>>) dst(%dma_wait3A_515 : memref<80x128xf32, #tpu.memory_space<vmem>>)
    %dma_start3A_524 = arith.constant 2 : i32
    %dma_start3A_525 = arith.constant 2 : i32
    %dma_start3A_526 = arith.constant 2 : i32
    %dma_start3A_527 = arith.constant 0 : i32
    %dma_start3A_528 = arith.constant 0 : i32
    %dma_start3A_529 = tpu.memref_slice %arg6[%dma_start3A_524, %dma_start3A_527, %dma_start3A_528] : memref<4x80x128xf32, #tpu.memory_space<vmem>> -> memref<1x80x128xf32, #tpu.memory_space<vmem>>
    %dma_start3A_530 = tpu.memref_squeeze %dma_start3A_529 : memref<1x80x128xf32, #tpu.memory_space<vmem>> -> memref<80x128xf32, #tpu.memory_space<vmem>>
    %dma_start3A_531 = arith.constant 0 : i32
    %dma_start3A_532 = tpu.memref_slice %arg8[%dma_start3A_525, %dma_start3A_531] : memref<4x80xi32, #tpu.memory_space<vmem>> -> memref<1x80xi32, #tpu.memory_space<vmem>>
    %dma_start3A_533 = tpu.memref_squeeze %dma_start3A_532 : memref<1x80xi32, #tpu.memory_space<vmem>> -> memref<80xi32, #tpu.memory_space<vmem>>
    %dma_start3A_534 = arith.constant 0 : i32
    %dma_start3A_535 = arith.constant 0 : i32
    %dma_start3A_536 = tpu.memref_slice %arg9[%dma_start3A_534, %dma_start3A_535] : memref<10112x128xf32, #tpu.memory_space<vmem_shared>> -> memref<10112x128xf32, #tpu.memory_space<vmem_shared>>
    %dma_start3A_537 = tpu.memref_slice %arg13[%dma_start3A_526] : memref<4x!tpu.dma_semaphore, #tpu.memory_space<semaphore_mem>> -> memref<1x!tpu.dma_semaphore, #tpu.memory_space<semaphore_mem>>
    %dma_start3A_538 = tpu.memref_squeeze %dma_start3A_537 : memref<1x!tpu.dma_semaphore, #tpu.memory_space<semaphore_mem>> -> memref<!tpu.dma_semaphore, #tpu.memory_space<semaphore_mem>>
    tpu.enqueue_indirect_dma source(%dma_start3A_530 : memref<80x128xf32, #tpu.memory_space<vmem>>) target(%dma_start3A_536 : memref<10112x128xf32, #tpu.memory_space<vmem_shared>>) offsets(%dma_start3A_533 : memref<80xi32, #tpu.memory_space<vmem>>) semaphore(%dma_start3A_538 : memref<!tpu.dma_semaphore, #tpu.memory_space<semaphore_mem>>) {add = true}
    %dma_wait3A_539 = arith.constant 2 : i32
    %dma_wait3A_540 = arith.constant 2 : i32
    %dma_wait3A_541 = arith.constant 2 : i32
    %dma_wait3A_542 = arith.constant 0 : i32
    %dma_wait3A_543 = arith.constant 0 : i32
    %dma_wait3A_544 = tpu.memref_slice %arg6[%dma_wait3A_539, %dma_wait3A_542, %dma_wait3A_543] : memref<4x80x128xf32, #tpu.memory_space<vmem>> -> memref<1x80x128xf32, #tpu.memory_space<vmem>>
    %dma_wait3A_545 = tpu.memref_squeeze %dma_wait3A_544 : memref<1x80x128xf32, #tpu.memory_space<vmem>> -> memref<80x128xf32, #tpu.memory_space<vmem>>
    %dma_wait3A_546 = arith.constant 0 : i32
    %dma_wait3A_547 = tpu.memref_slice %arg8[%dma_wait3A_540, %dma_wait3A_546] : memref<4x80xi32, #tpu.memory_space<vmem>> -> memref<1x80xi32, #tpu.memory_space<vmem>>
    %dma_wait3A_548 = tpu.memref_squeeze %dma_wait3A_547 : memref<1x80xi32, #tpu.memory_space<vmem>> -> memref<80xi32, #tpu.memory_space<vmem>>
    %dma_wait3A_549 = arith.constant 0 : i32
    %dma_wait3A_550 = arith.constant 0 : i32
    %dma_wait3A_551 = tpu.memref_slice %arg9[%dma_wait3A_549, %dma_wait3A_550] : memref<10112x128xf32, #tpu.memory_space<vmem_shared>> -> memref<10112x128xf32, #tpu.memory_space<vmem_shared>>
    %dma_wait3A_552 = tpu.memref_slice %arg13[%dma_wait3A_541] : memref<4x!tpu.dma_semaphore, #tpu.memory_space<semaphore_mem>> -> memref<1x!tpu.dma_semaphore, #tpu.memory_space<semaphore_mem>>
    %dma_wait3A_553 = tpu.memref_squeeze %dma_wait3A_552 : memref<1x!tpu.dma_semaphore, #tpu.memory_space<semaphore_mem>> -> memref<!tpu.dma_semaphore, #tpu.memory_space<semaphore_mem>>
    tpu.wait_indirect_dma semaphore(%dma_wait3A_553 : memref<!tpu.dma_semaphore, #tpu.memory_space<semaphore_mem>>) src(%dma_wait3A_545 : memref<80x128xf32, #tpu.memory_space<vmem>>) dst(%dma_wait3A_551 : memref<10112x128xf32, #tpu.memory_space<vmem_shared>>)
    %mul3A_554 = arith.constant 10000 : i32
    %mul3A_555 = arith.muli %add3A, %mul3A_554 : i32
    %multiple_of3A_556 = tpu.assume_multiple %mul3A_555, 8 : i32
    %add3A_557 = arith.constant 480 : i32
    %add3A_558 = arith.addi %multiple_of3A_556, %add3A_557 : i32
    %dma_start3A_559 = arith.constant 2 : i32
    %dma_start3A_560 = arith.constant 2 : i32
    %dma_start3A_561 = arith.constant 0 : i32
    %dma_start3A_562 = tpu.memref_slice %arg7[%dma_start3A_559, %dma_start3A_561] : memref<4x80xi32, #tpu.memory_space<vmem>> -> memref<1x80xi32, #tpu.memory_space<vmem>>
    %dma_start3A_563 = tpu.memref_squeeze %dma_start3A_562 : memref<1x80xi32, #tpu.memory_space<vmem>> -> memref<80xi32, #tpu.memory_space<vmem>>
    %dma_start3A_564 = tpu.memref_slice %arg3[%add3A_558] : memref<320000xi32, #tpu.memory_space<hbm>> -> memref<80xi32, #tpu.memory_space<hbm>>
    %dma_start3A_565 = tpu.memref_slice %arg10[%dma_start3A_560] : memref<4x!tpu.dma_semaphore, #tpu.memory_space<semaphore_mem>> -> memref<1x!tpu.dma_semaphore, #tpu.memory_space<semaphore_mem>>
    %dma_start3A_566 = tpu.memref_squeeze %dma_start3A_565 : memref<1x!tpu.dma_semaphore, #tpu.memory_space<semaphore_mem>> -> memref<!tpu.dma_semaphore, #tpu.memory_space<semaphore_mem>>
    %dma_start3A_567 = arith.constant 0 : i32
    %dma_start3A_568 = tpu.memref_slice %arg7[%dma_start3A_559, %dma_start3A_567] : memref<4x80xi32, #tpu.memory_space<vmem>> -> memref<1x80xi32, #tpu.memory_space<vmem>>
    %dma_start3A_569 = tpu.memref_squeeze %dma_start3A_568 : memref<1x80xi32, #tpu.memory_space<vmem>> -> memref<80xi32, #tpu.memory_space<vmem>>
    %dma_start3A_570 = tpu.memref_slice %arg3[%add3A_558] : memref<320000xi32, #tpu.memory_space<hbm>> -> memref<80xi32, #tpu.memory_space<hbm>>
    tpu.enqueue_dma source(%dma_start3A_570 : memref<80xi32, #tpu.memory_space<hbm>>) target(%dma_start3A_569 : memref<80xi32, #tpu.memory_space<vmem>>) target_semaphore(%dma_start3A_566 : memref<!tpu.dma_semaphore, #tpu.memory_space<semaphore_mem>>)
    %dma_start3A_571 = arith.constant 2 : i32
    %dma_start3A_572 = arith.constant 2 : i32
    %dma_start3A_573 = arith.constant 0 : i32
    %dma_start3A_574 = tpu.memref_slice %arg8[%dma_start3A_571, %dma_start3A_573] : memref<4x80xi32, #tpu.memory_space<vmem>> -> memref<1x80xi32, #tpu.memory_space<vmem>>
    %dma_start3A_575 = tpu.memref_squeeze %dma_start3A_574 : memref<1x80xi32, #tpu.memory_space<vmem>> -> memref<80xi32, #tpu.memory_space<vmem>>
    %dma_start3A_576 = tpu.memref_slice %arg4[%add3A_558] : memref<320000xi32, #tpu.memory_space<hbm>> -> memref<80xi32, #tpu.memory_space<hbm>>
    %dma_start3A_577 = tpu.memref_slice %arg11[%dma_start3A_572] : memref<4x!tpu.dma_semaphore, #tpu.memory_space<semaphore_mem>> -> memref<1x!tpu.dma_semaphore, #tpu.memory_space<semaphore_mem>>
    %dma_start3A_578 = tpu.memref_squeeze %dma_start3A_577 : memref<1x!tpu.dma_semaphore, #tpu.memory_space<semaphore_mem>> -> memref<!tpu.dma_semaphore, #tpu.memory_space<semaphore_mem>>
    %dma_start3A_579 = arith.constant 0 : i32
    %dma_start3A_580 = tpu.memref_slice %arg8[%dma_start3A_571, %dma_start3A_579] : memref<4x80xi32, #tpu.memory_space<vmem>> -> memref<1x80xi32, #tpu.memory_space<vmem>>
    %dma_start3A_581 = tpu.memref_squeeze %dma_start3A_580 : memref<1x80xi32, #tpu.memory_space<vmem>> -> memref<80xi32, #tpu.memory_space<vmem>>
    %dma_start3A_582 = tpu.memref_slice %arg4[%add3A_558] : memref<320000xi32, #tpu.memory_space<hbm>> -> memref<80xi32, #tpu.memory_space<hbm>>
    tpu.enqueue_dma source(%dma_start3A_582 : memref<80xi32, #tpu.memory_space<hbm>>) target(%dma_start3A_581 : memref<80xi32, #tpu.memory_space<vmem>>) target_semaphore(%dma_start3A_578 : memref<!tpu.dma_semaphore, #tpu.memory_space<semaphore_mem>>)
    %dma_wait3A_583 = arith.constant 1 : i32
    %dma_wait3A_584 = arith.constant 1 : i32
    %dma_wait3A_585 = arith.constant 0 : i32
    %dma_wait3A_586 = tpu.memref_slice %arg7[%dma_wait3A_583, %dma_wait3A_585] : memref<4x80xi32, #tpu.memory_space<vmem>> -> memref<1x80xi32, #tpu.memory_space<vmem>>
    %dma_wait3A_587 = tpu.memref_squeeze %dma_wait3A_586 : memref<1x80xi32, #tpu.memory_space<vmem>> -> memref<80xi32, #tpu.memory_space<vmem>>
    %dma_wait3A_588 = arith.constant 0 : i32
    %dma_wait3A_589 = tpu.memref_slice %arg3[%dma_wait3A_588] : memref<320000xi32, #tpu.memory_space<hbm>> -> memref<80xi32, #tpu.memory_space<hbm>>
    %dma_wait3A_590 = tpu.memref_slice %arg10[%dma_wait3A_584] : memref<4x!tpu.dma_semaphore, #tpu.memory_space<semaphore_mem>> -> memref<1x!tpu.dma_semaphore, #tpu.memory_space<semaphore_mem>>
    %dma_wait3A_591 = tpu.memref_squeeze %dma_wait3A_590 : memref<1x!tpu.dma_semaphore, #tpu.memory_space<semaphore_mem>> -> memref<!tpu.dma_semaphore, #tpu.memory_space<semaphore_mem>>
    %dma_wait3A_592 = arith.constant 0 : i32
    %dma_wait3A_593 = tpu.memref_slice %arg7[%dma_wait3A_583, %dma_wait3A_592] : memref<4x80xi32, #tpu.memory_space<vmem>> -> memref<1x80xi32, #tpu.memory_space<vmem>>
    %dma_wait3A_594 = tpu.memref_squeeze %dma_wait3A_593 : memref<1x80xi32, #tpu.memory_space<vmem>> -> memref<80xi32, #tpu.memory_space<vmem>>
    %dma_wait3A_595 = arith.constant 0 : i32
    %dma_wait3A_596 = tpu.memref_slice %arg3[%dma_wait3A_595] : memref<320000xi32, #tpu.memory_space<hbm>> -> memref<80xi32, #tpu.memory_space<hbm>>
    tpu.wait_dma2 semaphore(%dma_wait3A_591 : memref<!tpu.dma_semaphore, #tpu.memory_space<semaphore_mem>>) src(%dma_wait3A_596 : memref<80xi32, #tpu.memory_space<hbm>>) dst(%dma_wait3A_594 : memref<80xi32, #tpu.memory_space<vmem>>)
    %dma_wait3A_597 = arith.constant 1 : i32
    %dma_wait3A_598 = arith.constant 1 : i32
    %dma_wait3A_599 = arith.constant 0 : i32
    %dma_wait3A_600 = tpu.memref_slice %arg8[%dma_wait3A_597, %dma_wait3A_599] : memref<4x80xi32, #tpu.memory_space<vmem>> -> memref<1x80xi32, #tpu.memory_space<vmem>>
    %dma_wait3A_601 = tpu.memref_squeeze %dma_wait3A_600 : memref<1x80xi32, #tpu.memory_space<vmem>> -> memref<80xi32, #tpu.memory_space<vmem>>
    %dma_wait3A_602 = arith.constant 0 : i32
    %dma_wait3A_603 = tpu.memref_slice %arg4[%dma_wait3A_602] : memref<320000xi32, #tpu.memory_space<hbm>> -> memref<80xi32, #tpu.memory_space<hbm>>
    %dma_wait3A_604 = tpu.memref_slice %arg11[%dma_wait3A_598] : memref<4x!tpu.dma_semaphore, #tpu.memory_space<semaphore_mem>> -> memref<1x!tpu.dma_semaphore, #tpu.memory_space<semaphore_mem>>
    %dma_wait3A_605 = tpu.memref_squeeze %dma_wait3A_604 : memref<1x!tpu.dma_semaphore, #tpu.memory_space<semaphore_mem>> -> memref<!tpu.dma_semaphore, #tpu.memory_space<semaphore_mem>>
    %dma_wait3A_606 = arith.constant 0 : i32
    %dma_wait3A_607 = tpu.memref_slice %arg8[%dma_wait3A_597, %dma_wait3A_606] : memref<4x80xi32, #tpu.memory_space<vmem>> -> memref<1x80xi32, #tpu.memory_space<vmem>>
    %dma_wait3A_608 = tpu.memref_squeeze %dma_wait3A_607 : memref<1x80xi32, #tpu.memory_space<vmem>> -> memref<80xi32, #tpu.memory_space<vmem>>
    %dma_wait3A_609 = arith.constant 0 : i32
    %dma_wait3A_610 = tpu.memref_slice %arg4[%dma_wait3A_609] : memref<320000xi32, #tpu.memory_space<hbm>> -> memref<80xi32, #tpu.memory_space<hbm>>
    tpu.wait_dma2 semaphore(%dma_wait3A_605 : memref<!tpu.dma_semaphore, #tpu.memory_space<semaphore_mem>>) src(%dma_wait3A_610 : memref<80xi32, #tpu.memory_space<hbm>>) dst(%dma_wait3A_608 : memref<80xi32, #tpu.memory_space<vmem>>)
    %dma_start3A_611 = arith.constant 1 : i32
    %dma_start3A_612 = arith.constant 1 : i32
    %dma_start3A_613 = arith.constant 1 : i32
    %dma_start3A_614 = arith.constant 0 : i32
    %dma_start3A_615 = arith.constant 0 : i32
    %dma_start3A_616 = tpu.memref_slice %arg6[%dma_start3A_612, %dma_start3A_614, %dma_start3A_615] : memref<4x80x128xf32, #tpu.memory_space<vmem>> -> memref<1x80x128xf32, #tpu.memory_space<vmem>>
    %dma_start3A_617 = tpu.memref_squeeze %dma_start3A_616 : memref<1x80x128xf32, #tpu.memory_space<vmem>> -> memref<80x128xf32, #tpu.memory_space<vmem>>
    %dma_start3A_618 = arith.constant 0 : i32
    %dma_start3A_619 = tpu.memref_slice %arg7[%dma_start3A_611, %dma_start3A_618] : memref<4x80xi32, #tpu.memory_space<vmem>> -> memref<1x80xi32, #tpu.memory_space<vmem>>
    %dma_start3A_620 = tpu.memref_squeeze %dma_start3A_619 : memref<1x80xi32, #tpu.memory_space<vmem>> -> memref<80xi32, #tpu.memory_space<vmem>>
    %dma_start3A_621 = arith.constant 0 : i32
    %dma_start3A_622 = arith.constant 0 : i32
    %dma_start3A_623 = tpu.memref_slice %arg2[%dma_start3A_621, %dma_start3A_622] : memref<10000x128xf32, #tpu.memory_space<hbm>> -> memref<10000x128xf32, #tpu.memory_space<hbm>>
    %dma_start3A_624 = tpu.memref_slice %arg12[%dma_start3A_613] : memref<4x!tpu.dma_semaphore, #tpu.memory_space<semaphore_mem>> -> memref<1x!tpu.dma_semaphore, #tpu.memory_space<semaphore_mem>>
    %dma_start3A_625 = tpu.memref_squeeze %dma_start3A_624 : memref<1x!tpu.dma_semaphore, #tpu.memory_space<semaphore_mem>> -> memref<!tpu.dma_semaphore, #tpu.memory_space<semaphore_mem>>
    tpu.enqueue_indirect_dma source(%dma_start3A_623 : memref<10000x128xf32, #tpu.memory_space<hbm>>) target(%dma_start3A_617 : memref<80x128xf32, #tpu.memory_space<vmem>>) offsets(%dma_start3A_620 : memref<80xi32, #tpu.memory_space<vmem>>) semaphore(%dma_start3A_625 : memref<!tpu.dma_semaphore, #tpu.memory_space<semaphore_mem>>)
    %dma_wait3A_626 = arith.constant 3 : i32
    %dma_wait3A_627 = arith.constant 3 : i32
    %dma_wait3A_628 = arith.constant 3 : i32
    %dma_wait3A_629 = arith.constant 0 : i32
    %dma_wait3A_630 = arith.constant 0 : i32
    %dma_wait3A_631 = tpu.memref_slice %arg6[%dma_wait3A_627, %dma_wait3A_629, %dma_wait3A_630] : memref<4x80x128xf32, #tpu.memory_space<vmem>> -> memref<1x80x128xf32, #tpu.memory_space<vmem>>
    %dma_wait3A_632 = tpu.memref_squeeze %dma_wait3A_631 : memref<1x80x128xf32, #tpu.memory_space<vmem>> -> memref<80x128xf32, #tpu.memory_space<vmem>>
    %dma_wait3A_633 = arith.constant 0 : i32
    %dma_wait3A_634 = tpu.memref_slice %arg7[%dma_wait3A_626, %dma_wait3A_633] : memref<4x80xi32, #tpu.memory_space<vmem>> -> memref<1x80xi32, #tpu.memory_space<vmem>>
    %dma_wait3A_635 = tpu.memref_squeeze %dma_wait3A_634 : memref<1x80xi32, #tpu.memory_space<vmem>> -> memref<80xi32, #tpu.memory_space<vmem>>
    %dma_wait3A_636 = arith.constant 0 : i32
    %dma_wait3A_637 = arith.constant 0 : i32
    %dma_wait3A_638 = tpu.memref_slice %arg2[%dma_wait3A_636, %dma_wait3A_637] : memref<10000x128xf32, #tpu.memory_space<hbm>> -> memref<10000x128xf32, #tpu.memory_space<hbm>>
    %dma_wait3A_639 = tpu.memref_slice %arg12[%dma_wait3A_628] : memref<4x!tpu.dma_semaphore, #tpu.memory_space<semaphore_mem>> -> memref<1x!tpu.dma_semaphore, #tpu.memory_space<semaphore_mem>>
    %dma_wait3A_640 = tpu.memref_squeeze %dma_wait3A_639 : memref<1x!tpu.dma_semaphore, #tpu.memory_space<semaphore_mem>> -> memref<!tpu.dma_semaphore, #tpu.memory_space<semaphore_mem>>
    tpu.wait_indirect_dma semaphore(%dma_wait3A_640 : memref<!tpu.dma_semaphore, #tpu.memory_space<semaphore_mem>>) src(%dma_wait3A_638 : memref<10000x128xf32, #tpu.memory_space<hbm>>) dst(%dma_wait3A_632 : memref<80x128xf32, #tpu.memory_space<vmem>>)
    %dma_start3A_641 = arith.constant 3 : i32
    %dma_start3A_642 = arith.constant 3 : i32
    %dma_start3A_643 = arith.constant 3 : i32
    %dma_start3A_644 = arith.constant 0 : i32
    %dma_start3A_645 = arith.constant 0 : i32
    %dma_start3A_646 = tpu.memref_slice %arg6[%dma_start3A_641, %dma_start3A_644, %dma_start3A_645] : memref<4x80x128xf32, #tpu.memory_space<vmem>> -> memref<1x80x128xf32, #tpu.memory_space<vmem>>
    %dma_start3A_647 = tpu.memref_squeeze %dma_start3A_646 : memref<1x80x128xf32, #tpu.memory_space<vmem>> -> memref<80x128xf32, #tpu.memory_space<vmem>>
    %dma_start3A_648 = arith.constant 0 : i32
    %dma_start3A_649 = tpu.memref_slice %arg8[%dma_start3A_642, %dma_start3A_648] : memref<4x80xi32, #tpu.memory_space<vmem>> -> memref<1x80xi32, #tpu.memory_space<vmem>>
    %dma_start3A_650 = tpu.memref_squeeze %dma_start3A_649 : memref<1x80xi32, #tpu.memory_space<vmem>> -> memref<80xi32, #tpu.memory_space<vmem>>
    %dma_start3A_651 = arith.constant 0 : i32
    %dma_start3A_652 = arith.constant 0 : i32
    %dma_start3A_653 = tpu.memref_slice %arg9[%dma_start3A_651, %dma_start3A_652] : memref<10112x128xf32, #tpu.memory_space<vmem_shared>> -> memref<10112x128xf32, #tpu.memory_space<vmem_shared>>
    %dma_start3A_654 = tpu.memref_slice %arg13[%dma_start3A_643] : memref<4x!tpu.dma_semaphore, #tpu.memory_space<semaphore_mem>> -> memref<1x!tpu.dma_semaphore, #tpu.memory_space<semaphore_mem>>
    %dma_start3A_655 = tpu.memref_squeeze %dma_start3A_654 : memref<1x!tpu.dma_semaphore, #tpu.memory_space<semaphore_mem>> -> memref<!tpu.dma_semaphore, #tpu.memory_space<semaphore_mem>>
    tpu.enqueue_indirect_dma source(%dma_start3A_647 : memref<80x128xf32, #tpu.memory_space<vmem>>) target(%dma_start3A_653 : memref<10112x128xf32, #tpu.memory_space<vmem_shared>>) offsets(%dma_start3A_650 : memref<80xi32, #tpu.memory_space<vmem>>) semaphore(%dma_start3A_655 : memref<!tpu.dma_semaphore, #tpu.memory_space<semaphore_mem>>) {add = true}
    %scan3A_656 = arith.constant 0 : i32
    %scan3A_657 = arith.constant 1 : i32
    %scan3A_658 = arith.constant 30 : i32
    %scan3A_659 = arith.addi %scan3A_657, %scan3A_658 : i32
    %scan3A_660 = arith.constant 1 : i32
    %scan3A_661 = scf.for %scan3A_818 = %scan3A_657 to %scan3A_659 step %scan3A_660 iter_args(%scan3A_819 = %scan3A_656) -> (i32)  : i32 {
      %mul3A_820 = arith.constant 4 : i32
      %mul3A_821 = arith.muli %scan3A_818, %mul3A_820 : i32
      %add3A_822 = arith.constant 0 : i32
      %add3A_823 = arith.addi %mul3A_821, %add3A_822 : i32
      %dma_wait3A_824 = arith.constant 3 : i32
      %dma_wait3A_825 = arith.constant 3 : i32
      %dma_wait3A_826 = arith.constant 3 : i32
      %dma_wait3A_827 = arith.constant 0 : i32
      %dma_wait3A_828 = arith.constant 0 : i32
      %dma_wait3A_829 = tpu.memref_slice %arg6[%dma_wait3A_824, %dma_wait3A_827, %dma_wait3A_828] : memref<4x80x128xf32, #tpu.memory_space<vmem>> -> memref<1x80x128xf32, #tpu.memory_space<vmem>>
      %dma_wait3A_830 = tpu.memref_squeeze %dma_wait3A_829 : memref<1x80x128xf32, #tpu.memory_space<vmem>> -> memref<80x128xf32, #tpu.memory_space<vmem>>
      %dma_wait3A_831 = arith.constant 0 : i32
      %dma_wait3A_832 = tpu.memref_slice %arg8[%dma_wait3A_825, %dma_wait3A_831] : memref<4x80xi32, #tpu.memory_space<vmem>> -> memref<1x80xi32, #tpu.memory_space<vmem>>
      %dma_wait3A_833 = tpu.memref_squeeze %dma_wait3A_832 : memref<1x80xi32, #tpu.memory_space<vmem>> -> memref<80xi32, #tpu.memory_space<vmem>>
      %dma_wait3A_834 = arith.constant 0 : i32
      %dma_wait3A_835 = arith.constant 0 : i32
      %dma_wait3A_836 = tpu.memref_slice %arg9[%dma_wait3A_834, %dma_wait3A_835] : memref<10112x128xf32, #tpu.memory_space<vmem_shared>> -> memref<10112x128xf32, #tpu.memory_space<vmem_shared>>
      %dma_wait3A_837 = tpu.memref_slice %arg13[%dma_wait3A_826] : memref<4x!tpu.dma_semaphore, #tpu.memory_space<semaphore_mem>> -> memref<1x!tpu.dma_semaphore, #tpu.memory_space<semaphore_mem>>
      %dma_wait3A_838 = tpu.memref_squeeze %dma_wait3A_837 : memref<1x!tpu.dma_semaphore, #tpu.memory_space<semaphore_mem>> -> memref<!tpu.dma_semaphore, #tpu.memory_space<semaphore_mem>>
      tpu.wait_indirect_dma semaphore(%dma_wait3A_838 : memref<!tpu.dma_semaphore, #tpu.memory_space<semaphore_mem>>) src(%dma_wait3A_830 : memref<80x128xf32, #tpu.memory_space<vmem>>) dst(%dma_wait3A_836 : memref<10112x128xf32, #tpu.memory_space<vmem_shared>>)
      %add3A_839 = arith.constant 3 : i32
      %add3A_840 = arith.addi %add3A_823, %add3A_839 : i32
      %min3A = arith.constant 124 : i32
      %min3A_841 = arith.minsi %add3A_840, %min3A : i32
      %mul3A_842 = arith.constant 10000 : i32
      %mul3A_843 = arith.muli %add3A, %mul3A_842 : i32
      %multiple_of3A_844 = tpu.assume_multiple %mul3A_843, 8 : i32
      %mul3A_845 = arith.constant 80 : i32
      %mul3A_846 = arith.muli %min3A_841, %mul3A_845 : i32
      %add3A_847 = arith.addi %multiple_of3A_844, %mul3A_846 : i32
      %dma_start3A_848 = arith.constant 3 : i32
      %dma_start3A_849 = arith.constant 3 : i32
      %dma_start3A_850 = arith.constant 0 : i32
      %dma_start3A_851 = tpu.memref_slice %arg7[%dma_start3A_848, %dma_start3A_850] : memref<4x80xi32, #tpu.memory_space<vmem>> -> memref<1x80xi32, #tpu.memory_space<vmem>>
      %dma_start3A_852 = tpu.memref_squeeze %dma_start3A_851 : memref<1x80xi32, #tpu.memory_space<vmem>> -> memref<80xi32, #tpu.memory_space<vmem>>
      %dma_start3A_853 = tpu.memref_slice %arg3[%add3A_847] : memref<320000xi32, #tpu.memory_space<hbm>> -> memref<80xi32, #tpu.memory_space<hbm>>
      %dma_start3A_854 = tpu.memref_slice %arg10[%dma_start3A_849] : memref<4x!tpu.dma_semaphore, #tpu.memory_space<semaphore_mem>> -> memref<1x!tpu.dma_semaphore, #tpu.memory_space<semaphore_mem>>
      %dma_start3A_855 = tpu.memref_squeeze %dma_start3A_854 : memref<1x!tpu.dma_semaphore, #tpu.memory_space<semaphore_mem>> -> memref<!tpu.dma_semaphore, #tpu.memory_space<semaphore_mem>>
      %dma_start3A_856 = arith.constant 0 : i32
      %dma_start3A_857 = tpu.memref_slice %arg7[%dma_start3A_848, %dma_start3A_856] : memref<4x80xi32, #tpu.memory_space<vmem>> -> memref<1x80xi32, #tpu.memory_space<vmem>>
      %dma_start3A_858 = tpu.memref_squeeze %dma_start3A_857 : memref<1x80xi32, #tpu.memory_space<vmem>> -> memref<80xi32, #tpu.memory_space<vmem>>
      %dma_start3A_859 = tpu.memref_slice %arg3[%add3A_847] : memref<320000xi32, #tpu.memory_space<hbm>> -> memref<80xi32, #tpu.memory_space<hbm>>
      tpu.enqueue_dma source(%dma_start3A_859 : memref<80xi32, #tpu.memory_space<hbm>>) target(%dma_start3A_858 : memref<80xi32, #tpu.memory_space<vmem>>) target_semaphore(%dma_start3A_855 : memref<!tpu.dma_semaphore, #tpu.memory_space<semaphore_mem>>)
      %dma_start3A_860 = arith.constant 3 : i32
      %dma_start3A_861 = arith.constant 3 : i32
      %dma_start3A_862 = arith.constant 0 : i32
      %dma_start3A_863 = tpu.memref_slice %arg8[%dma_start3A_860, %dma_start3A_862] : memref<4x80xi32, #tpu.memory_space<vmem>> -> memref<1x80xi32, #tpu.memory_space<vmem>>
      %dma_start3A_864 = tpu.memref_squeeze %dma_start3A_863 : memref<1x80xi32, #tpu.memory_space<vmem>> -> memref<80xi32, #tpu.memory_space<vmem>>
      %dma_start3A_865 = tpu.memref_slice %arg4[%add3A_847] : memref<320000xi32, #tpu.memory_space<hbm>> -> memref<80xi32, #tpu.memory_space<hbm>>
      %dma_start3A_866 = tpu.memref_slice %arg11[%dma_start3A_861] : memref<4x!tpu.dma_semaphore, #tpu.memory_space<semaphore_mem>> -> memref<1x!tpu.dma_semaphore, #tpu.memory_space<semaphore_mem>>
      %dma_start3A_867 = tpu.memref_squeeze %dma_start3A_866 : memref<1x!tpu.dma_semaphore, #tpu.memory_space<semaphore_mem>> -> memref<!tpu.dma_semaphore, #tpu.memory_space<semaphore_mem>>
      %dma_start3A_868 = arith.constant 0 : i32
      %dma_start3A_869 = tpu.memref_slice %arg8[%dma_start3A_860, %dma_start3A_868] : memref<4x80xi32, #tpu.memory_space<vmem>> -> memref<1x80xi32, #tpu.memory_space<vmem>>
      %dma_start3A_870 = tpu.memref_squeeze %dma_start3A_869 : memref<1x80xi32, #tpu.memory_space<vmem>> -> memref<80xi32, #tpu.memory_space<vmem>>
      %dma_start3A_871 = tpu.memref_slice %arg4[%add3A_847] : memref<320000xi32, #tpu.memory_space<hbm>> -> memref<80xi32, #tpu.memory_space<hbm>>
      tpu.enqueue_dma source(%dma_start3A_871 : memref<80xi32, #tpu.memory_space<hbm>>) target(%dma_start3A_870 : memref<80xi32, #tpu.memory_space<vmem>>) target_semaphore(%dma_start3A_867 : memref<!tpu.dma_semaphore, #tpu.memory_space<semaphore_mem>>)
      %dma_wait3A_872 = arith.constant 2 : i32
      %dma_wait3A_873 = arith.constant 2 : i32
      %dma_wait3A_874 = arith.constant 0 : i32
      %dma_wait3A_875 = tpu.memref_slice %arg7[%dma_wait3A_872, %dma_wait3A_874] : memref<4x80xi32, #tpu.memory_space<vmem>> -> memref<1x80xi32, #tpu.memory_space<vmem>>
      %dma_wait3A_876 = tpu.memref_squeeze %dma_wait3A_875 : memref<1x80xi32, #tpu.memory_space<vmem>> -> memref<80xi32, #tpu.memory_space<vmem>>
      %dma_wait3A_877 = arith.constant 0 : i32
      %dma_wait3A_878 = tpu.memref_slice %arg3[%dma_wait3A_877] : memref<320000xi32, #tpu.memory_space<hbm>> -> memref<80xi32, #tpu.memory_space<hbm>>
      %dma_wait3A_879 = tpu.memref_slice %arg10[%dma_wait3A_873] : memref<4x!tpu.dma_semaphore, #tpu.memory_space<semaphore_mem>> -> memref<1x!tpu.dma_semaphore, #tpu.memory_space<semaphore_mem>>
      %dma_wait3A_880 = tpu.memref_squeeze %dma_wait3A_879 : memref<1x!tpu.dma_semaphore, #tpu.memory_space<semaphore_mem>> -> memref<!tpu.dma_semaphore, #tpu.memory_space<semaphore_mem>>
      %dma_wait3A_881 = arith.constant 0 : i32
      %dma_wait3A_882 = tpu.memref_slice %arg7[%dma_wait3A_872, %dma_wait3A_881] : memref<4x80xi32, #tpu.memory_space<vmem>> -> memref<1x80xi32, #tpu.memory_space<vmem>>
      %dma_wait3A_883 = tpu.memref_squeeze %dma_wait3A_882 : memref<1x80xi32, #tpu.memory_space<vmem>> -> memref<80xi32, #tpu.memory_space<vmem>>
      %dma_wait3A_884 = arith.constant 0 : i32
      %dma_wait3A_885 = tpu.memref_slice %arg3[%dma_wait3A_884] : memref<320000xi32, #tpu.memory_space<hbm>> -> memref<80xi32, #tpu.memory_space<hbm>>
      tpu.wait_dma2 semaphore(%dma_wait3A_880 : memref<!tpu.dma_semaphore, #tpu.memory_space<semaphore_mem>>) src(%dma_wait3A_885 : memref<80xi32, #tpu.memory_space<hbm>>) dst(%dma_wait3A_883 : memref<80xi32, #tpu.memory_space<vmem>>)
      %dma_wait3A_886 = arith.constant 2 : i32
      %dma_wait3A_887 = arith.constant 2 : i32
      %dma_wait3A_888 = arith.constant 0 : i32
      %dma_wait3A_889 = tpu.memref_slice %arg8[%dma_wait3A_886, %dma_wait3A_888] : memref<4x80xi32, #tpu.memory_space<vmem>> -> memref<1x80xi32, #tpu.memory_space<vmem>>
      %dma_wait3A_890 = tpu.memref_squeeze %dma_wait3A_889 : memref<1x80xi32, #tpu.memory_space<vmem>> -> memref<80xi32, #tpu.memory_space<vmem>>
      %dma_wait3A_891 = arith.constant 0 : i32
      %dma_wait3A_892 = tpu.memref_slice %arg4[%dma_wait3A_891] : memref<320000xi32, #tpu.memory_space<hbm>> -> memref<80xi32, #tpu.memory_space<hbm>>
      %dma_wait3A_893 = tpu.memref_slice %arg11[%dma_wait3A_887] : memref<4x!tpu.dma_semaphore, #tpu.memory_space<semaphore_mem>> -> memref<1x!tpu.dma_semaphore, #tpu.memory_space<semaphore_mem>>
      %dma_wait3A_894 = tpu.memref_squeeze %dma_wait3A_893 : memref<1x!tpu.dma_semaphore, #tpu.memory_space<semaphore_mem>> -> memref<!tpu.dma_semaphore, #tpu.memory_space<semaphore_mem>>
      %dma_wait3A_895 = arith.constant 0 : i32
      %dma_wait3A_896 = tpu.memref_slice %arg8[%dma_wait3A_886, %dma_wait3A_895] : memref<4x80xi32, #tpu.memory_space<vmem>> -> memref<1x80xi32, #tpu.memory_space<vmem>>
      %dma_wait3A_897 = tpu.memref_squeeze %dma_wait3A_896 : memref<1x80xi32, #tpu.memory_space<vmem>> -> memref<80xi32, #tpu.memory_space<vmem>>
      %dma_wait3A_898 = arith.constant 0 : i32
      %dma_wait3A_899 = tpu.memref_slice %arg4[%dma_wait3A_898] : memref<320000xi32, #tpu.memory_space<hbm>> -> memref<80xi32, #tpu.memory_space<hbm>>
      tpu.wait_dma2 semaphore(%dma_wait3A_894 : memref<!tpu.dma_semaphore, #tpu.memory_space<semaphore_mem>>) src(%dma_wait3A_899 : memref<80xi32, #tpu.memory_space<hbm>>) dst(%dma_wait3A_897 : memref<80xi32, #tpu.memory_space<vmem>>)
      %dma_start3A_900 = arith.constant 2 : i32
      %dma_start3A_901 = arith.constant 2 : i32
      %dma_start3A_902 = arith.constant 2 : i32
      %dma_start3A_903 = arith.constant 0 : i32
      %dma_start3A_904 = arith.constant 0 : i32
      %dma_start3A_905 = tpu.memref_slice %arg6[%dma_start3A_901, %dma_start3A_903, %dma_start3A_904] : memref<4x80x128xf32, #tpu.memory_space<vmem>> -> memref<1x80x128xf32, #tpu.memory_space<vmem>>
      %dma_start3A_906 = tpu.memref_squeeze %dma_start3A_905 : memref<1x80x128xf32, #tpu.memory_space<vmem>> -> memref<80x128xf32, #tpu.memory_space<vmem>>
      %dma_start3A_907 = arith.constant 0 : i32
      %dma_start3A_908 = tpu.memref_slice %arg7[%dma_start3A_900, %dma_start3A_907] : memref<4x80xi32, #tpu.memory_space<vmem>> -> memref<1x80xi32, #tpu.memory_space<vmem>>
      %dma_start3A_909 = tpu.memref_squeeze %dma_start3A_908 : memref<1x80xi32, #tpu.memory_space<vmem>> -> memref<80xi32, #tpu.memory_space<vmem>>
      %dma_start3A_910 = arith.constant 0 : i32
      %dma_start3A_911 = arith.constant 0 : i32
      %dma_start3A_912 = tpu.memref_slice %arg2[%dma_start3A_910, %dma_start3A_911] : memref<10000x128xf32, #tpu.memory_space<hbm>> -> memref<10000x128xf32, #tpu.memory_space<hbm>>
      %dma_start3A_913 = tpu.memref_slice %arg12[%dma_start3A_902] : memref<4x!tpu.dma_semaphore, #tpu.memory_space<semaphore_mem>> -> memref<1x!tpu.dma_semaphore, #tpu.memory_space<semaphore_mem>>
      %dma_start3A_914 = tpu.memref_squeeze %dma_start3A_913 : memref<1x!tpu.dma_semaphore, #tpu.memory_space<semaphore_mem>> -> memref<!tpu.dma_semaphore, #tpu.memory_space<semaphore_mem>>
      tpu.enqueue_indirect_dma source(%dma_start3A_912 : memref<10000x128xf32, #tpu.memory_space<hbm>>) target(%dma_start3A_906 : memref<80x128xf32, #tpu.memory_space<vmem>>) offsets(%dma_start3A_909 : memref<80xi32, #tpu.memory_space<vmem>>) semaphore(%dma_start3A_914 : memref<!tpu.dma_semaphore, #tpu.memory_space<semaphore_mem>>)
      %dma_wait3A_915 = arith.constant 0 : i32
      %dma_wait3A_916 = arith.constant 0 : i32
      %dma_wait3A_917 = arith.constant 0 : i32
      %dma_wait3A_918 = arith.constant 0 : i32
      %dma_wait3A_919 = arith.constant 0 : i32
      %dma_wait3A_920 = tpu.memref_slice %arg6[%dma_wait3A_916, %dma_wait3A_918, %dma_wait3A_919] : memref<4x80x128xf32, #tpu.memory_space<vmem>> -> memref<1x80x128xf32, #tpu.memory_space<vmem>>
      %dma_wait3A_921 = tpu.memref_squeeze %dma_wait3A_920 : memref<1x80x128xf32, #tpu.memory_space<vmem>> -> memref<80x128xf32, #tpu.memory_space<vmem>>
      %dma_wait3A_922 = arith.constant 0 : i32
      %dma_wait3A_923 = tpu.memref_slice %arg7[%dma_wait3A_915, %dma_wait3A_922] : memref<4x80xi32, #tpu.memory_space<vmem>> -> memref<1x80xi32, #tpu.memory_space<vmem>>
      %dma_wait3A_924 = tpu.memref_squeeze %dma_wait3A_923 : memref<1x80xi32, #tpu.memory_space<vmem>> -> memref<80xi32, #tpu.memory_space<vmem>>
      %dma_wait3A_925 = arith.constant 0 : i32
      %dma_wait3A_926 = arith.constant 0 : i32
      %dma_wait3A_927 = tpu.memref_slice %arg2[%dma_wait3A_925, %dma_wait3A_926] : memref<10000x128xf32, #tpu.memory_space<hbm>> -> memref<10000x128xf32, #tpu.memory_space<hbm>>
      %dma_wait3A_928 = tpu.memref_slice %arg12[%dma_wait3A_917] : memref<4x!tpu.dma_semaphore, #tpu.memory_space<semaphore_mem>> -> memref<1x!tpu.dma_semaphore, #tpu.memory_space<semaphore_mem>>
      %dma_wait3A_929 = tpu.memref_squeeze %dma_wait3A_928 : memref<1x!tpu.dma_semaphore, #tpu.memory_space<semaphore_mem>> -> memref<!tpu.dma_semaphore, #tpu.memory_space<semaphore_mem>>
      tpu.wait_indirect_dma semaphore(%dma_wait3A_929 : memref<!tpu.dma_semaphore, #tpu.memory_space<semaphore_mem>>) src(%dma_wait3A_927 : memref<10000x128xf32, #tpu.memory_space<hbm>>) dst(%dma_wait3A_921 : memref<80x128xf32, #tpu.memory_space<vmem>>)
      %dma_start3A_930 = arith.constant 0 : i32
      %dma_start3A_931 = arith.constant 0 : i32
      %dma_start3A_932 = arith.constant 0 : i32
      %dma_start3A_933 = arith.constant 0 : i32
      %dma_start3A_934 = arith.constant 0 : i32
      %dma_start3A_935 = tpu.memref_slice %arg6[%dma_start3A_930, %dma_start3A_933, %dma_start3A_934] : memref<4x80x128xf32, #tpu.memory_space<vmem>> -> memref<1x80x128xf32, #tpu.memory_space<vmem>>
      %dma_start3A_936 = tpu.memref_squeeze %dma_start3A_935 : memref<1x80x128xf32, #tpu.memory_space<vmem>> -> memref<80x128xf32, #tpu.memory_space<vmem>>
      %dma_start3A_937 = arith.constant 0 : i32
      %dma_start3A_938 = tpu.memref_slice %arg8[%dma_start3A_931, %dma_start3A_937] : memref<4x80xi32, #tpu.memory_space<vmem>> -> memref<1x80xi32, #tpu.memory_space<vmem>>
      %dma_start3A_939 = tpu.memref_squeeze %dma_start3A_938 : memref<1x80xi32, #tpu.memory_space<vmem>> -> memref<80xi32, #tpu.memory_space<vmem>>
      %dma_start3A_940 = arith.constant 0 : i32
      %dma_start3A_941 = arith.constant 0 : i32
      %dma_start3A_942 = tpu.memref_slice %arg9[%dma_start3A_940, %dma_start3A_941] : memref<10112x128xf32, #tpu.memory_space<vmem_shared>> -> memref<10112x128xf32, #tpu.memory_space<vmem_shared>>
      %dma_start3A_943 = tpu.memref_slice %arg13[%dma_start3A_932] : memref<4x!tpu.dma_semaphore, #tpu.memory_space<semaphore_mem>> -> memref<1x!tpu.dma_semaphore, #tpu.memory_space<semaphore_mem>>
      %dma_start3A_944 = tpu.memref_squeeze %dma_start3A_943 : memref<1x!tpu.dma_semaphore, #tpu.memory_space<semaphore_mem>> -> memref<!tpu.dma_semaphore, #tpu.memory_space<semaphore_mem>>
      tpu.enqueue_indirect_dma source(%dma_start3A_936 : memref<80x128xf32, #tpu.memory_space<vmem>>) target(%dma_start3A_942 : memref<10112x128xf32, #tpu.memory_space<vmem_shared>>) offsets(%dma_start3A_939 : memref<80xi32, #tpu.memory_space<vmem>>) semaphore(%dma_start3A_944 : memref<!tpu.dma_semaphore, #tpu.memory_space<semaphore_mem>>) {add = true}
      %mul3A_945 = arith.constant 4 : i32
      %mul3A_946 = arith.muli %scan3A_818, %mul3A_945 : i32
      %add3A_947 = arith.constant 1 : i32
      %add3A_948 = arith.addi %mul3A_946, %add3A_947 : i32
      %dma_wait3A_949 = arith.constant 0 : i32
      %dma_wait3A_950 = arith.constant 0 : i32
      %dma_wait3A_951 = arith.constant 0 : i32
      %dma_wait3A_952 = arith.constant 0 : i32
      %dma_wait3A_953 = arith.constant 0 : i32
      %dma_wait3A_954 = tpu.memref_slice %arg6[%dma_wait3A_949, %dma_wait3A_952, %dma_wait3A_953] : memref<4x80x128xf32, #tpu.memory_space<vmem>> -> memref<1x80x128xf32, #tpu.memory_space<vmem>>
      %dma_wait3A_955 = tpu.memref_squeeze %dma_wait3A_954 : memref<1x80x128xf32, #tpu.memory_space<vmem>> -> memref<80x128xf32, #tpu.memory_space<vmem>>
      %dma_wait3A_956 = arith.constant 0 : i32
      %dma_wait3A_957 = tpu.memref_slice %arg8[%dma_wait3A_950, %dma_wait3A_956] : memref<4x80xi32, #tpu.memory_space<vmem>> -> memref<1x80xi32, #tpu.memory_space<vmem>>
      %dma_wait3A_958 = tpu.memref_squeeze %dma_wait3A_957 : memref<1x80xi32, #tpu.memory_space<vmem>> -> memref<80xi32, #tpu.memory_space<vmem>>
      %dma_wait3A_959 = arith.constant 0 : i32
      %dma_wait3A_960 = arith.constant 0 : i32
      %dma_wait3A_961 = tpu.memref_slice %arg9[%dma_wait3A_959, %dma_wait3A_960] : memref<10112x128xf32, #tpu.memory_space<vmem_shared>> -> memref<10112x128xf32, #tpu.memory_space<vmem_shared>>
      %dma_wait3A_962 = tpu.memref_slice %arg13[%dma_wait3A_951] : memref<4x!tpu.dma_semaphore, #tpu.memory_space<semaphore_mem>> -> memref<1x!tpu.dma_semaphore, #tpu.memory_space<semaphore_mem>>
      %dma_wait3A_963 = tpu.memref_squeeze %dma_wait3A_962 : memref<1x!tpu.dma_semaphore, #tpu.memory_space<semaphore_mem>> -> memref<!tpu.dma_semaphore, #tpu.memory_space<semaphore_mem>>
      tpu.wait_indirect_dma semaphore(%dma_wait3A_963 : memref<!tpu.dma_semaphore, #tpu.memory_space<semaphore_mem>>) src(%dma_wait3A_955 : memref<80x128xf32, #tpu.memory_space<vmem>>) dst(%dma_wait3A_961 : memref<10112x128xf32, #tpu.memory_space<vmem_shared>>)
      %add3A_964 = arith.constant 3 : i32
      %add3A_965 = arith.addi %add3A_948, %add3A_964 : i32
      %min3A_966 = arith.constant 124 : i32
      %min3A_967 = arith.minsi %add3A_965, %min3A_966 : i32
      %mul3A_968 = arith.constant 10000 : i32
      %mul3A_969 = arith.muli %add3A, %mul3A_968 : i32
      %multiple_of3A_970 = tpu.assume_multiple %mul3A_969, 8 : i32
      %mul3A_971 = arith.constant 80 : i32
      %mul3A_972 = arith.muli %min3A_967, %mul3A_971 : i32
      %add3A_973 = arith.addi %multiple_of3A_970, %mul3A_972 : i32
      %dma_start3A_974 = arith.constant 0 : i32
      %dma_start3A_975 = arith.constant 0 : i32
      %dma_start3A_976 = arith.constant 0 : i32
      %dma_start3A_977 = tpu.memref_slice %arg7[%dma_start3A_974, %dma_start3A_976] : memref<4x80xi32, #tpu.memory_space<vmem>> -> memref<1x80xi32, #tpu.memory_space<vmem>>
      %dma_start3A_978 = tpu.memref_squeeze %dma_start3A_977 : memref<1x80xi32, #tpu.memory_space<vmem>> -> memref<80xi32, #tpu.memory_space<vmem>>
      %dma_start3A_979 = tpu.memref_slice %arg3[%add3A_973] : memref<320000xi32, #tpu.memory_space<hbm>> -> memref<80xi32, #tpu.memory_space<hbm>>
      %dma_start3A_980 = tpu.memref_slice %arg10[%dma_start3A_975] : memref<4x!tpu.dma_semaphore, #tpu.memory_space<semaphore_mem>> -> memref<1x!tpu.dma_semaphore, #tpu.memory_space<semaphore_mem>>
      %dma_start3A_981 = tpu.memref_squeeze %dma_start3A_980 : memref<1x!tpu.dma_semaphore, #tpu.memory_space<semaphore_mem>> -> memref<!tpu.dma_semaphore, #tpu.memory_space<semaphore_mem>>
      %dma_start3A_982 = arith.constant 0 : i32
      %dma_start3A_983 = tpu.memref_slice %arg7[%dma_start3A_974, %dma_start3A_982] : memref<4x80xi32, #tpu.memory_space<vmem>> -> memref<1x80xi32, #tpu.memory_space<vmem>>
      %dma_start3A_984 = tpu.memref_squeeze %dma_start3A_983 : memref<1x80xi32, #tpu.memory_space<vmem>> -> memref<80xi32, #tpu.memory_space<vmem>>
      %dma_start3A_985 = tpu.memref_slice %arg3[%add3A_973] : memref<320000xi32, #tpu.memory_space<hbm>> -> memref<80xi32, #tpu.memory_space<hbm>>
      tpu.enqueue_dma source(%dma_start3A_985 : memref<80xi32, #tpu.memory_space<hbm>>) target(%dma_start3A_984 : memref<80xi32, #tpu.memory_space<vmem>>) target_semaphore(%dma_start3A_981 : memref<!tpu.dma_semaphore, #tpu.memory_space<semaphore_mem>>)
      %dma_start3A_986 = arith.constant 0 : i32
      %dma_start3A_987 = arith.constant 0 : i32
      %dma_start3A_988 = arith.constant 0 : i32
      %dma_start3A_989 = tpu.memref_slice %arg8[%dma_start3A_986, %dma_start3A_988] : memref<4x80xi32, #tpu.memory_space<vmem>> -> memref<1x80xi32, #tpu.memory_space<vmem>>
      %dma_start3A_990 = tpu.memref_squeeze %dma_start3A_989 : memref<1x80xi32, #tpu.memory_space<vmem>> -> memref<80xi32, #tpu.memory_space<vmem>>
      %dma_start3A_991 = tpu.memref_slice %arg4[%add3A_973] : memref<320000xi32, #tpu.memory_space<hbm>> -> memref<80xi32, #tpu.memory_space<hbm>>
      %dma_start3A_992 = tpu.memref_slice %arg11[%dma_start3A_987] : memref<4x!tpu.dma_semaphore, #tpu.memory_space<semaphore_mem>> -> memref<1x!tpu.dma_semaphore, #tpu.memory_space<semaphore_mem>>
      %dma_start3A_993 = tpu.memref_squeeze %dma_start3A_992 : memref<1x!tpu.dma_semaphore, #tpu.memory_space<semaphore_mem>> -> memref<!tpu.dma_semaphore, #tpu.memory_space<semaphore_mem>>
      %dma_start3A_994 = arith.constant 0 : i32
      %dma_start3A_995 = tpu.memref_slice %arg8[%dma_start3A_986, %dma_start3A_994] : memref<4x80xi32, #tpu.memory_space<vmem>> -> memref<1x80xi32, #tpu.memory_space<vmem>>
      %dma_start3A_996 = tpu.memref_squeeze %dma_start3A_995 : memref<1x80xi32, #tpu.memory_space<vmem>> -> memref<80xi32, #tpu.memory_space<vmem>>
      %dma_start3A_997 = tpu.memref_slice %arg4[%add3A_973] : memref<320000xi32, #tpu.memory_space<hbm>> -> memref<80xi32, #tpu.memory_space<hbm>>
      tpu.enqueue_dma source(%dma_start3A_997 : memref<80xi32, #tpu.memory_space<hbm>>) target(%dma_start3A_996 : memref<80xi32, #tpu.memory_space<vmem>>) target_semaphore(%dma_start3A_993 : memref<!tpu.dma_semaphore, #tpu.memory_space<semaphore_mem>>)
      %dma_wait3A_998 = arith.constant 3 : i32
      %dma_wait3A_999 = arith.constant 3 : i32
      %dma_wait3A_1000 = arith.constant 0 : i32
      %dma_wait3A_1001 = tpu.memref_slice %arg7[%dma_wait3A_998, %dma_wait3A_1000] : memref<4x80xi32, #tpu.memory_space<vmem>> -> memref<1x80xi32, #tpu.memory_space<vmem>>
      %dma_wait3A_1002 = tpu.memref_squeeze %dma_wait3A_1001 : memref<1x80xi32, #tpu.memory_space<vmem>> -> memref<80xi32, #tpu.memory_space<vmem>>
      %dma_wait3A_1003 = arith.constant 0 : i32
      %dma_wait3A_1004 = tpu.memref_slice %arg3[%dma_wait3A_1003] : memref<320000xi32, #tpu.memory_space<hbm>> -> memref<80xi32, #tpu.memory_space<hbm>>
      %dma_wait3A_1005 = tpu.memref_slice %arg10[%dma_wait3A_999] : memref<4x!tpu.dma_semaphore, #tpu.memory_space<semaphore_mem>> -> memref<1x!tpu.dma_semaphore, #tpu.memory_space<semaphore_mem>>
      %dma_wait3A_1006 = tpu.memref_squeeze %dma_wait3A_1005 : memref<1x!tpu.dma_semaphore, #tpu.memory_space<semaphore_mem>> -> memref<!tpu.dma_semaphore, #tpu.memory_space<semaphore_mem>>
      %dma_wait3A_1007 = arith.constant 0 : i32
      %dma_wait3A_1008 = tpu.memref_slice %arg7[%dma_wait3A_998, %dma_wait3A_1007] : memref<4x80xi32, #tpu.memory_space<vmem>> -> memref<1x80xi32, #tpu.memory_space<vmem>>
      %dma_wait3A_1009 = tpu.memref_squeeze %dma_wait3A_1008 : memref<1x80xi32, #tpu.memory_space<vmem>> -> memref<80xi32, #tpu.memory_space<vmem>>
      %dma_wait3A_1010 = arith.constant 0 : i32
      %dma_wait3A_1011 = tpu.memref_slice %arg3[%dma_wait3A_1010] : memref<320000xi32, #tpu.memory_space<hbm>> -> memref<80xi32, #tpu.memory_space<hbm>>
      tpu.wait_dma2 semaphore(%dma_wait3A_1006 : memref<!tpu.dma_semaphore, #tpu.memory_space<semaphore_mem>>) src(%dma_wait3A_1011 : memref<80xi32, #tpu.memory_space<hbm>>) dst(%dma_wait3A_1009 : memref<80xi32, #tpu.memory_space<vmem>>)
      %dma_wait3A_1012 = arith.constant 3 : i32
      %dma_wait3A_1013 = arith.constant 3 : i32
      %dma_wait3A_1014 = arith.constant 0 : i32
      %dma_wait3A_1015 = tpu.memref_slice %arg8[%dma_wait3A_1012, %dma_wait3A_1014] : memref<4x80xi32, #tpu.memory_space<vmem>> -> memref<1x80xi32, #tpu.memory_space<vmem>>
      %dma_wait3A_1016 = tpu.memref_squeeze %dma_wait3A_1015 : memref<1x80xi32, #tpu.memory_space<vmem>> -> memref<80xi32, #tpu.memory_space<vmem>>
      %dma_wait3A_1017 = arith.constant 0 : i32
      %dma_wait3A_1018 = tpu.memref_slice %arg4[%dma_wait3A_1017] : memref<320000xi32, #tpu.memory_space<hbm>> -> memref<80xi32, #tpu.memory_space<hbm>>
      %dma_wait3A_1019 = tpu.memref_slice %arg11[%dma_wait3A_1013] : memref<4x!tpu.dma_semaphore, #tpu.memory_space<semaphore_mem>> -> memref<1x!tpu.dma_semaphore, #tpu.memory_space<semaphore_mem>>
      %dma_wait3A_1020 = tpu.memref_squeeze %dma_wait3A_1019 : memref<1x!tpu.dma_semaphore, #tpu.memory_space<semaphore_mem>> -> memref<!tpu.dma_semaphore, #tpu.memory_space<semaphore_mem>>
      %dma_wait3A_1021 = arith.constant 0 : i32
      %dma_wait3A_1022 = tpu.memref_slice %arg8[%dma_wait3A_1012, %dma_wait3A_1021] : memref<4x80xi32, #tpu.memory_space<vmem>> -> memref<1x80xi32, #tpu.memory_space<vmem>>
      %dma_wait3A_1023 = tpu.memref_squeeze %dma_wait3A_1022 : memref<1x80xi32, #tpu.memory_space<vmem>> -> memref<80xi32, #tpu.memory_space<vmem>>
      %dma_wait3A_1024 = arith.constant 0 : i32
      %dma_wait3A_1025 = tpu.memref_slice %arg4[%dma_wait3A_1024] : memref<320000xi32, #tpu.memory_space<hbm>> -> memref<80xi32, #tpu.memory_space<hbm>>
      tpu.wait_dma2 semaphore(%dma_wait3A_1020 : memref<!tpu.dma_semaphore, #tpu.memory_space<semaphore_mem>>) src(%dma_wait3A_1025 : memref<80xi32, #tpu.memory_space<hbm>>) dst(%dma_wait3A_1023 : memref<80xi32, #tpu.memory_space<vmem>>)
      %dma_start3A_1026 = arith.constant 3 : i32
      %dma_start3A_1027 = arith.constant 3 : i32
      %dma_start3A_1028 = arith.constant 3 : i32
      %dma_start3A_1029 = arith.constant 0 : i32
      %dma_start3A_1030 = arith.constant 0 : i32
      %dma_start3A_1031 = tpu.memref_slice %arg6[%dma_start3A_1027, %dma_start3A_1029, %dma_start3A_1030] : memref<4x80x128xf32, #tpu.memory_space<vmem>> -> memref<1x80x128xf32, #tpu.memory_space<vmem>>
      %dma_start3A_1032 = tpu.memref_squeeze %dma_start3A_1031 : memref<1x80x128xf32, #tpu.memory_space<vmem>> -> memref<80x128xf32, #tpu.memory_space<vmem>>
      %dma_start3A_1033 = arith.constant 0 : i32
      %dma_start3A_1034 = tpu.memref_slice %arg7[%dma_start3A_1026, %dma_start3A_1033] : memref<4x80xi32, #tpu.memory_space<vmem>> -> memref<1x80xi32, #tpu.memory_space<vmem>>
      %dma_start3A_1035 = tpu.memref_squeeze %dma_start3A_1034 : memref<1x80xi32, #tpu.memory_space<vmem>> -> memref<80xi32, #tpu.memory_space<vmem>>
      %dma_start3A_1036 = arith.constant 0 : i32
      %dma_start3A_1037 = arith.constant 0 : i32
      %dma_start3A_1038 = tpu.memref_slice %arg2[%dma_start3A_1036, %dma_start3A_1037] : memref<10000x128xf32, #tpu.memory_space<hbm>> -> memref<10000x128xf32, #tpu.memory_space<hbm>>
      %dma_start3A_1039 = tpu.memref_slice %arg12[%dma_start3A_1028] : memref<4x!tpu.dma_semaphore, #tpu.memory_space<semaphore_mem>> -> memref<1x!tpu.dma_semaphore, #tpu.memory_space<semaphore_mem>>
      %dma_start3A_1040 = tpu.memref_squeeze %dma_start3A_1039 : memref<1x!tpu.dma_semaphore, #tpu.memory_space<semaphore_mem>> -> memref<!tpu.dma_semaphore, #tpu.memory_space<semaphore_mem>>
      tpu.enqueue_indirect_dma source(%dma_start3A_1038 : memref<10000x128xf32, #tpu.memory_space<hbm>>) target(%dma_start3A_1032 : memref<80x128xf32, #tpu.memory_space<vmem>>) offsets(%dma_start3A_1035 : memref<80xi32, #tpu.memory_space<vmem>>) semaphore(%dma_start3A_1040 : memref<!tpu.dma_semaphore, #tpu.memory_space<semaphore_mem>>)
      %dma_wait3A_1041 = arith.constant 1 : i32
      %dma_wait3A_1042 = arith.constant 1 : i32
      %dma_wait3A_1043 = arith.constant 1 : i32
      %dma_wait3A_1044 = arith.constant 0 : i32
      %dma_wait3A_1045 = arith.constant 0 : i32
      %dma_wait3A_1046 = tpu.memref_slice %arg6[%dma_wait3A_1042, %dma_wait3A_1044, %dma_wait3A_1045] : memref<4x80x128xf32, #tpu.memory_space<vmem>> -> memref<1x80x128xf32, #tpu.memory_space<vmem>>
      %dma_wait3A_1047 = tpu.memref_squeeze %dma_wait3A_1046 : memref<1x80x128xf32, #tpu.memory_space<vmem>> -> memref<80x128xf32, #tpu.memory_space<vmem>>
      %dma_wait3A_1048 = arith.constant 0 : i32
      %dma_wait3A_1049 = tpu.memref_slice %arg7[%dma_wait3A_1041, %dma_wait3A_1048] : memref<4x80xi32, #tpu.memory_space<vmem>> -> memref<1x80xi32, #tpu.memory_space<vmem>>
      %dma_wait3A_1050 = tpu.memref_squeeze %dma_wait3A_1049 : memref<1x80xi32, #tpu.memory_space<vmem>> -> memref<80xi32, #tpu.memory_space<vmem>>
      %dma_wait3A_1051 = arith.constant 0 : i32
      %dma_wait3A_1052 = arith.constant 0 : i32
      %dma_wait3A_1053 = tpu.memref_slice %arg2[%dma_wait3A_1051, %dma_wait3A_1052] : memref<10000x128xf32, #tpu.memory_space<hbm>> -> memref<10000x128xf32, #tpu.memory_space<hbm>>
      %dma_wait3A_1054 = tpu.memref_slice %arg12[%dma_wait3A_1043] : memref<4x!tpu.dma_semaphore, #tpu.memory_space<semaphore_mem>> -> memref<1x!tpu.dma_semaphore, #tpu.memory_space<semaphore_mem>>
      %dma_wait3A_1055 = tpu.memref_squeeze %dma_wait3A_1054 : memref<1x!tpu.dma_semaphore, #tpu.memory_space<semaphore_mem>> -> memref<!tpu.dma_semaphore, #tpu.memory_space<semaphore_mem>>
      tpu.wait_indirect_dma semaphore(%dma_wait3A_1055 : memref<!tpu.dma_semaphore, #tpu.memory_space<semaphore_mem>>) src(%dma_wait3A_1053 : memref<10000x128xf32, #tpu.memory_space<hbm>>) dst(%dma_wait3A_1047 : memref<80x128xf32, #tpu.memory_space<vmem>>)
      %dma_start3A_1056 = arith.constant 1 : i32
      %dma_start3A_1057 = arith.constant 1 : i32
      %dma_start3A_1058 = arith.constant 1 : i32
      %dma_start3A_1059 = arith.constant 0 : i32
      %dma_start3A_1060 = arith.constant 0 : i32
      %dma_start3A_1061 = tpu.memref_slice %arg6[%dma_start3A_1056, %dma_start3A_1059, %dma_start3A_1060] : memref<4x80x128xf32, #tpu.memory_space<vmem>> -> memref<1x80x128xf32, #tpu.memory_space<vmem>>
      %dma_start3A_1062 = tpu.memref_squeeze %dma_start3A_1061 : memref<1x80x128xf32, #tpu.memory_space<vmem>> -> memref<80x128xf32, #tpu.memory_space<vmem>>
      %dma_start3A_1063 = arith.constant 0 : i32
      %dma_start3A_1064 = tpu.memref_slice %arg8[%dma_start3A_1057, %dma_start3A_1063] : memref<4x80xi32, #tpu.memory_space<vmem>> -> memref<1x80xi32, #tpu.memory_space<vmem>>
      %dma_start3A_1065 = tpu.memref_squeeze %dma_start3A_1064 : memref<1x80xi32, #tpu.memory_space<vmem>> -> memref<80xi32, #tpu.memory_space<vmem>>
      %dma_start3A_1066 = arith.constant 0 : i32
      %dma_start3A_1067 = arith.constant 0 : i32
      %dma_start3A_1068 = tpu.memref_slice %arg9[%dma_start3A_1066, %dma_start3A_1067] : memref<10112x128xf32, #tpu.memory_space<vmem_shared>> -> memref<10112x128xf32, #tpu.memory_space<vmem_shared>>
      %dma_start3A_1069 = tpu.memref_slice %arg13[%dma_start3A_1058] : memref<4x!tpu.dma_semaphore, #tpu.memory_space<semaphore_mem>> -> memref<1x!tpu.dma_semaphore, #tpu.memory_space<semaphore_mem>>
      %dma_start3A_1070 = tpu.memref_squeeze %dma_start3A_1069 : memref<1x!tpu.dma_semaphore, #tpu.memory_space<semaphore_mem>> -> memref<!tpu.dma_semaphore, #tpu.memory_space<semaphore_mem>>
      tpu.enqueue_indirect_dma source(%dma_start3A_1062 : memref<80x128xf32, #tpu.memory_space<vmem>>) target(%dma_start3A_1068 : memref<10112x128xf32, #tpu.memory_space<vmem_shared>>) offsets(%dma_start3A_1065 : memref<80xi32, #tpu.memory_space<vmem>>) semaphore(%dma_start3A_1070 : memref<!tpu.dma_semaphore, #tpu.memory_space<semaphore_mem>>) {add = true}
      %mul3A_1071 = arith.constant 4 : i32
      %mul3A_1072 = arith.muli %scan3A_818, %mul3A_1071 : i32
      %add3A_1073 = arith.constant 2 : i32
      %add3A_1074 = arith.addi %mul3A_1072, %add3A_1073 : i32
      %dma_wait3A_1075 = arith.constant 1 : i32
      %dma_wait3A_1076 = arith.constant 1 : i32
      %dma_wait3A_1077 = arith.constant 1 : i32
      %dma_wait3A_1078 = arith.constant 0 : i32
      %dma_wait3A_1079 = arith.constant 0 : i32
      %dma_wait3A_1080 = tpu.memref_slice %arg6[%dma_wait3A_1075, %dma_wait3A_1078, %dma_wait3A_1079] : memref<4x80x128xf32, #tpu.memory_space<vmem>> -> memref<1x80x128xf32, #tpu.memory_space<vmem>>
      %dma_wait3A_1081 = tpu.memref_squeeze %dma_wait3A_1080 : memref<1x80x128xf32, #tpu.memory_space<vmem>> -> memref<80x128xf32, #tpu.memory_space<vmem>>
      %dma_wait3A_1082 = arith.constant 0 : i32
      %dma_wait3A_1083 = tpu.memref_slice %arg8[%dma_wait3A_1076, %dma_wait3A_1082] : memref<4x80xi32, #tpu.memory_space<vmem>> -> memref<1x80xi32, #tpu.memory_space<vmem>>
      %dma_wait3A_1084 = tpu.memref_squeeze %dma_wait3A_1083 : memref<1x80xi32, #tpu.memory_space<vmem>> -> memref<80xi32, #tpu.memory_space<vmem>>
      %dma_wait3A_1085 = arith.constant 0 : i32
      %dma_wait3A_1086 = arith.constant 0 : i32
      %dma_wait3A_1087 = tpu.memref_slice %arg9[%dma_wait3A_1085, %dma_wait3A_1086] : memref<10112x128xf32, #tpu.memory_space<vmem_shared>> -> memref<10112x128xf32, #tpu.memory_space<vmem_shared>>
      %dma_wait3A_1088 = tpu.memref_slice %arg13[%dma_wait3A_1077] : memref<4x!tpu.dma_semaphore, #tpu.memory_space<semaphore_mem>> -> memref<1x!tpu.dma_semaphore, #tpu.memory_space<semaphore_mem>>
      %dma_wait3A_1089 = tpu.memref_squeeze %dma_wait3A_1088 : memref<1x!tpu.dma_semaphore, #tpu.memory_space<semaphore_mem>> -> memref<!tpu.dma_semaphore, #tpu.memory_space<semaphore_mem>>
      tpu.wait_indirect_dma semaphore(%dma_wait3A_1089 : memref<!tpu.dma_semaphore, #tpu.memory_space<semaphore_mem>>) src(%dma_wait3A_1081 : memref<80x128xf32, #tpu.memory_space<vmem>>) dst(%dma_wait3A_1087 : memref<10112x128xf32, #tpu.memory_space<vmem_shared>>)
      %add3A_1090 = arith.constant 3 : i32
      %add3A_1091 = arith.addi %add3A_1074, %add3A_1090 : i32
      %min3A_1092 = arith.constant 124 : i32
      %min3A_1093 = arith.minsi %add3A_1091, %min3A_1092 : i32
      %mul3A_1094 = arith.constant 10000 : i32
      %mul3A_1095 = arith.muli %add3A, %mul3A_1094 : i32
      %multiple_of3A_1096 = tpu.assume_multiple %mul3A_1095, 8 : i32
      %mul3A_1097 = arith.constant 80 : i32
      %mul3A_1098 = arith.muli %min3A_1093, %mul3A_1097 : i32
      %add3A_1099 = arith.addi %multiple_of3A_1096, %mul3A_1098 : i32
      %dma_start3A_1100 = arith.constant 1 : i32
      %dma_start3A_1101 = arith.constant 1 : i32
      %dma_start3A_1102 = arith.constant 0 : i32
      %dma_start3A_1103 = tpu.memref_slice %arg7[%dma_start3A_1100, %dma_start3A_1102] : memref<4x80xi32, #tpu.memory_space<vmem>> -> memref<1x80xi32, #tpu.memory_space<vmem>>
      %dma_start3A_1104 = tpu.memref_squeeze %dma_start3A_1103 : memref<1x80xi32, #tpu.memory_space<vmem>> -> memref<80xi32, #tpu.memory_space<vmem>>
      %dma_start3A_1105 = tpu.memref_slice %arg3[%add3A_1099] : memref<320000xi32, #tpu.memory_space<hbm>> -> memref<80xi32, #tpu.memory_space<hbm>>
      %dma_start3A_1106 = tpu.memref_slice %arg10[%dma_start3A_1101] : memref<4x!tpu.dma_semaphore, #tpu.memory_space<semaphore_mem>> -> memref<1x!tpu.dma_semaphore, #tpu.memory_space<semaphore_mem>>
      %dma_start3A_1107 = tpu.memref_squeeze %dma_start3A_1106 : memref<1x!tpu.dma_semaphore, #tpu.memory_space<semaphore_mem>> -> memref<!tpu.dma_semaphore, #tpu.memory_space<semaphore_mem>>
      %dma_start3A_1108 = arith.constant 0 : i32
      %dma_start3A_1109 = tpu.memref_slice %arg7[%dma_start3A_1100, %dma_start3A_1108] : memref<4x80xi32, #tpu.memory_space<vmem>> -> memref<1x80xi32, #tpu.memory_space<vmem>>
      %dma_start3A_1110 = tpu.memref_squeeze %dma_start3A_1109 : memref<1x80xi32, #tpu.memory_space<vmem>> -> memref<80xi32, #tpu.memory_space<vmem>>
      %dma_start3A_1111 = tpu.memref_slice %arg3[%add3A_1099] : memref<320000xi32, #tpu.memory_space<hbm>> -> memref<80xi32, #tpu.memory_space<hbm>>
      tpu.enqueue_dma source(%dma_start3A_1111 : memref<80xi32, #tpu.memory_space<hbm>>) target(%dma_start3A_1110 : memref<80xi32, #tpu.memory_space<vmem>>) target_semaphore(%dma_start3A_1107 : memref<!tpu.dma_semaphore, #tpu.memory_space<semaphore_mem>>)
      %dma_start3A_1112 = arith.constant 1 : i32
      %dma_start3A_1113 = arith.constant 1 : i32
      %dma_start3A_1114 = arith.constant 0 : i32
      %dma_start3A_1115 = tpu.memref_slice %arg8[%dma_start3A_1112, %dma_start3A_1114] : memref<4x80xi32, #tpu.memory_space<vmem>> -> memref<1x80xi32, #tpu.memory_space<vmem>>
      %dma_start3A_1116 = tpu.memref_squeeze %dma_start3A_1115 : memref<1x80xi32, #tpu.memory_space<vmem>> -> memref<80xi32, #tpu.memory_space<vmem>>
      %dma_start3A_1117 = tpu.memref_slice %arg4[%add3A_1099] : memref<320000xi32, #tpu.memory_space<hbm>> -> memref<80xi32, #tpu.memory_space<hbm>>
      %dma_start3A_1118 = tpu.memref_slice %arg11[%dma_start3A_1113] : memref<4x!tpu.dma_semaphore, #tpu.memory_space<semaphore_mem>> -> memref<1x!tpu.dma_semaphore, #tpu.memory_space<semaphore_mem>>
      %dma_start3A_1119 = tpu.memref_squeeze %dma_start3A_1118 : memref<1x!tpu.dma_semaphore, #tpu.memory_space<semaphore_mem>> -> memref<!tpu.dma_semaphore, #tpu.memory_space<semaphore_mem>>
      %dma_start3A_1120 = arith.constant 0 : i32
      %dma_start3A_1121 = tpu.memref_slice %arg8[%dma_start3A_1112, %dma_start3A_1120] : memref<4x80xi32, #tpu.memory_space<vmem>> -> memref<1x80xi32, #tpu.memory_space<vmem>>
      %dma_start3A_1122 = tpu.memref_squeeze %dma_start3A_1121 : memref<1x80xi32, #tpu.memory_space<vmem>> -> memref<80xi32, #tpu.memory_space<vmem>>
      %dma_start3A_1123 = tpu.memref_slice %arg4[%add3A_1099] : memref<320000xi32, #tpu.memory_space<hbm>> -> memref<80xi32, #tpu.memory_space<hbm>>
      tpu.enqueue_dma source(%dma_start3A_1123 : memref<80xi32, #tpu.memory_space<hbm>>) target(%dma_start3A_1122 : memref<80xi32, #tpu.memory_space<vmem>>) target_semaphore(%dma_start3A_1119 : memref<!tpu.dma_semaphore, #tpu.memory_space<semaphore_mem>>)
      %dma_wait3A_1124 = arith.constant 0 : i32
      %dma_wait3A_1125 = arith.constant 0 : i32
      %dma_wait3A_1126 = arith.constant 0 : i32
      %dma_wait3A_1127 = tpu.memref_slice %arg7[%dma_wait3A_1124, %dma_wait3A_1126] : memref<4x80xi32, #tpu.memory_space<vmem>> -> memref<1x80xi32, #tpu.memory_space<vmem>>
      %dma_wait3A_1128 = tpu.memref_squeeze %dma_wait3A_1127 : memref<1x80xi32, #tpu.memory_space<vmem>> -> memref<80xi32, #tpu.memory_space<vmem>>
      %dma_wait3A_1129 = arith.constant 0 : i32
      %dma_wait3A_1130 = tpu.memref_slice %arg3[%dma_wait3A_1129] : memref<320000xi32, #tpu.memory_space<hbm>> -> memref<80xi32, #tpu.memory_space<hbm>>
      %dma_wait3A_1131 = tpu.memref_slice %arg10[%dma_wait3A_1125] : memref<4x!tpu.dma_semaphore, #tpu.memory_space<semaphore_mem>> -> memref<1x!tpu.dma_semaphore, #tpu.memory_space<semaphore_mem>>
      %dma_wait3A_1132 = tpu.memref_squeeze %dma_wait3A_1131 : memref<1x!tpu.dma_semaphore, #tpu.memory_space<semaphore_mem>> -> memref<!tpu.dma_semaphore, #tpu.memory_space<semaphore_mem>>
      %dma_wait3A_1133 = arith.constant 0 : i32
      %dma_wait3A_1134 = tpu.memref_slice %arg7[%dma_wait3A_1124, %dma_wait3A_1133] : memref<4x80xi32, #tpu.memory_space<vmem>> -> memref<1x80xi32, #tpu.memory_space<vmem>>
      %dma_wait3A_1135 = tpu.memref_squeeze %dma_wait3A_1134 : memref<1x80xi32, #tpu.memory_space<vmem>> -> memref<80xi32, #tpu.memory_space<vmem>>
      %dma_wait3A_1136 = arith.constant 0 : i32
      %dma_wait3A_1137 = tpu.memref_slice %arg3[%dma_wait3A_1136] : memref<320000xi32, #tpu.memory_space<hbm>> -> memref<80xi32, #tpu.memory_space<hbm>>
      tpu.wait_dma2 semaphore(%dma_wait3A_1132 : memref<!tpu.dma_semaphore, #tpu.memory_space<semaphore_mem>>) src(%dma_wait3A_1137 : memref<80xi32, #tpu.memory_space<hbm>>) dst(%dma_wait3A_1135 : memref<80xi32, #tpu.memory_space<vmem>>)
      %dma_wait3A_1138 = arith.constant 0 : i32
      %dma_wait3A_1139 = arith.constant 0 : i32
      %dma_wait3A_1140 = arith.constant 0 : i32
      %dma_wait3A_1141 = tpu.memref_slice %arg8[%dma_wait3A_1138, %dma_wait3A_1140] : memref<4x80xi32, #tpu.memory_space<vmem>> -> memref<1x80xi32, #tpu.memory_space<vmem>>
      %dma_wait3A_1142 = tpu.memref_squeeze %dma_wait3A_1141 : memref<1x80xi32, #tpu.memory_space<vmem>> -> memref<80xi32, #tpu.memory_space<vmem>>
      %dma_wait3A_1143 = arith.constant 0 : i32
      %dma_wait3A_1144 = tpu.memref_slice %arg4[%dma_wait3A_1143] : memref<320000xi32, #tpu.memory_space<hbm>> -> memref<80xi32, #tpu.memory_space<hbm>>
      %dma_wait3A_1145 = tpu.memref_slice %arg11[%dma_wait3A_1139] : memref<4x!tpu.dma_semaphore, #tpu.memory_space<semaphore_mem>> -> memref<1x!tpu.dma_semaphore, #tpu.memory_space<semaphore_mem>>
      %dma_wait3A_1146 = tpu.memref_squeeze %dma_wait3A_1145 : memref<1x!tpu.dma_semaphore, #tpu.memory_space<semaphore_mem>> -> memref<!tpu.dma_semaphore, #tpu.memory_space<semaphore_mem>>
      %dma_wait3A_1147 = arith.constant 0 : i32
      %dma_wait3A_1148 = tpu.memref_slice %arg8[%dma_wait3A_1138, %dma_wait3A_1147] : memref<4x80xi32, #tpu.memory_space<vmem>> -> memref<1x80xi32, #tpu.memory_space<vmem>>
      %dma_wait3A_1149 = tpu.memref_squeeze %dma_wait3A_1148 : memref<1x80xi32, #tpu.memory_space<vmem>> -> memref<80xi32, #tpu.memory_space<vmem>>
      %dma_wait3A_1150 = arith.constant 0 : i32
      %dma_wait3A_1151 = tpu.memref_slice %arg4[%dma_wait3A_1150] : memref<320000xi32, #tpu.memory_space<hbm>> -> memref<80xi32, #tpu.memory_space<hbm>>
      tpu.wait_dma2 semaphore(%dma_wait3A_1146 : memref<!tpu.dma_semaphore, #tpu.memory_space<semaphore_mem>>) src(%dma_wait3A_1151 : memref<80xi32, #tpu.memory_space<hbm>>) dst(%dma_wait3A_1149 : memref<80xi32, #tpu.memory_space<vmem>>)
      %dma_start3A_1152 = arith.constant 0 : i32
      %dma_start3A_1153 = arith.constant 0 : i32
      %dma_start3A_1154 = arith.constant 0 : i32
      %dma_start3A_1155 = arith.constant 0 : i32
      %dma_start3A_1156 = arith.constant 0 : i32
      %dma_start3A_1157 = tpu.memref_slice %arg6[%dma_start3A_1153, %dma_start3A_1155, %dma_start3A_1156] : memref<4x80x128xf32, #tpu.memory_space<vmem>> -> memref<1x80x128xf32, #tpu.memory_space<vmem>>
      %dma_start3A_1158 = tpu.memref_squeeze %dma_start3A_1157 : memref<1x80x128xf32, #tpu.memory_space<vmem>> -> memref<80x128xf32, #tpu.memory_space<vmem>>
      %dma_start3A_1159 = arith.constant 0 : i32
      %dma_start3A_1160 = tpu.memref_slice %arg7[%dma_start3A_1152, %dma_start3A_1159] : memref<4x80xi32, #tpu.memory_space<vmem>> -> memref<1x80xi32, #tpu.memory_space<vmem>>
      %dma_start3A_1161 = tpu.memref_squeeze %dma_start3A_1160 : memref<1x80xi32, #tpu.memory_space<vmem>> -> memref<80xi32, #tpu.memory_space<vmem>>
      %dma_start3A_1162 = arith.constant 0 : i32
      %dma_start3A_1163 = arith.constant 0 : i32
      %dma_start3A_1164 = tpu.memref_slice %arg2[%dma_start3A_1162, %dma_start3A_1163] : memref<10000x128xf32, #tpu.memory_space<hbm>> -> memref<10000x128xf32, #tpu.memory_space<hbm>>
      %dma_start3A_1165 = tpu.memref_slice %arg12[%dma_start3A_1154] : memref<4x!tpu.dma_semaphore, #tpu.memory_space<semaphore_mem>> -> memref<1x!tpu.dma_semaphore, #tpu.memory_space<semaphore_mem>>
      %dma_start3A_1166 = tpu.memref_squeeze %dma_start3A_1165 : memref<1x!tpu.dma_semaphore, #tpu.memory_space<semaphore_mem>> -> memref<!tpu.dma_semaphore, #tpu.memory_space<semaphore_mem>>
      tpu.enqueue_indirect_dma source(%dma_start3A_1164 : memref<10000x128xf32, #tpu.memory_space<hbm>>) target(%dma_start3A_1158 : memref<80x128xf32, #tpu.memory_space<vmem>>) offsets(%dma_start3A_1161 : memref<80xi32, #tpu.memory_space<vmem>>) semaphore(%dma_start3A_1166 : memref<!tpu.dma_semaphore, #tpu.memory_space<semaphore_mem>>)
      %dma_wait3A_1167 = arith.constant 2 : i32
      %dma_wait3A_1168 = arith.constant 2 : i32
      %dma_wait3A_1169 = arith.constant 2 : i32
      %dma_wait3A_1170 = arith.constant 0 : i32
      %dma_wait3A_1171 = arith.constant 0 : i32
      %dma_wait3A_1172 = tpu.memref_slice %arg6[%dma_wait3A_1168, %dma_wait3A_1170, %dma_wait3A_1171] : memref<4x80x128xf32, #tpu.memory_space<vmem>> -> memref<1x80x128xf32, #tpu.memory_space<vmem>>
      %dma_wait3A_1173 = tpu.memref_squeeze %dma_wait3A_1172 : memref<1x80x128xf32, #tpu.memory_space<vmem>> -> memref<80x128xf32, #tpu.memory_space<vmem>>
      %dma_wait3A_1174 = arith.constant 0 : i32
      %dma_wait3A_1175 = tpu.memref_slice %arg7[%dma_wait3A_1167, %dma_wait3A_1174] : memref<4x80xi32, #tpu.memory_space<vmem>> -> memref<1x80xi32, #tpu.memory_space<vmem>>
      %dma_wait3A_1176 = tpu.memref_squeeze %dma_wait3A_1175 : memref<1x80xi32, #tpu.memory_space<vmem>> -> memref<80xi32, #tpu.memory_space<vmem>>
      %dma_wait3A_1177 = arith.constant 0 : i32
      %dma_wait3A_1178 = arith.constant 0 : i32
      %dma_wait3A_1179 = tpu.memref_slice %arg2[%dma_wait3A_1177, %dma_wait3A_1178] : memref<10000x128xf32, #tpu.memory_space<hbm>> -> memref<10000x128xf32, #tpu.memory_space<hbm>>
      %dma_wait3A_1180 = tpu.memref_slice %arg12[%dma_wait3A_1169] : memref<4x!tpu.dma_semaphore, #tpu.memory_space<semaphore_mem>> -> memref<1x!tpu.dma_semaphore, #tpu.memory_space<semaphore_mem>>
      %dma_wait3A_1181 = tpu.memref_squeeze %dma_wait3A_1180 : memref<1x!tpu.dma_semaphore, #tpu.memory_space<semaphore_mem>> -> memref<!tpu.dma_semaphore, #tpu.memory_space<semaphore_mem>>
      tpu.wait_indirect_dma semaphore(%dma_wait3A_1181 : memref<!tpu.dma_semaphore, #tpu.memory_space<semaphore_mem>>) src(%dma_wait3A_1179 : memref<10000x128xf32, #tpu.memory_space<hbm>>) dst(%dma_wait3A_1173 : memref<80x128xf32, #tpu.memory_space<vmem>>)
      %dma_start3A_1182 = arith.constant 2 : i32
      %dma_start3A_1183 = arith.constant 2 : i32
      %dma_start3A_1184 = arith.constant 2 : i32
      %dma_start3A_1185 = arith.constant 0 : i32
      %dma_start3A_1186 = arith.constant 0 : i32
      %dma_start3A_1187 = tpu.memref_slice %arg6[%dma_start3A_1182, %dma_start3A_1185, %dma_start3A_1186] : memref<4x80x128xf32, #tpu.memory_space<vmem>> -> memref<1x80x128xf32, #tpu.memory_space<vmem>>
      %dma_start3A_1188 = tpu.memref_squeeze %dma_start3A_1187 : memref<1x80x128xf32, #tpu.memory_space<vmem>> -> memref<80x128xf32, #tpu.memory_space<vmem>>
      %dma_start3A_1189 = arith.constant 0 : i32
      %dma_start3A_1190 = tpu.memref_slice %arg8[%dma_start3A_1183, %dma_start3A_1189] : memref<4x80xi32, #tpu.memory_space<vmem>> -> memref<1x80xi32, #tpu.memory_space<vmem>>
      %dma_start3A_1191 = tpu.memref_squeeze %dma_start3A_1190 : memref<1x80xi32, #tpu.memory_space<vmem>> -> memref<80xi32, #tpu.memory_space<vmem>>
      %dma_start3A_1192 = arith.constant 0 : i32
      %dma_start3A_1193 = arith.constant 0 : i32
      %dma_start3A_1194 = tpu.memref_slice %arg9[%dma_start3A_1192, %dma_start3A_1193] : memref<10112x128xf32, #tpu.memory_space<vmem_shared>> -> memref<10112x128xf32, #tpu.memory_space<vmem_shared>>
      %dma_start3A_1195 = tpu.memref_slice %arg13[%dma_start3A_1184] : memref<4x!tpu.dma_semaphore, #tpu.memory_space<semaphore_mem>> -> memref<1x!tpu.dma_semaphore, #tpu.memory_space<semaphore_mem>>
      %dma_start3A_1196 = tpu.memref_squeeze %dma_start3A_1195 : memref<1x!tpu.dma_semaphore, #tpu.memory_space<semaphore_mem>> -> memref<!tpu.dma_semaphore, #tpu.memory_space<semaphore_mem>>
      tpu.enqueue_indirect_dma source(%dma_start3A_1188 : memref<80x128xf32, #tpu.memory_space<vmem>>) target(%dma_start3A_1194 : memref<10112x128xf32, #tpu.memory_space<vmem_shared>>) offsets(%dma_start3A_1191 : memref<80xi32, #tpu.memory_space<vmem>>) semaphore(%dma_start3A_1196 : memref<!tpu.dma_semaphore, #tpu.memory_space<semaphore_mem>>) {add = true}
      %mul3A_1197 = arith.constant 4 : i32
      %mul3A_1198 = arith.muli %scan3A_818, %mul3A_1197 : i32
      %add3A_1199 = arith.constant 3 : i32
      %add3A_1200 = arith.addi %mul3A_1198, %add3A_1199 : i32
      %dma_wait3A_1201 = arith.constant 2 : i32
      %dma_wait3A_1202 = arith.constant 2 : i32
      %dma_wait3A_1203 = arith.constant 2 : i32
      %dma_wait3A_1204 = arith.constant 0 : i32
      %dma_wait3A_1205 = arith.constant 0 : i32
      %dma_wait3A_1206 = tpu.memref_slice %arg6[%dma_wait3A_1201, %dma_wait3A_1204, %dma_wait3A_1205] : memref<4x80x128xf32, #tpu.memory_space<vmem>> -> memref<1x80x128xf32, #tpu.memory_space<vmem>>
      %dma_wait3A_1207 = tpu.memref_squeeze %dma_wait3A_1206 : memref<1x80x128xf32, #tpu.memory_space<vmem>> -> memref<80x128xf32, #tpu.memory_space<vmem>>
      %dma_wait3A_1208 = arith.constant 0 : i32
      %dma_wait3A_1209 = tpu.memref_slice %arg8[%dma_wait3A_1202, %dma_wait3A_1208] : memref<4x80xi32, #tpu.memory_space<vmem>> -> memref<1x80xi32, #tpu.memory_space<vmem>>
      %dma_wait3A_1210 = tpu.memref_squeeze %dma_wait3A_1209 : memref<1x80xi32, #tpu.memory_space<vmem>> -> memref<80xi32, #tpu.memory_space<vmem>>
      %dma_wait3A_1211 = arith.constant 0 : i32
      %dma_wait3A_1212 = arith.constant 0 : i32
      %dma_wait3A_1213 = tpu.memref_slice %arg9[%dma_wait3A_1211, %dma_wait3A_1212] : memref<10112x128xf32, #tpu.memory_space<vmem_shared>> -> memref<10112x128xf32, #tpu.memory_space<vmem_shared>>
      %dma_wait3A_1214 = tpu.memref_slice %arg13[%dma_wait3A_1203] : memref<4x!tpu.dma_semaphore, #tpu.memory_space<semaphore_mem>> -> memref<1x!tpu.dma_semaphore, #tpu.memory_space<semaphore_mem>>
      %dma_wait3A_1215 = tpu.memref_squeeze %dma_wait3A_1214 : memref<1x!tpu.dma_semaphore, #tpu.memory_space<semaphore_mem>> -> memref<!tpu.dma_semaphore, #tpu.memory_space<semaphore_mem>>
      tpu.wait_indirect_dma semaphore(%dma_wait3A_1215 : memref<!tpu.dma_semaphore, #tpu.memory_space<semaphore_mem>>) src(%dma_wait3A_1207 : memref<80x128xf32, #tpu.memory_space<vmem>>) dst(%dma_wait3A_1213 : memref<10112x128xf32, #tpu.memory_space<vmem_shared>>)
      %add3A_1216 = arith.constant 3 : i32
      %add3A_1217 = arith.addi %add3A_1200, %add3A_1216 : i32
      %min3A_1218 = arith.constant 124 : i32
      %min3A_1219 = arith.minsi %add3A_1217, %min3A_1218 : i32
      %mul3A_1220 = arith.constant 10000 : i32
      %mul3A_1221 = arith.muli %add3A, %mul3A_1220 : i32
      %multiple_of3A_1222 = tpu.assume_multiple %mul3A_1221, 8 : i32
      %mul3A_1223 = arith.constant 80 : i32
      %mul3A_1224 = arith.muli %min3A_1219, %mul3A_1223 : i32
      %add3A_1225 = arith.addi %multiple_of3A_1222, %mul3A_1224 : i32
      %dma_start3A_1226 = arith.constant 2 : i32
      %dma_start3A_1227 = arith.constant 2 : i32
      %dma_start3A_1228 = arith.constant 0 : i32
      %dma_start3A_1229 = tpu.memref_slice %arg7[%dma_start3A_1226, %dma_start3A_1228] : memref<4x80xi32, #tpu.memory_space<vmem>> -> memref<1x80xi32, #tpu.memory_space<vmem>>
      %dma_start3A_1230 = tpu.memref_squeeze %dma_start3A_1229 : memref<1x80xi32, #tpu.memory_space<vmem>> -> memref<80xi32, #tpu.memory_space<vmem>>
      %dma_start3A_1231 = tpu.memref_slice %arg3[%add3A_1225] : memref<320000xi32, #tpu.memory_space<hbm>> -> memref<80xi32, #tpu.memory_space<hbm>>
      %dma_start3A_1232 = tpu.memref_slice %arg10[%dma_start3A_1227] : memref<4x!tpu.dma_semaphore, #tpu.memory_space<semaphore_mem>> -> memref<1x!tpu.dma_semaphore, #tpu.memory_space<semaphore_mem>>
      %dma_start3A_1233 = tpu.memref_squeeze %dma_start3A_1232 : memref<1x!tpu.dma_semaphore, #tpu.memory_space<semaphore_mem>> -> memref<!tpu.dma_semaphore, #tpu.memory_space<semaphore_mem>>
      %dma_start3A_1234 = arith.constant 0 : i32
      %dma_start3A_1235 = tpu.memref_slice %arg7[%dma_start3A_1226, %dma_start3A_1234] : memref<4x80xi32, #tpu.memory_space<vmem>> -> memref<1x80xi32, #tpu.memory_space<vmem>>
      %dma_start3A_1236 = tpu.memref_squeeze %dma_start3A_1235 : memref<1x80xi32, #tpu.memory_space<vmem>> -> memref<80xi32, #tpu.memory_space<vmem>>
      %dma_start3A_1237 = tpu.memref_slice %arg3[%add3A_1225] : memref<320000xi32, #tpu.memory_space<hbm>> -> memref<80xi32, #tpu.memory_space<hbm>>
      tpu.enqueue_dma source(%dma_start3A_1237 : memref<80xi32, #tpu.memory_space<hbm>>) target(%dma_start3A_1236 : memref<80xi32, #tpu.memory_space<vmem>>) target_semaphore(%dma_start3A_1233 : memref<!tpu.dma_semaphore, #tpu.memory_space<semaphore_mem>>)
      %dma_start3A_1238 = arith.constant 2 : i32
      %dma_start3A_1239 = arith.constant 2 : i32
      %dma_start3A_1240 = arith.constant 0 : i32
      %dma_start3A_1241 = tpu.memref_slice %arg8[%dma_start3A_1238, %dma_start3A_1240] : memref<4x80xi32, #tpu.memory_space<vmem>> -> memref<1x80xi32, #tpu.memory_space<vmem>>
      %dma_start3A_1242 = tpu.memref_squeeze %dma_start3A_1241 : memref<1x80xi32, #tpu.memory_space<vmem>> -> memref<80xi32, #tpu.memory_space<vmem>>
      %dma_start3A_1243 = tpu.memref_slice %arg4[%add3A_1225] : memref<320000xi32, #tpu.memory_space<hbm>> -> memref<80xi32, #tpu.memory_space<hbm>>
      %dma_start3A_1244 = tpu.memref_slice %arg11[%dma_start3A_1239] : memref<4x!tpu.dma_semaphore, #tpu.memory_space<semaphore_mem>> -> memref<1x!tpu.dma_semaphore, #tpu.memory_space<semaphore_mem>>
      %dma_start3A_1245 = tpu.memref_squeeze %dma_start3A_1244 : memref<1x!tpu.dma_semaphore, #tpu.memory_space<semaphore_mem>> -> memref<!tpu.dma_semaphore, #tpu.memory_space<semaphore_mem>>
      %dma_start3A_1246 = arith.constant 0 : i32
      %dma_start3A_1247 = tpu.memref_slice %arg8[%dma_start3A_1238, %dma_start3A_1246] : memref<4x80xi32, #tpu.memory_space<vmem>> -> memref<1x80xi32, #tpu.memory_space<vmem>>
      %dma_start3A_1248 = tpu.memref_squeeze %dma_start3A_1247 : memref<1x80xi32, #tpu.memory_space<vmem>> -> memref<80xi32, #tpu.memory_space<vmem>>
      %dma_start3A_1249 = tpu.memref_slice %arg4[%add3A_1225] : memref<320000xi32, #tpu.memory_space<hbm>> -> memref<80xi32, #tpu.memory_space<hbm>>
      tpu.enqueue_dma source(%dma_start3A_1249 : memref<80xi32, #tpu.memory_space<hbm>>) target(%dma_start3A_1248 : memref<80xi32, #tpu.memory_space<vmem>>) target_semaphore(%dma_start3A_1245 : memref<!tpu.dma_semaphore, #tpu.memory_space<semaphore_mem>>)
      %dma_wait3A_1250 = arith.constant 1 : i32
      %dma_wait3A_1251 = arith.constant 1 : i32
      %dma_wait3A_1252 = arith.constant 0 : i32
      %dma_wait3A_1253 = tpu.memref_slice %arg7[%dma_wait3A_1250, %dma_wait3A_1252] : memref<4x80xi32, #tpu.memory_space<vmem>> -> memref<1x80xi32, #tpu.memory_space<vmem>>
      %dma_wait3A_1254 = tpu.memref_squeeze %dma_wait3A_1253 : memref<1x80xi32, #tpu.memory_space<vmem>> -> memref<80xi32, #tpu.memory_space<vmem>>
      %dma_wait3A_1255 = arith.constant 0 : i32
      %dma_wait3A_1256 = tpu.memref_slice %arg3[%dma_wait3A_1255] : memref<320000xi32, #tpu.memory_space<hbm>> -> memref<80xi32, #tpu.memory_space<hbm>>
      %dma_wait3A_1257 = tpu.memref_slice %arg10[%dma_wait3A_1251] : memref<4x!tpu.dma_semaphore, #tpu.memory_space<semaphore_mem>> -> memref<1x!tpu.dma_semaphore, #tpu.memory_space<semaphore_mem>>
      %dma_wait3A_1258 = tpu.memref_squeeze %dma_wait3A_1257 : memref<1x!tpu.dma_semaphore, #tpu.memory_space<semaphore_mem>> -> memref<!tpu.dma_semaphore, #tpu.memory_space<semaphore_mem>>
      %dma_wait3A_1259 = arith.constant 0 : i32
      %dma_wait3A_1260 = tpu.memref_slice %arg7[%dma_wait3A_1250, %dma_wait3A_1259] : memref<4x80xi32, #tpu.memory_space<vmem>> -> memref<1x80xi32, #tpu.memory_space<vmem>>
      %dma_wait3A_1261 = tpu.memref_squeeze %dma_wait3A_1260 : memref<1x80xi32, #tpu.memory_space<vmem>> -> memref<80xi32, #tpu.memory_space<vmem>>
      %dma_wait3A_1262 = arith.constant 0 : i32
      %dma_wait3A_1263 = tpu.memref_slice %arg3[%dma_wait3A_1262] : memref<320000xi32, #tpu.memory_space<hbm>> -> memref<80xi32, #tpu.memory_space<hbm>>
      tpu.wait_dma2 semaphore(%dma_wait3A_1258 : memref<!tpu.dma_semaphore, #tpu.memory_space<semaphore_mem>>) src(%dma_wait3A_1263 : memref<80xi32, #tpu.memory_space<hbm>>) dst(%dma_wait3A_1261 : memref<80xi32, #tpu.memory_space<vmem>>)
      %dma_wait3A_1264 = arith.constant 1 : i32
      %dma_wait3A_1265 = arith.constant 1 : i32
      %dma_wait3A_1266 = arith.constant 0 : i32
      %dma_wait3A_1267 = tpu.memref_slice %arg8[%dma_wait3A_1264, %dma_wait3A_1266] : memref<4x80xi32, #tpu.memory_space<vmem>> -> memref<1x80xi32, #tpu.memory_space<vmem>>
      %dma_wait3A_1268 = tpu.memref_squeeze %dma_wait3A_1267 : memref<1x80xi32, #tpu.memory_space<vmem>> -> memref<80xi32, #tpu.memory_space<vmem>>
      %dma_wait3A_1269 = arith.constant 0 : i32
      %dma_wait3A_1270 = tpu.memref_slice %arg4[%dma_wait3A_1269] : memref<320000xi32, #tpu.memory_space<hbm>> -> memref<80xi32, #tpu.memory_space<hbm>>
      %dma_wait3A_1271 = tpu.memref_slice %arg11[%dma_wait3A_1265] : memref<4x!tpu.dma_semaphore, #tpu.memory_space<semaphore_mem>> -> memref<1x!tpu.dma_semaphore, #tpu.memory_space<semaphore_mem>>
      %dma_wait3A_1272 = tpu.memref_squeeze %dma_wait3A_1271 : memref<1x!tpu.dma_semaphore, #tpu.memory_space<semaphore_mem>> -> memref<!tpu.dma_semaphore, #tpu.memory_space<semaphore_mem>>
      %dma_wait3A_1273 = arith.constant 0 : i32
      %dma_wait3A_1274 = tpu.memref_slice %arg8[%dma_wait3A_1264, %dma_wait3A_1273] : memref<4x80xi32, #tpu.memory_space<vmem>> -> memref<1x80xi32, #tpu.memory_space<vmem>>
      %dma_wait3A_1275 = tpu.memref_squeeze %dma_wait3A_1274 : memref<1x80xi32, #tpu.memory_space<vmem>> -> memref<80xi32, #tpu.memory_space<vmem>>
      %dma_wait3A_1276 = arith.constant 0 : i32
      %dma_wait3A_1277 = tpu.memref_slice %arg4[%dma_wait3A_1276] : memref<320000xi32, #tpu.memory_space<hbm>> -> memref<80xi32, #tpu.memory_space<hbm>>
      tpu.wait_dma2 semaphore(%dma_wait3A_1272 : memref<!tpu.dma_semaphore, #tpu.memory_space<semaphore_mem>>) src(%dma_wait3A_1277 : memref<80xi32, #tpu.memory_space<hbm>>) dst(%dma_wait3A_1275 : memref<80xi32, #tpu.memory_space<vmem>>)
      %dma_start3A_1278 = arith.constant 1 : i32
      %dma_start3A_1279 = arith.constant 1 : i32
      %dma_start3A_1280 = arith.constant 1 : i32
      %dma_start3A_1281 = arith.constant 0 : i32
      %dma_start3A_1282 = arith.constant 0 : i32
      %dma_start3A_1283 = tpu.memref_slice %arg6[%dma_start3A_1279, %dma_start3A_1281, %dma_start3A_1282] : memref<4x80x128xf32, #tpu.memory_space<vmem>> -> memref<1x80x128xf32, #tpu.memory_space<vmem>>
      %dma_start3A_1284 = tpu.memref_squeeze %dma_start3A_1283 : memref<1x80x128xf32, #tpu.memory_space<vmem>> -> memref<80x128xf32, #tpu.memory_space<vmem>>
      %dma_start3A_1285 = arith.constant 0 : i32
      %dma_start3A_1286 = tpu.memref_slice %arg7[%dma_start3A_1278, %dma_start3A_1285] : memref<4x80xi32, #tpu.memory_space<vmem>> -> memref<1x80xi32, #tpu.memory_space<vmem>>
      %dma_start3A_1287 = tpu.memref_squeeze %dma_start3A_1286 : memref<1x80xi32, #tpu.memory_space<vmem>> -> memref<80xi32, #tpu.memory_space<vmem>>
      %dma_start3A_1288 = arith.constant 0 : i32
      %dma_start3A_1289 = arith.constant 0 : i32
      %dma_start3A_1290 = tpu.memref_slice %arg2[%dma_start3A_1288, %dma_start3A_1289] : memref<10000x128xf32, #tpu.memory_space<hbm>> -> memref<10000x128xf32, #tpu.memory_space<hbm>>
      %dma_start3A_1291 = tpu.memref_slice %arg12[%dma_start3A_1280] : memref<4x!tpu.dma_semaphore, #tpu.memory_space<semaphore_mem>> -> memref<1x!tpu.dma_semaphore, #tpu.memory_space<semaphore_mem>>
      %dma_start3A_1292 = tpu.memref_squeeze %dma_start3A_1291 : memref<1x!tpu.dma_semaphore, #tpu.memory_space<semaphore_mem>> -> memref<!tpu.dma_semaphore, #tpu.memory_space<semaphore_mem>>
      tpu.enqueue_indirect_dma source(%dma_start3A_1290 : memref<10000x128xf32, #tpu.memory_space<hbm>>) target(%dma_start3A_1284 : memref<80x128xf32, #tpu.memory_space<vmem>>) offsets(%dma_start3A_1287 : memref<80xi32, #tpu.memory_space<vmem>>) semaphore(%dma_start3A_1292 : memref<!tpu.dma_semaphore, #tpu.memory_space<semaphore_mem>>)
      %dma_wait3A_1293 = arith.constant 3 : i32
      %dma_wait3A_1294 = arith.constant 3 : i32
      %dma_wait3A_1295 = arith.constant 3 : i32
      %dma_wait3A_1296 = arith.constant 0 : i32
      %dma_wait3A_1297 = arith.constant 0 : i32
      %dma_wait3A_1298 = tpu.memref_slice %arg6[%dma_wait3A_1294, %dma_wait3A_1296, %dma_wait3A_1297] : memref<4x80x128xf32, #tpu.memory_space<vmem>> -> memref<1x80x128xf32, #tpu.memory_space<vmem>>
      %dma_wait3A_1299 = tpu.memref_squeeze %dma_wait3A_1298 : memref<1x80x128xf32, #tpu.memory_space<vmem>> -> memref<80x128xf32, #tpu.memory_space<vmem>>
      %dma_wait3A_1300 = arith.constant 0 : i32
      %dma_wait3A_1301 = tpu.memref_slice %arg7[%dma_wait3A_1293, %dma_wait3A_1300] : memref<4x80xi32, #tpu.memory_space<vmem>> -> memref<1x80xi32, #tpu.memory_space<vmem>>
      %dma_wait3A_1302 = tpu.memref_squeeze %dma_wait3A_1301 : memref<1x80xi32, #tpu.memory_space<vmem>> -> memref<80xi32, #tpu.memory_space<vmem>>
      %dma_wait3A_1303 = arith.constant 0 : i32
      %dma_wait3A_1304 = arith.constant 0 : i32
      %dma_wait3A_1305 = tpu.memref_slice %arg2[%dma_wait3A_1303, %dma_wait3A_1304] : memref<10000x128xf32, #tpu.memory_space<hbm>> -> memref<10000x128xf32, #tpu.memory_space<hbm>>
      %dma_wait3A_1306 = tpu.memref_slice %arg12[%dma_wait3A_1295] : memref<4x!tpu.dma_semaphore, #tpu.memory_space<semaphore_mem>> -> memref<1x!tpu.dma_semaphore, #tpu.memory_space<semaphore_mem>>
      %dma_wait3A_1307 = tpu.memref_squeeze %dma_wait3A_1306 : memref<1x!tpu.dma_semaphore, #tpu.memory_space<semaphore_mem>> -> memref<!tpu.dma_semaphore, #tpu.memory_space<semaphore_mem>>
      tpu.wait_indirect_dma semaphore(%dma_wait3A_1307 : memref<!tpu.dma_semaphore, #tpu.memory_space<semaphore_mem>>) src(%dma_wait3A_1305 : memref<10000x128xf32, #tpu.memory_space<hbm>>) dst(%dma_wait3A_1299 : memref<80x128xf32, #tpu.memory_space<vmem>>)
      %dma_start3A_1308 = arith.constant 3 : i32
      %dma_start3A_1309 = arith.constant 3 : i32
      %dma_start3A_1310 = arith.constant 3 : i32
      %dma_start3A_1311 = arith.constant 0 : i32
      %dma_start3A_1312 = arith.constant 0 : i32
      %dma_start3A_1313 = tpu.memref_slice %arg6[%dma_start3A_1308, %dma_start3A_1311, %dma_start3A_1312] : memref<4x80x128xf32, #tpu.memory_space<vmem>> -> memref<1x80x128xf32, #tpu.memory_space<vmem>>
      %dma_start3A_1314 = tpu.memref_squeeze %dma_start3A_1313 : memref<1x80x128xf32, #tpu.memory_space<vmem>> -> memref<80x128xf32, #tpu.memory_space<vmem>>
      %dma_start3A_1315 = arith.constant 0 : i32
      %dma_start3A_1316 = tpu.memref_slice %arg8[%dma_start3A_1309, %dma_start3A_1315] : memref<4x80xi32, #tpu.memory_space<vmem>> -> memref<1x80xi32, #tpu.memory_space<vmem>>
      %dma_start3A_1317 = tpu.memref_squeeze %dma_start3A_1316 : memref<1x80xi32, #tpu.memory_space<vmem>> -> memref<80xi32, #tpu.memory_space<vmem>>
      %dma_start3A_1318 = arith.constant 0 : i32
      %dma_start3A_1319 = arith.constant 0 : i32
      %dma_start3A_1320 = tpu.memref_slice %arg9[%dma_start3A_1318, %dma_start3A_1319] : memref<10112x128xf32, #tpu.memory_space<vmem_shared>> -> memref<10112x128xf32, #tpu.memory_space<vmem_shared>>
      %dma_start3A_1321 = tpu.memref_slice %arg13[%dma_start3A_1310] : memref<4x!tpu.dma_semaphore, #tpu.memory_space<semaphore_mem>> -> memref<1x!tpu.dma_semaphore, #tpu.memory_space<semaphore_mem>>
      %dma_start3A_1322 = tpu.memref_squeeze %dma_start3A_1321 : memref<1x!tpu.dma_semaphore, #tpu.memory_space<semaphore_mem>> -> memref<!tpu.dma_semaphore, #tpu.memory_space<semaphore_mem>>
      tpu.enqueue_indirect_dma source(%dma_start3A_1314 : memref<80x128xf32, #tpu.memory_space<vmem>>) target(%dma_start3A_1320 : memref<10112x128xf32, #tpu.memory_space<vmem_shared>>) offsets(%dma_start3A_1317 : memref<80xi32, #tpu.memory_space<vmem>>) semaphore(%dma_start3A_1322 : memref<!tpu.dma_semaphore, #tpu.memory_space<semaphore_mem>>) {add = true}
      %scan3A_1323 = arith.constant 0 : i32
      scf.yield %scan3A_1323 : i32
    }
    %scan3A_662 = arith.constant 30 : i32
    %dma_wait3A_663 = arith.constant 3 : i32
    %dma_wait3A_664 = arith.constant 3 : i32
    %dma_wait3A_665 = arith.constant 3 : i32
    %dma_wait3A_666 = arith.constant 0 : i32
    %dma_wait3A_667 = arith.constant 0 : i32
    %dma_wait3A_668 = tpu.memref_slice %arg6[%dma_wait3A_663, %dma_wait3A_666, %dma_wait3A_667] : memref<4x80x128xf32, #tpu.memory_space<vmem>> -> memref<1x80x128xf32, #tpu.memory_space<vmem>>
    %dma_wait3A_669 = tpu.memref_squeeze %dma_wait3A_668 : memref<1x80x128xf32, #tpu.memory_space<vmem>> -> memref<80x128xf32, #tpu.memory_space<vmem>>
    %dma_wait3A_670 = arith.constant 0 : i32
    %dma_wait3A_671 = tpu.memref_slice %arg8[%dma_wait3A_664, %dma_wait3A_670] : memref<4x80xi32, #tpu.memory_space<vmem>> -> memref<1x80xi32, #tpu.memory_space<vmem>>
    %dma_wait3A_672 = tpu.memref_squeeze %dma_wait3A_671 : memref<1x80xi32, #tpu.memory_space<vmem>> -> memref<80xi32, #tpu.memory_space<vmem>>
    %dma_wait3A_673 = arith.constant 0 : i32
    %dma_wait3A_674 = arith.constant 0 : i32
    %dma_wait3A_675 = tpu.memref_slice %arg9[%dma_wait3A_673, %dma_wait3A_674] : memref<10112x128xf32, #tpu.memory_space<vmem_shared>> -> memref<10112x128xf32, #tpu.memory_space<vmem_shared>>
    %dma_wait3A_676 = tpu.memref_slice %arg13[%dma_wait3A_665] : memref<4x!tpu.dma_semaphore, #tpu.memory_space<semaphore_mem>> -> memref<1x!tpu.dma_semaphore, #tpu.memory_space<semaphore_mem>>
    %dma_wait3A_677 = tpu.memref_squeeze %dma_wait3A_676 : memref<1x!tpu.dma_semaphore, #tpu.memory_space<semaphore_mem>> -> memref<!tpu.dma_semaphore, #tpu.memory_space<semaphore_mem>>
    tpu.wait_indirect_dma semaphore(%dma_wait3A_677 : memref<!tpu.dma_semaphore, #tpu.memory_space<semaphore_mem>>) src(%dma_wait3A_669 : memref<80x128xf32, #tpu.memory_space<vmem>>) dst(%dma_wait3A_675 : memref<10112x128xf32, #tpu.memory_space<vmem_shared>>)
    %dma_wait3A_678 = arith.constant 0 : i32
    %dma_wait3A_679 = arith.constant 0 : i32
    %dma_wait3A_680 = arith.constant 0 : i32
    %dma_wait3A_681 = arith.constant 0 : i32
    %dma_wait3A_682 = arith.constant 0 : i32
    %dma_wait3A_683 = tpu.memref_slice %arg6[%dma_wait3A_679, %dma_wait3A_681, %dma_wait3A_682] : memref<4x80x128xf32, #tpu.memory_space<vmem>> -> memref<1x80x128xf32, #tpu.memory_space<vmem>>
    %dma_wait3A_684 = tpu.memref_squeeze %dma_wait3A_683 : memref<1x80x128xf32, #tpu.memory_space<vmem>> -> memref<80x128xf32, #tpu.memory_space<vmem>>
    %dma_wait3A_685 = arith.constant 0 : i32
    %dma_wait3A_686 = tpu.memref_slice %arg7[%dma_wait3A_678, %dma_wait3A_685] : memref<4x80xi32, #tpu.memory_space<vmem>> -> memref<1x80xi32, #tpu.memory_space<vmem>>
    %dma_wait3A_687 = tpu.memref_squeeze %dma_wait3A_686 : memref<1x80xi32, #tpu.memory_space<vmem>> -> memref<80xi32, #tpu.memory_space<vmem>>
    %dma_wait3A_688 = arith.constant 0 : i32
    %dma_wait3A_689 = arith.constant 0 : i32
    %dma_wait3A_690 = tpu.memref_slice %arg2[%dma_wait3A_688, %dma_wait3A_689] : memref<10000x128xf32, #tpu.memory_space<hbm>> -> memref<10000x128xf32, #tpu.memory_space<hbm>>
    %dma_wait3A_691 = tpu.memref_slice %arg12[%dma_wait3A_680] : memref<4x!tpu.dma_semaphore, #tpu.memory_space<semaphore_mem>> -> memref<1x!tpu.dma_semaphore, #tpu.memory_space<semaphore_mem>>
    %dma_wait3A_692 = tpu.memref_squeeze %dma_wait3A_691 : memref<1x!tpu.dma_semaphore, #tpu.memory_space<semaphore_mem>> -> memref<!tpu.dma_semaphore, #tpu.memory_space<semaphore_mem>>
    tpu.wait_indirect_dma semaphore(%dma_wait3A_692 : memref<!tpu.dma_semaphore, #tpu.memory_space<semaphore_mem>>) src(%dma_wait3A_690 : memref<10000x128xf32, #tpu.memory_space<hbm>>) dst(%dma_wait3A_684 : memref<80x128xf32, #tpu.memory_space<vmem>>)
    %dma_start3A_693 = arith.constant 0 : i32
    %dma_start3A_694 = arith.constant 0 : i32
    %dma_start3A_695 = arith.constant 0 : i32
    %dma_start3A_696 = arith.constant 0 : i32
    %dma_start3A_697 = arith.constant 0 : i32
    %dma_start3A_698 = tpu.memref_slice %arg6[%dma_start3A_693, %dma_start3A_696, %dma_start3A_697] : memref<4x80x128xf32, #tpu.memory_space<vmem>> -> memref<1x80x128xf32, #tpu.memory_space<vmem>>
    %dma_start3A_699 = tpu.memref_squeeze %dma_start3A_698 : memref<1x80x128xf32, #tpu.memory_space<vmem>> -> memref<80x128xf32, #tpu.memory_space<vmem>>
    %dma_start3A_700 = arith.constant 0 : i32
    %dma_start3A_701 = tpu.memref_slice %arg8[%dma_start3A_694, %dma_start3A_700] : memref<4x80xi32, #tpu.memory_space<vmem>> -> memref<1x80xi32, #tpu.memory_space<vmem>>
    %dma_start3A_702 = tpu.memref_squeeze %dma_start3A_701 : memref<1x80xi32, #tpu.memory_space<vmem>> -> memref<80xi32, #tpu.memory_space<vmem>>
    %dma_start3A_703 = arith.constant 0 : i32
    %dma_start3A_704 = arith.constant 0 : i32
    %dma_start3A_705 = tpu.memref_slice %arg9[%dma_start3A_703, %dma_start3A_704] : memref<10112x128xf32, #tpu.memory_space<vmem_shared>> -> memref<10112x128xf32, #tpu.memory_space<vmem_shared>>
    %dma_start3A_706 = tpu.memref_slice %arg13[%dma_start3A_695] : memref<4x!tpu.dma_semaphore, #tpu.memory_space<semaphore_mem>> -> memref<1x!tpu.dma_semaphore, #tpu.memory_space<semaphore_mem>>
    %dma_start3A_707 = tpu.memref_squeeze %dma_start3A_706 : memref<1x!tpu.dma_semaphore, #tpu.memory_space<semaphore_mem>> -> memref<!tpu.dma_semaphore, #tpu.memory_space<semaphore_mem>>
    tpu.enqueue_indirect_dma source(%dma_start3A_699 : memref<80x128xf32, #tpu.memory_space<vmem>>) target(%dma_start3A_705 : memref<10112x128xf32, #tpu.memory_space<vmem_shared>>) offsets(%dma_start3A_702 : memref<80xi32, #tpu.memory_space<vmem>>) semaphore(%dma_start3A_707 : memref<!tpu.dma_semaphore, #tpu.memory_space<semaphore_mem>>) {add = true}
    %dma_wait3A_708 = arith.constant 0 : i32
    %dma_wait3A_709 = arith.constant 0 : i32
    %dma_wait3A_710 = arith.constant 0 : i32
    %dma_wait3A_711 = arith.constant 0 : i32
    %dma_wait3A_712 = arith.constant 0 : i32
    %dma_wait3A_713 = tpu.memref_slice %arg6[%dma_wait3A_708, %dma_wait3A_711, %dma_wait3A_712] : memref<4x80x128xf32, #tpu.memory_space<vmem>> -> memref<1x80x128xf32, #tpu.memory_space<vmem>>
    %dma_wait3A_714 = tpu.memref_squeeze %dma_wait3A_713 : memref<1x80x128xf32, #tpu.memory_space<vmem>> -> memref<80x128xf32, #tpu.memory_space<vmem>>
    %dma_wait3A_715 = arith.constant 0 : i32
    %dma_wait3A_716 = tpu.memref_slice %arg8[%dma_wait3A_709, %dma_wait3A_715] : memref<4x80xi32, #tpu.memory_space<vmem>> -> memref<1x80xi32, #tpu.memory_space<vmem>>
    %dma_wait3A_717 = tpu.memref_squeeze %dma_wait3A_716 : memref<1x80xi32, #tpu.memory_space<vmem>> -> memref<80xi32, #tpu.memory_space<vmem>>
    %dma_wait3A_718 = arith.constant 0 : i32
    %dma_wait3A_719 = arith.constant 0 : i32
    %dma_wait3A_720 = tpu.memref_slice %arg9[%dma_wait3A_718, %dma_wait3A_719] : memref<10112x128xf32, #tpu.memory_space<vmem_shared>> -> memref<10112x128xf32, #tpu.memory_space<vmem_shared>>
    %dma_wait3A_721 = tpu.memref_slice %arg13[%dma_wait3A_710] : memref<4x!tpu.dma_semaphore, #tpu.memory_space<semaphore_mem>> -> memref<1x!tpu.dma_semaphore, #tpu.memory_space<semaphore_mem>>
    %dma_wait3A_722 = tpu.memref_squeeze %dma_wait3A_721 : memref<1x!tpu.dma_semaphore, #tpu.memory_space<semaphore_mem>> -> memref<!tpu.dma_semaphore, #tpu.memory_space<semaphore_mem>>
    tpu.wait_indirect_dma semaphore(%dma_wait3A_722 : memref<!tpu.dma_semaphore, #tpu.memory_space<semaphore_mem>>) src(%dma_wait3A_714 : memref<80x128xf32, #tpu.memory_space<vmem>>) dst(%dma_wait3A_720 : memref<10112x128xf32, #tpu.memory_space<vmem_shared>>)
    %dma_wait3A_723 = arith.constant 1 : i32
    %dma_wait3A_724 = arith.constant 1 : i32
    %dma_wait3A_725 = arith.constant 1 : i32
    %dma_wait3A_726 = arith.constant 0 : i32
    %dma_wait3A_727 = arith.constant 0 : i32
    %dma_wait3A_728 = tpu.memref_slice %arg6[%dma_wait3A_724, %dma_wait3A_726, %dma_wait3A_727] : memref<4x80x128xf32, #tpu.memory_space<vmem>> -> memref<1x80x128xf32, #tpu.memory_space<vmem>>
    %dma_wait3A_729 = tpu.memref_squeeze %dma_wait3A_728 : memref<1x80x128xf32, #tpu.memory_space<vmem>> -> memref<80x128xf32, #tpu.memory_space<vmem>>
    %dma_wait3A_730 = arith.constant 0 : i32
    %dma_wait3A_731 = tpu.memref_slice %arg7[%dma_wait3A_723, %dma_wait3A_730] : memref<4x80xi32, #tpu.memory_space<vmem>> -> memref<1x80xi32, #tpu.memory_space<vmem>>
    %dma_wait3A_732 = tpu.memref_squeeze %dma_wait3A_731 : memref<1x80xi32, #tpu.memory_space<vmem>> -> memref<80xi32, #tpu.memory_space<vmem>>
    %dma_wait3A_733 = arith.constant 0 : i32
    %dma_wait3A_734 = arith.constant 0 : i32
    %dma_wait3A_735 = tpu.memref_slice %arg2[%dma_wait3A_733, %dma_wait3A_734] : memref<10000x128xf32, #tpu.memory_space<hbm>> -> memref<10000x128xf32, #tpu.memory_space<hbm>>
    %dma_wait3A_736 = tpu.memref_slice %arg12[%dma_wait3A_725] : memref<4x!tpu.dma_semaphore, #tpu.memory_space<semaphore_mem>> -> memref<1x!tpu.dma_semaphore, #tpu.memory_space<semaphore_mem>>
    %dma_wait3A_737 = tpu.memref_squeeze %dma_wait3A_736 : memref<1x!tpu.dma_semaphore, #tpu.memory_space<semaphore_mem>> -> memref<!tpu.dma_semaphore, #tpu.memory_space<semaphore_mem>>
    tpu.wait_indirect_dma semaphore(%dma_wait3A_737 : memref<!tpu.dma_semaphore, #tpu.memory_space<semaphore_mem>>) src(%dma_wait3A_735 : memref<10000x128xf32, #tpu.memory_space<hbm>>) dst(%dma_wait3A_729 : memref<80x128xf32, #tpu.memory_space<vmem>>)
    %dma_wait3A_738 = arith.constant 2 : i32
    %dma_wait3A_739 = arith.constant 2 : i32
    %dma_wait3A_740 = arith.constant 0 : i32
    %dma_wait3A_741 = tpu.memref_slice %arg7[%dma_wait3A_738, %dma_wait3A_740] : memref<4x80xi32, #tpu.memory_space<vmem>> -> memref<1x80xi32, #tpu.memory_space<vmem>>
    %dma_wait3A_742 = tpu.memref_squeeze %dma_wait3A_741 : memref<1x80xi32, #tpu.memory_space<vmem>> -> memref<80xi32, #tpu.memory_space<vmem>>
    %dma_wait3A_743 = arith.constant 0 : i32
    %dma_wait3A_744 = tpu.memref_slice %arg3[%dma_wait3A_743] : memref<320000xi32, #tpu.memory_space<hbm>> -> memref<80xi32, #tpu.memory_space<hbm>>
    %dma_wait3A_745 = tpu.memref_slice %arg10[%dma_wait3A_739] : memref<4x!tpu.dma_semaphore, #tpu.memory_space<semaphore_mem>> -> memref<1x!tpu.dma_semaphore, #tpu.memory_space<semaphore_mem>>
    %dma_wait3A_746 = tpu.memref_squeeze %dma_wait3A_745 : memref<1x!tpu.dma_semaphore, #tpu.memory_space<semaphore_mem>> -> memref<!tpu.dma_semaphore, #tpu.memory_space<semaphore_mem>>
    %dma_wait3A_747 = arith.constant 0 : i32
    %dma_wait3A_748 = tpu.memref_slice %arg7[%dma_wait3A_738, %dma_wait3A_747] : memref<4x80xi32, #tpu.memory_space<vmem>> -> memref<1x80xi32, #tpu.memory_space<vmem>>
    %dma_wait3A_749 = tpu.memref_squeeze %dma_wait3A_748 : memref<1x80xi32, #tpu.memory_space<vmem>> -> memref<80xi32, #tpu.memory_space<vmem>>
    %dma_wait3A_750 = arith.constant 0 : i32
    %dma_wait3A_751 = tpu.memref_slice %arg3[%dma_wait3A_750] : memref<320000xi32, #tpu.memory_space<hbm>> -> memref<80xi32, #tpu.memory_space<hbm>>
    tpu.wait_dma2 semaphore(%dma_wait3A_746 : memref<!tpu.dma_semaphore, #tpu.memory_space<semaphore_mem>>) src(%dma_wait3A_751 : memref<80xi32, #tpu.memory_space<hbm>>) dst(%dma_wait3A_749 : memref<80xi32, #tpu.memory_space<vmem>>)
    %dma_wait3A_752 = arith.constant 2 : i32
    %dma_wait3A_753 = arith.constant 2 : i32
    %dma_wait3A_754 = arith.constant 0 : i32
    %dma_wait3A_755 = tpu.memref_slice %arg8[%dma_wait3A_752, %dma_wait3A_754] : memref<4x80xi32, #tpu.memory_space<vmem>> -> memref<1x80xi32, #tpu.memory_space<vmem>>
    %dma_wait3A_756 = tpu.memref_squeeze %dma_wait3A_755 : memref<1x80xi32, #tpu.memory_space<vmem>> -> memref<80xi32, #tpu.memory_space<vmem>>
    %dma_wait3A_757 = arith.constant 0 : i32
    %dma_wait3A_758 = tpu.memref_slice %arg4[%dma_wait3A_757] : memref<320000xi32, #tpu.memory_space<hbm>> -> memref<80xi32, #tpu.memory_space<hbm>>
    %dma_wait3A_759 = tpu.memref_slice %arg11[%dma_wait3A_753] : memref<4x!tpu.dma_semaphore, #tpu.memory_space<semaphore_mem>> -> memref<1x!tpu.dma_semaphore, #tpu.memory_space<semaphore_mem>>
    %dma_wait3A_760 = tpu.memref_squeeze %dma_wait3A_759 : memref<1x!tpu.dma_semaphore, #tpu.memory_space<semaphore_mem>> -> memref<!tpu.dma_semaphore, #tpu.memory_space<semaphore_mem>>
    %dma_wait3A_761 = arith.constant 0 : i32
    %dma_wait3A_762 = tpu.memref_slice %arg8[%dma_wait3A_752, %dma_wait3A_761] : memref<4x80xi32, #tpu.memory_space<vmem>> -> memref<1x80xi32, #tpu.memory_space<vmem>>
    %dma_wait3A_763 = tpu.memref_squeeze %dma_wait3A_762 : memref<1x80xi32, #tpu.memory_space<vmem>> -> memref<80xi32, #tpu.memory_space<vmem>>
    %dma_wait3A_764 = arith.constant 0 : i32
    %dma_wait3A_765 = tpu.memref_slice %arg4[%dma_wait3A_764] : memref<320000xi32, #tpu.memory_space<hbm>> -> memref<80xi32, #tpu.memory_space<hbm>>
    tpu.wait_dma2 semaphore(%dma_wait3A_760 : memref<!tpu.dma_semaphore, #tpu.memory_space<semaphore_mem>>) src(%dma_wait3A_765 : memref<80xi32, #tpu.memory_space<hbm>>) dst(%dma_wait3A_763 : memref<80xi32, #tpu.memory_space<vmem>>)
    %barrier3A_766 = arith.constant 0 : index
    tpu.barrier barrier_id(%barrier3A_766)
    %mul3A_767 = arith.constant 10112 : i32
    %mul3A_768 = arith.muli %arg0, %mul3A_767 : i32
    %add3A_769 = arith.addi %mul3A_768, %mul3A_2 : i32
    %add3A_770 = arith.constant 0 : i32
    %add3A_771 = arith.addi %mul3A_2, %add3A_770 : i32
    %run_scoped3A_772 = arith.constant 0 : i32
    "tpu.region"() ({
      %run_scoped3A_818 = tpu.sem_alloc : memref<!tpu.dma_semaphore, #tpu.memory_space<semaphore_mem>>
      %dma_start3A_819 = arith.constant 0 : i32
      %dma_start3A_820 = arith.constant 0 : i32
      %dma_start3A_821 = tpu.memref_slice %arg6[%run_scoped3A_772, %dma_start3A_819, %dma_start3A_820] : memref<4x80x128xf32, #tpu.memory_space<vmem>> -> memref<1x80x128xf32, #tpu.memory_space<vmem>>
      %dma_start3A_822 = tpu.memref_squeeze %dma_start3A_821 : memref<1x80x128xf32, #tpu.memory_space<vmem>> -> memref<80x128xf32, #tpu.memory_space<vmem>>
      %dma_start3A_823 = arith.constant 0 : i32
      %dma_start3A_824 = arith.constant 0 : i32
      %dma_start3A_825 = tpu.memref_slice %dma_start3A_822[%dma_start3A_823, %dma_start3A_824] : memref<80x128xf32, #tpu.memory_space<vmem>> -> memref<80x128xf32, #tpu.memory_space<vmem>>
      %dma_start3A_826 = arith.constant 0 : i32
      %dma_start3A_827 = tpu.memref_slice %arg9[%add3A_771, %dma_start3A_826] : memref<10112x128xf32, #tpu.memory_space<vmem_shared>> -> memref<80x128xf32, #tpu.memory_space<vmem_shared>>
      %dma_start3A_828 = arith.constant 0 : i32
      %dma_start3A_829 = arith.constant 0 : i32
      %dma_start3A_830 = tpu.memref_slice %arg6[%run_scoped3A_772, %dma_start3A_828, %dma_start3A_829] : memref<4x80x128xf32, #tpu.memory_space<vmem>> -> memref<1x80x128xf32, #tpu.memory_space<vmem>>
      %dma_start3A_831 = tpu.memref_squeeze %dma_start3A_830 : memref<1x80x128xf32, #tpu.memory_space<vmem>> -> memref<80x128xf32, #tpu.memory_space<vmem>>
      %dma_start3A_832 = arith.constant 0 : i32
      %dma_start3A_833 = arith.constant 0 : i32
      %dma_start3A_834 = tpu.memref_slice %dma_start3A_831[%dma_start3A_832, %dma_start3A_833] : memref<80x128xf32, #tpu.memory_space<vmem>> -> memref<80x128xf32, #tpu.memory_space<vmem>>
      %dma_start3A_835 = arith.constant 0 : i32
      %dma_start3A_836 = tpu.memref_slice %arg9[%add3A_771, %dma_start3A_835] : memref<10112x128xf32, #tpu.memory_space<vmem_shared>> -> memref<80x128xf32, #tpu.memory_space<vmem_shared>>
      tpu.enqueue_dma source(%dma_start3A_836 : memref<80x128xf32, #tpu.memory_space<vmem_shared>>) target(%dma_start3A_834 : memref<80x128xf32, #tpu.memory_space<vmem>>) target_semaphore(%run_scoped3A_818 : memref<!tpu.dma_semaphore, #tpu.memory_space<semaphore_mem>>)
      %dma_wait3A_837 = arith.constant 0 : i32
      %dma_wait3A_838 = arith.constant 0 : i32
      %dma_wait3A_839 = tpu.memref_slice %arg6[%run_scoped3A_772, %dma_wait3A_837, %dma_wait3A_838] : memref<4x80x128xf32, #tpu.memory_space<vmem>> -> memref<1x80x128xf32, #tpu.memory_space<vmem>>
      %dma_wait3A_840 = tpu.memref_squeeze %dma_wait3A_839 : memref<1x80x128xf32, #tpu.memory_space<vmem>> -> memref<80x128xf32, #tpu.memory_space<vmem>>
      %dma_wait3A_841 = arith.constant 0 : i32
      %dma_wait3A_842 = arith.constant 0 : i32
      %dma_wait3A_843 = tpu.memref_slice %dma_wait3A_840[%dma_wait3A_841, %dma_wait3A_842] : memref<80x128xf32, #tpu.memory_space<vmem>> -> memref<80x128xf32, #tpu.memory_space<vmem>>
      %dma_wait3A_844 = arith.constant 0 : i32
      %dma_wait3A_845 = tpu.memref_slice %arg9[%add3A_771, %dma_wait3A_844] : memref<10112x128xf32, #tpu.memory_space<vmem_shared>> -> memref<80x128xf32, #tpu.memory_space<vmem_shared>>
      %dma_wait3A_846 = arith.constant 0 : i32
      %dma_wait3A_847 = arith.constant 0 : i32
      %dma_wait3A_848 = tpu.memref_slice %arg6[%run_scoped3A_772, %dma_wait3A_846, %dma_wait3A_847] : memref<4x80x128xf32, #tpu.memory_space<vmem>> -> memref<1x80x128xf32, #tpu.memory_space<vmem>>
      %dma_wait3A_849 = tpu.memref_squeeze %dma_wait3A_848 : memref<1x80x128xf32, #tpu.memory_space<vmem>> -> memref<80x128xf32, #tpu.memory_space<vmem>>
      %dma_wait3A_850 = arith.constant 0 : i32
      %dma_wait3A_851 = arith.constant 0 : i32
      %dma_wait3A_852 = tpu.memref_slice %dma_wait3A_849[%dma_wait3A_850, %dma_wait3A_851] : memref<80x128xf32, #tpu.memory_space<vmem>> -> memref<80x128xf32, #tpu.memory_space<vmem>>
      %dma_wait3A_853 = arith.constant 0 : i32
      %dma_wait3A_854 = tpu.memref_slice %arg9[%add3A_771, %dma_wait3A_853] : memref<10112x128xf32, #tpu.memory_space<vmem_shared>> -> memref<80x128xf32, #tpu.memory_space<vmem_shared>>
      tpu.wait_dma2 semaphore(%run_scoped3A_818 : memref<!tpu.dma_semaphore, #tpu.memory_space<semaphore_mem>>) src(%dma_wait3A_854 : memref<80x128xf32, #tpu.memory_space<vmem_shared>>) dst(%dma_wait3A_852 : memref<80x128xf32, #tpu.memory_space<vmem>>)
      tpu.yield
    }) : () -> ()
    %add3A_773 = arith.constant 0 : i32
    %add3A_774 = arith.addi %add3A_769, %add3A_773 : i32
    %run_scoped3A_775 = arith.constant 0 : i32
    "tpu.region"() ({
      %run_scoped3A_818 = tpu.sem_alloc : memref<!tpu.dma_semaphore, #tpu.memory_space<semaphore_mem>>
      %dma_start3A_819 = arith.constant 0 : i32
      %dma_start3A_820 = arith.constant 0 : i32
      %dma_start3A_821 = tpu.memref_slice %arg6[%run_scoped3A_775, %dma_start3A_819, %dma_start3A_820] : memref<4x80x128xf32, #tpu.memory_space<vmem>> -> memref<1x80x128xf32, #tpu.memory_space<vmem>>
      %dma_start3A_822 = tpu.memref_squeeze %dma_start3A_821 : memref<1x80x128xf32, #tpu.memory_space<vmem>> -> memref<80x128xf32, #tpu.memory_space<vmem>>
      %dma_start3A_823 = arith.constant 0 : i32
      %dma_start3A_824 = arith.constant 0 : i32
      %dma_start3A_825 = tpu.memref_slice %dma_start3A_822[%dma_start3A_823, %dma_start3A_824] : memref<80x128xf32, #tpu.memory_space<vmem>> -> memref<80x128xf32, #tpu.memory_space<vmem>>
      %dma_start3A_826 = arith.constant 0 : i32
      %dma_start3A_827 = tpu.memref_slice %arg5[%add3A_774, %dma_start3A_826] : memref<20224x128xf32, #tpu.memory_space<hbm>> -> memref<80x128xf32, #tpu.memory_space<hbm>>
      %dma_start3A_828 = arith.constant 0 : i32
      %dma_start3A_829 = tpu.memref_slice %arg5[%add3A_774, %dma_start3A_828] : memref<20224x128xf32, #tpu.memory_space<hbm>> -> memref<80x128xf32, #tpu.memory_space<hbm>>
      %dma_start3A_830 = arith.constant 0 : i32
      %dma_start3A_831 = arith.constant 0 : i32
      %dma_start3A_832 = tpu.memref_slice %arg6[%run_scoped3A_775, %dma_start3A_830, %dma_start3A_831] : memref<4x80x128xf32, #tpu.memory_space<vmem>> -> memref<1x80x128xf32, #tpu.memory_space<vmem>>
      %dma_start3A_833 = tpu.memref_squeeze %dma_start3A_832 : memref<1x80x128xf32, #tpu.memory_space<vmem>> -> memref<80x128xf32, #tpu.memory_space<vmem>>
      %dma_start3A_834 = arith.constant 0 : i32
      %dma_start3A_835 = arith.constant 0 : i32
      %dma_start3A_836 = tpu.memref_slice %dma_start3A_833[%dma_start3A_834, %dma_start3A_835] : memref<80x128xf32, #tpu.memory_space<vmem>> -> memref<80x128xf32, #tpu.memory_space<vmem>>
      tpu.enqueue_dma source(%dma_start3A_836 : memref<80x128xf32, #tpu.memory_space<vmem>>) target(%dma_start3A_829 : memref<80x128xf32, #tpu.memory_space<hbm>>) target_semaphore(%run_scoped3A_818 : memref<!tpu.dma_semaphore, #tpu.memory_space<semaphore_mem>>)
      %dma_wait3A_837 = arith.constant 0 : i32
      %dma_wait3A_838 = arith.constant 0 : i32
      %dma_wait3A_839 = tpu.memref_slice %arg6[%run_scoped3A_775, %dma_wait3A_837, %dma_wait3A_838] : memref<4x80x128xf32, #tpu.memory_space<vmem>> -> memref<1x80x128xf32, #tpu.memory_space<vmem>>
      %dma_wait3A_840 = tpu.memref_squeeze %dma_wait3A_839 : memref<1x80x128xf32, #tpu.memory_space<vmem>> -> memref<80x128xf32, #tpu.memory_space<vmem>>
      %dma_wait3A_841 = arith.constant 0 : i32
      %dma_wait3A_842 = arith.constant 0 : i32
      %dma_wait3A_843 = tpu.memref_slice %dma_wait3A_840[%dma_wait3A_841, %dma_wait3A_842] : memref<80x128xf32, #tpu.memory_space<vmem>> -> memref<80x128xf32, #tpu.memory_space<vmem>>
      %dma_wait3A_844 = arith.constant 0 : i32
      %dma_wait3A_845 = tpu.memref_slice %arg5[%add3A_774, %dma_wait3A_844] : memref<20224x128xf32, #tpu.memory_space<hbm>> -> memref<80x128xf32, #tpu.memory_space<hbm>>
      %dma_wait3A_846 = arith.constant 0 : i32
      %dma_wait3A_847 = tpu.memref_slice %arg5[%add3A_774, %dma_wait3A_846] : memref<20224x128xf32, #tpu.memory_space<hbm>> -> memref<80x128xf32, #tpu.memory_space<hbm>>
      %dma_wait3A_848 = arith.constant 0 : i32
      %dma_wait3A_849 = arith.constant 0 : i32
      %dma_wait3A_850 = tpu.memref_slice %arg6[%run_scoped3A_775, %dma_wait3A_848, %dma_wait3A_849] : memref<4x80x128xf32, #tpu.memory_space<vmem>> -> memref<1x80x128xf32, #tpu.memory_space<vmem>>
      %dma_wait3A_851 = tpu.memref_squeeze %dma_wait3A_850 : memref<1x80x128xf32, #tpu.memory_space<vmem>> -> memref<80x128xf32, #tpu.memory_space<vmem>>
      %dma_wait3A_852 = arith.constant 0 : i32
      %dma_wait3A_853 = arith.constant 0 : i32
      %dma_wait3A_854 = tpu.memref_slice %dma_wait3A_851[%dma_wait3A_852, %dma_wait3A_853] : memref<80x128xf32, #tpu.memory_space<vmem>> -> memref<80x128xf32, #tpu.memory_space<vmem>>
      tpu.wait_dma2 semaphore(%run_scoped3A_818 : memref<!tpu.dma_semaphore, #tpu.memory_space<semaphore_mem>>) src(%dma_wait3A_854 : memref<80x128xf32, #tpu.memory_space<vmem>>) dst(%dma_wait3A_847 : memref<80x128xf32, #tpu.memory_space<hbm>>)
      tpu.yield
    }) : () -> ()
    %add3A_776 = arith.constant 80 : i32
    %add3A_777 = arith.addi %mul3A_2, %add3A_776 : i32
    %run_scoped3A_778 = arith.constant 0 : i32
    "tpu.region"() ({
      %run_scoped3A_818 = tpu.sem_alloc : memref<!tpu.dma_semaphore, #tpu.memory_space<semaphore_mem>>
      %dma_start3A_819 = arith.constant 0 : i32
      %dma_start3A_820 = arith.constant 0 : i32
      %dma_start3A_821 = tpu.memref_slice %arg6[%run_scoped3A_778, %dma_start3A_819, %dma_start3A_820] : memref<4x80x128xf32, #tpu.memory_space<vmem>> -> memref<1x80x128xf32, #tpu.memory_space<vmem>>
      %dma_start3A_822 = tpu.memref_squeeze %dma_start3A_821 : memref<1x80x128xf32, #tpu.memory_space<vmem>> -> memref<80x128xf32, #tpu.memory_space<vmem>>
      %dma_start3A_823 = arith.constant 0 : i32
      %dma_start3A_824 = arith.constant 0 : i32
      %dma_start3A_825 = tpu.memref_slice %dma_start3A_822[%dma_start3A_823, %dma_start3A_824] : memref<80x128xf32, #tpu.memory_space<vmem>> -> memref<80x128xf32, #tpu.memory_space<vmem>>
      %dma_start3A_826 = arith.constant 0 : i32
      %dma_start3A_827 = tpu.memref_slice %arg9[%add3A_777, %dma_start3A_826] : memref<10112x128xf32, #tpu.memory_space<vmem_shared>> -> memref<80x128xf32, #tpu.memory_space<vmem_shared>>
      %dma_start3A_828 = arith.constant 0 : i32
      %dma_start3A_829 = arith.constant 0 : i32
      %dma_start3A_830 = tpu.memref_slice %arg6[%run_scoped3A_778, %dma_start3A_828, %dma_start3A_829] : memref<4x80x128xf32, #tpu.memory_space<vmem>> -> memref<1x80x128xf32, #tpu.memory_space<vmem>>
      %dma_start3A_831 = tpu.memref_squeeze %dma_start3A_830 : memref<1x80x128xf32, #tpu.memory_space<vmem>> -> memref<80x128xf32, #tpu.memory_space<vmem>>
      %dma_start3A_832 = arith.constant 0 : i32
      %dma_start3A_833 = arith.constant 0 : i32
      %dma_start3A_834 = tpu.memref_slice %dma_start3A_831[%dma_start3A_832, %dma_start3A_833] : memref<80x128xf32, #tpu.memory_space<vmem>> -> memref<80x128xf32, #tpu.memory_space<vmem>>
      %dma_start3A_835 = arith.constant 0 : i32
      %dma_start3A_836 = tpu.memref_slice %arg9[%add3A_777, %dma_start3A_835] : memref<10112x128xf32, #tpu.memory_space<vmem_shared>> -> memref<80x128xf32, #tpu.memory_space<vmem_shared>>
      tpu.enqueue_dma source(%dma_start3A_836 : memref<80x128xf32, #tpu.memory_space<vmem_shared>>) target(%dma_start3A_834 : memref<80x128xf32, #tpu.memory_space<vmem>>) target_semaphore(%run_scoped3A_818 : memref<!tpu.dma_semaphore, #tpu.memory_space<semaphore_mem>>)
      %dma_wait3A_837 = arith.constant 0 : i32
      %dma_wait3A_838 = arith.constant 0 : i32
      %dma_wait3A_839 = tpu.memref_slice %arg6[%run_scoped3A_778, %dma_wait3A_837, %dma_wait3A_838] : memref<4x80x128xf32, #tpu.memory_space<vmem>> -> memref<1x80x128xf32, #tpu.memory_space<vmem>>
      %dma_wait3A_840 = tpu.memref_squeeze %dma_wait3A_839 : memref<1x80x128xf32, #tpu.memory_space<vmem>> -> memref<80x128xf32, #tpu.memory_space<vmem>>
      %dma_wait3A_841 = arith.constant 0 : i32
      %dma_wait3A_842 = arith.constant 0 : i32
      %dma_wait3A_843 = tpu.memref_slice %dma_wait3A_840[%dma_wait3A_841, %dma_wait3A_842] : memref<80x128xf32, #tpu.memory_space<vmem>> -> memref<80x128xf32, #tpu.memory_space<vmem>>
      %dma_wait3A_844 = arith.constant 0 : i32
      %dma_wait3A_845 = tpu.memref_slice %arg9[%add3A_777, %dma_wait3A_844] : memref<10112x128xf32, #tpu.memory_space<vmem_shared>> -> memref<80x128xf32, #tpu.memory_space<vmem_shared>>
      %dma_wait3A_846 = arith.constant 0 : i32
      %dma_wait3A_847 = arith.constant 0 : i32
      %dma_wait3A_848 = tpu.memref_slice %arg6[%run_scoped3A_778, %dma_wait3A_846, %dma_wait3A_847] : memref<4x80x128xf32, #tpu.memory_space<vmem>> -> memref<1x80x128xf32, #tpu.memory_space<vmem>>
      %dma_wait3A_849 = tpu.memref_squeeze %dma_wait3A_848 : memref<1x80x128xf32, #tpu.memory_space<vmem>> -> memref<80x128xf32, #tpu.memory_space<vmem>>
      %dma_wait3A_850 = arith.constant 0 : i32
      %dma_wait3A_851 = arith.constant 0 : i32
      %dma_wait3A_852 = tpu.memref_slice %dma_wait3A_849[%dma_wait3A_850, %dma_wait3A_851] : memref<80x128xf32, #tpu.memory_space<vmem>> -> memref<80x128xf32, #tpu.memory_space<vmem>>
      %dma_wait3A_853 = arith.constant 0 : i32
      %dma_wait3A_854 = tpu.memref_slice %arg9[%add3A_777, %dma_wait3A_853] : memref<10112x128xf32, #tpu.memory_space<vmem_shared>> -> memref<80x128xf32, #tpu.memory_space<vmem_shared>>
      tpu.wait_dma2 semaphore(%run_scoped3A_818 : memref<!tpu.dma_semaphore, #tpu.memory_space<semaphore_mem>>) src(%dma_wait3A_854 : memref<80x128xf32, #tpu.memory_space<vmem_shared>>) dst(%dma_wait3A_852 : memref<80x128xf32, #tpu.memory_space<vmem>>)
      tpu.yield
    }) : () -> ()
    %add3A_779 = arith.constant 80 : i32
    %add3A_780 = arith.addi %add3A_769, %add3A_779 : i32
    %run_scoped3A_781 = arith.constant 0 : i32
    "tpu.region"() ({
      %run_scoped3A_818 = tpu.sem_alloc : memref<!tpu.dma_semaphore, #tpu.memory_space<semaphore_mem>>
      %dma_start3A_819 = arith.constant 0 : i32
      %dma_start3A_820 = arith.constant 0 : i32
      %dma_start3A_821 = tpu.memref_slice %arg6[%run_scoped3A_781, %dma_start3A_819, %dma_start3A_820] : memref<4x80x128xf32, #tpu.memory_space<vmem>> -> memref<1x80x128xf32, #tpu.memory_space<vmem>>
      %dma_start3A_822 = tpu.memref_squeeze %dma_start3A_821 : memref<1x80x128xf32, #tpu.memory_space<vmem>> -> memref<80x128xf32, #tpu.memory_space<vmem>>
      %dma_start3A_823 = arith.constant 0 : i32
      %dma_start3A_824 = arith.constant 0 : i32
      %dma_start3A_825 = tpu.memref_slice %dma_start3A_822[%dma_start3A_823, %dma_start3A_824] : memref<80x128xf32, #tpu.memory_space<vmem>> -> memref<80x128xf32, #tpu.memory_space<vmem>>
      %dma_start3A_826 = arith.constant 0 : i32
      %dma_start3A_827 = tpu.memref_slice %arg5[%add3A_780, %dma_start3A_826] : memref<20224x128xf32, #tpu.memory_space<hbm>> -> memref<80x128xf32, #tpu.memory_space<hbm>>
      %dma_start3A_828 = arith.constant 0 : i32
      %dma_start3A_829 = tpu.memref_slice %arg5[%add3A_780, %dma_start3A_828] : memref<20224x128xf32, #tpu.memory_space<hbm>> -> memref<80x128xf32, #tpu.memory_space<hbm>>
      %dma_start3A_830 = arith.constant 0 : i32
      %dma_start3A_831 = arith.constant 0 : i32
      %dma_start3A_832 = tpu.memref_slice %arg6[%run_scoped3A_781, %dma_start3A_830, %dma_start3A_831] : memref<4x80x128xf32, #tpu.memory_space<vmem>> -> memref<1x80x128xf32, #tpu.memory_space<vmem>>
      %dma_start3A_833 = tpu.memref_squeeze %dma_start3A_832 : memref<1x80x128xf32, #tpu.memory_space<vmem>> -> memref<80x128xf32, #tpu.memory_space<vmem>>
      %dma_start3A_834 = arith.constant 0 : i32
      %dma_start3A_835 = arith.constant 0 : i32
      %dma_start3A_836 = tpu.memref_slice %dma_start3A_833[%dma_start3A_834, %dma_start3A_835] : memref<80x128xf32, #tpu.memory_space<vmem>> -> memref<80x128xf32, #tpu.memory_space<vmem>>
      tpu.enqueue_dma source(%dma_start3A_836 : memref<80x128xf32, #tpu.memory_space<vmem>>) target(%dma_start3A_829 : memref<80x128xf32, #tpu.memory_space<hbm>>) target_semaphore(%run_scoped3A_818 : memref<!tpu.dma_semaphore, #tpu.memory_space<semaphore_mem>>)
      %dma_wait3A_837 = arith.constant 0 : i32
      %dma_wait3A_838 = arith.constant 0 : i32
      %dma_wait3A_839 = tpu.memref_slice %arg6[%run_scoped3A_781, %dma_wait3A_837, %dma_wait3A_838] : memref<4x80x128xf32, #tpu.memory_space<vmem>> -> memref<1x80x128xf32, #tpu.memory_space<vmem>>
      %dma_wait3A_840 = tpu.memref_squeeze %dma_wait3A_839 : memref<1x80x128xf32, #tpu.memory_space<vmem>> -> memref<80x128xf32, #tpu.memory_space<vmem>>
      %dma_wait3A_841 = arith.constant 0 : i32
      %dma_wait3A_842 = arith.constant 0 : i32
      %dma_wait3A_843 = tpu.memref_slice %dma_wait3A_840[%dma_wait3A_841, %dma_wait3A_842] : memref<80x128xf32, #tpu.memory_space<vmem>> -> memref<80x128xf32, #tpu.memory_space<vmem>>
      %dma_wait3A_844 = arith.constant 0 : i32
      %dma_wait3A_845 = tpu.memref_slice %arg5[%add3A_780, %dma_wait3A_844] : memref<20224x128xf32, #tpu.memory_space<hbm>> -> memref<80x128xf32, #tpu.memory_space<hbm>>
      %dma_wait3A_846 = arith.constant 0 : i32
      %dma_wait3A_847 = tpu.memref_slice %arg5[%add3A_780, %dma_wait3A_846] : memref<20224x128xf32, #tpu.memory_space<hbm>> -> memref<80x128xf32, #tpu.memory_space<hbm>>
      %dma_wait3A_848 = arith.constant 0 : i32
      %dma_wait3A_849 = arith.constant 0 : i32
      %dma_wait3A_850 = tpu.memref_slice %arg6[%run_scoped3A_781, %dma_wait3A_848, %dma_wait3A_849] : memref<4x80x128xf32, #tpu.memory_space<vmem>> -> memref<1x80x128xf32, #tpu.memory_space<vmem>>
      %dma_wait3A_851 = tpu.memref_squeeze %dma_wait3A_850 : memref<1x80x128xf32, #tpu.memory_space<vmem>> -> memref<80x128xf32, #tpu.memory_space<vmem>>
      %dma_wait3A_852 = arith.constant 0 : i32
      %dma_wait3A_853 = arith.constant 0 : i32
      %dma_wait3A_854 = tpu.memref_slice %dma_wait3A_851[%dma_wait3A_852, %dma_wait3A_853] : memref<80x128xf32, #tpu.memory_space<vmem>> -> memref<80x128xf32, #tpu.memory_space<vmem>>
      tpu.wait_dma2 semaphore(%run_scoped3A_818 : memref<!tpu.dma_semaphore, #tpu.memory_space<semaphore_mem>>) src(%dma_wait3A_854 : memref<80x128xf32, #tpu.memory_space<vmem>>) dst(%dma_wait3A_847 : memref<80x128xf32, #tpu.memory_space<hbm>>)
      tpu.yield
    }) : () -> ()
    %add3A_782 = arith.constant 160 : i32
    %add3A_783 = arith.addi %mul3A_2, %add3A_782 : i32
    %run_scoped3A_784 = arith.constant 0 : i32
    "tpu.region"() ({
      %run_scoped3A_818 = tpu.sem_alloc : memref<!tpu.dma_semaphore, #tpu.memory_space<semaphore_mem>>
      %dma_start3A_819 = arith.constant 0 : i32
      %dma_start3A_820 = arith.constant 0 : i32
      %dma_start3A_821 = tpu.memref_slice %arg6[%run_scoped3A_784, %dma_start3A_819, %dma_start3A_820] : memref<4x80x128xf32, #tpu.memory_space<vmem>> -> memref<1x80x128xf32, #tpu.memory_space<vmem>>
      %dma_start3A_822 = tpu.memref_squeeze %dma_start3A_821 : memref<1x80x128xf32, #tpu.memory_space<vmem>> -> memref<80x128xf32, #tpu.memory_space<vmem>>
      %dma_start3A_823 = arith.constant 0 : i32
      %dma_start3A_824 = arith.constant 0 : i32
      %dma_start3A_825 = tpu.memref_slice %dma_start3A_822[%dma_start3A_823, %dma_start3A_824] : memref<80x128xf32, #tpu.memory_space<vmem>> -> memref<80x128xf32, #tpu.memory_space<vmem>>
      %dma_start3A_826 = arith.constant 0 : i32
      %dma_start3A_827 = tpu.memref_slice %arg9[%add3A_783, %dma_start3A_826] : memref<10112x128xf32, #tpu.memory_space<vmem_shared>> -> memref<80x128xf32, #tpu.memory_space<vmem_shared>>
      %dma_start3A_828 = arith.constant 0 : i32
      %dma_start3A_829 = arith.constant 0 : i32
      %dma_start3A_830 = tpu.memref_slice %arg6[%run_scoped3A_784, %dma_start3A_828, %dma_start3A_829] : memref<4x80x128xf32, #tpu.memory_space<vmem>> -> memref<1x80x128xf32, #tpu.memory_space<vmem>>
      %dma_start3A_831 = tpu.memref_squeeze %dma_start3A_830 : memref<1x80x128xf32, #tpu.memory_space<vmem>> -> memref<80x128xf32, #tpu.memory_space<vmem>>
      %dma_start3A_832 = arith.constant 0 : i32
      %dma_start3A_833 = arith.constant 0 : i32
      %dma_start3A_834 = tpu.memref_slice %dma_start3A_831[%dma_start3A_832, %dma_start3A_833] : memref<80x128xf32, #tpu.memory_space<vmem>> -> memref<80x128xf32, #tpu.memory_space<vmem>>
      %dma_start3A_835 = arith.constant 0 : i32
      %dma_start3A_836 = tpu.memref_slice %arg9[%add3A_783, %dma_start3A_835] : memref<10112x128xf32, #tpu.memory_space<vmem_shared>> -> memref<80x128xf32, #tpu.memory_space<vmem_shared>>
      tpu.enqueue_dma source(%dma_start3A_836 : memref<80x128xf32, #tpu.memory_space<vmem_shared>>) target(%dma_start3A_834 : memref<80x128xf32, #tpu.memory_space<vmem>>) target_semaphore(%run_scoped3A_818 : memref<!tpu.dma_semaphore, #tpu.memory_space<semaphore_mem>>)
      %dma_wait3A_837 = arith.constant 0 : i32
      %dma_wait3A_838 = arith.constant 0 : i32
      %dma_wait3A_839 = tpu.memref_slice %arg6[%run_scoped3A_784, %dma_wait3A_837, %dma_wait3A_838] : memref<4x80x128xf32, #tpu.memory_space<vmem>> -> memref<1x80x128xf32, #tpu.memory_space<vmem>>
      %dma_wait3A_840 = tpu.memref_squeeze %dma_wait3A_839 : memref<1x80x128xf32, #tpu.memory_space<vmem>> -> memref<80x128xf32, #tpu.memory_space<vmem>>
      %dma_wait3A_841 = arith.constant 0 : i32
      %dma_wait3A_842 = arith.constant 0 : i32
      %dma_wait3A_843 = tpu.memref_slice %dma_wait3A_840[%dma_wait3A_841, %dma_wait3A_842] : memref<80x128xf32, #tpu.memory_space<vmem>> -> memref<80x128xf32, #tpu.memory_space<vmem>>
      %dma_wait3A_844 = arith.constant 0 : i32
      %dma_wait3A_845 = tpu.memref_slice %arg9[%add3A_783, %dma_wait3A_844] : memref<10112x128xf32, #tpu.memory_space<vmem_shared>> -> memref<80x128xf32, #tpu.memory_space<vmem_shared>>
      %dma_wait3A_846 = arith.constant 0 : i32
      %dma_wait3A_847 = arith.constant 0 : i32
      %dma_wait3A_848 = tpu.memref_slice %arg6[%run_scoped3A_784, %dma_wait3A_846, %dma_wait3A_847] : memref<4x80x128xf32, #tpu.memory_space<vmem>> -> memref<1x80x128xf32, #tpu.memory_space<vmem>>
      %dma_wait3A_849 = tpu.memref_squeeze %dma_wait3A_848 : memref<1x80x128xf32, #tpu.memory_space<vmem>> -> memref<80x128xf32, #tpu.memory_space<vmem>>
      %dma_wait3A_850 = arith.constant 0 : i32
      %dma_wait3A_851 = arith.constant 0 : i32
      %dma_wait3A_852 = tpu.memref_slice %dma_wait3A_849[%dma_wait3A_850, %dma_wait3A_851] : memref<80x128xf32, #tpu.memory_space<vmem>> -> memref<80x128xf32, #tpu.memory_space<vmem>>
      %dma_wait3A_853 = arith.constant 0 : i32
      %dma_wait3A_854 = tpu.memref_slice %arg9[%add3A_783, %dma_wait3A_853] : memref<10112x128xf32, #tpu.memory_space<vmem_shared>> -> memref<80x128xf32, #tpu.memory_space<vmem_shared>>
      tpu.wait_dma2 semaphore(%run_scoped3A_818 : memref<!tpu.dma_semaphore, #tpu.memory_space<semaphore_mem>>) src(%dma_wait3A_854 : memref<80x128xf32, #tpu.memory_space<vmem_shared>>) dst(%dma_wait3A_852 : memref<80x128xf32, #tpu.memory_space<vmem>>)
      tpu.yield
    }) : () -> ()
    %add3A_785 = arith.constant 160 : i32
    %add3A_786 = arith.addi %add3A_769, %add3A_785 : i32
    %run_scoped3A_787 = arith.constant 0 : i32
    "tpu.region"() ({
      %run_scoped3A_818 = tpu.sem_alloc : memref<!tpu.dma_semaphore, #tpu.memory_space<semaphore_mem>>
      %dma_start3A_819 = arith.constant 0 : i32
      %dma_start3A_820 = arith.constant 0 : i32
      %dma_start3A_821 = tpu.memref_slice %arg6[%run_scoped3A_787, %dma_start3A_819, %dma_start3A_820] : memref<4x80x128xf32, #tpu.memory_space<vmem>> -> memref<1x80x128xf32, #tpu.memory_space<vmem>>
      %dma_start3A_822 = tpu.memref_squeeze %dma_start3A_821 : memref<1x80x128xf32, #tpu.memory_space<vmem>> -> memref<80x128xf32, #tpu.memory_space<vmem>>
      %dma_start3A_823 = arith.constant 0 : i32
      %dma_start3A_824 = arith.constant 0 : i32
      %dma_start3A_825 = tpu.memref_slice %dma_start3A_822[%dma_start3A_823, %dma_start3A_824] : memref<80x128xf32, #tpu.memory_space<vmem>> -> memref<80x128xf32, #tpu.memory_space<vmem>>
      %dma_start3A_826 = arith.constant 0 : i32
      %dma_start3A_827 = tpu.memref_slice %arg5[%add3A_786, %dma_start3A_826] : memref<20224x128xf32, #tpu.memory_space<hbm>> -> memref<80x128xf32, #tpu.memory_space<hbm>>
      %dma_start3A_828 = arith.constant 0 : i32
      %dma_start3A_829 = tpu.memref_slice %arg5[%add3A_786, %dma_start3A_828] : memref<20224x128xf32, #tpu.memory_space<hbm>> -> memref<80x128xf32, #tpu.memory_space<hbm>>
      %dma_start3A_830 = arith.constant 0 : i32
      %dma_start3A_831 = arith.constant 0 : i32
      %dma_start3A_832 = tpu.memref_slice %arg6[%run_scoped3A_787, %dma_start3A_830, %dma_start3A_831] : memref<4x80x128xf32, #tpu.memory_space<vmem>> -> memref<1x80x128xf32, #tpu.memory_space<vmem>>
      %dma_start3A_833 = tpu.memref_squeeze %dma_start3A_832 : memref<1x80x128xf32, #tpu.memory_space<vmem>> -> memref<80x128xf32, #tpu.memory_space<vmem>>
      %dma_start3A_834 = arith.constant 0 : i32
      %dma_start3A_835 = arith.constant 0 : i32
      %dma_start3A_836 = tpu.memref_slice %dma_start3A_833[%dma_start3A_834, %dma_start3A_835] : memref<80x128xf32, #tpu.memory_space<vmem>> -> memref<80x128xf32, #tpu.memory_space<vmem>>
      tpu.enqueue_dma source(%dma_start3A_836 : memref<80x128xf32, #tpu.memory_space<vmem>>) target(%dma_start3A_829 : memref<80x128xf32, #tpu.memory_space<hbm>>) target_semaphore(%run_scoped3A_818 : memref<!tpu.dma_semaphore, #tpu.memory_space<semaphore_mem>>)
      %dma_wait3A_837 = arith.constant 0 : i32
      %dma_wait3A_838 = arith.constant 0 : i32
      %dma_wait3A_839 = tpu.memref_slice %arg6[%run_scoped3A_787, %dma_wait3A_837, %dma_wait3A_838] : memref<4x80x128xf32, #tpu.memory_space<vmem>> -> memref<1x80x128xf32, #tpu.memory_space<vmem>>
      %dma_wait3A_840 = tpu.memref_squeeze %dma_wait3A_839 : memref<1x80x128xf32, #tpu.memory_space<vmem>> -> memref<80x128xf32, #tpu.memory_space<vmem>>
      %dma_wait3A_841 = arith.constant 0 : i32
      %dma_wait3A_842 = arith.constant 0 : i32
      %dma_wait3A_843 = tpu.memref_slice %dma_wait3A_840[%dma_wait3A_841, %dma_wait3A_842] : memref<80x128xf32, #tpu.memory_space<vmem>> -> memref<80x128xf32, #tpu.memory_space<vmem>>
      %dma_wait3A_844 = arith.constant 0 : i32
      %dma_wait3A_845 = tpu.memref_slice %arg5[%add3A_786, %dma_wait3A_844] : memref<20224x128xf32, #tpu.memory_space<hbm>> -> memref<80x128xf32, #tpu.memory_space<hbm>>
      %dma_wait3A_846 = arith.constant 0 : i32
      %dma_wait3A_847 = tpu.memref_slice %arg5[%add3A_786, %dma_wait3A_846] : memref<20224x128xf32, #tpu.memory_space<hbm>> -> memref<80x128xf32, #tpu.memory_space<hbm>>
      %dma_wait3A_848 = arith.constant 0 : i32
      %dma_wait3A_849 = arith.constant 0 : i32
      %dma_wait3A_850 = tpu.memref_slice %arg6[%run_scoped3A_787, %dma_wait3A_848, %dma_wait3A_849] : memref<4x80x128xf32, #tpu.memory_space<vmem>> -> memref<1x80x128xf32, #tpu.memory_space<vmem>>
      %dma_wait3A_851 = tpu.memref_squeeze %dma_wait3A_850 : memref<1x80x128xf32, #tpu.memory_space<vmem>> -> memref<80x128xf32, #tpu.memory_space<vmem>>
      %dma_wait3A_852 = arith.constant 0 : i32
      %dma_wait3A_853 = arith.constant 0 : i32
      %dma_wait3A_854 = tpu.memref_slice %dma_wait3A_851[%dma_wait3A_852, %dma_wait3A_853] : memref<80x128xf32, #tpu.memory_space<vmem>> -> memref<80x128xf32, #tpu.memory_space<vmem>>
      tpu.wait_dma2 semaphore(%run_scoped3A_818 : memref<!tpu.dma_semaphore, #tpu.memory_space<semaphore_mem>>) src(%dma_wait3A_854 : memref<80x128xf32, #tpu.memory_space<vmem>>) dst(%dma_wait3A_847 : memref<80x128xf32, #tpu.memory_space<hbm>>)
      tpu.yield
    }) : () -> ()
    %add3A_788 = arith.constant 240 : i32
    %add3A_789 = arith.addi %mul3A_2, %add3A_788 : i32
    %run_scoped3A_790 = arith.constant 0 : i32
    "tpu.region"() ({
      %run_scoped3A_818 = tpu.sem_alloc : memref<!tpu.dma_semaphore, #tpu.memory_space<semaphore_mem>>
      %dma_start3A_819 = arith.constant 0 : i32
      %dma_start3A_820 = arith.constant 0 : i32
      %dma_start3A_821 = tpu.memref_slice %arg6[%run_scoped3A_790, %dma_start3A_819, %dma_start3A_820] : memref<4x80x128xf32, #tpu.memory_space<vmem>> -> memref<1x80x128xf32, #tpu.memory_space<vmem>>
      %dma_start3A_822 = tpu.memref_squeeze %dma_start3A_821 : memref<1x80x128xf32, #tpu.memory_space<vmem>> -> memref<80x128xf32, #tpu.memory_space<vmem>>
      %dma_start3A_823 = arith.constant 0 : i32
      %dma_start3A_824 = arith.constant 0 : i32
      %dma_start3A_825 = tpu.memref_slice %dma_start3A_822[%dma_start3A_823, %dma_start3A_824] : memref<80x128xf32, #tpu.memory_space<vmem>> -> memref<80x128xf32, #tpu.memory_space<vmem>>
      %dma_start3A_826 = arith.constant 0 : i32
      %dma_start3A_827 = tpu.memref_slice %arg9[%add3A_789, %dma_start3A_826] : memref<10112x128xf32, #tpu.memory_space<vmem_shared>> -> memref<80x128xf32, #tpu.memory_space<vmem_shared>>
      %dma_start3A_828 = arith.constant 0 : i32
      %dma_start3A_829 = arith.constant 0 : i32
      %dma_start3A_830 = tpu.memref_slice %arg6[%run_scoped3A_790, %dma_start3A_828, %dma_start3A_829] : memref<4x80x128xf32, #tpu.memory_space<vmem>> -> memref<1x80x128xf32, #tpu.memory_space<vmem>>
      %dma_start3A_831 = tpu.memref_squeeze %dma_start3A_830 : memref<1x80x128xf32, #tpu.memory_space<vmem>> -> memref<80x128xf32, #tpu.memory_space<vmem>>
      %dma_start3A_832 = arith.constant 0 : i32
      %dma_start3A_833 = arith.constant 0 : i32
      %dma_start3A_834 = tpu.memref_slice %dma_start3A_831[%dma_start3A_832, %dma_start3A_833] : memref<80x128xf32, #tpu.memory_space<vmem>> -> memref<80x128xf32, #tpu.memory_space<vmem>>
      %dma_start3A_835 = arith.constant 0 : i32
      %dma_start3A_836 = tpu.memref_slice %arg9[%add3A_789, %dma_start3A_835] : memref<10112x128xf32, #tpu.memory_space<vmem_shared>> -> memref<80x128xf32, #tpu.memory_space<vmem_shared>>
      tpu.enqueue_dma source(%dma_start3A_836 : memref<80x128xf32, #tpu.memory_space<vmem_shared>>) target(%dma_start3A_834 : memref<80x128xf32, #tpu.memory_space<vmem>>) target_semaphore(%run_scoped3A_818 : memref<!tpu.dma_semaphore, #tpu.memory_space<semaphore_mem>>)
      %dma_wait3A_837 = arith.constant 0 : i32
      %dma_wait3A_838 = arith.constant 0 : i32
      %dma_wait3A_839 = tpu.memref_slice %arg6[%run_scoped3A_790, %dma_wait3A_837, %dma_wait3A_838] : memref<4x80x128xf32, #tpu.memory_space<vmem>> -> memref<1x80x128xf32, #tpu.memory_space<vmem>>
      %dma_wait3A_840 = tpu.memref_squeeze %dma_wait3A_839 : memref<1x80x128xf32, #tpu.memory_space<vmem>> -> memref<80x128xf32, #tpu.memory_space<vmem>>
      %dma_wait3A_841 = arith.constant 0 : i32
      %dma_wait3A_842 = arith.constant 0 : i32
      %dma_wait3A_843 = tpu.memref_slice %dma_wait3A_840[%dma_wait3A_841, %dma_wait3A_842] : memref<80x128xf32, #tpu.memory_space<vmem>> -> memref<80x128xf32, #tpu.memory_space<vmem>>
      %dma_wait3A_844 = arith.constant 0 : i32
      %dma_wait3A_845 = tpu.memref_slice %arg9[%add3A_789, %dma_wait3A_844] : memref<10112x128xf32, #tpu.memory_space<vmem_shared>> -> memref<80x128xf32, #tpu.memory_space<vmem_shared>>
      %dma_wait3A_846 = arith.constant 0 : i32
      %dma_wait3A_847 = arith.constant 0 : i32
      %dma_wait3A_848 = tpu.memref_slice %arg6[%run_scoped3A_790, %dma_wait3A_846, %dma_wait3A_847] : memref<4x80x128xf32, #tpu.memory_space<vmem>> -> memref<1x80x128xf32, #tpu.memory_space<vmem>>
      %dma_wait3A_849 = tpu.memref_squeeze %dma_wait3A_848 : memref<1x80x128xf32, #tpu.memory_space<vmem>> -> memref<80x128xf32, #tpu.memory_space<vmem>>
      %dma_wait3A_850 = arith.constant 0 : i32
      %dma_wait3A_851 = arith.constant 0 : i32
      %dma_wait3A_852 = tpu.memref_slice %dma_wait3A_849[%dma_wait3A_850, %dma_wait3A_851] : memref<80x128xf32, #tpu.memory_space<vmem>> -> memref<80x128xf32, #tpu.memory_space<vmem>>
      %dma_wait3A_853 = arith.constant 0 : i32
      %dma_wait3A_854 = tpu.memref_slice %arg9[%add3A_789, %dma_wait3A_853] : memref<10112x128xf32, #tpu.memory_space<vmem_shared>> -> memref<80x128xf32, #tpu.memory_space<vmem_shared>>
      tpu.wait_dma2 semaphore(%run_scoped3A_818 : memref<!tpu.dma_semaphore, #tpu.memory_space<semaphore_mem>>) src(%dma_wait3A_854 : memref<80x128xf32, #tpu.memory_space<vmem_shared>>) dst(%dma_wait3A_852 : memref<80x128xf32, #tpu.memory_space<vmem>>)
      tpu.yield
    }) : () -> ()
    %add3A_791 = arith.constant 240 : i32
    %add3A_792 = arith.addi %add3A_769, %add3A_791 : i32
    %run_scoped3A_793 = arith.constant 0 : i32
    "tpu.region"() ({
      %run_scoped3A_818 = tpu.sem_alloc : memref<!tpu.dma_semaphore, #tpu.memory_space<semaphore_mem>>
      %dma_start3A_819 = arith.constant 0 : i32
      %dma_start3A_820 = arith.constant 0 : i32
      %dma_start3A_821 = tpu.memref_slice %arg6[%run_scoped3A_793, %dma_start3A_819, %dma_start3A_820] : memref<4x80x128xf32, #tpu.memory_space<vmem>> -> memref<1x80x128xf32, #tpu.memory_space<vmem>>
      %dma_start3A_822 = tpu.memref_squeeze %dma_start3A_821 : memref<1x80x128xf32, #tpu.memory_space<vmem>> -> memref<80x128xf32, #tpu.memory_space<vmem>>
      %dma_start3A_823 = arith.constant 0 : i32
      %dma_start3A_824 = arith.constant 0 : i32
      %dma_start3A_825 = tpu.memref_slice %dma_start3A_822[%dma_start3A_823, %dma_start3A_824] : memref<80x128xf32, #tpu.memory_space<vmem>> -> memref<80x128xf32, #tpu.memory_space<vmem>>
      %dma_start3A_826 = arith.constant 0 : i32
      %dma_start3A_827 = tpu.memref_slice %arg5[%add3A_792, %dma_start3A_826] : memref<20224x128xf32, #tpu.memory_space<hbm>> -> memref<80x128xf32, #tpu.memory_space<hbm>>
      %dma_start3A_828 = arith.constant 0 : i32
      %dma_start3A_829 = tpu.memref_slice %arg5[%add3A_792, %dma_start3A_828] : memref<20224x128xf32, #tpu.memory_space<hbm>> -> memref<80x128xf32, #tpu.memory_space<hbm>>
      %dma_start3A_830 = arith.constant 0 : i32
      %dma_start3A_831 = arith.constant 0 : i32
      %dma_start3A_832 = tpu.memref_slice %arg6[%run_scoped3A_793, %dma_start3A_830, %dma_start3A_831] : memref<4x80x128xf32, #tpu.memory_space<vmem>> -> memref<1x80x128xf32, #tpu.memory_space<vmem>>
      %dma_start3A_833 = tpu.memref_squeeze %dma_start3A_832 : memref<1x80x128xf32, #tpu.memory_space<vmem>> -> memref<80x128xf32, #tpu.memory_space<vmem>>
      %dma_start3A_834 = arith.constant 0 : i32
      %dma_start3A_835 = arith.constant 0 : i32
      %dma_start3A_836 = tpu.memref_slice %dma_start3A_833[%dma_start3A_834, %dma_start3A_835] : memref<80x128xf32, #tpu.memory_space<vmem>> -> memref<80x128xf32, #tpu.memory_space<vmem>>
      tpu.enqueue_dma source(%dma_start3A_836 : memref<80x128xf32, #tpu.memory_space<vmem>>) target(%dma_start3A_829 : memref<80x128xf32, #tpu.memory_space<hbm>>) target_semaphore(%run_scoped3A_818 : memref<!tpu.dma_semaphore, #tpu.memory_space<semaphore_mem>>)
      %dma_wait3A_837 = arith.constant 0 : i32
      %dma_wait3A_838 = arith.constant 0 : i32
      %dma_wait3A_839 = tpu.memref_slice %arg6[%run_scoped3A_793, %dma_wait3A_837, %dma_wait3A_838] : memref<4x80x128xf32, #tpu.memory_space<vmem>> -> memref<1x80x128xf32, #tpu.memory_space<vmem>>
      %dma_wait3A_840 = tpu.memref_squeeze %dma_wait3A_839 : memref<1x80x128xf32, #tpu.memory_space<vmem>> -> memref<80x128xf32, #tpu.memory_space<vmem>>
      %dma_wait3A_841 = arith.constant 0 : i32
      %dma_wait3A_842 = arith.constant 0 : i32
      %dma_wait3A_843 = tpu.memref_slice %dma_wait3A_840[%dma_wait3A_841, %dma_wait3A_842] : memref<80x128xf32, #tpu.memory_space<vmem>> -> memref<80x128xf32, #tpu.memory_space<vmem>>
      %dma_wait3A_844 = arith.constant 0 : i32
      %dma_wait3A_845 = tpu.memref_slice %arg5[%add3A_792, %dma_wait3A_844] : memref<20224x128xf32, #tpu.memory_space<hbm>> -> memref<80x128xf32, #tpu.memory_space<hbm>>
      %dma_wait3A_846 = arith.constant 0 : i32
      %dma_wait3A_847 = tpu.memref_slice %arg5[%add3A_792, %dma_wait3A_846] : memref<20224x128xf32, #tpu.memory_space<hbm>> -> memref<80x128xf32, #tpu.memory_space<hbm>>
      %dma_wait3A_848 = arith.constant 0 : i32
      %dma_wait3A_849 = arith.constant 0 : i32
      %dma_wait3A_850 = tpu.memref_slice %arg6[%run_scoped3A_793, %dma_wait3A_848, %dma_wait3A_849] : memref<4x80x128xf32, #tpu.memory_space<vmem>> -> memref<1x80x128xf32, #tpu.memory_space<vmem>>
      %dma_wait3A_851 = tpu.memref_squeeze %dma_wait3A_850 : memref<1x80x128xf32, #tpu.memory_space<vmem>> -> memref<80x128xf32, #tpu.memory_space<vmem>>
      %dma_wait3A_852 = arith.constant 0 : i32
      %dma_wait3A_853 = arith.constant 0 : i32
      %dma_wait3A_854 = tpu.memref_slice %dma_wait3A_851[%dma_wait3A_852, %dma_wait3A_853] : memref<80x128xf32, #tpu.memory_space<vmem>> -> memref<80x128xf32, #tpu.memory_space<vmem>>
      tpu.wait_dma2 semaphore(%run_scoped3A_818 : memref<!tpu.dma_semaphore, #tpu.memory_space<semaphore_mem>>) src(%dma_wait3A_854 : memref<80x128xf32, #tpu.memory_space<vmem>>) dst(%dma_wait3A_847 : memref<80x128xf32, #tpu.memory_space<hbm>>)
      tpu.yield
    }) : () -> ()
    %add3A_794 = arith.constant 320 : i32
    %add3A_795 = arith.addi %mul3A_2, %add3A_794 : i32
    %run_scoped3A_796 = arith.constant 0 : i32
    "tpu.region"() ({
      %run_scoped3A_818 = tpu.sem_alloc : memref<!tpu.dma_semaphore, #tpu.memory_space<semaphore_mem>>
      %dma_start3A_819 = arith.constant 0 : i32
      %dma_start3A_820 = arith.constant 0 : i32
      %dma_start3A_821 = tpu.memref_slice %arg6[%run_scoped3A_796, %dma_start3A_819, %dma_start3A_820] : memref<4x80x128xf32, #tpu.memory_space<vmem>> -> memref<1x80x128xf32, #tpu.memory_space<vmem>>
      %dma_start3A_822 = tpu.memref_squeeze %dma_start3A_821 : memref<1x80x128xf32, #tpu.memory_space<vmem>> -> memref<80x128xf32, #tpu.memory_space<vmem>>
      %dma_start3A_823 = arith.constant 0 : i32
      %dma_start3A_824 = arith.constant 0 : i32
      %dma_start3A_825 = tpu.memref_slice %dma_start3A_822[%dma_start3A_823, %dma_start3A_824] : memref<80x128xf32, #tpu.memory_space<vmem>> -> memref<80x128xf32, #tpu.memory_space<vmem>>
      %dma_start3A_826 = arith.constant 0 : i32
      %dma_start3A_827 = tpu.memref_slice %arg9[%add3A_795, %dma_start3A_826] : memref<10112x128xf32, #tpu.memory_space<vmem_shared>> -> memref<80x128xf32, #tpu.memory_space<vmem_shared>>
      %dma_start3A_828 = arith.constant 0 : i32
      %dma_start3A_829 = arith.constant 0 : i32
      %dma_start3A_830 = tpu.memref_slice %arg6[%run_scoped3A_796, %dma_start3A_828, %dma_start3A_829] : memref<4x80x128xf32, #tpu.memory_space<vmem>> -> memref<1x80x128xf32, #tpu.memory_space<vmem>>
      %dma_start3A_831 = tpu.memref_squeeze %dma_start3A_830 : memref<1x80x128xf32, #tpu.memory_space<vmem>> -> memref<80x128xf32, #tpu.memory_space<vmem>>
      %dma_start3A_832 = arith.constant 0 : i32
      %dma_start3A_833 = arith.constant 0 : i32
      %dma_start3A_834 = tpu.memref_slice %dma_start3A_831[%dma_start3A_832, %dma_start3A_833] : memref<80x128xf32, #tpu.memory_space<vmem>> -> memref<80x128xf32, #tpu.memory_space<vmem>>
      %dma_start3A_835 = arith.constant 0 : i32
      %dma_start3A_836 = tpu.memref_slice %arg9[%add3A_795, %dma_start3A_835] : memref<10112x128xf32, #tpu.memory_space<vmem_shared>> -> memref<80x128xf32, #tpu.memory_space<vmem_shared>>
      tpu.enqueue_dma source(%dma_start3A_836 : memref<80x128xf32, #tpu.memory_space<vmem_shared>>) target(%dma_start3A_834 : memref<80x128xf32, #tpu.memory_space<vmem>>) target_semaphore(%run_scoped3A_818 : memref<!tpu.dma_semaphore, #tpu.memory_space<semaphore_mem>>)
      %dma_wait3A_837 = arith.constant 0 : i32
      %dma_wait3A_838 = arith.constant 0 : i32
      %dma_wait3A_839 = tpu.memref_slice %arg6[%run_scoped3A_796, %dma_wait3A_837, %dma_wait3A_838] : memref<4x80x128xf32, #tpu.memory_space<vmem>> -> memref<1x80x128xf32, #tpu.memory_space<vmem>>
      %dma_wait3A_840 = tpu.memref_squeeze %dma_wait3A_839 : memref<1x80x128xf32, #tpu.memory_space<vmem>> -> memref<80x128xf32, #tpu.memory_space<vmem>>
      %dma_wait3A_841 = arith.constant 0 : i32
      %dma_wait3A_842 = arith.constant 0 : i32
      %dma_wait3A_843 = tpu.memref_slice %dma_wait3A_840[%dma_wait3A_841, %dma_wait3A_842] : memref<80x128xf32, #tpu.memory_space<vmem>> -> memref<80x128xf32, #tpu.memory_space<vmem>>
      %dma_wait3A_844 = arith.constant 0 : i32
      %dma_wait3A_845 = tpu.memref_slice %arg9[%add3A_795, %dma_wait3A_844] : memref<10112x128xf32, #tpu.memory_space<vmem_shared>> -> memref<80x128xf32, #tpu.memory_space<vmem_shared>>
      %dma_wait3A_846 = arith.constant 0 : i32
      %dma_wait3A_847 = arith.constant 0 : i32
      %dma_wait3A_848 = tpu.memref_slice %arg6[%run_scoped3A_796, %dma_wait3A_846, %dma_wait3A_847] : memref<4x80x128xf32, #tpu.memory_space<vmem>> -> memref<1x80x128xf32, #tpu.memory_space<vmem>>
      %dma_wait3A_849 = tpu.memref_squeeze %dma_wait3A_848 : memref<1x80x128xf32, #tpu.memory_space<vmem>> -> memref<80x128xf32, #tpu.memory_space<vmem>>
      %dma_wait3A_850 = arith.constant 0 : i32
      %dma_wait3A_851 = arith.constant 0 : i32
      %dma_wait3A_852 = tpu.memref_slice %dma_wait3A_849[%dma_wait3A_850, %dma_wait3A_851] : memref<80x128xf32, #tpu.memory_space<vmem>> -> memref<80x128xf32, #tpu.memory_space<vmem>>
      %dma_wait3A_853 = arith.constant 0 : i32
      %dma_wait3A_854 = tpu.memref_slice %arg9[%add3A_795, %dma_wait3A_853] : memref<10112x128xf32, #tpu.memory_space<vmem_shared>> -> memref<80x128xf32, #tpu.memory_space<vmem_shared>>
      tpu.wait_dma2 semaphore(%run_scoped3A_818 : memref<!tpu.dma_semaphore, #tpu.memory_space<semaphore_mem>>) src(%dma_wait3A_854 : memref<80x128xf32, #tpu.memory_space<vmem_shared>>) dst(%dma_wait3A_852 : memref<80x128xf32, #tpu.memory_space<vmem>>)
      tpu.yield
    }) : () -> ()
    %add3A_797 = arith.constant 320 : i32
    %add3A_798 = arith.addi %add3A_769, %add3A_797 : i32
    %run_scoped3A_799 = arith.constant 0 : i32
    "tpu.region"() ({
      %run_scoped3A_818 = tpu.sem_alloc : memref<!tpu.dma_semaphore, #tpu.memory_space<semaphore_mem>>
      %dma_start3A_819 = arith.constant 0 : i32
      %dma_start3A_820 = arith.constant 0 : i32
      %dma_start3A_821 = tpu.memref_slice %arg6[%run_scoped3A_799, %dma_start3A_819, %dma_start3A_820] : memref<4x80x128xf32, #tpu.memory_space<vmem>> -> memref<1x80x128xf32, #tpu.memory_space<vmem>>
      %dma_start3A_822 = tpu.memref_squeeze %dma_start3A_821 : memref<1x80x128xf32, #tpu.memory_space<vmem>> -> memref<80x128xf32, #tpu.memory_space<vmem>>
      %dma_start3A_823 = arith.constant 0 : i32
      %dma_start3A_824 = arith.constant 0 : i32
      %dma_start3A_825 = tpu.memref_slice %dma_start3A_822[%dma_start3A_823, %dma_start3A_824] : memref<80x128xf32, #tpu.memory_space<vmem>> -> memref<80x128xf32, #tpu.memory_space<vmem>>
      %dma_start3A_826 = arith.constant 0 : i32
      %dma_start3A_827 = tpu.memref_slice %arg5[%add3A_798, %dma_start3A_826] : memref<20224x128xf32, #tpu.memory_space<hbm>> -> memref<80x128xf32, #tpu.memory_space<hbm>>
      %dma_start3A_828 = arith.constant 0 : i32
      %dma_start3A_829 = tpu.memref_slice %arg5[%add3A_798, %dma_start3A_828] : memref<20224x128xf32, #tpu.memory_space<hbm>> -> memref<80x128xf32, #tpu.memory_space<hbm>>
      %dma_start3A_830 = arith.constant 0 : i32
      %dma_start3A_831 = arith.constant 0 : i32
      %dma_start3A_832 = tpu.memref_slice %arg6[%run_scoped3A_799, %dma_start3A_830, %dma_start3A_831] : memref<4x80x128xf32, #tpu.memory_space<vmem>> -> memref<1x80x128xf32, #tpu.memory_space<vmem>>
      %dma_start3A_833 = tpu.memref_squeeze %dma_start3A_832 : memref<1x80x128xf32, #tpu.memory_space<vmem>> -> memref<80x128xf32, #tpu.memory_space<vmem>>
      %dma_start3A_834 = arith.constant 0 : i32
      %dma_start3A_835 = arith.constant 0 : i32
      %dma_start3A_836 = tpu.memref_slice %dma_start3A_833[%dma_start3A_834, %dma_start3A_835] : memref<80x128xf32, #tpu.memory_space<vmem>> -> memref<80x128xf32, #tpu.memory_space<vmem>>
      tpu.enqueue_dma source(%dma_start3A_836 : memref<80x128xf32, #tpu.memory_space<vmem>>) target(%dma_start3A_829 : memref<80x128xf32, #tpu.memory_space<hbm>>) target_semaphore(%run_scoped3A_818 : memref<!tpu.dma_semaphore, #tpu.memory_space<semaphore_mem>>)
      %dma_wait3A_837 = arith.constant 0 : i32
      %dma_wait3A_838 = arith.constant 0 : i32
      %dma_wait3A_839 = tpu.memref_slice %arg6[%run_scoped3A_799, %dma_wait3A_837, %dma_wait3A_838] : memref<4x80x128xf32, #tpu.memory_space<vmem>> -> memref<1x80x128xf32, #tpu.memory_space<vmem>>
      %dma_wait3A_840 = tpu.memref_squeeze %dma_wait3A_839 : memref<1x80x128xf32, #tpu.memory_space<vmem>> -> memref<80x128xf32, #tpu.memory_space<vmem>>
      %dma_wait3A_841 = arith.constant 0 : i32
      %dma_wait3A_842 = arith.constant 0 : i32
      %dma_wait3A_843 = tpu.memref_slice %dma_wait3A_840[%dma_wait3A_841, %dma_wait3A_842] : memref<80x128xf32, #tpu.memory_space<vmem>> -> memref<80x128xf32, #tpu.memory_space<vmem>>
      %dma_wait3A_844 = arith.constant 0 : i32
      %dma_wait3A_845 = tpu.memref_slice %arg5[%add3A_798, %dma_wait3A_844] : memref<20224x128xf32, #tpu.memory_space<hbm>> -> memref<80x128xf32, #tpu.memory_space<hbm>>
      %dma_wait3A_846 = arith.constant 0 : i32
      %dma_wait3A_847 = tpu.memref_slice %arg5[%add3A_798, %dma_wait3A_846] : memref<20224x128xf32, #tpu.memory_space<hbm>> -> memref<80x128xf32, #tpu.memory_space<hbm>>
      %dma_wait3A_848 = arith.constant 0 : i32
      %dma_wait3A_849 = arith.constant 0 : i32
      %dma_wait3A_850 = tpu.memref_slice %arg6[%run_scoped3A_799, %dma_wait3A_848, %dma_wait3A_849] : memref<4x80x128xf32, #tpu.memory_space<vmem>> -> memref<1x80x128xf32, #tpu.memory_space<vmem>>
      %dma_wait3A_851 = tpu.memref_squeeze %dma_wait3A_850 : memref<1x80x128xf32, #tpu.memory_space<vmem>> -> memref<80x128xf32, #tpu.memory_space<vmem>>
      %dma_wait3A_852 = arith.constant 0 : i32
      %dma_wait3A_853 = arith.constant 0 : i32
      %dma_wait3A_854 = tpu.memref_slice %dma_wait3A_851[%dma_wait3A_852, %dma_wait3A_853] : memref<80x128xf32, #tpu.memory_space<vmem>> -> memref<80x128xf32, #tpu.memory_space<vmem>>
      tpu.wait_dma2 semaphore(%run_scoped3A_818 : memref<!tpu.dma_semaphore, #tpu.memory_space<semaphore_mem>>) src(%dma_wait3A_854 : memref<80x128xf32, #tpu.memory_space<vmem>>) dst(%dma_wait3A_847 : memref<80x128xf32, #tpu.memory_space<hbm>>)
      tpu.yield
    }) : () -> ()
    %add3A_800 = arith.constant 400 : i32
    %add3A_801 = arith.addi %mul3A_2, %add3A_800 : i32
    %run_scoped3A_802 = arith.constant 0 : i32
    "tpu.region"() ({
      %run_scoped3A_818 = tpu.sem_alloc : memref<!tpu.dma_semaphore, #tpu.memory_space<semaphore_mem>>
      %dma_start3A_819 = arith.constant 0 : i32
      %dma_start3A_820 = arith.constant 0 : i32
      %dma_start3A_821 = tpu.memref_slice %arg6[%run_scoped3A_802, %dma_start3A_819, %dma_start3A_820] : memref<4x80x128xf32, #tpu.memory_space<vmem>> -> memref<1x80x128xf32, #tpu.memory_space<vmem>>
      %dma_start3A_822 = tpu.memref_squeeze %dma_start3A_821 : memref<1x80x128xf32, #tpu.memory_space<vmem>> -> memref<80x128xf32, #tpu.memory_space<vmem>>
      %dma_start3A_823 = arith.constant 0 : i32
      %dma_start3A_824 = arith.constant 0 : i32
      %dma_start3A_825 = tpu.memref_slice %dma_start3A_822[%dma_start3A_823, %dma_start3A_824] : memref<80x128xf32, #tpu.memory_space<vmem>> -> memref<80x128xf32, #tpu.memory_space<vmem>>
      %dma_start3A_826 = arith.constant 0 : i32
      %dma_start3A_827 = tpu.memref_slice %arg9[%add3A_801, %dma_start3A_826] : memref<10112x128xf32, #tpu.memory_space<vmem_shared>> -> memref<80x128xf32, #tpu.memory_space<vmem_shared>>
      %dma_start3A_828 = arith.constant 0 : i32
      %dma_start3A_829 = arith.constant 0 : i32
      %dma_start3A_830 = tpu.memref_slice %arg6[%run_scoped3A_802, %dma_start3A_828, %dma_start3A_829] : memref<4x80x128xf32, #tpu.memory_space<vmem>> -> memref<1x80x128xf32, #tpu.memory_space<vmem>>
      %dma_start3A_831 = tpu.memref_squeeze %dma_start3A_830 : memref<1x80x128xf32, #tpu.memory_space<vmem>> -> memref<80x128xf32, #tpu.memory_space<vmem>>
      %dma_start3A_832 = arith.constant 0 : i32
      %dma_start3A_833 = arith.constant 0 : i32
      %dma_start3A_834 = tpu.memref_slice %dma_start3A_831[%dma_start3A_832, %dma_start3A_833] : memref<80x128xf32, #tpu.memory_space<vmem>> -> memref<80x128xf32, #tpu.memory_space<vmem>>
      %dma_start3A_835 = arith.constant 0 : i32
      %dma_start3A_836 = tpu.memref_slice %arg9[%add3A_801, %dma_start3A_835] : memref<10112x128xf32, #tpu.memory_space<vmem_shared>> -> memref<80x128xf32, #tpu.memory_space<vmem_shared>>
      tpu.enqueue_dma source(%dma_start3A_836 : memref<80x128xf32, #tpu.memory_space<vmem_shared>>) target(%dma_start3A_834 : memref<80x128xf32, #tpu.memory_space<vmem>>) target_semaphore(%run_scoped3A_818 : memref<!tpu.dma_semaphore, #tpu.memory_space<semaphore_mem>>)
      %dma_wait3A_837 = arith.constant 0 : i32
      %dma_wait3A_838 = arith.constant 0 : i32
      %dma_wait3A_839 = tpu.memref_slice %arg6[%run_scoped3A_802, %dma_wait3A_837, %dma_wait3A_838] : memref<4x80x128xf32, #tpu.memory_space<vmem>> -> memref<1x80x128xf32, #tpu.memory_space<vmem>>
      %dma_wait3A_840 = tpu.memref_squeeze %dma_wait3A_839 : memref<1x80x128xf32, #tpu.memory_space<vmem>> -> memref<80x128xf32, #tpu.memory_space<vmem>>
      %dma_wait3A_841 = arith.constant 0 : i32
      %dma_wait3A_842 = arith.constant 0 : i32
      %dma_wait3A_843 = tpu.memref_slice %dma_wait3A_840[%dma_wait3A_841, %dma_wait3A_842] : memref<80x128xf32, #tpu.memory_space<vmem>> -> memref<80x128xf32, #tpu.memory_space<vmem>>
      %dma_wait3A_844 = arith.constant 0 : i32
      %dma_wait3A_845 = tpu.memref_slice %arg9[%add3A_801, %dma_wait3A_844] : memref<10112x128xf32, #tpu.memory_space<vmem_shared>> -> memref<80x128xf32, #tpu.memory_space<vmem_shared>>
      %dma_wait3A_846 = arith.constant 0 : i32
      %dma_wait3A_847 = arith.constant 0 : i32
      %dma_wait3A_848 = tpu.memref_slice %arg6[%run_scoped3A_802, %dma_wait3A_846, %dma_wait3A_847] : memref<4x80x128xf32, #tpu.memory_space<vmem>> -> memref<1x80x128xf32, #tpu.memory_space<vmem>>
      %dma_wait3A_849 = tpu.memref_squeeze %dma_wait3A_848 : memref<1x80x128xf32, #tpu.memory_space<vmem>> -> memref<80x128xf32, #tpu.memory_space<vmem>>
      %dma_wait3A_850 = arith.constant 0 : i32
      %dma_wait3A_851 = arith.constant 0 : i32
      %dma_wait3A_852 = tpu.memref_slice %dma_wait3A_849[%dma_wait3A_850, %dma_wait3A_851] : memref<80x128xf32, #tpu.memory_space<vmem>> -> memref<80x128xf32, #tpu.memory_space<vmem>>
      %dma_wait3A_853 = arith.constant 0 : i32
      %dma_wait3A_854 = tpu.memref_slice %arg9[%add3A_801, %dma_wait3A_853] : memref<10112x128xf32, #tpu.memory_space<vmem_shared>> -> memref<80x128xf32, #tpu.memory_space<vmem_shared>>
      tpu.wait_dma2 semaphore(%run_scoped3A_818 : memref<!tpu.dma_semaphore, #tpu.memory_space<semaphore_mem>>) src(%dma_wait3A_854 : memref<80x128xf32, #tpu.memory_space<vmem_shared>>) dst(%dma_wait3A_852 : memref<80x128xf32, #tpu.memory_space<vmem>>)
      tpu.yield
    }) : () -> ()
    %add3A_803 = arith.constant 400 : i32
    %add3A_804 = arith.addi %add3A_769, %add3A_803 : i32
    %run_scoped3A_805 = arith.constant 0 : i32
    "tpu.region"() ({
      %run_scoped3A_818 = tpu.sem_alloc : memref<!tpu.dma_semaphore, #tpu.memory_space<semaphore_mem>>
      %dma_start3A_819 = arith.constant 0 : i32
      %dma_start3A_820 = arith.constant 0 : i32
      %dma_start3A_821 = tpu.memref_slice %arg6[%run_scoped3A_805, %dma_start3A_819, %dma_start3A_820] : memref<4x80x128xf32, #tpu.memory_space<vmem>> -> memref<1x80x128xf32, #tpu.memory_space<vmem>>
      %dma_start3A_822 = tpu.memref_squeeze %dma_start3A_821 : memref<1x80x128xf32, #tpu.memory_space<vmem>> -> memref<80x128xf32, #tpu.memory_space<vmem>>
      %dma_start3A_823 = arith.constant 0 : i32
      %dma_start3A_824 = arith.constant 0 : i32
      %dma_start3A_825 = tpu.memref_slice %dma_start3A_822[%dma_start3A_823, %dma_start3A_824] : memref<80x128xf32, #tpu.memory_space<vmem>> -> memref<80x128xf32, #tpu.memory_space<vmem>>
      %dma_start3A_826 = arith.constant 0 : i32
      %dma_start3A_827 = tpu.memref_slice %arg5[%add3A_804, %dma_start3A_826] : memref<20224x128xf32, #tpu.memory_space<hbm>> -> memref<80x128xf32, #tpu.memory_space<hbm>>
      %dma_start3A_828 = arith.constant 0 : i32
      %dma_start3A_829 = tpu.memref_slice %arg5[%add3A_804, %dma_start3A_828] : memref<20224x128xf32, #tpu.memory_space<hbm>> -> memref<80x128xf32, #tpu.memory_space<hbm>>
      %dma_start3A_830 = arith.constant 0 : i32
      %dma_start3A_831 = arith.constant 0 : i32
      %dma_start3A_832 = tpu.memref_slice %arg6[%run_scoped3A_805, %dma_start3A_830, %dma_start3A_831] : memref<4x80x128xf32, #tpu.memory_space<vmem>> -> memref<1x80x128xf32, #tpu.memory_space<vmem>>
      %dma_start3A_833 = tpu.memref_squeeze %dma_start3A_832 : memref<1x80x128xf32, #tpu.memory_space<vmem>> -> memref<80x128xf32, #tpu.memory_space<vmem>>
      %dma_start3A_834 = arith.constant 0 : i32
      %dma_start3A_835 = arith.constant 0 : i32
      %dma_start3A_836 = tpu.memref_slice %dma_start3A_833[%dma_start3A_834, %dma_start3A_835] : memref<80x128xf32, #tpu.memory_space<vmem>> -> memref<80x128xf32, #tpu.memory_space<vmem>>
      tpu.enqueue_dma source(%dma_start3A_836 : memref<80x128xf32, #tpu.memory_space<vmem>>) target(%dma_start3A_829 : memref<80x128xf32, #tpu.memory_space<hbm>>) target_semaphore(%run_scoped3A_818 : memref<!tpu.dma_semaphore, #tpu.memory_space<semaphore_mem>>)
      %dma_wait3A_837 = arith.constant 0 : i32
      %dma_wait3A_838 = arith.constant 0 : i32
      %dma_wait3A_839 = tpu.memref_slice %arg6[%run_scoped3A_805, %dma_wait3A_837, %dma_wait3A_838] : memref<4x80x128xf32, #tpu.memory_space<vmem>> -> memref<1x80x128xf32, #tpu.memory_space<vmem>>
      %dma_wait3A_840 = tpu.memref_squeeze %dma_wait3A_839 : memref<1x80x128xf32, #tpu.memory_space<vmem>> -> memref<80x128xf32, #tpu.memory_space<vmem>>
      %dma_wait3A_841 = arith.constant 0 : i32
      %dma_wait3A_842 = arith.constant 0 : i32
      %dma_wait3A_843 = tpu.memref_slice %dma_wait3A_840[%dma_wait3A_841, %dma_wait3A_842] : memref<80x128xf32, #tpu.memory_space<vmem>> -> memref<80x128xf32, #tpu.memory_space<vmem>>
      %dma_wait3A_844 = arith.constant 0 : i32
      %dma_wait3A_845 = tpu.memref_slice %arg5[%add3A_804, %dma_wait3A_844] : memref<20224x128xf32, #tpu.memory_space<hbm>> -> memref<80x128xf32, #tpu.memory_space<hbm>>
      %dma_wait3A_846 = arith.constant 0 : i32
      %dma_wait3A_847 = tpu.memref_slice %arg5[%add3A_804, %dma_wait3A_846] : memref<20224x128xf32, #tpu.memory_space<hbm>> -> memref<80x128xf32, #tpu.memory_space<hbm>>
      %dma_wait3A_848 = arith.constant 0 : i32
      %dma_wait3A_849 = arith.constant 0 : i32
      %dma_wait3A_850 = tpu.memref_slice %arg6[%run_scoped3A_805, %dma_wait3A_848, %dma_wait3A_849] : memref<4x80x128xf32, #tpu.memory_space<vmem>> -> memref<1x80x128xf32, #tpu.memory_space<vmem>>
      %dma_wait3A_851 = tpu.memref_squeeze %dma_wait3A_850 : memref<1x80x128xf32, #tpu.memory_space<vmem>> -> memref<80x128xf32, #tpu.memory_space<vmem>>
      %dma_wait3A_852 = arith.constant 0 : i32
      %dma_wait3A_853 = arith.constant 0 : i32
      %dma_wait3A_854 = tpu.memref_slice %dma_wait3A_851[%dma_wait3A_852, %dma_wait3A_853] : memref<80x128xf32, #tpu.memory_space<vmem>> -> memref<80x128xf32, #tpu.memory_space<vmem>>
      tpu.wait_dma2 semaphore(%run_scoped3A_818 : memref<!tpu.dma_semaphore, #tpu.memory_space<semaphore_mem>>) src(%dma_wait3A_854 : memref<80x128xf32, #tpu.memory_space<vmem>>) dst(%dma_wait3A_847 : memref<80x128xf32, #tpu.memory_space<hbm>>)
      tpu.yield
    }) : () -> ()
    %add3A_806 = arith.constant 480 : i32
    %add3A_807 = arith.addi %mul3A_2, %add3A_806 : i32
    %run_scoped3A_808 = arith.constant 0 : i32
    "tpu.region"() ({
      %run_scoped3A_818 = tpu.sem_alloc : memref<!tpu.dma_semaphore, #tpu.memory_space<semaphore_mem>>
      %dma_start3A_819 = arith.constant 0 : i32
      %dma_start3A_820 = arith.constant 0 : i32
      %dma_start3A_821 = tpu.memref_slice %arg6[%run_scoped3A_808, %dma_start3A_819, %dma_start3A_820] : memref<4x80x128xf32, #tpu.memory_space<vmem>> -> memref<1x80x128xf32, #tpu.memory_space<vmem>>
      %dma_start3A_822 = tpu.memref_squeeze %dma_start3A_821 : memref<1x80x128xf32, #tpu.memory_space<vmem>> -> memref<80x128xf32, #tpu.memory_space<vmem>>
      %dma_start3A_823 = arith.constant 0 : i32
      %dma_start3A_824 = arith.constant 0 : i32
      %dma_start3A_825 = tpu.memref_slice %dma_start3A_822[%dma_start3A_823, %dma_start3A_824] : memref<80x128xf32, #tpu.memory_space<vmem>> -> memref<80x128xf32, #tpu.memory_space<vmem>>
      %dma_start3A_826 = arith.constant 0 : i32
      %dma_start3A_827 = tpu.memref_slice %arg9[%add3A_807, %dma_start3A_826] : memref<10112x128xf32, #tpu.memory_space<vmem_shared>> -> memref<80x128xf32, #tpu.memory_space<vmem_shared>>
      %dma_start3A_828 = arith.constant 0 : i32
      %dma_start3A_829 = arith.constant 0 : i32
      %dma_start3A_830 = tpu.memref_slice %arg6[%run_scoped3A_808, %dma_start3A_828, %dma_start3A_829] : memref<4x80x128xf32, #tpu.memory_space<vmem>> -> memref<1x80x128xf32, #tpu.memory_space<vmem>>
      %dma_start3A_831 = tpu.memref_squeeze %dma_start3A_830 : memref<1x80x128xf32, #tpu.memory_space<vmem>> -> memref<80x128xf32, #tpu.memory_space<vmem>>
      %dma_start3A_832 = arith.constant 0 : i32
      %dma_start3A_833 = arith.constant 0 : i32
      %dma_start3A_834 = tpu.memref_slice %dma_start3A_831[%dma_start3A_832, %dma_start3A_833] : memref<80x128xf32, #tpu.memory_space<vmem>> -> memref<80x128xf32, #tpu.memory_space<vmem>>
      %dma_start3A_835 = arith.constant 0 : i32
      %dma_start3A_836 = tpu.memref_slice %arg9[%add3A_807, %dma_start3A_835] : memref<10112x128xf32, #tpu.memory_space<vmem_shared>> -> memref<80x128xf32, #tpu.memory_space<vmem_shared>>
      tpu.enqueue_dma source(%dma_start3A_836 : memref<80x128xf32, #tpu.memory_space<vmem_shared>>) target(%dma_start3A_834 : memref<80x128xf32, #tpu.memory_space<vmem>>) target_semaphore(%run_scoped3A_818 : memref<!tpu.dma_semaphore, #tpu.memory_space<semaphore_mem>>)
      %dma_wait3A_837 = arith.constant 0 : i32
      %dma_wait3A_838 = arith.constant 0 : i32
      %dma_wait3A_839 = tpu.memref_slice %arg6[%run_scoped3A_808, %dma_wait3A_837, %dma_wait3A_838] : memref<4x80x128xf32, #tpu.memory_space<vmem>> -> memref<1x80x128xf32, #tpu.memory_space<vmem>>
      %dma_wait3A_840 = tpu.memref_squeeze %dma_wait3A_839 : memref<1x80x128xf32, #tpu.memory_space<vmem>> -> memref<80x128xf32, #tpu.memory_space<vmem>>
      %dma_wait3A_841 = arith.constant 0 : i32
      %dma_wait3A_842 = arith.constant 0 : i32
      %dma_wait3A_843 = tpu.memref_slice %dma_wait3A_840[%dma_wait3A_841, %dma_wait3A_842] : memref<80x128xf32, #tpu.memory_space<vmem>> -> memref<80x128xf32, #tpu.memory_space<vmem>>
      %dma_wait3A_844 = arith.constant 0 : i32
      %dma_wait3A_845 = tpu.memref_slice %arg9[%add3A_807, %dma_wait3A_844] : memref<10112x128xf32, #tpu.memory_space<vmem_shared>> -> memref<80x128xf32, #tpu.memory_space<vmem_shared>>
      %dma_wait3A_846 = arith.constant 0 : i32
      %dma_wait3A_847 = arith.constant 0 : i32
      %dma_wait3A_848 = tpu.memref_slice %arg6[%run_scoped3A_808, %dma_wait3A_846, %dma_wait3A_847] : memref<4x80x128xf32, #tpu.memory_space<vmem>> -> memref<1x80x128xf32, #tpu.memory_space<vmem>>
      %dma_wait3A_849 = tpu.memref_squeeze %dma_wait3A_848 : memref<1x80x128xf32, #tpu.memory_space<vmem>> -> memref<80x128xf32, #tpu.memory_space<vmem>>
      %dma_wait3A_850 = arith.constant 0 : i32
      %dma_wait3A_851 = arith.constant 0 : i32
      %dma_wait3A_852 = tpu.memref_slice %dma_wait3A_849[%dma_wait3A_850, %dma_wait3A_851] : memref<80x128xf32, #tpu.memory_space<vmem>> -> memref<80x128xf32, #tpu.memory_space<vmem>>
      %dma_wait3A_853 = arith.constant 0 : i32
      %dma_wait3A_854 = tpu.memref_slice %arg9[%add3A_807, %dma_wait3A_853] : memref<10112x128xf32, #tpu.memory_space<vmem_shared>> -> memref<80x128xf32, #tpu.memory_space<vmem_shared>>
      tpu.wait_dma2 semaphore(%run_scoped3A_818 : memref<!tpu.dma_semaphore, #tpu.memory_space<semaphore_mem>>) src(%dma_wait3A_854 : memref<80x128xf32, #tpu.memory_space<vmem_shared>>) dst(%dma_wait3A_852 : memref<80x128xf32, #tpu.memory_space<vmem>>)
      tpu.yield
    }) : () -> ()
    %add3A_809 = arith.constant 480 : i32
    %add3A_810 = arith.addi %add3A_769, %add3A_809 : i32
    %run_scoped3A_811 = arith.constant 0 : i32
    "tpu.region"() ({
      %run_scoped3A_818 = tpu.sem_alloc : memref<!tpu.dma_semaphore, #tpu.memory_space<semaphore_mem>>
      %dma_start3A_819 = arith.constant 0 : i32
      %dma_start3A_820 = arith.constant 0 : i32
      %dma_start3A_821 = tpu.memref_slice %arg6[%run_scoped3A_811, %dma_start3A_819, %dma_start3A_820] : memref<4x80x128xf32, #tpu.memory_space<vmem>> -> memref<1x80x128xf32, #tpu.memory_space<vmem>>
      %dma_start3A_822 = tpu.memref_squeeze %dma_start3A_821 : memref<1x80x128xf32, #tpu.memory_space<vmem>> -> memref<80x128xf32, #tpu.memory_space<vmem>>
      %dma_start3A_823 = arith.constant 0 : i32
      %dma_start3A_824 = arith.constant 0 : i32
      %dma_start3A_825 = tpu.memref_slice %dma_start3A_822[%dma_start3A_823, %dma_start3A_824] : memref<80x128xf32, #tpu.memory_space<vmem>> -> memref<80x128xf32, #tpu.memory_space<vmem>>
      %dma_start3A_826 = arith.constant 0 : i32
      %dma_start3A_827 = tpu.memref_slice %arg5[%add3A_810, %dma_start3A_826] : memref<20224x128xf32, #tpu.memory_space<hbm>> -> memref<80x128xf32, #tpu.memory_space<hbm>>
      %dma_start3A_828 = arith.constant 0 : i32
      %dma_start3A_829 = tpu.memref_slice %arg5[%add3A_810, %dma_start3A_828] : memref<20224x128xf32, #tpu.memory_space<hbm>> -> memref<80x128xf32, #tpu.memory_space<hbm>>
      %dma_start3A_830 = arith.constant 0 : i32
      %dma_start3A_831 = arith.constant 0 : i32
      %dma_start3A_832 = tpu.memref_slice %arg6[%run_scoped3A_811, %dma_start3A_830, %dma_start3A_831] : memref<4x80x128xf32, #tpu.memory_space<vmem>> -> memref<1x80x128xf32, #tpu.memory_space<vmem>>
      %dma_start3A_833 = tpu.memref_squeeze %dma_start3A_832 : memref<1x80x128xf32, #tpu.memory_space<vmem>> -> memref<80x128xf32, #tpu.memory_space<vmem>>
      %dma_start3A_834 = arith.constant 0 : i32
      %dma_start3A_835 = arith.constant 0 : i32
      %dma_start3A_836 = tpu.memref_slice %dma_start3A_833[%dma_start3A_834, %dma_start3A_835] : memref<80x128xf32, #tpu.memory_space<vmem>> -> memref<80x128xf32, #tpu.memory_space<vmem>>
      tpu.enqueue_dma source(%dma_start3A_836 : memref<80x128xf32, #tpu.memory_space<vmem>>) target(%dma_start3A_829 : memref<80x128xf32, #tpu.memory_space<hbm>>) target_semaphore(%run_scoped3A_818 : memref<!tpu.dma_semaphore, #tpu.memory_space<semaphore_mem>>)
      %dma_wait3A_837 = arith.constant 0 : i32
      %dma_wait3A_838 = arith.constant 0 : i32
      %dma_wait3A_839 = tpu.memref_slice %arg6[%run_scoped3A_811, %dma_wait3A_837, %dma_wait3A_838] : memref<4x80x128xf32, #tpu.memory_space<vmem>> -> memref<1x80x128xf32, #tpu.memory_space<vmem>>
      %dma_wait3A_840 = tpu.memref_squeeze %dma_wait3A_839 : memref<1x80x128xf32, #tpu.memory_space<vmem>> -> memref<80x128xf32, #tpu.memory_space<vmem>>
      %dma_wait3A_841 = arith.constant 0 : i32
      %dma_wait3A_842 = arith.constant 0 : i32
      %dma_wait3A_843 = tpu.memref_slice %dma_wait3A_840[%dma_wait3A_841, %dma_wait3A_842] : memref<80x128xf32, #tpu.memory_space<vmem>> -> memref<80x128xf32, #tpu.memory_space<vmem>>
      %dma_wait3A_844 = arith.constant 0 : i32
      %dma_wait3A_845 = tpu.memref_slice %arg5[%add3A_810, %dma_wait3A_844] : memref<20224x128xf32, #tpu.memory_space<hbm>> -> memref<80x128xf32, #tpu.memory_space<hbm>>
      %dma_wait3A_846 = arith.constant 0 : i32
      %dma_wait3A_847 = tpu.memref_slice %arg5[%add3A_810, %dma_wait3A_846] : memref<20224x128xf32, #tpu.memory_space<hbm>> -> memref<80x128xf32, #tpu.memory_space<hbm>>
      %dma_wait3A_848 = arith.constant 0 : i32
      %dma_wait3A_849 = arith.constant 0 : i32
      %dma_wait3A_850 = tpu.memref_slice %arg6[%run_scoped3A_811, %dma_wait3A_848, %dma_wait3A_849] : memref<4x80x128xf32, #tpu.memory_space<vmem>> -> memref<1x80x128xf32, #tpu.memory_space<vmem>>
      %dma_wait3A_851 = tpu.memref_squeeze %dma_wait3A_850 : memref<1x80x128xf32, #tpu.memory_space<vmem>> -> memref<80x128xf32, #tpu.memory_space<vmem>>
      %dma_wait3A_852 = arith.constant 0 : i32
      %dma_wait3A_853 = arith.constant 0 : i32
      %dma_wait3A_854 = tpu.memref_slice %dma_wait3A_851[%dma_wait3A_852, %dma_wait3A_853] : memref<80x128xf32, #tpu.memory_space<vmem>> -> memref<80x128xf32, #tpu.memory_space<vmem>>
      tpu.wait_dma2 semaphore(%run_scoped3A_818 : memref<!tpu.dma_semaphore, #tpu.memory_space<semaphore_mem>>) src(%dma_wait3A_854 : memref<80x128xf32, #tpu.memory_space<vmem>>) dst(%dma_wait3A_847 : memref<80x128xf32, #tpu.memory_space<hbm>>)
      tpu.yield
    }) : () -> ()
    %add3A_812 = arith.constant 560 : i32
    %add3A_813 = arith.addi %mul3A_2, %add3A_812 : i32
    %run_scoped3A_814 = arith.constant 0 : i32
    "tpu.region"() ({
      %run_scoped3A_818 = tpu.sem_alloc : memref<!tpu.dma_semaphore, #tpu.memory_space<semaphore_mem>>
      %dma_start3A_819 = arith.constant 0 : i32
      %dma_start3A_820 = arith.constant 0 : i32
      %dma_start3A_821 = tpu.memref_slice %arg6[%run_scoped3A_814, %dma_start3A_819, %dma_start3A_820] : memref<4x80x128xf32, #tpu.memory_space<vmem>> -> memref<1x80x128xf32, #tpu.memory_space<vmem>>
      %dma_start3A_822 = tpu.memref_squeeze %dma_start3A_821 : memref<1x80x128xf32, #tpu.memory_space<vmem>> -> memref<80x128xf32, #tpu.memory_space<vmem>>
      %dma_start3A_823 = arith.constant 0 : i32
      %dma_start3A_824 = arith.constant 0 : i32
      %dma_start3A_825 = tpu.memref_slice %dma_start3A_822[%dma_start3A_823, %dma_start3A_824] : memref<80x128xf32, #tpu.memory_space<vmem>> -> memref<72x128xf32, #tpu.memory_space<vmem>>
      %dma_start3A_826 = arith.constant 0 : i32
      %dma_start3A_827 = tpu.memref_slice %arg9[%add3A_813, %dma_start3A_826] : memref<10112x128xf32, #tpu.memory_space<vmem_shared>> -> memref<72x128xf32, #tpu.memory_space<vmem_shared>>
      %dma_start3A_828 = arith.constant 0 : i32
      %dma_start3A_829 = arith.constant 0 : i32
      %dma_start3A_830 = tpu.memref_slice %arg6[%run_scoped3A_814, %dma_start3A_828, %dma_start3A_829] : memref<4x80x128xf32, #tpu.memory_space<vmem>> -> memref<1x80x128xf32, #tpu.memory_space<vmem>>
      %dma_start3A_831 = tpu.memref_squeeze %dma_start3A_830 : memref<1x80x128xf32, #tpu.memory_space<vmem>> -> memref<80x128xf32, #tpu.memory_space<vmem>>
      %dma_start3A_832 = arith.constant 0 : i32
      %dma_start3A_833 = arith.constant 0 : i32
      %dma_start3A_834 = tpu.memref_slice %dma_start3A_831[%dma_start3A_832, %dma_start3A_833] : memref<80x128xf32, #tpu.memory_space<vmem>> -> memref<72x128xf32, #tpu.memory_space<vmem>>
      %dma_start3A_835 = arith.constant 0 : i32
      %dma_start3A_836 = tpu.memref_slice %arg9[%add3A_813, %dma_start3A_835] : memref<10112x128xf32, #tpu.memory_space<vmem_shared>> -> memref<72x128xf32, #tpu.memory_space<vmem_shared>>
      tpu.enqueue_dma source(%dma_start3A_836 : memref<72x128xf32, #tpu.memory_space<vmem_shared>>) target(%dma_start3A_834 : memref<72x128xf32, #tpu.memory_space<vmem>>) target_semaphore(%run_scoped3A_818 : memref<!tpu.dma_semaphore, #tpu.memory_space<semaphore_mem>>)
      %dma_wait3A_837 = arith.constant 0 : i32
      %dma_wait3A_838 = arith.constant 0 : i32
      %dma_wait3A_839 = tpu.memref_slice %arg6[%run_scoped3A_814, %dma_wait3A_837, %dma_wait3A_838] : memref<4x80x128xf32, #tpu.memory_space<vmem>> -> memref<1x80x128xf32, #tpu.memory_space<vmem>>
      %dma_wait3A_840 = tpu.memref_squeeze %dma_wait3A_839 : memref<1x80x128xf32, #tpu.memory_space<vmem>> -> memref<80x128xf32, #tpu.memory_space<vmem>>
      %dma_wait3A_841 = arith.constant 0 : i32
      %dma_wait3A_842 = arith.constant 0 : i32
      %dma_wait3A_843 = tpu.memref_slice %dma_wait3A_840[%dma_wait3A_841, %dma_wait3A_842] : memref<80x128xf32, #tpu.memory_space<vmem>> -> memref<72x128xf32, #tpu.memory_space<vmem>>
      %dma_wait3A_844 = arith.constant 0 : i32
      %dma_wait3A_845 = tpu.memref_slice %arg9[%add3A_813, %dma_wait3A_844] : memref<10112x128xf32, #tpu.memory_space<vmem_shared>> -> memref<72x128xf32, #tpu.memory_space<vmem_shared>>
      %dma_wait3A_846 = arith.constant 0 : i32
      %dma_wait3A_847 = arith.constant 0 : i32
      %dma_wait3A_848 = tpu.memref_slice %arg6[%run_scoped3A_814, %dma_wait3A_846, %dma_wait3A_847] : memref<4x80x128xf32, #tpu.memory_space<vmem>> -> memref<1x80x128xf32, #tpu.memory_space<vmem>>
      %dma_wait3A_849 = tpu.memref_squeeze %dma_wait3A_848 : memref<1x80x128xf32, #tpu.memory_space<vmem>> -> memref<80x128xf32, #tpu.memory_space<vmem>>
      %dma_wait3A_850 = arith.constant 0 : i32
      %dma_wait3A_851 = arith.constant 0 : i32
      %dma_wait3A_852 = tpu.memref_slice %dma_wait3A_849[%dma_wait3A_850, %dma_wait3A_851] : memref<80x128xf32, #tpu.memory_space<vmem>> -> memref<72x128xf32, #tpu.memory_space<vmem>>
      %dma_wait3A_853 = arith.constant 0 : i32
      %dma_wait3A_854 = tpu.memref_slice %arg9[%add3A_813, %dma_wait3A_853] : memref<10112x128xf32, #tpu.memory_space<vmem_shared>> -> memref<72x128xf32, #tpu.memory_space<vmem_shared>>
      tpu.wait_dma2 semaphore(%run_scoped3A_818 : memref<!tpu.dma_semaphore, #tpu.memory_space<semaphore_mem>>) src(%dma_wait3A_854 : memref<72x128xf32, #tpu.memory_space<vmem_shared>>) dst(%dma_wait3A_852 : memref<72x128xf32, #tpu.memory_space<vmem>>)
      tpu.yield
    }) : () -> ()
    %add3A_815 = arith.constant 560 : i32
    %add3A_816 = arith.addi %add3A_769, %add3A_815 : i32
    %run_scoped3A_817 = arith.constant 0 : i32
    "tpu.region"() ({
      %run_scoped3A_818 = tpu.sem_alloc : memref<!tpu.dma_semaphore, #tpu.memory_space<semaphore_mem>>
      %dma_start3A_819 = arith.constant 0 : i32
      %dma_start3A_820 = arith.constant 0 : i32
      %dma_start3A_821 = tpu.memref_slice %arg6[%run_scoped3A_817, %dma_start3A_819, %dma_start3A_820] : memref<4x80x128xf32, #tpu.memory_space<vmem>> -> memref<1x80x128xf32, #tpu.memory_space<vmem>>
      %dma_start3A_822 = tpu.memref_squeeze %dma_start3A_821 : memref<1x80x128xf32, #tpu.memory_space<vmem>> -> memref<80x128xf32, #tpu.memory_space<vmem>>
      %dma_start3A_823 = arith.constant 0 : i32
      %dma_start3A_824 = arith.constant 0 : i32
      %dma_start3A_825 = tpu.memref_slice %dma_start3A_822[%dma_start3A_823, %dma_start3A_824] : memref<80x128xf32, #tpu.memory_space<vmem>> -> memref<72x128xf32, #tpu.memory_space<vmem>>
      %dma_start3A_826 = arith.constant 0 : i32
      %dma_start3A_827 = tpu.memref_slice %arg5[%add3A_816, %dma_start3A_826] : memref<20224x128xf32, #tpu.memory_space<hbm>> -> memref<72x128xf32, #tpu.memory_space<hbm>>
      %dma_start3A_828 = arith.constant 0 : i32
      %dma_start3A_829 = tpu.memref_slice %arg5[%add3A_816, %dma_start3A_828] : memref<20224x128xf32, #tpu.memory_space<hbm>> -> memref<72x128xf32, #tpu.memory_space<hbm>>
      %dma_start3A_830 = arith.constant 0 : i32
      %dma_start3A_831 = arith.constant 0 : i32
      %dma_start3A_832 = tpu.memref_slice %arg6[%run_scoped3A_817, %dma_start3A_830, %dma_start3A_831] : memref<4x80x128xf32, #tpu.memory_space<vmem>> -> memref<1x80x128xf32, #tpu.memory_space<vmem>>
      %dma_start3A_833 = tpu.memref_squeeze %dma_start3A_832 : memref<1x80x128xf32, #tpu.memory_space<vmem>> -> memref<80x128xf32, #tpu.memory_space<vmem>>
      %dma_start3A_834 = arith.constant 0 : i32
      %dma_start3A_835 = arith.constant 0 : i32
      %dma_start3A_836 = tpu.memref_slice %dma_start3A_833[%dma_start3A_834, %dma_start3A_835] : memref<80x128xf32, #tpu.memory_space<vmem>> -> memref<72x128xf32, #tpu.memory_space<vmem>>
      tpu.enqueue_dma source(%dma_start3A_836 : memref<72x128xf32, #tpu.memory_space<vmem>>) target(%dma_start3A_829 : memref<72x128xf32, #tpu.memory_space<hbm>>) target_semaphore(%run_scoped3A_818 : memref<!tpu.dma_semaphore, #tpu.memory_space<semaphore_mem>>)
      %dma_wait3A_837 = arith.constant 0 : i32
      %dma_wait3A_838 = arith.constant 0 : i32
      %dma_wait3A_839 = tpu.memref_slice %arg6[%run_scoped3A_817, %dma_wait3A_837, %dma_wait3A_838] : memref<4x80x128xf32, #tpu.memory_space<vmem>> -> memref<1x80x128xf32, #tpu.memory_space<vmem>>
      %dma_wait3A_840 = tpu.memref_squeeze %dma_wait3A_839 : memref<1x80x128xf32, #tpu.memory_space<vmem>> -> memref<80x128xf32, #tpu.memory_space<vmem>>
      %dma_wait3A_841 = arith.constant 0 : i32
      %dma_wait3A_842 = arith.constant 0 : i32
      %dma_wait3A_843 = tpu.memref_slice %dma_wait3A_840[%dma_wait3A_841, %dma_wait3A_842] : memref<80x128xf32, #tpu.memory_space<vmem>> -> memref<72x128xf32, #tpu.memory_space<vmem>>
      %dma_wait3A_844 = arith.constant 0 : i32
      %dma_wait3A_845 = tpu.memref_slice %arg5[%add3A_816, %dma_wait3A_844] : memref<20224x128xf32, #tpu.memory_space<hbm>> -> memref<72x128xf32, #tpu.memory_space<hbm>>
      %dma_wait3A_846 = arith.constant 0 : i32
      %dma_wait3A_847 = tpu.memref_slice %arg5[%add3A_816, %dma_wait3A_846] : memref<20224x128xf32, #tpu.memory_space<hbm>> -> memref<72x128xf32, #tpu.memory_space<hbm>>
      %dma_wait3A_848 = arith.constant 0 : i32
      %dma_wait3A_849 = arith.constant 0 : i32
      %dma_wait3A_850 = tpu.memref_slice %arg6[%run_scoped3A_817, %dma_wait3A_848, %dma_wait3A_849] : memref<4x80x128xf32, #tpu.memory_space<vmem>> -> memref<1x80x128xf32, #tpu.memory_space<vmem>>
      %dma_wait3A_851 = tpu.memref_squeeze %dma_wait3A_850 : memref<1x80x128xf32, #tpu.memory_space<vmem>> -> memref<80x128xf32, #tpu.memory_space<vmem>>
      %dma_wait3A_852 = arith.constant 0 : i32
      %dma_wait3A_853 = arith.constant 0 : i32
      %dma_wait3A_854 = tpu.memref_slice %dma_wait3A_851[%dma_wait3A_852, %dma_wait3A_853] : memref<80x128xf32, #tpu.memory_space<vmem>> -> memref<72x128xf32, #tpu.memory_space<vmem>>
      tpu.wait_dma2 semaphore(%run_scoped3A_818 : memref<!tpu.dma_semaphore, #tpu.memory_space<semaphore_mem>>) src(%dma_wait3A_854 : memref<72x128xf32, #tpu.memory_space<vmem>>) dst(%dma_wait3A_847 : memref<72x128xf32, #tpu.memory_space<hbm>>)
      tpu.yield
    }) : () -> ()
    return
  }
}

#map = affine_map<(d0, d1) -> (0)>
#map1 = affine_map<(d0, d1) -> (0, 0)>
module attributes {stable_mosaic.version = 14 : i64} {
  func.func @_deg_body(%arg0: i32, %arg1: i32, %arg2: memref<320000xi32, #tpu.memory_space<hbm>>, %arg3: memref<20224x16xf32, #tpu.memory_space<hbm>>, %arg4: memref<80x16xf32, #tpu.memory_space<vmem>>, %arg5: memref<125x80xi32, #tpu.memory_space<vmem>>, %arg6: memref<10112x16xf32, #tpu.memory_space<vmem_shared>>, %arg7: memref<5x!tpu.dma_semaphore, #tpu.memory_space<semaphore_mem>>, %arg8: memref<5x!tpu.dma_semaphore, #tpu.memory_space<semaphore_mem>>) attributes {dimension_semantics = [#tpu.dimension_semantics<core_parallel>, #tpu.dimension_semantics<subcore_parallel>], iteration_bounds = array<i64: 2, 16>, scalar_prefetch = 0 : i64, scratch_operands = 5 : i64, tpu.core_type = #tpu.core_type<sc_vector_subcore>, window_params = [{transform_indices = #map}, {transform_indices = #map1}]} {
    %mul3A = arith.constant 2 : i32
    %mul3A_0 = arith.muli %arg1, %mul3A : i32
    %add3A = arith.addi %mul3A_0, %arg0 : i32
    %mul3A_1 = arith.constant 632 : i32
    %mul3A_2 = arith.muli %arg1, %mul3A_1 : i32
    %scan3A = arith.constant 0 : i32
    %scan3A_3 = arith.constant 0 : i32
    %scan3A_4 = arith.constant 80 : i32
    %scan3A_5 = arith.addi %scan3A_3, %scan3A_4 : i32
    %scan3A_6 = arith.constant 1 : i32
    %scan3A_7 = scf.for %scan3A_334 = %scan3A_3 to %scan3A_5 step %scan3A_6 iter_args(%scan3A_335 = %scan3A) -> (i32)  : i32 {
      %broadcast_in_dim3A = arith.constant 0.000000e+00 : f32
      %broadcast_in_dim3A_336 = vector.broadcast %broadcast_in_dim3A : f32 to vector<16xf32>
      %swap3A = arith.index_cast %scan3A_334 : i32 to index
      %swap3A_337 = arith.constant 0 : index
      %swap3A_338 = tpu.vector_load %arg4[%swap3A, %swap3A_337] {strides = array<i32>} : memref<80x16xf32, #tpu.memory_space<vmem>>, vector<1x16xf32>,
      %swap3A_339 = vector.shape_cast %swap3A_338 : vector<1x16xf32> to vector<16xf32>
      %swap3A_340 = vector.shape_cast %broadcast_in_dim3A_336 : vector<16xf32> to vector<1x16xf32>
      tpu.vector_store %arg4[%swap3A, %swap3A_337], %swap3A_340 {strides = array<i32>} : memref<80x16xf32, #tpu.memory_space<vmem>>, vector<1x16xf32>,
      %scan3A_341 = arith.constant 0 : i32
      scf.yield %scan3A_341 : i32
    }
    %scan3A_8 = arith.constant 80 : i32
    %add3A_9 = arith.constant 0 : i32
    %add3A_10 = arith.addi %mul3A_2, %add3A_9 : i32
    "tpu.region"() ({
      %run_scoped3A = tpu.sem_alloc : memref<!tpu.dma_semaphore, #tpu.memory_space<semaphore_mem>>
      %dma_start3A_334 = arith.constant 0 : i32
      %dma_start3A_335 = arith.constant 0 : i32
      %dma_start3A_336 = tpu.memref_slice %arg4[%dma_start3A_334, %dma_start3A_335] : memref<80x16xf32, #tpu.memory_space<vmem>> -> memref<80x16xf32, #tpu.memory_space<vmem>>
      %dma_start3A_337 = arith.constant 0 : i32
      %dma_start3A_338 = tpu.memref_slice %arg6[%add3A_10, %dma_start3A_337] : memref<10112x16xf32, #tpu.memory_space<vmem_shared>> -> memref<80x16xf32, #tpu.memory_space<vmem_shared>>
      %dma_start3A_339 = arith.constant 0 : i32
      %dma_start3A_340 = tpu.memref_slice %arg6[%add3A_10, %dma_start3A_339] : memref<10112x16xf32, #tpu.memory_space<vmem_shared>> -> memref<80x16xf32, #tpu.memory_space<vmem_shared>>
      %dma_start3A_341 = arith.constant 0 : i32
      %dma_start3A_342 = arith.constant 0 : i32
      %dma_start3A_343 = tpu.memref_slice %arg4[%dma_start3A_341, %dma_start3A_342] : memref<80x16xf32, #tpu.memory_space<vmem>> -> memref<80x16xf32, #tpu.memory_space<vmem>>
      tpu.enqueue_dma source(%dma_start3A_343 : memref<80x16xf32, #tpu.memory_space<vmem>>) target(%dma_start3A_340 : memref<80x16xf32, #tpu.memory_space<vmem_shared>>) target_semaphore(%run_scoped3A : memref<!tpu.dma_semaphore, #tpu.memory_space<semaphore_mem>>)
      %dma_wait3A_344 = arith.constant 0 : i32
      %dma_wait3A_345 = arith.constant 0 : i32
      %dma_wait3A_346 = tpu.memref_slice %arg4[%dma_wait3A_344, %dma_wait3A_345] : memref<80x16xf32, #tpu.memory_space<vmem>> -> memref<80x16xf32, #tpu.memory_space<vmem>>
      %dma_wait3A_347 = arith.constant 0 : i32
      %dma_wait3A_348 = tpu.memref_slice %arg6[%add3A_10, %dma_wait3A_347] : memref<10112x16xf32, #tpu.memory_space<vmem_shared>> -> memref<80x16xf32, #tpu.memory_space<vmem_shared>>
      %dma_wait3A_349 = arith.constant 0 : i32
      %dma_wait3A_350 = tpu.memref_slice %arg6[%add3A_10, %dma_wait3A_349] : memref<10112x16xf32, #tpu.memory_space<vmem_shared>> -> memref<80x16xf32, #tpu.memory_space<vmem_shared>>
      %dma_wait3A_351 = arith.constant 0 : i32
      %dma_wait3A_352 = arith.constant 0 : i32
      %dma_wait3A_353 = tpu.memref_slice %arg4[%dma_wait3A_351, %dma_wait3A_352] : memref<80x16xf32, #tpu.memory_space<vmem>> -> memref<80x16xf32, #tpu.memory_space<vmem>>
      tpu.wait_dma2 semaphore(%run_scoped3A : memref<!tpu.dma_semaphore, #tpu.memory_space<semaphore_mem>>) src(%dma_wait3A_353 : memref<80x16xf32, #tpu.memory_space<vmem>>) dst(%dma_wait3A_350 : memref<80x16xf32, #tpu.memory_space<vmem_shared>>)
      tpu.yield
    }) : () -> ()
    %add3A_11 = arith.constant 80 : i32
    %add3A_12 = arith.addi %mul3A_2, %add3A_11 : i32
    "tpu.region"() ({
      %run_scoped3A = tpu.sem_alloc : memref<!tpu.dma_semaphore, #tpu.memory_space<semaphore_mem>>
      %dma_start3A_334 = arith.constant 0 : i32
      %dma_start3A_335 = arith.constant 0 : i32
      %dma_start3A_336 = tpu.memref_slice %arg4[%dma_start3A_334, %dma_start3A_335] : memref<80x16xf32, #tpu.memory_space<vmem>> -> memref<80x16xf32, #tpu.memory_space<vmem>>
      %dma_start3A_337 = arith.constant 0 : i32
      %dma_start3A_338 = tpu.memref_slice %arg6[%add3A_12, %dma_start3A_337] : memref<10112x16xf32, #tpu.memory_space<vmem_shared>> -> memref<80x16xf32, #tpu.memory_space<vmem_shared>>
      %dma_start3A_339 = arith.constant 0 : i32
      %dma_start3A_340 = tpu.memref_slice %arg6[%add3A_12, %dma_start3A_339] : memref<10112x16xf32, #tpu.memory_space<vmem_shared>> -> memref<80x16xf32, #tpu.memory_space<vmem_shared>>
      %dma_start3A_341 = arith.constant 0 : i32
      %dma_start3A_342 = arith.constant 0 : i32
      %dma_start3A_343 = tpu.memref_slice %arg4[%dma_start3A_341, %dma_start3A_342] : memref<80x16xf32, #tpu.memory_space<vmem>> -> memref<80x16xf32, #tpu.memory_space<vmem>>
      tpu.enqueue_dma source(%dma_start3A_343 : memref<80x16xf32, #tpu.memory_space<vmem>>) target(%dma_start3A_340 : memref<80x16xf32, #tpu.memory_space<vmem_shared>>) target_semaphore(%run_scoped3A : memref<!tpu.dma_semaphore, #tpu.memory_space<semaphore_mem>>)
      %dma_wait3A_344 = arith.constant 0 : i32
      %dma_wait3A_345 = arith.constant 0 : i32
      %dma_wait3A_346 = tpu.memref_slice %arg4[%dma_wait3A_344, %dma_wait3A_345] : memref<80x16xf32, #tpu.memory_space<vmem>> -> memref<80x16xf32, #tpu.memory_space<vmem>>
      %dma_wait3A_347 = arith.constant 0 : i32
      %dma_wait3A_348 = tpu.memref_slice %arg6[%add3A_12, %dma_wait3A_347] : memref<10112x16xf32, #tpu.memory_space<vmem_shared>> -> memref<80x16xf32, #tpu.memory_space<vmem_shared>>
      %dma_wait3A_349 = arith.constant 0 : i32
      %dma_wait3A_350 = tpu.memref_slice %arg6[%add3A_12, %dma_wait3A_349] : memref<10112x16xf32, #tpu.memory_space<vmem_shared>> -> memref<80x16xf32, #tpu.memory_space<vmem_shared>>
      %dma_wait3A_351 = arith.constant 0 : i32
      %dma_wait3A_352 = arith.constant 0 : i32
      %dma_wait3A_353 = tpu.memref_slice %arg4[%dma_wait3A_351, %dma_wait3A_352] : memref<80x16xf32, #tpu.memory_space<vmem>> -> memref<80x16xf32, #tpu.memory_space<vmem>>
      tpu.wait_dma2 semaphore(%run_scoped3A : memref<!tpu.dma_semaphore, #tpu.memory_space<semaphore_mem>>) src(%dma_wait3A_353 : memref<80x16xf32, #tpu.memory_space<vmem>>) dst(%dma_wait3A_350 : memref<80x16xf32, #tpu.memory_space<vmem_shared>>)
      tpu.yield
    }) : () -> ()
    %add3A_13 = arith.constant 160 : i32
    %add3A_14 = arith.addi %mul3A_2, %add3A_13 : i32
    "tpu.region"() ({
      %run_scoped3A = tpu.sem_alloc : memref<!tpu.dma_semaphore, #tpu.memory_space<semaphore_mem>>
      %dma_start3A_334 = arith.constant 0 : i32
      %dma_start3A_335 = arith.constant 0 : i32
      %dma_start3A_336 = tpu.memref_slice %arg4[%dma_start3A_334, %dma_start3A_335] : memref<80x16xf32, #tpu.memory_space<vmem>> -> memref<80x16xf32, #tpu.memory_space<vmem>>
      %dma_start3A_337 = arith.constant 0 : i32
      %dma_start3A_338 = tpu.memref_slice %arg6[%add3A_14, %dma_start3A_337] : memref<10112x16xf32, #tpu.memory_space<vmem_shared>> -> memref<80x16xf32, #tpu.memory_space<vmem_shared>>
      %dma_start3A_339 = arith.constant 0 : i32
      %dma_start3A_340 = tpu.memref_slice %arg6[%add3A_14, %dma_start3A_339] : memref<10112x16xf32, #tpu.memory_space<vmem_shared>> -> memref<80x16xf32, #tpu.memory_space<vmem_shared>>
      %dma_start3A_341 = arith.constant 0 : i32
      %dma_start3A_342 = arith.constant 0 : i32
      %dma_start3A_343 = tpu.memref_slice %arg4[%dma_start3A_341, %dma_start3A_342] : memref<80x16xf32, #tpu.memory_space<vmem>> -> memref<80x16xf32, #tpu.memory_space<vmem>>
      tpu.enqueue_dma source(%dma_start3A_343 : memref<80x16xf32, #tpu.memory_space<vmem>>) target(%dma_start3A_340 : memref<80x16xf32, #tpu.memory_space<vmem_shared>>) target_semaphore(%run_scoped3A : memref<!tpu.dma_semaphore, #tpu.memory_space<semaphore_mem>>)
      %dma_wait3A_344 = arith.constant 0 : i32
      %dma_wait3A_345 = arith.constant 0 : i32
      %dma_wait3A_346 = tpu.memref_slice %arg4[%dma_wait3A_344, %dma_wait3A_345] : memref<80x16xf32, #tpu.memory_space<vmem>> -> memref<80x16xf32, #tpu.memory_space<vmem>>
      %dma_wait3A_347 = arith.constant 0 : i32
      %dma_wait3A_348 = tpu.memref_slice %arg6[%add3A_14, %dma_wait3A_347] : memref<10112x16xf32, #tpu.memory_space<vmem_shared>> -> memref<80x16xf32, #tpu.memory_space<vmem_shared>>
      %dma_wait3A_349 = arith.constant 0 : i32
      %dma_wait3A_350 = tpu.memref_slice %arg6[%add3A_14, %dma_wait3A_349] : memref<10112x16xf32, #tpu.memory_space<vmem_shared>> -> memref<80x16xf32, #tpu.memory_space<vmem_shared>>
      %dma_wait3A_351 = arith.constant 0 : i32
      %dma_wait3A_352 = arith.constant 0 : i32
      %dma_wait3A_353 = tpu.memref_slice %arg4[%dma_wait3A_351, %dma_wait3A_352] : memref<80x16xf32, #tpu.memory_space<vmem>> -> memref<80x16xf32, #tpu.memory_space<vmem>>
      tpu.wait_dma2 semaphore(%run_scoped3A : memref<!tpu.dma_semaphore, #tpu.memory_space<semaphore_mem>>) src(%dma_wait3A_353 : memref<80x16xf32, #tpu.memory_space<vmem>>) dst(%dma_wait3A_350 : memref<80x16xf32, #tpu.memory_space<vmem_shared>>)
      tpu.yield
    }) : () -> ()
    %add3A_15 = arith.constant 240 : i32
    %add3A_16 = arith.addi %mul3A_2, %add3A_15 : i32
    "tpu.region"() ({
      %run_scoped3A = tpu.sem_alloc : memref<!tpu.dma_semaphore, #tpu.memory_space<semaphore_mem>>
      %dma_start3A_334 = arith.constant 0 : i32
      %dma_start3A_335 = arith.constant 0 : i32
      %dma_start3A_336 = tpu.memref_slice %arg4[%dma_start3A_334, %dma_start3A_335] : memref<80x16xf32, #tpu.memory_space<vmem>> -> memref<80x16xf32, #tpu.memory_space<vmem>>
      %dma_start3A_337 = arith.constant 0 : i32
      %dma_start3A_338 = tpu.memref_slice %arg6[%add3A_16, %dma_start3A_337] : memref<10112x16xf32, #tpu.memory_space<vmem_shared>> -> memref<80x16xf32, #tpu.memory_space<vmem_shared>>
      %dma_start3A_339 = arith.constant 0 : i32
      %dma_start3A_340 = tpu.memref_slice %arg6[%add3A_16, %dma_start3A_339] : memref<10112x16xf32, #tpu.memory_space<vmem_shared>> -> memref<80x16xf32, #tpu.memory_space<vmem_shared>>
      %dma_start3A_341 = arith.constant 0 : i32
      %dma_start3A_342 = arith.constant 0 : i32
      %dma_start3A_343 = tpu.memref_slice %arg4[%dma_start3A_341, %dma_start3A_342] : memref<80x16xf32, #tpu.memory_space<vmem>> -> memref<80x16xf32, #tpu.memory_space<vmem>>
      tpu.enqueue_dma source(%dma_start3A_343 : memref<80x16xf32, #tpu.memory_space<vmem>>) target(%dma_start3A_340 : memref<80x16xf32, #tpu.memory_space<vmem_shared>>) target_semaphore(%run_scoped3A : memref<!tpu.dma_semaphore, #tpu.memory_space<semaphore_mem>>)
      %dma_wait3A_344 = arith.constant 0 : i32
      %dma_wait3A_345 = arith.constant 0 : i32
      %dma_wait3A_346 = tpu.memref_slice %arg4[%dma_wait3A_344, %dma_wait3A_345] : memref<80x16xf32, #tpu.memory_space<vmem>> -> memref<80x16xf32, #tpu.memory_space<vmem>>
      %dma_wait3A_347 = arith.constant 0 : i32
      %dma_wait3A_348 = tpu.memref_slice %arg6[%add3A_16, %dma_wait3A_347] : memref<10112x16xf32, #tpu.memory_space<vmem_shared>> -> memref<80x16xf32, #tpu.memory_space<vmem_shared>>
      %dma_wait3A_349 = arith.constant 0 : i32
      %dma_wait3A_350 = tpu.memref_slice %arg6[%add3A_16, %dma_wait3A_349] : memref<10112x16xf32, #tpu.memory_space<vmem_shared>> -> memref<80x16xf32, #tpu.memory_space<vmem_shared>>
      %dma_wait3A_351 = arith.constant 0 : i32
      %dma_wait3A_352 = arith.constant 0 : i32
      %dma_wait3A_353 = tpu.memref_slice %arg4[%dma_wait3A_351, %dma_wait3A_352] : memref<80x16xf32, #tpu.memory_space<vmem>> -> memref<80x16xf32, #tpu.memory_space<vmem>>
      tpu.wait_dma2 semaphore(%run_scoped3A : memref<!tpu.dma_semaphore, #tpu.memory_space<semaphore_mem>>) src(%dma_wait3A_353 : memref<80x16xf32, #tpu.memory_space<vmem>>) dst(%dma_wait3A_350 : memref<80x16xf32, #tpu.memory_space<vmem_shared>>)
      tpu.yield
    }) : () -> ()
    %add3A_17 = arith.constant 320 : i32
    %add3A_18 = arith.addi %mul3A_2, %add3A_17 : i32
    "tpu.region"() ({
      %run_scoped3A = tpu.sem_alloc : memref<!tpu.dma_semaphore, #tpu.memory_space<semaphore_mem>>
      %dma_start3A_334 = arith.constant 0 : i32
      %dma_start3A_335 = arith.constant 0 : i32
      %dma_start3A_336 = tpu.memref_slice %arg4[%dma_start3A_334, %dma_start3A_335] : memref<80x16xf32, #tpu.memory_space<vmem>> -> memref<80x16xf32, #tpu.memory_space<vmem>>
      %dma_start3A_337 = arith.constant 0 : i32
      %dma_start3A_338 = tpu.memref_slice %arg6[%add3A_18, %dma_start3A_337] : memref<10112x16xf32, #tpu.memory_space<vmem_shared>> -> memref<80x16xf32, #tpu.memory_space<vmem_shared>>
      %dma_start3A_339 = arith.constant 0 : i32
      %dma_start3A_340 = tpu.memref_slice %arg6[%add3A_18, %dma_start3A_339] : memref<10112x16xf32, #tpu.memory_space<vmem_shared>> -> memref<80x16xf32, #tpu.memory_space<vmem_shared>>
      %dma_start3A_341 = arith.constant 0 : i32
      %dma_start3A_342 = arith.constant 0 : i32
      %dma_start3A_343 = tpu.memref_slice %arg4[%dma_start3A_341, %dma_start3A_342] : memref<80x16xf32, #tpu.memory_space<vmem>> -> memref<80x16xf32, #tpu.memory_space<vmem>>
      tpu.enqueue_dma source(%dma_start3A_343 : memref<80x16xf32, #tpu.memory_space<vmem>>) target(%dma_start3A_340 : memref<80x16xf32, #tpu.memory_space<vmem_shared>>) target_semaphore(%run_scoped3A : memref<!tpu.dma_semaphore, #tpu.memory_space<semaphore_mem>>)
      %dma_wait3A_344 = arith.constant 0 : i32
      %dma_wait3A_345 = arith.constant 0 : i32
      %dma_wait3A_346 = tpu.memref_slice %arg4[%dma_wait3A_344, %dma_wait3A_345] : memref<80x16xf32, #tpu.memory_space<vmem>> -> memref<80x16xf32, #tpu.memory_space<vmem>>
      %dma_wait3A_347 = arith.constant 0 : i32
      %dma_wait3A_348 = tpu.memref_slice %arg6[%add3A_18, %dma_wait3A_347] : memref<10112x16xf32, #tpu.memory_space<vmem_shared>> -> memref<80x16xf32, #tpu.memory_space<vmem_shared>>
      %dma_wait3A_349 = arith.constant 0 : i32
      %dma_wait3A_350 = tpu.memref_slice %arg6[%add3A_18, %dma_wait3A_349] : memref<10112x16xf32, #tpu.memory_space<vmem_shared>> -> memref<80x16xf32, #tpu.memory_space<vmem_shared>>
      %dma_wait3A_351 = arith.constant 0 : i32
      %dma_wait3A_352 = arith.constant 0 : i32
      %dma_wait3A_353 = tpu.memref_slice %arg4[%dma_wait3A_351, %dma_wait3A_352] : memref<80x16xf32, #tpu.memory_space<vmem>> -> memref<80x16xf32, #tpu.memory_space<vmem>>
      tpu.wait_dma2 semaphore(%run_scoped3A : memref<!tpu.dma_semaphore, #tpu.memory_space<semaphore_mem>>) src(%dma_wait3A_353 : memref<80x16xf32, #tpu.memory_space<vmem>>) dst(%dma_wait3A_350 : memref<80x16xf32, #tpu.memory_space<vmem_shared>>)
      tpu.yield
    }) : () -> ()
    %add3A_19 = arith.constant 400 : i32
    %add3A_20 = arith.addi %mul3A_2, %add3A_19 : i32
    "tpu.region"() ({
      %run_scoped3A = tpu.sem_alloc : memref<!tpu.dma_semaphore, #tpu.memory_space<semaphore_mem>>
      %dma_start3A_334 = arith.constant 0 : i32
      %dma_start3A_335 = arith.constant 0 : i32
      %dma_start3A_336 = tpu.memref_slice %arg4[%dma_start3A_334, %dma_start3A_335] : memref<80x16xf32, #tpu.memory_space<vmem>> -> memref<80x16xf32, #tpu.memory_space<vmem>>
      %dma_start3A_337 = arith.constant 0 : i32
      %dma_start3A_338 = tpu.memref_slice %arg6[%add3A_20, %dma_start3A_337] : memref<10112x16xf32, #tpu.memory_space<vmem_shared>> -> memref<80x16xf32, #tpu.memory_space<vmem_shared>>
      %dma_start3A_339 = arith.constant 0 : i32
      %dma_start3A_340 = tpu.memref_slice %arg6[%add3A_20, %dma_start3A_339] : memref<10112x16xf32, #tpu.memory_space<vmem_shared>> -> memref<80x16xf32, #tpu.memory_space<vmem_shared>>
      %dma_start3A_341 = arith.constant 0 : i32
      %dma_start3A_342 = arith.constant 0 : i32
      %dma_start3A_343 = tpu.memref_slice %arg4[%dma_start3A_341, %dma_start3A_342] : memref<80x16xf32, #tpu.memory_space<vmem>> -> memref<80x16xf32, #tpu.memory_space<vmem>>
      tpu.enqueue_dma source(%dma_start3A_343 : memref<80x16xf32, #tpu.memory_space<vmem>>) target(%dma_start3A_340 : memref<80x16xf32, #tpu.memory_space<vmem_shared>>) target_semaphore(%run_scoped3A : memref<!tpu.dma_semaphore, #tpu.memory_space<semaphore_mem>>)
      %dma_wait3A_344 = arith.constant 0 : i32
      %dma_wait3A_345 = arith.constant 0 : i32
      %dma_wait3A_346 = tpu.memref_slice %arg4[%dma_wait3A_344, %dma_wait3A_345] : memref<80x16xf32, #tpu.memory_space<vmem>> -> memref<80x16xf32, #tpu.memory_space<vmem>>
      %dma_wait3A_347 = arith.constant 0 : i32
      %dma_wait3A_348 = tpu.memref_slice %arg6[%add3A_20, %dma_wait3A_347] : memref<10112x16xf32, #tpu.memory_space<vmem_shared>> -> memref<80x16xf32, #tpu.memory_space<vmem_shared>>
      %dma_wait3A_349 = arith.constant 0 : i32
      %dma_wait3A_350 = tpu.memref_slice %arg6[%add3A_20, %dma_wait3A_349] : memref<10112x16xf32, #tpu.memory_space<vmem_shared>> -> memref<80x16xf32, #tpu.memory_space<vmem_shared>>
      %dma_wait3A_351 = arith.constant 0 : i32
      %dma_wait3A_352 = arith.constant 0 : i32
      %dma_wait3A_353 = tpu.memref_slice %arg4[%dma_wait3A_351, %dma_wait3A_352] : memref<80x16xf32, #tpu.memory_space<vmem>> -> memref<80x16xf32, #tpu.memory_space<vmem>>
      tpu.wait_dma2 semaphore(%run_scoped3A : memref<!tpu.dma_semaphore, #tpu.memory_space<semaphore_mem>>) src(%dma_wait3A_353 : memref<80x16xf32, #tpu.memory_space<vmem>>) dst(%dma_wait3A_350 : memref<80x16xf32, #tpu.memory_space<vmem_shared>>)
      tpu.yield
    }) : () -> ()
    %add3A_21 = arith.constant 480 : i32
    %add3A_22 = arith.addi %mul3A_2, %add3A_21 : i32
    "tpu.region"() ({
      %run_scoped3A = tpu.sem_alloc : memref<!tpu.dma_semaphore, #tpu.memory_space<semaphore_mem>>
      %dma_start3A_334 = arith.constant 0 : i32
      %dma_start3A_335 = arith.constant 0 : i32
      %dma_start3A_336 = tpu.memref_slice %arg4[%dma_start3A_334, %dma_start3A_335] : memref<80x16xf32, #tpu.memory_space<vmem>> -> memref<80x16xf32, #tpu.memory_space<vmem>>
      %dma_start3A_337 = arith.constant 0 : i32
      %dma_start3A_338 = tpu.memref_slice %arg6[%add3A_22, %dma_start3A_337] : memref<10112x16xf32, #tpu.memory_space<vmem_shared>> -> memref<80x16xf32, #tpu.memory_space<vmem_shared>>
      %dma_start3A_339 = arith.constant 0 : i32
      %dma_start3A_340 = tpu.memref_slice %arg6[%add3A_22, %dma_start3A_339] : memref<10112x16xf32, #tpu.memory_space<vmem_shared>> -> memref<80x16xf32, #tpu.memory_space<vmem_shared>>
      %dma_start3A_341 = arith.constant 0 : i32
      %dma_start3A_342 = arith.constant 0 : i32
      %dma_start3A_343 = tpu.memref_slice %arg4[%dma_start3A_341, %dma_start3A_342] : memref<80x16xf32, #tpu.memory_space<vmem>> -> memref<80x16xf32, #tpu.memory_space<vmem>>
      tpu.enqueue_dma source(%dma_start3A_343 : memref<80x16xf32, #tpu.memory_space<vmem>>) target(%dma_start3A_340 : memref<80x16xf32, #tpu.memory_space<vmem_shared>>) target_semaphore(%run_scoped3A : memref<!tpu.dma_semaphore, #tpu.memory_space<semaphore_mem>>)
      %dma_wait3A_344 = arith.constant 0 : i32
      %dma_wait3A_345 = arith.constant 0 : i32
      %dma_wait3A_346 = tpu.memref_slice %arg4[%dma_wait3A_344, %dma_wait3A_345] : memref<80x16xf32, #tpu.memory_space<vmem>> -> memref<80x16xf32, #tpu.memory_space<vmem>>
      %dma_wait3A_347 = arith.constant 0 : i32
      %dma_wait3A_348 = tpu.memref_slice %arg6[%add3A_22, %dma_wait3A_347] : memref<10112x16xf32, #tpu.memory_space<vmem_shared>> -> memref<80x16xf32, #tpu.memory_space<vmem_shared>>
      %dma_wait3A_349 = arith.constant 0 : i32
      %dma_wait3A_350 = tpu.memref_slice %arg6[%add3A_22, %dma_wait3A_349] : memref<10112x16xf32, #tpu.memory_space<vmem_shared>> -> memref<80x16xf32, #tpu.memory_space<vmem_shared>>
      %dma_wait3A_351 = arith.constant 0 : i32
      %dma_wait3A_352 = arith.constant 0 : i32
      %dma_wait3A_353 = tpu.memref_slice %arg4[%dma_wait3A_351, %dma_wait3A_352] : memref<80x16xf32, #tpu.memory_space<vmem>> -> memref<80x16xf32, #tpu.memory_space<vmem>>
      tpu.wait_dma2 semaphore(%run_scoped3A : memref<!tpu.dma_semaphore, #tpu.memory_space<semaphore_mem>>) src(%dma_wait3A_353 : memref<80x16xf32, #tpu.memory_space<vmem>>) dst(%dma_wait3A_350 : memref<80x16xf32, #tpu.memory_space<vmem_shared>>)
      tpu.yield
    }) : () -> ()
    %add3A_23 = arith.constant 560 : i32
    %add3A_24 = arith.addi %mul3A_2, %add3A_23 : i32
    "tpu.region"() ({
      %run_scoped3A = tpu.sem_alloc : memref<!tpu.dma_semaphore, #tpu.memory_space<semaphore_mem>>
      %dma_start3A_334 = arith.constant 0 : i32
      %dma_start3A_335 = arith.constant 0 : i32
      %dma_start3A_336 = tpu.memref_slice %arg4[%dma_start3A_334, %dma_start3A_335] : memref<80x16xf32, #tpu.memory_space<vmem>> -> memref<72x16xf32, #tpu.memory_space<vmem>>
      %dma_start3A_337 = arith.constant 0 : i32
      %dma_start3A_338 = tpu.memref_slice %arg6[%add3A_24, %dma_start3A_337] : memref<10112x16xf32, #tpu.memory_space<vmem_shared>> -> memref<72x16xf32, #tpu.memory_space<vmem_shared>>
      %dma_start3A_339 = arith.constant 0 : i32
      %dma_start3A_340 = tpu.memref_slice %arg6[%add3A_24, %dma_start3A_339] : memref<10112x16xf32, #tpu.memory_space<vmem_shared>> -> memref<72x16xf32, #tpu.memory_space<vmem_shared>>
      %dma_start3A_341 = arith.constant 0 : i32
      %dma_start3A_342 = arith.constant 0 : i32
      %dma_start3A_343 = tpu.memref_slice %arg4[%dma_start3A_341, %dma_start3A_342] : memref<80x16xf32, #tpu.memory_space<vmem>> -> memref<72x16xf32, #tpu.memory_space<vmem>>
      tpu.enqueue_dma source(%dma_start3A_343 : memref<72x16xf32, #tpu.memory_space<vmem>>) target(%dma_start3A_340 : memref<72x16xf32, #tpu.memory_space<vmem_shared>>) target_semaphore(%run_scoped3A : memref<!tpu.dma_semaphore, #tpu.memory_space<semaphore_mem>>)
      %dma_wait3A_344 = arith.constant 0 : i32
      %dma_wait3A_345 = arith.constant 0 : i32
      %dma_wait3A_346 = tpu.memref_slice %arg4[%dma_wait3A_344, %dma_wait3A_345] : memref<80x16xf32, #tpu.memory_space<vmem>> -> memref<72x16xf32, #tpu.memory_space<vmem>>
      %dma_wait3A_347 = arith.constant 0 : i32
      %dma_wait3A_348 = tpu.memref_slice %arg6[%add3A_24, %dma_wait3A_347] : memref<10112x16xf32, #tpu.memory_space<vmem_shared>> -> memref<72x16xf32, #tpu.memory_space<vmem_shared>>
      %dma_wait3A_349 = arith.constant 0 : i32
      %dma_wait3A_350 = tpu.memref_slice %arg6[%add3A_24, %dma_wait3A_349] : memref<10112x16xf32, #tpu.memory_space<vmem_shared>> -> memref<72x16xf32, #tpu.memory_space<vmem_shared>>
      %dma_wait3A_351 = arith.constant 0 : i32
      %dma_wait3A_352 = arith.constant 0 : i32
      %dma_wait3A_353 = tpu.memref_slice %arg4[%dma_wait3A_351, %dma_wait3A_352] : memref<80x16xf32, #tpu.memory_space<vmem>> -> memref<72x16xf32, #tpu.memory_space<vmem>>
      tpu.wait_dma2 semaphore(%run_scoped3A : memref<!tpu.dma_semaphore, #tpu.memory_space<semaphore_mem>>) src(%dma_wait3A_353 : memref<72x16xf32, #tpu.memory_space<vmem>>) dst(%dma_wait3A_350 : memref<72x16xf32, #tpu.memory_space<vmem_shared>>)
      tpu.yield
    }) : () -> ()
    %scan3A_25 = arith.constant 0 : i32
    %scan3A_26 = arith.constant 0 : i32
    %scan3A_27 = arith.constant 80 : i32
    %scan3A_28 = arith.addi %scan3A_26, %scan3A_27 : i32
    %scan3A_29 = arith.constant 1 : i32
    %scan3A_30 = scf.for %scan3A_334 = %scan3A_26 to %scan3A_28 step %scan3A_29 iter_args(%scan3A_335 = %scan3A_25) -> (i32)  : i32 {
      %broadcast_in_dim3A = arith.constant 1.000000e+00 : f32
      %broadcast_in_dim3A_336 = vector.broadcast %broadcast_in_dim3A : f32 to vector<16xf32>
      %swap3A = arith.index_cast %scan3A_334 : i32 to index
      %swap3A_337 = arith.constant 0 : index
      %swap3A_338 = tpu.vector_load %arg4[%swap3A, %swap3A_337] {strides = array<i32>} : memref<80x16xf32, #tpu.memory_space<vmem>>, vector<1x16xf32>,
      %swap3A_339 = vector.shape_cast %swap3A_338 : vector<1x16xf32> to vector<16xf32>
      %swap3A_340 = vector.shape_cast %broadcast_in_dim3A_336 : vector<16xf32> to vector<1x16xf32>
      tpu.vector_store %arg4[%swap3A, %swap3A_337], %swap3A_340 {strides = array<i32>} : memref<80x16xf32, #tpu.memory_space<vmem>>, vector<1x16xf32>,
      %scan3A_341 = arith.constant 0 : i32
      scf.yield %scan3A_341 : i32
    }
    %scan3A_31 = arith.constant 80 : i32
    %mul3A_32 = arith.constant 10000 : i32
    %mul3A_33 = arith.muli %add3A, %mul3A_32 : i32
    %add3A_34 = arith.constant 0 : i32
    %add3A_35 = arith.addi %mul3A_33, %add3A_34 : i32
    %multiple_of3A = tpu.assume_multiple %add3A_35, 8 : i32
    %dma_start3A = arith.constant 0 : i32
    %dma_start3A_36 = arith.constant 0 : i32
    %dma_start3A_37 = arith.constant 0 : i32
    %dma_start3A_38 = tpu.memref_slice %arg5[%dma_start3A, %dma_start3A_37] : memref<125x80xi32, #tpu.memory_space<vmem>> -> memref<1x80xi32, #tpu.memory_space<vmem>>
    %dma_start3A_39 = tpu.memref_squeeze %dma_start3A_38 : memref<1x80xi32, #tpu.memory_space<vmem>> -> memref<80xi32, #tpu.memory_space<vmem>>
    %dma_start3A_40 = tpu.memref_slice %arg2[%multiple_of3A] : memref<320000xi32, #tpu.memory_space<hbm>> -> memref<80xi32, #tpu.memory_space<hbm>>
    %dma_start3A_41 = tpu.memref_slice %arg7[%dma_start3A_36] : memref<5x!tpu.dma_semaphore, #tpu.memory_space<semaphore_mem>> -> memref<1x!tpu.dma_semaphore, #tpu.memory_space<semaphore_mem>>
    %dma_start3A_42 = tpu.memref_squeeze %dma_start3A_41 : memref<1x!tpu.dma_semaphore, #tpu.memory_space<semaphore_mem>> -> memref<!tpu.dma_semaphore, #tpu.memory_space<semaphore_mem>>
    %dma_start3A_43 = arith.constant 0 : i32
    %dma_start3A_44 = tpu.memref_slice %arg5[%dma_start3A, %dma_start3A_43] : memref<125x80xi32, #tpu.memory_space<vmem>> -> memref<1x80xi32, #tpu.memory_space<vmem>>
    %dma_start3A_45 = tpu.memref_squeeze %dma_start3A_44 : memref<1x80xi32, #tpu.memory_space<vmem>> -> memref<80xi32, #tpu.memory_space<vmem>>
    %dma_start3A_46 = tpu.memref_slice %arg2[%multiple_of3A] : memref<320000xi32, #tpu.memory_space<hbm>> -> memref<80xi32, #tpu.memory_space<hbm>>
    tpu.enqueue_dma source(%dma_start3A_46 : memref<80xi32, #tpu.memory_space<hbm>>) target(%dma_start3A_45 : memref<80xi32, #tpu.memory_space<vmem>>) target_semaphore(%dma_start3A_42 : memref<!tpu.dma_semaphore, #tpu.memory_space<semaphore_mem>>)
    %mul3A_47 = arith.constant 10000 : i32
    %mul3A_48 = arith.muli %add3A, %mul3A_47 : i32
    %add3A_49 = arith.constant 80 : i32
    %add3A_50 = arith.addi %mul3A_48, %add3A_49 : i32
    %multiple_of3A_51 = tpu.assume_multiple %add3A_50, 8 : i32
    %dma_start3A_52 = arith.constant 1 : i32
    %dma_start3A_53 = arith.constant 1 : i32
    %dma_start3A_54 = arith.constant 0 : i32
    %dma_start3A_55 = tpu.memref_slice %arg5[%dma_start3A_52, %dma_start3A_54] : memref<125x80xi32, #tpu.memory_space<vmem>> -> memref<1x80xi32, #tpu.memory_space<vmem>>
    %dma_start3A_56 = tpu.memref_squeeze %dma_start3A_55 : memref<1x80xi32, #tpu.memory_space<vmem>> -> memref<80xi32, #tpu.memory_space<vmem>>
    %dma_start3A_57 = tpu.memref_slice %arg2[%multiple_of3A_51] : memref<320000xi32, #tpu.memory_space<hbm>> -> memref<80xi32, #tpu.memory_space<hbm>>
    %dma_start3A_58 = tpu.memref_slice %arg7[%dma_start3A_53] : memref<5x!tpu.dma_semaphore, #tpu.memory_space<semaphore_mem>> -> memref<1x!tpu.dma_semaphore, #tpu.memory_space<semaphore_mem>>
    %dma_start3A_59 = tpu.memref_squeeze %dma_start3A_58 : memref<1x!tpu.dma_semaphore, #tpu.memory_space<semaphore_mem>> -> memref<!tpu.dma_semaphore, #tpu.memory_space<semaphore_mem>>
    %dma_start3A_60 = arith.constant 0 : i32
    %dma_start3A_61 = tpu.memref_slice %arg5[%dma_start3A_52, %dma_start3A_60] : memref<125x80xi32, #tpu.memory_space<vmem>> -> memref<1x80xi32, #tpu.memory_space<vmem>>
    %dma_start3A_62 = tpu.memref_squeeze %dma_start3A_61 : memref<1x80xi32, #tpu.memory_space<vmem>> -> memref<80xi32, #tpu.memory_space<vmem>>
    %dma_start3A_63 = tpu.memref_slice %arg2[%multiple_of3A_51] : memref<320000xi32, #tpu.memory_space<hbm>> -> memref<80xi32, #tpu.memory_space<hbm>>
    tpu.enqueue_dma source(%dma_start3A_63 : memref<80xi32, #tpu.memory_space<hbm>>) target(%dma_start3A_62 : memref<80xi32, #tpu.memory_space<vmem>>) target_semaphore(%dma_start3A_59 : memref<!tpu.dma_semaphore, #tpu.memory_space<semaphore_mem>>)
    %mul3A_64 = arith.constant 10000 : i32
    %mul3A_65 = arith.muli %add3A, %mul3A_64 : i32
    %add3A_66 = arith.constant 160 : i32
    %add3A_67 = arith.addi %mul3A_65, %add3A_66 : i32
    %multiple_of3A_68 = tpu.assume_multiple %add3A_67, 8 : i32
    %dma_start3A_69 = arith.constant 2 : i32
    %dma_start3A_70 = arith.constant 2 : i32
    %dma_start3A_71 = arith.constant 0 : i32
    %dma_start3A_72 = tpu.memref_slice %arg5[%dma_start3A_69, %dma_start3A_71] : memref<125x80xi32, #tpu.memory_space<vmem>> -> memref<1x80xi32, #tpu.memory_space<vmem>>
    %dma_start3A_73 = tpu.memref_squeeze %dma_start3A_72 : memref<1x80xi32, #tpu.memory_space<vmem>> -> memref<80xi32, #tpu.memory_space<vmem>>
    %dma_start3A_74 = tpu.memref_slice %arg2[%multiple_of3A_68] : memref<320000xi32, #tpu.memory_space<hbm>> -> memref<80xi32, #tpu.memory_space<hbm>>
    %dma_start3A_75 = tpu.memref_slice %arg7[%dma_start3A_70] : memref<5x!tpu.dma_semaphore, #tpu.memory_space<semaphore_mem>> -> memref<1x!tpu.dma_semaphore, #tpu.memory_space<semaphore_mem>>
    %dma_start3A_76 = tpu.memref_squeeze %dma_start3A_75 : memref<1x!tpu.dma_semaphore, #tpu.memory_space<semaphore_mem>> -> memref<!tpu.dma_semaphore, #tpu.memory_space<semaphore_mem>>
    %dma_start3A_77 = arith.constant 0 : i32
    %dma_start3A_78 = tpu.memref_slice %arg5[%dma_start3A_69, %dma_start3A_77] : memref<125x80xi32, #tpu.memory_space<vmem>> -> memref<1x80xi32, #tpu.memory_space<vmem>>
    %dma_start3A_79 = tpu.memref_squeeze %dma_start3A_78 : memref<1x80xi32, #tpu.memory_space<vmem>> -> memref<80xi32, #tpu.memory_space<vmem>>
    %dma_start3A_80 = tpu.memref_slice %arg2[%multiple_of3A_68] : memref<320000xi32, #tpu.memory_space<hbm>> -> memref<80xi32, #tpu.memory_space<hbm>>
    tpu.enqueue_dma source(%dma_start3A_80 : memref<80xi32, #tpu.memory_space<hbm>>) target(%dma_start3A_79 : memref<80xi32, #tpu.memory_space<vmem>>) target_semaphore(%dma_start3A_76 : memref<!tpu.dma_semaphore, #tpu.memory_space<semaphore_mem>>)
    %mul3A_81 = arith.constant 10000 : i32
    %mul3A_82 = arith.muli %add3A, %mul3A_81 : i32
    %add3A_83 = arith.constant 240 : i32
    %add3A_84 = arith.addi %mul3A_82, %add3A_83 : i32
    %multiple_of3A_85 = tpu.assume_multiple %add3A_84, 8 : i32
    %dma_start3A_86 = arith.constant 3 : i32
    %dma_start3A_87 = arith.constant 3 : i32
    %dma_start3A_88 = arith.constant 0 : i32
    %dma_start3A_89 = tpu.memref_slice %arg5[%dma_start3A_86, %dma_start3A_88] : memref<125x80xi32, #tpu.memory_space<vmem>> -> memref<1x80xi32, #tpu.memory_space<vmem>>
    %dma_start3A_90 = tpu.memref_squeeze %dma_start3A_89 : memref<1x80xi32, #tpu.memory_space<vmem>> -> memref<80xi32, #tpu.memory_space<vmem>>
    %dma_start3A_91 = tpu.memref_slice %arg2[%multiple_of3A_85] : memref<320000xi32, #tpu.memory_space<hbm>> -> memref<80xi32, #tpu.memory_space<hbm>>
    %dma_start3A_92 = tpu.memref_slice %arg7[%dma_start3A_87] : memref<5x!tpu.dma_semaphore, #tpu.memory_space<semaphore_mem>> -> memref<1x!tpu.dma_semaphore, #tpu.memory_space<semaphore_mem>>
    %dma_start3A_93 = tpu.memref_squeeze %dma_start3A_92 : memref<1x!tpu.dma_semaphore, #tpu.memory_space<semaphore_mem>> -> memref<!tpu.dma_semaphore, #tpu.memory_space<semaphore_mem>>
    %dma_start3A_94 = arith.constant 0 : i32
    %dma_start3A_95 = tpu.memref_slice %arg5[%dma_start3A_86, %dma_start3A_94] : memref<125x80xi32, #tpu.memory_space<vmem>> -> memref<1x80xi32, #tpu.memory_space<vmem>>
    %dma_start3A_96 = tpu.memref_squeeze %dma_start3A_95 : memref<1x80xi32, #tpu.memory_space<vmem>> -> memref<80xi32, #tpu.memory_space<vmem>>
    %dma_start3A_97 = tpu.memref_slice %arg2[%multiple_of3A_85] : memref<320000xi32, #tpu.memory_space<hbm>> -> memref<80xi32, #tpu.memory_space<hbm>>
    tpu.enqueue_dma source(%dma_start3A_97 : memref<80xi32, #tpu.memory_space<hbm>>) target(%dma_start3A_96 : memref<80xi32, #tpu.memory_space<vmem>>) target_semaphore(%dma_start3A_93 : memref<!tpu.dma_semaphore, #tpu.memory_space<semaphore_mem>>)
    %mul3A_98 = arith.constant 10000 : i32
    %mul3A_99 = arith.muli %add3A, %mul3A_98 : i32
    %add3A_100 = arith.constant 320 : i32
    %add3A_101 = arith.addi %mul3A_99, %add3A_100 : i32
    %multiple_of3A_102 = tpu.assume_multiple %add3A_101, 8 : i32
    %dma_start3A_103 = arith.constant 4 : i32
    %dma_start3A_104 = arith.constant 4 : i32
    %dma_start3A_105 = arith.constant 0 : i32
    %dma_start3A_106 = tpu.memref_slice %arg5[%dma_start3A_103, %dma_start3A_105] : memref<125x80xi32, #tpu.memory_space<vmem>> -> memref<1x80xi32, #tpu.memory_space<vmem>>
    %dma_start3A_107 = tpu.memref_squeeze %dma_start3A_106 : memref<1x80xi32, #tpu.memory_space<vmem>> -> memref<80xi32, #tpu.memory_space<vmem>>
    %dma_start3A_108 = tpu.memref_slice %arg2[%multiple_of3A_102] : memref<320000xi32, #tpu.memory_space<hbm>> -> memref<80xi32, #tpu.memory_space<hbm>>
    %dma_start3A_109 = tpu.memref_slice %arg7[%dma_start3A_104] : memref<5x!tpu.dma_semaphore, #tpu.memory_space<semaphore_mem>> -> memref<1x!tpu.dma_semaphore, #tpu.memory_space<semaphore_mem>>
    %dma_start3A_110 = tpu.memref_squeeze %dma_start3A_109 : memref<1x!tpu.dma_semaphore, #tpu.memory_space<semaphore_mem>> -> memref<!tpu.dma_semaphore, #tpu.memory_space<semaphore_mem>>
    %dma_start3A_111 = arith.constant 0 : i32
    %dma_start3A_112 = tpu.memref_slice %arg5[%dma_start3A_103, %dma_start3A_111] : memref<125x80xi32, #tpu.memory_space<vmem>> -> memref<1x80xi32, #tpu.memory_space<vmem>>
    %dma_start3A_113 = tpu.memref_squeeze %dma_start3A_112 : memref<1x80xi32, #tpu.memory_space<vmem>> -> memref<80xi32, #tpu.memory_space<vmem>>
    %dma_start3A_114 = tpu.memref_slice %arg2[%multiple_of3A_102] : memref<320000xi32, #tpu.memory_space<hbm>> -> memref<80xi32, #tpu.memory_space<hbm>>
    tpu.enqueue_dma source(%dma_start3A_114 : memref<80xi32, #tpu.memory_space<hbm>>) target(%dma_start3A_113 : memref<80xi32, #tpu.memory_space<vmem>>) target_semaphore(%dma_start3A_110 : memref<!tpu.dma_semaphore, #tpu.memory_space<semaphore_mem>>)
    %scan3A_115 = arith.constant 0 : i32
    %scan3A_116 = arith.constant 1 : i32
    %scan3A_117 = arith.constant 24 : i32
    %scan3A_118 = arith.addi %scan3A_116, %scan3A_117 : i32
    %scan3A_119 = arith.constant 1 : i32
    %scan3A_120 = scf.for %scan3A_334 = %scan3A_116 to %scan3A_118 step %scan3A_119 iter_args(%scan3A_335 = %scan3A_115) -> (i32)  : i32 {
      %dma_wait3A_336 = arith.constant 0 : i32
      %dma_wait3A_337 = arith.constant 0 : i32
      %dma_wait3A_338 = arith.constant 0 : i32
      %dma_wait3A_339 = tpu.memref_slice %arg5[%dma_wait3A_336, %dma_wait3A_338] : memref<125x80xi32, #tpu.memory_space<vmem>> -> memref<1x80xi32, #tpu.memory_space<vmem>>
      %dma_wait3A_340 = tpu.memref_squeeze %dma_wait3A_339 : memref<1x80xi32, #tpu.memory_space<vmem>> -> memref<80xi32, #tpu.memory_space<vmem>>
      %dma_wait3A_341 = arith.constant 0 : i32
      %dma_wait3A_342 = tpu.memref_slice %arg2[%dma_wait3A_341] : memref<320000xi32, #tpu.memory_space<hbm>> -> memref<80xi32, #tpu.memory_space<hbm>>
      %dma_wait3A_343 = tpu.memref_slice %arg7[%dma_wait3A_337] : memref<5x!tpu.dma_semaphore, #tpu.memory_space<semaphore_mem>> -> memref<1x!tpu.dma_semaphore, #tpu.memory_space<semaphore_mem>>
      %dma_wait3A_344 = tpu.memref_squeeze %dma_wait3A_343 : memref<1x!tpu.dma_semaphore, #tpu.memory_space<semaphore_mem>> -> memref<!tpu.dma_semaphore, #tpu.memory_space<semaphore_mem>>
      %dma_wait3A_345 = arith.constant 0 : i32
      %dma_wait3A_346 = tpu.memref_slice %arg5[%dma_wait3A_336, %dma_wait3A_345] : memref<125x80xi32, #tpu.memory_space<vmem>> -> memref<1x80xi32, #tpu.memory_space<vmem>>
      %dma_wait3A_347 = tpu.memref_squeeze %dma_wait3A_346 : memref<1x80xi32, #tpu.memory_space<vmem>> -> memref<80xi32, #tpu.memory_space<vmem>>
      %dma_wait3A_348 = arith.constant 0 : i32
      %dma_wait3A_349 = tpu.memref_slice %arg2[%dma_wait3A_348] : memref<320000xi32, #tpu.memory_space<hbm>> -> memref<80xi32, #tpu.memory_space<hbm>>
      tpu.wait_dma2 semaphore(%dma_wait3A_344 : memref<!tpu.dma_semaphore, #tpu.memory_space<semaphore_mem>>) src(%dma_wait3A_349 : memref<80xi32, #tpu.memory_space<hbm>>) dst(%dma_wait3A_347 : memref<80xi32, #tpu.memory_space<vmem>>)
      %mul3A_350 = arith.constant 5 : i32
      %mul3A_351 = arith.muli %scan3A_334, %mul3A_350 : i32
      %add3A_352 = arith.constant 0 : i32
      %add3A_353 = arith.addi %mul3A_351, %add3A_352 : i32
      %mul3A_354 = arith.constant 10000 : i32
      %mul3A_355 = arith.muli %add3A, %mul3A_354 : i32
      %mul3A_356 = arith.constant 80 : i32
      %mul3A_357 = arith.muli %add3A_353, %mul3A_356 : i32
      %add3A_358 = arith.addi %mul3A_355, %mul3A_357 : i32
      %multiple_of3A_359 = tpu.assume_multiple %add3A_358, 8 : i32
      %dma_start3A_360 = arith.constant 0 : i32
      %dma_start3A_361 = arith.constant 0 : i32
      %dma_start3A_362 = tpu.memref_slice %arg5[%add3A_353, %dma_start3A_361] : memref<125x80xi32, #tpu.memory_space<vmem>> -> memref<1x80xi32, #tpu.memory_space<vmem>>
      %dma_start3A_363 = tpu.memref_squeeze %dma_start3A_362 : memref<1x80xi32, #tpu.memory_space<vmem>> -> memref<80xi32, #tpu.memory_space<vmem>>
      %dma_start3A_364 = tpu.memref_slice %arg2[%multiple_of3A_359] : memref<320000xi32, #tpu.memory_space<hbm>> -> memref<80xi32, #tpu.memory_space<hbm>>
      %dma_start3A_365 = tpu.memref_slice %arg7[%dma_start3A_360] : memref<5x!tpu.dma_semaphore, #tpu.memory_space<semaphore_mem>> -> memref<1x!tpu.dma_semaphore, #tpu.memory_space<semaphore_mem>>
      %dma_start3A_366 = tpu.memref_squeeze %dma_start3A_365 : memref<1x!tpu.dma_semaphore, #tpu.memory_space<semaphore_mem>> -> memref<!tpu.dma_semaphore, #tpu.memory_space<semaphore_mem>>
      %dma_start3A_367 = arith.constant 0 : i32
      %dma_start3A_368 = tpu.memref_slice %arg5[%add3A_353, %dma_start3A_367] : memref<125x80xi32, #tpu.memory_space<vmem>> -> memref<1x80xi32, #tpu.memory_space<vmem>>
      %dma_start3A_369 = tpu.memref_squeeze %dma_start3A_368 : memref<1x80xi32, #tpu.memory_space<vmem>> -> memref<80xi32, #tpu.memory_space<vmem>>
      %dma_start3A_370 = tpu.memref_slice %arg2[%multiple_of3A_359] : memref<320000xi32, #tpu.memory_space<hbm>> -> memref<80xi32, #tpu.memory_space<hbm>>
      tpu.enqueue_dma source(%dma_start3A_370 : memref<80xi32, #tpu.memory_space<hbm>>) target(%dma_start3A_369 : memref<80xi32, #tpu.memory_space<vmem>>) target_semaphore(%dma_start3A_366 : memref<!tpu.dma_semaphore, #tpu.memory_space<semaphore_mem>>)
      %dma_wait3A_371 = arith.constant 0 : i32
      %dma_wait3A_372 = arith.constant 1 : i32
      %dma_wait3A_373 = arith.constant 0 : i32
      %dma_wait3A_374 = tpu.memref_slice %arg5[%dma_wait3A_371, %dma_wait3A_373] : memref<125x80xi32, #tpu.memory_space<vmem>> -> memref<1x80xi32, #tpu.memory_space<vmem>>
      %dma_wait3A_375 = tpu.memref_squeeze %dma_wait3A_374 : memref<1x80xi32, #tpu.memory_space<vmem>> -> memref<80xi32, #tpu.memory_space<vmem>>
      %dma_wait3A_376 = arith.constant 0 : i32
      %dma_wait3A_377 = tpu.memref_slice %arg2[%dma_wait3A_376] : memref<320000xi32, #tpu.memory_space<hbm>> -> memref<80xi32, #tpu.memory_space<hbm>>
      %dma_wait3A_378 = tpu.memref_slice %arg7[%dma_wait3A_372] : memref<5x!tpu.dma_semaphore, #tpu.memory_space<semaphore_mem>> -> memref<1x!tpu.dma_semaphore, #tpu.memory_space<semaphore_mem>>
      %dma_wait3A_379 = tpu.memref_squeeze %dma_wait3A_378 : memref<1x!tpu.dma_semaphore, #tpu.memory_space<semaphore_mem>> -> memref<!tpu.dma_semaphore, #tpu.memory_space<semaphore_mem>>
      %dma_wait3A_380 = arith.constant 0 : i32
      %dma_wait3A_381 = tpu.memref_slice %arg5[%dma_wait3A_371, %dma_wait3A_380] : memref<125x80xi32, #tpu.memory_space<vmem>> -> memref<1x80xi32, #tpu.memory_space<vmem>>
      %dma_wait3A_382 = tpu.memref_squeeze %dma_wait3A_381 : memref<1x80xi32, #tpu.memory_space<vmem>> -> memref<80xi32, #tpu.memory_space<vmem>>
      %dma_wait3A_383 = arith.constant 0 : i32
      %dma_wait3A_384 = tpu.memref_slice %arg2[%dma_wait3A_383] : memref<320000xi32, #tpu.memory_space<hbm>> -> memref<80xi32, #tpu.memory_space<hbm>>
      tpu.wait_dma2 semaphore(%dma_wait3A_379 : memref<!tpu.dma_semaphore, #tpu.memory_space<semaphore_mem>>) src(%dma_wait3A_384 : memref<80xi32, #tpu.memory_space<hbm>>) dst(%dma_wait3A_382 : memref<80xi32, #tpu.memory_space<vmem>>)
      %mul3A_385 = arith.constant 5 : i32
      %mul3A_386 = arith.muli %scan3A_334, %mul3A_385 : i32
      %add3A_387 = arith.constant 1 : i32
      %add3A_388 = arith.addi %mul3A_386, %add3A_387 : i32
      %mul3A_389 = arith.constant 10000 : i32
      %mul3A_390 = arith.muli %add3A, %mul3A_389 : i32
      %mul3A_391 = arith.constant 80 : i32
      %mul3A_392 = arith.muli %add3A_388, %mul3A_391 : i32
      %add3A_393 = arith.addi %mul3A_390, %mul3A_392 : i32
      %multiple_of3A_394 = tpu.assume_multiple %add3A_393, 8 : i32
      %dma_start3A_395 = arith.constant 1 : i32
      %dma_start3A_396 = arith.constant 0 : i32
      %dma_start3A_397 = tpu.memref_slice %arg5[%add3A_388, %dma_start3A_396] : memref<125x80xi32, #tpu.memory_space<vmem>> -> memref<1x80xi32, #tpu.memory_space<vmem>>
      %dma_start3A_398 = tpu.memref_squeeze %dma_start3A_397 : memref<1x80xi32, #tpu.memory_space<vmem>> -> memref<80xi32, #tpu.memory_space<vmem>>
      %dma_start3A_399 = tpu.memref_slice %arg2[%multiple_of3A_394] : memref<320000xi32, #tpu.memory_space<hbm>> -> memref<80xi32, #tpu.memory_space<hbm>>
      %dma_start3A_400 = tpu.memref_slice %arg7[%dma_start3A_395] : memref<5x!tpu.dma_semaphore, #tpu.memory_space<semaphore_mem>> -> memref<1x!tpu.dma_semaphore, #tpu.memory_space<semaphore_mem>>
      %dma_start3A_401 = tpu.memref_squeeze %dma_start3A_400 : memref<1x!tpu.dma_semaphore, #tpu.memory_space<semaphore_mem>> -> memref<!tpu.dma_semaphore, #tpu.memory_space<semaphore_mem>>
      %dma_start3A_402 = arith.constant 0 : i32
      %dma_start3A_403 = tpu.memref_slice %arg5[%add3A_388, %dma_start3A_402] : memref<125x80xi32, #tpu.memory_space<vmem>> -> memref<1x80xi32, #tpu.memory_space<vmem>>
      %dma_start3A_404 = tpu.memref_squeeze %dma_start3A_403 : memref<1x80xi32, #tpu.memory_space<vmem>> -> memref<80xi32, #tpu.memory_space<vmem>>
      %dma_start3A_405 = tpu.memref_slice %arg2[%multiple_of3A_394] : memref<320000xi32, #tpu.memory_space<hbm>> -> memref<80xi32, #tpu.memory_space<hbm>>
      tpu.enqueue_dma source(%dma_start3A_405 : memref<80xi32, #tpu.memory_space<hbm>>) target(%dma_start3A_404 : memref<80xi32, #tpu.memory_space<vmem>>) target_semaphore(%dma_start3A_401 : memref<!tpu.dma_semaphore, #tpu.memory_space<semaphore_mem>>)
      %dma_wait3A_406 = arith.constant 0 : i32
      %dma_wait3A_407 = arith.constant 2 : i32
      %dma_wait3A_408 = arith.constant 0 : i32
      %dma_wait3A_409 = tpu.memref_slice %arg5[%dma_wait3A_406, %dma_wait3A_408] : memref<125x80xi32, #tpu.memory_space<vmem>> -> memref<1x80xi32, #tpu.memory_space<vmem>>
      %dma_wait3A_410 = tpu.memref_squeeze %dma_wait3A_409 : memref<1x80xi32, #tpu.memory_space<vmem>> -> memref<80xi32, #tpu.memory_space<vmem>>
      %dma_wait3A_411 = arith.constant 0 : i32
      %dma_wait3A_412 = tpu.memref_slice %arg2[%dma_wait3A_411] : memref<320000xi32, #tpu.memory_space<hbm>> -> memref<80xi32, #tpu.memory_space<hbm>>
      %dma_wait3A_413 = tpu.memref_slice %arg7[%dma_wait3A_407] : memref<5x!tpu.dma_semaphore, #tpu.memory_space<semaphore_mem>> -> memref<1x!tpu.dma_semaphore, #tpu.memory_space<semaphore_mem>>
      %dma_wait3A_414 = tpu.memref_squeeze %dma_wait3A_413 : memref<1x!tpu.dma_semaphore, #tpu.memory_space<semaphore_mem>> -> memref<!tpu.dma_semaphore, #tpu.memory_space<semaphore_mem>>
      %dma_wait3A_415 = arith.constant 0 : i32
      %dma_wait3A_416 = tpu.memref_slice %arg5[%dma_wait3A_406, %dma_wait3A_415] : memref<125x80xi32, #tpu.memory_space<vmem>> -> memref<1x80xi32, #tpu.memory_space<vmem>>
      %dma_wait3A_417 = tpu.memref_squeeze %dma_wait3A_416 : memref<1x80xi32, #tpu.memory_space<vmem>> -> memref<80xi32, #tpu.memory_space<vmem>>
      %dma_wait3A_418 = arith.constant 0 : i32
      %dma_wait3A_419 = tpu.memref_slice %arg2[%dma_wait3A_418] : memref<320000xi32, #tpu.memory_space<hbm>> -> memref<80xi32, #tpu.memory_space<hbm>>
      tpu.wait_dma2 semaphore(%dma_wait3A_414 : memref<!tpu.dma_semaphore, #tpu.memory_space<semaphore_mem>>) src(%dma_wait3A_419 : memref<80xi32, #tpu.memory_space<hbm>>) dst(%dma_wait3A_417 : memref<80xi32, #tpu.memory_space<vmem>>)
      %mul3A_420 = arith.constant 5 : i32
      %mul3A_421 = arith.muli %scan3A_334, %mul3A_420 : i32
      %add3A_422 = arith.constant 2 : i32
      %add3A_423 = arith.addi %mul3A_421, %add3A_422 : i32
      %mul3A_424 = arith.constant 10000 : i32
      %mul3A_425 = arith.muli %add3A, %mul3A_424 : i32
      %mul3A_426 = arith.constant 80 : i32
      %mul3A_427 = arith.muli %add3A_423, %mul3A_426 : i32
      %add3A_428 = arith.addi %mul3A_425, %mul3A_427 : i32
      %multiple_of3A_429 = tpu.assume_multiple %add3A_428, 8 : i32
      %dma_start3A_430 = arith.constant 2 : i32
      %dma_start3A_431 = arith.constant 0 : i32
      %dma_start3A_432 = tpu.memref_slice %arg5[%add3A_423, %dma_start3A_431] : memref<125x80xi32, #tpu.memory_space<vmem>> -> memref<1x80xi32, #tpu.memory_space<vmem>>
      %dma_start3A_433 = tpu.memref_squeeze %dma_start3A_432 : memref<1x80xi32, #tpu.memory_space<vmem>> -> memref<80xi32, #tpu.memory_space<vmem>>
      %dma_start3A_434 = tpu.memref_slice %arg2[%multiple_of3A_429] : memref<320000xi32, #tpu.memory_space<hbm>> -> memref<80xi32, #tpu.memory_space<hbm>>
      %dma_start3A_435 = tpu.memref_slice %arg7[%dma_start3A_430] : memref<5x!tpu.dma_semaphore, #tpu.memory_space<semaphore_mem>> -> memref<1x!tpu.dma_semaphore, #tpu.memory_space<semaphore_mem>>
      %dma_start3A_436 = tpu.memref_squeeze %dma_start3A_435 : memref<1x!tpu.dma_semaphore, #tpu.memory_space<semaphore_mem>> -> memref<!tpu.dma_semaphore, #tpu.memory_space<semaphore_mem>>
      %dma_start3A_437 = arith.constant 0 : i32
      %dma_start3A_438 = tpu.memref_slice %arg5[%add3A_423, %dma_start3A_437] : memref<125x80xi32, #tpu.memory_space<vmem>> -> memref<1x80xi32, #tpu.memory_space<vmem>>
      %dma_start3A_439 = tpu.memref_squeeze %dma_start3A_438 : memref<1x80xi32, #tpu.memory_space<vmem>> -> memref<80xi32, #tpu.memory_space<vmem>>
      %dma_start3A_440 = tpu.memref_slice %arg2[%multiple_of3A_429] : memref<320000xi32, #tpu.memory_space<hbm>> -> memref<80xi32, #tpu.memory_space<hbm>>
      tpu.enqueue_dma source(%dma_start3A_440 : memref<80xi32, #tpu.memory_space<hbm>>) target(%dma_start3A_439 : memref<80xi32, #tpu.memory_space<vmem>>) target_semaphore(%dma_start3A_436 : memref<!tpu.dma_semaphore, #tpu.memory_space<semaphore_mem>>)
      %dma_wait3A_441 = arith.constant 0 : i32
      %dma_wait3A_442 = arith.constant 3 : i32
      %dma_wait3A_443 = arith.constant 0 : i32
      %dma_wait3A_444 = tpu.memref_slice %arg5[%dma_wait3A_441, %dma_wait3A_443] : memref<125x80xi32, #tpu.memory_space<vmem>> -> memref<1x80xi32, #tpu.memory_space<vmem>>
      %dma_wait3A_445 = tpu.memref_squeeze %dma_wait3A_444 : memref<1x80xi32, #tpu.memory_space<vmem>> -> memref<80xi32, #tpu.memory_space<vmem>>
      %dma_wait3A_446 = arith.constant 0 : i32
      %dma_wait3A_447 = tpu.memref_slice %arg2[%dma_wait3A_446] : memref<320000xi32, #tpu.memory_space<hbm>> -> memref<80xi32, #tpu.memory_space<hbm>>
      %dma_wait3A_448 = tpu.memref_slice %arg7[%dma_wait3A_442] : memref<5x!tpu.dma_semaphore, #tpu.memory_space<semaphore_mem>> -> memref<1x!tpu.dma_semaphore, #tpu.memory_space<semaphore_mem>>
      %dma_wait3A_449 = tpu.memref_squeeze %dma_wait3A_448 : memref<1x!tpu.dma_semaphore, #tpu.memory_space<semaphore_mem>> -> memref<!tpu.dma_semaphore, #tpu.memory_space<semaphore_mem>>
      %dma_wait3A_450 = arith.constant 0 : i32
      %dma_wait3A_451 = tpu.memref_slice %arg5[%dma_wait3A_441, %dma_wait3A_450] : memref<125x80xi32, #tpu.memory_space<vmem>> -> memref<1x80xi32, #tpu.memory_space<vmem>>
      %dma_wait3A_452 = tpu.memref_squeeze %dma_wait3A_451 : memref<1x80xi32, #tpu.memory_space<vmem>> -> memref<80xi32, #tpu.memory_space<vmem>>
      %dma_wait3A_453 = arith.constant 0 : i32
      %dma_wait3A_454 = tpu.memref_slice %arg2[%dma_wait3A_453] : memref<320000xi32, #tpu.memory_space<hbm>> -> memref<80xi32, #tpu.memory_space<hbm>>
      tpu.wait_dma2 semaphore(%dma_wait3A_449 : memref<!tpu.dma_semaphore, #tpu.memory_space<semaphore_mem>>) src(%dma_wait3A_454 : memref<80xi32, #tpu.memory_space<hbm>>) dst(%dma_wait3A_452 : memref<80xi32, #tpu.memory_space<vmem>>)
      %mul3A_455 = arith.constant 5 : i32
      %mul3A_456 = arith.muli %scan3A_334, %mul3A_455 : i32
      %add3A_457 = arith.constant 3 : i32
      %add3A_458 = arith.addi %mul3A_456, %add3A_457 : i32
      %mul3A_459 = arith.constant 10000 : i32
      %mul3A_460 = arith.muli %add3A, %mul3A_459 : i32
      %mul3A_461 = arith.constant 80 : i32
      %mul3A_462 = arith.muli %add3A_458, %mul3A_461 : i32
      %add3A_463 = arith.addi %mul3A_460, %mul3A_462 : i32
      %multiple_of3A_464 = tpu.assume_multiple %add3A_463, 8 : i32
      %dma_start3A_465 = arith.constant 3 : i32
      %dma_start3A_466 = arith.constant 0 : i32
      %dma_start3A_467 = tpu.memref_slice %arg5[%add3A_458, %dma_start3A_466] : memref<125x80xi32, #tpu.memory_space<vmem>> -> memref<1x80xi32, #tpu.memory_space<vmem>>
      %dma_start3A_468 = tpu.memref_squeeze %dma_start3A_467 : memref<1x80xi32, #tpu.memory_space<vmem>> -> memref<80xi32, #tpu.memory_space<vmem>>
      %dma_start3A_469 = tpu.memref_slice %arg2[%multiple_of3A_464] : memref<320000xi32, #tpu.memory_space<hbm>> -> memref<80xi32, #tpu.memory_space<hbm>>
      %dma_start3A_470 = tpu.memref_slice %arg7[%dma_start3A_465] : memref<5x!tpu.dma_semaphore, #tpu.memory_space<semaphore_mem>> -> memref<1x!tpu.dma_semaphore, #tpu.memory_space<semaphore_mem>>
      %dma_start3A_471 = tpu.memref_squeeze %dma_start3A_470 : memref<1x!tpu.dma_semaphore, #tpu.memory_space<semaphore_mem>> -> memref<!tpu.dma_semaphore, #tpu.memory_space<semaphore_mem>>
      %dma_start3A_472 = arith.constant 0 : i32
      %dma_start3A_473 = tpu.memref_slice %arg5[%add3A_458, %dma_start3A_472] : memref<125x80xi32, #tpu.memory_space<vmem>> -> memref<1x80xi32, #tpu.memory_space<vmem>>
      %dma_start3A_474 = tpu.memref_squeeze %dma_start3A_473 : memref<1x80xi32, #tpu.memory_space<vmem>> -> memref<80xi32, #tpu.memory_space<vmem>>
      %dma_start3A_475 = tpu.memref_slice %arg2[%multiple_of3A_464] : memref<320000xi32, #tpu.memory_space<hbm>> -> memref<80xi32, #tpu.memory_space<hbm>>
      tpu.enqueue_dma source(%dma_start3A_475 : memref<80xi32, #tpu.memory_space<hbm>>) target(%dma_start3A_474 : memref<80xi32, #tpu.memory_space<vmem>>) target_semaphore(%dma_start3A_471 : memref<!tpu.dma_semaphore, #tpu.memory_space<semaphore_mem>>)
      %dma_wait3A_476 = arith.constant 0 : i32
      %dma_wait3A_477 = arith.constant 4 : i32
      %dma_wait3A_478 = arith.constant 0 : i32
      %dma_wait3A_479 = tpu.memref_slice %arg5[%dma_wait3A_476, %dma_wait3A_478] : memref<125x80xi32, #tpu.memory_space<vmem>> -> memref<1x80xi32, #tpu.memory_space<vmem>>
      %dma_wait3A_480 = tpu.memref_squeeze %dma_wait3A_479 : memref<1x80xi32, #tpu.memory_space<vmem>> -> memref<80xi32, #tpu.memory_space<vmem>>
      %dma_wait3A_481 = arith.constant 0 : i32
      %dma_wait3A_482 = tpu.memref_slice %arg2[%dma_wait3A_481] : memref<320000xi32, #tpu.memory_space<hbm>> -> memref<80xi32, #tpu.memory_space<hbm>>
      %dma_wait3A_483 = tpu.memref_slice %arg7[%dma_wait3A_477] : memref<5x!tpu.dma_semaphore, #tpu.memory_space<semaphore_mem>> -> memref<1x!tpu.dma_semaphore, #tpu.memory_space<semaphore_mem>>
      %dma_wait3A_484 = tpu.memref_squeeze %dma_wait3A_483 : memref<1x!tpu.dma_semaphore, #tpu.memory_space<semaphore_mem>> -> memref<!tpu.dma_semaphore, #tpu.memory_space<semaphore_mem>>
      %dma_wait3A_485 = arith.constant 0 : i32
      %dma_wait3A_486 = tpu.memref_slice %arg5[%dma_wait3A_476, %dma_wait3A_485] : memref<125x80xi32, #tpu.memory_space<vmem>> -> memref<1x80xi32, #tpu.memory_space<vmem>>
      %dma_wait3A_487 = tpu.memref_squeeze %dma_wait3A_486 : memref<1x80xi32, #tpu.memory_space<vmem>> -> memref<80xi32, #tpu.memory_space<vmem>>
      %dma_wait3A_488 = arith.constant 0 : i32
      %dma_wait3A_489 = tpu.memref_slice %arg2[%dma_wait3A_488] : memref<320000xi32, #tpu.memory_space<hbm>> -> memref<80xi32, #tpu.memory_space<hbm>>
      tpu.wait_dma2 semaphore(%dma_wait3A_484 : memref<!tpu.dma_semaphore, #tpu.memory_space<semaphore_mem>>) src(%dma_wait3A_489 : memref<80xi32, #tpu.memory_space<hbm>>) dst(%dma_wait3A_487 : memref<80xi32, #tpu.memory_space<vmem>>)
      %mul3A_490 = arith.constant 5 : i32
      %mul3A_491 = arith.muli %scan3A_334, %mul3A_490 : i32
      %add3A_492 = arith.constant 4 : i32
      %add3A_493 = arith.addi %mul3A_491, %add3A_492 : i32
      %mul3A_494 = arith.constant 10000 : i32
      %mul3A_495 = arith.muli %add3A, %mul3A_494 : i32
      %mul3A_496 = arith.constant 80 : i32
      %mul3A_497 = arith.muli %add3A_493, %mul3A_496 : i32
      %add3A_498 = arith.addi %mul3A_495, %mul3A_497 : i32
      %multiple_of3A_499 = tpu.assume_multiple %add3A_498, 8 : i32
      %dma_start3A_500 = arith.constant 4 : i32
      %dma_start3A_501 = arith.constant 0 : i32
      %dma_start3A_502 = tpu.memref_slice %arg5[%add3A_493, %dma_start3A_501] : memref<125x80xi32, #tpu.memory_space<vmem>> -> memref<1x80xi32, #tpu.memory_space<vmem>>
      %dma_start3A_503 = tpu.memref_squeeze %dma_start3A_502 : memref<1x80xi32, #tpu.memory_space<vmem>> -> memref<80xi32, #tpu.memory_space<vmem>>
      %dma_start3A_504 = tpu.memref_slice %arg2[%multiple_of3A_499] : memref<320000xi32, #tpu.memory_space<hbm>> -> memref<80xi32, #tpu.memory_space<hbm>>
      %dma_start3A_505 = tpu.memref_slice %arg7[%dma_start3A_500] : memref<5x!tpu.dma_semaphore, #tpu.memory_space<semaphore_mem>> -> memref<1x!tpu.dma_semaphore, #tpu.memory_space<semaphore_mem>>
      %dma_start3A_506 = tpu.memref_squeeze %dma_start3A_505 : memref<1x!tpu.dma_semaphore, #tpu.memory_space<semaphore_mem>> -> memref<!tpu.dma_semaphore, #tpu.memory_space<semaphore_mem>>
      %dma_start3A_507 = arith.constant 0 : i32
      %dma_start3A_508 = tpu.memref_slice %arg5[%add3A_493, %dma_start3A_507] : memref<125x80xi32, #tpu.memory_space<vmem>> -> memref<1x80xi32, #tpu.memory_space<vmem>>
      %dma_start3A_509 = tpu.memref_squeeze %dma_start3A_508 : memref<1x80xi32, #tpu.memory_space<vmem>> -> memref<80xi32, #tpu.memory_space<vmem>>
      %dma_start3A_510 = tpu.memref_slice %arg2[%multiple_of3A_499] : memref<320000xi32, #tpu.memory_space<hbm>> -> memref<80xi32, #tpu.memory_space<hbm>>
      tpu.enqueue_dma source(%dma_start3A_510 : memref<80xi32, #tpu.memory_space<hbm>>) target(%dma_start3A_509 : memref<80xi32, #tpu.memory_space<vmem>>) target_semaphore(%dma_start3A_506 : memref<!tpu.dma_semaphore, #tpu.memory_space<semaphore_mem>>)
      %scan3A_511 = arith.constant 0 : i32
      scf.yield %scan3A_511 : i32
    }
    %scan3A_121 = arith.constant 24 : i32
    %dma_wait3A = arith.constant 0 : i32
    %dma_wait3A_122 = arith.constant 0 : i32
    %dma_wait3A_123 = arith.constant 0 : i32
    %dma_wait3A_124 = tpu.memref_slice %arg5[%dma_wait3A, %dma_wait3A_123] : memref<125x80xi32, #tpu.memory_space<vmem>> -> memref<1x80xi32, #tpu.memory_space<vmem>>
    %dma_wait3A_125 = tpu.memref_squeeze %dma_wait3A_124 : memref<1x80xi32, #tpu.memory_space<vmem>> -> memref<80xi32, #tpu.memory_space<vmem>>
    %dma_wait3A_126 = arith.constant 0 : i32
    %dma_wait3A_127 = tpu.memref_slice %arg2[%dma_wait3A_126] : memref<320000xi32, #tpu.memory_space<hbm>> -> memref<80xi32, #tpu.memory_space<hbm>>
    %dma_wait3A_128 = tpu.memref_slice %arg7[%dma_wait3A_122] : memref<5x!tpu.dma_semaphore, #tpu.memory_space<semaphore_mem>> -> memref<1x!tpu.dma_semaphore, #tpu.memory_space<semaphore_mem>>
    %dma_wait3A_129 = tpu.memref_squeeze %dma_wait3A_128 : memref<1x!tpu.dma_semaphore, #tpu.memory_space<semaphore_mem>> -> memref<!tpu.dma_semaphore, #tpu.memory_space<semaphore_mem>>
    %dma_wait3A_130 = arith.constant 0 : i32
    %dma_wait3A_131 = tpu.memref_slice %arg5[%dma_wait3A, %dma_wait3A_130] : memref<125x80xi32, #tpu.memory_space<vmem>> -> memref<1x80xi32, #tpu.memory_space<vmem>>
    %dma_wait3A_132 = tpu.memref_squeeze %dma_wait3A_131 : memref<1x80xi32, #tpu.memory_space<vmem>> -> memref<80xi32, #tpu.memory_space<vmem>>
    %dma_wait3A_133 = arith.constant 0 : i32
    %dma_wait3A_134 = tpu.memref_slice %arg2[%dma_wait3A_133] : memref<320000xi32, #tpu.memory_space<hbm>> -> memref<80xi32, #tpu.memory_space<hbm>>
    tpu.wait_dma2 semaphore(%dma_wait3A_129 : memref<!tpu.dma_semaphore, #tpu.memory_space<semaphore_mem>>) src(%dma_wait3A_134 : memref<80xi32, #tpu.memory_space<hbm>>) dst(%dma_wait3A_132 : memref<80xi32, #tpu.memory_space<vmem>>)
    %dma_wait3A_135 = arith.constant 0 : i32
    %dma_wait3A_136 = arith.constant 1 : i32
    %dma_wait3A_137 = arith.constant 0 : i32
    %dma_wait3A_138 = tpu.memref_slice %arg5[%dma_wait3A_135, %dma_wait3A_137] : memref<125x80xi32, #tpu.memory_space<vmem>> -> memref<1x80xi32, #tpu.memory_space<vmem>>
    %dma_wait3A_139 = tpu.memref_squeeze %dma_wait3A_138 : memref<1x80xi32, #tpu.memory_space<vmem>> -> memref<80xi32, #tpu.memory_space<vmem>>
    %dma_wait3A_140 = arith.constant 0 : i32
    %dma_wait3A_141 = tpu.memref_slice %arg2[%dma_wait3A_140] : memref<320000xi32, #tpu.memory_space<hbm>> -> memref<80xi32, #tpu.memory_space<hbm>>
    %dma_wait3A_142 = tpu.memref_slice %arg7[%dma_wait3A_136] : memref<5x!tpu.dma_semaphore, #tpu.memory_space<semaphore_mem>> -> memref<1x!tpu.dma_semaphore, #tpu.memory_space<semaphore_mem>>
    %dma_wait3A_143 = tpu.memref_squeeze %dma_wait3A_142 : memref<1x!tpu.dma_semaphore, #tpu.memory_space<semaphore_mem>> -> memref<!tpu.dma_semaphore, #tpu.memory_space<semaphore_mem>>
    %dma_wait3A_144 = arith.constant 0 : i32
    %dma_wait3A_145 = tpu.memref_slice %arg5[%dma_wait3A_135, %dma_wait3A_144] : memref<125x80xi32, #tpu.memory_space<vmem>> -> memref<1x80xi32, #tpu.memory_space<vmem>>
    %dma_wait3A_146 = tpu.memref_squeeze %dma_wait3A_145 : memref<1x80xi32, #tpu.memory_space<vmem>> -> memref<80xi32, #tpu.memory_space<vmem>>
    %dma_wait3A_147 = arith.constant 0 : i32
    %dma_wait3A_148 = tpu.memref_slice %arg2[%dma_wait3A_147] : memref<320000xi32, #tpu.memory_space<hbm>> -> memref<80xi32, #tpu.memory_space<hbm>>
    tpu.wait_dma2 semaphore(%dma_wait3A_143 : memref<!tpu.dma_semaphore, #tpu.memory_space<semaphore_mem>>) src(%dma_wait3A_148 : memref<80xi32, #tpu.memory_space<hbm>>) dst(%dma_wait3A_146 : memref<80xi32, #tpu.memory_space<vmem>>)
    %dma_wait3A_149 = arith.constant 0 : i32
    %dma_wait3A_150 = arith.constant 2 : i32
    %dma_wait3A_151 = arith.constant 0 : i32
    %dma_wait3A_152 = tpu.memref_slice %arg5[%dma_wait3A_149, %dma_wait3A_151] : memref<125x80xi32, #tpu.memory_space<vmem>> -> memref<1x80xi32, #tpu.memory_space<vmem>>
    %dma_wait3A_153 = tpu.memref_squeeze %dma_wait3A_152 : memref<1x80xi32, #tpu.memory_space<vmem>> -> memref<80xi32, #tpu.memory_space<vmem>>
    %dma_wait3A_154 = arith.constant 0 : i32
    %dma_wait3A_155 = tpu.memref_slice %arg2[%dma_wait3A_154] : memref<320000xi32, #tpu.memory_space<hbm>> -> memref<80xi32, #tpu.memory_space<hbm>>
    %dma_wait3A_156 = tpu.memref_slice %arg7[%dma_wait3A_150] : memref<5x!tpu.dma_semaphore, #tpu.memory_space<semaphore_mem>> -> memref<1x!tpu.dma_semaphore, #tpu.memory_space<semaphore_mem>>
    %dma_wait3A_157 = tpu.memref_squeeze %dma_wait3A_156 : memref<1x!tpu.dma_semaphore, #tpu.memory_space<semaphore_mem>> -> memref<!tpu.dma_semaphore, #tpu.memory_space<semaphore_mem>>
    %dma_wait3A_158 = arith.constant 0 : i32
    %dma_wait3A_159 = tpu.memref_slice %arg5[%dma_wait3A_149, %dma_wait3A_158] : memref<125x80xi32, #tpu.memory_space<vmem>> -> memref<1x80xi32, #tpu.memory_space<vmem>>
    %dma_wait3A_160 = tpu.memref_squeeze %dma_wait3A_159 : memref<1x80xi32, #tpu.memory_space<vmem>> -> memref<80xi32, #tpu.memory_space<vmem>>
    %dma_wait3A_161 = arith.constant 0 : i32
    %dma_wait3A_162 = tpu.memref_slice %arg2[%dma_wait3A_161] : memref<320000xi32, #tpu.memory_space<hbm>> -> memref<80xi32, #tpu.memory_space<hbm>>
    tpu.wait_dma2 semaphore(%dma_wait3A_157 : memref<!tpu.dma_semaphore, #tpu.memory_space<semaphore_mem>>) src(%dma_wait3A_162 : memref<80xi32, #tpu.memory_space<hbm>>) dst(%dma_wait3A_160 : memref<80xi32, #tpu.memory_space<vmem>>)
    %dma_wait3A_163 = arith.constant 0 : i32
    %dma_wait3A_164 = arith.constant 3 : i32
    %dma_wait3A_165 = arith.constant 0 : i32
    %dma_wait3A_166 = tpu.memref_slice %arg5[%dma_wait3A_163, %dma_wait3A_165] : memref<125x80xi32, #tpu.memory_space<vmem>> -> memref<1x80xi32, #tpu.memory_space<vmem>>
    %dma_wait3A_167 = tpu.memref_squeeze %dma_wait3A_166 : memref<1x80xi32, #tpu.memory_space<vmem>> -> memref<80xi32, #tpu.memory_space<vmem>>
    %dma_wait3A_168 = arith.constant 0 : i32
    %dma_wait3A_169 = tpu.memref_slice %arg2[%dma_wait3A_168] : memref<320000xi32, #tpu.memory_space<hbm>> -> memref<80xi32, #tpu.memory_space<hbm>>
    %dma_wait3A_170 = tpu.memref_slice %arg7[%dma_wait3A_164] : memref<5x!tpu.dma_semaphore, #tpu.memory_space<semaphore_mem>> -> memref<1x!tpu.dma_semaphore, #tpu.memory_space<semaphore_mem>>
    %dma_wait3A_171 = tpu.memref_squeeze %dma_wait3A_170 : memref<1x!tpu.dma_semaphore, #tpu.memory_space<semaphore_mem>> -> memref<!tpu.dma_semaphore, #tpu.memory_space<semaphore_mem>>
    %dma_wait3A_172 = arith.constant 0 : i32
    %dma_wait3A_173 = tpu.memref_slice %arg5[%dma_wait3A_163, %dma_wait3A_172] : memref<125x80xi32, #tpu.memory_space<vmem>> -> memref<1x80xi32, #tpu.memory_space<vmem>>
    %dma_wait3A_174 = tpu.memref_squeeze %dma_wait3A_173 : memref<1x80xi32, #tpu.memory_space<vmem>> -> memref<80xi32, #tpu.memory_space<vmem>>
    %dma_wait3A_175 = arith.constant 0 : i32
    %dma_wait3A_176 = tpu.memref_slice %arg2[%dma_wait3A_175] : memref<320000xi32, #tpu.memory_space<hbm>> -> memref<80xi32, #tpu.memory_space<hbm>>
    tpu.wait_dma2 semaphore(%dma_wait3A_171 : memref<!tpu.dma_semaphore, #tpu.memory_space<semaphore_mem>>) src(%dma_wait3A_176 : memref<80xi32, #tpu.memory_space<hbm>>) dst(%dma_wait3A_174 : memref<80xi32, #tpu.memory_space<vmem>>)
    %dma_wait3A_177 = arith.constant 0 : i32
    %dma_wait3A_178 = arith.constant 4 : i32
    %dma_wait3A_179 = arith.constant 0 : i32
    %dma_wait3A_180 = tpu.memref_slice %arg5[%dma_wait3A_177, %dma_wait3A_179] : memref<125x80xi32, #tpu.memory_space<vmem>> -> memref<1x80xi32, #tpu.memory_space<vmem>>
    %dma_wait3A_181 = tpu.memref_squeeze %dma_wait3A_180 : memref<1x80xi32, #tpu.memory_space<vmem>> -> memref<80xi32, #tpu.memory_space<vmem>>
    %dma_wait3A_182 = arith.constant 0 : i32
    %dma_wait3A_183 = tpu.memref_slice %arg2[%dma_wait3A_182] : memref<320000xi32, #tpu.memory_space<hbm>> -> memref<80xi32, #tpu.memory_space<hbm>>
    %dma_wait3A_184 = tpu.memref_slice %arg7[%dma_wait3A_178] : memref<5x!tpu.dma_semaphore, #tpu.memory_space<semaphore_mem>> -> memref<1x!tpu.dma_semaphore, #tpu.memory_space<semaphore_mem>>
    %dma_wait3A_185 = tpu.memref_squeeze %dma_wait3A_184 : memref<1x!tpu.dma_semaphore, #tpu.memory_space<semaphore_mem>> -> memref<!tpu.dma_semaphore, #tpu.memory_space<semaphore_mem>>
    %dma_wait3A_186 = arith.constant 0 : i32
    %dma_wait3A_187 = tpu.memref_slice %arg5[%dma_wait3A_177, %dma_wait3A_186] : memref<125x80xi32, #tpu.memory_space<vmem>> -> memref<1x80xi32, #tpu.memory_space<vmem>>
    %dma_wait3A_188 = tpu.memref_squeeze %dma_wait3A_187 : memref<1x80xi32, #tpu.memory_space<vmem>> -> memref<80xi32, #tpu.memory_space<vmem>>
    %dma_wait3A_189 = arith.constant 0 : i32
    %dma_wait3A_190 = tpu.memref_slice %arg2[%dma_wait3A_189] : memref<320000xi32, #tpu.memory_space<hbm>> -> memref<80xi32, #tpu.memory_space<hbm>>
    tpu.wait_dma2 semaphore(%dma_wait3A_185 : memref<!tpu.dma_semaphore, #tpu.memory_space<semaphore_mem>>) src(%dma_wait3A_190 : memref<80xi32, #tpu.memory_space<hbm>>) dst(%dma_wait3A_188 : memref<80xi32, #tpu.memory_space<vmem>>)
    %barrier3A = arith.constant 0 : index
    tpu.barrier barrier_id(%barrier3A)
    %dma_start3A_191 = arith.constant 0 : i32
    %dma_start3A_192 = arith.constant 0 : i32
    %dma_start3A_193 = arith.constant 0 : i32
    %dma_start3A_194 = tpu.memref_slice %arg5[%dma_start3A_191, %dma_start3A_193] : memref<125x80xi32, #tpu.memory_space<vmem>> -> memref<1x80xi32, #tpu.memory_space<vmem>>
    %dma_start3A_195 = tpu.memref_squeeze %dma_start3A_194 : memref<1x80xi32, #tpu.memory_space<vmem>> -> memref<80xi32, #tpu.memory_space<vmem>>
    %dma_start3A_196 = arith.constant 0 : i32
    %dma_start3A_197 = arith.constant 0 : i32
    %dma_start3A_198 = tpu.memref_slice %arg6[%dma_start3A_196, %dma_start3A_197] : memref<10112x16xf32, #tpu.memory_space<vmem_shared>> -> memref<10112x16xf32, #tpu.memory_space<vmem_shared>>
    %dma_start3A_199 = tpu.memref_slice %arg8[%dma_start3A_192] : memref<5x!tpu.dma_semaphore, #tpu.memory_space<semaphore_mem>> -> memref<1x!tpu.dma_semaphore, #tpu.memory_space<semaphore_mem>>
    %dma_start3A_200 = tpu.memref_squeeze %dma_start3A_199 : memref<1x!tpu.dma_semaphore, #tpu.memory_space<semaphore_mem>> -> memref<!tpu.dma_semaphore, #tpu.memory_space<semaphore_mem>>
    tpu.enqueue_indirect_dma source(%arg4 : memref<80x16xf32, #tpu.memory_space<vmem>>) target(%dma_start3A_198 : memref<10112x16xf32, #tpu.memory_space<vmem_shared>>) offsets(%dma_start3A_195 : memref<80xi32, #tpu.memory_space<vmem>>) semaphore(%dma_start3A_200 : memref<!tpu.dma_semaphore, #tpu.memory_space<semaphore_mem>>) {add = true}
    %dma_start3A_201 = arith.constant 1 : i32
    %dma_start3A_202 = arith.constant 1 : i32
    %dma_start3A_203 = arith.constant 0 : i32
    %dma_start3A_204 = tpu.memref_slice %arg5[%dma_start3A_201, %dma_start3A_203] : memref<125x80xi32, #tpu.memory_space<vmem>> -> memref<1x80xi32, #tpu.memory_space<vmem>>
    %dma_start3A_205 = tpu.memref_squeeze %dma_start3A_204 : memref<1x80xi32, #tpu.memory_space<vmem>> -> memref<80xi32, #tpu.memory_space<vmem>>
    %dma_start3A_206 = arith.constant 0 : i32
    %dma_start3A_207 = arith.constant 0 : i32
    %dma_start3A_208 = tpu.memref_slice %arg6[%dma_start3A_206, %dma_start3A_207] : memref<10112x16xf32, #tpu.memory_space<vmem_shared>> -> memref<10112x16xf32, #tpu.memory_space<vmem_shared>>
    %dma_start3A_209 = tpu.memref_slice %arg8[%dma_start3A_202] : memref<5x!tpu.dma_semaphore, #tpu.memory_space<semaphore_mem>> -> memref<1x!tpu.dma_semaphore, #tpu.memory_space<semaphore_mem>>
    %dma_start3A_210 = tpu.memref_squeeze %dma_start3A_209 : memref<1x!tpu.dma_semaphore, #tpu.memory_space<semaphore_mem>> -> memref<!tpu.dma_semaphore, #tpu.memory_space<semaphore_mem>>
    tpu.enqueue_indirect_dma source(%arg4 : memref<80x16xf32, #tpu.memory_space<vmem>>) target(%dma_start3A_208 : memref<10112x16xf32, #tpu.memory_space<vmem_shared>>) offsets(%dma_start3A_205 : memref<80xi32, #tpu.memory_space<vmem>>) semaphore(%dma_start3A_210 : memref<!tpu.dma_semaphore, #tpu.memory_space<semaphore_mem>>) {add = true}
    %dma_start3A_211 = arith.constant 2 : i32
    %dma_start3A_212 = arith.constant 2 : i32
    %dma_start3A_213 = arith.constant 0 : i32
    %dma_start3A_214 = tpu.memref_slice %arg5[%dma_start3A_211, %dma_start3A_213] : memref<125x80xi32, #tpu.memory_space<vmem>> -> memref<1x80xi32, #tpu.memory_space<vmem>>
    %dma_start3A_215 = tpu.memref_squeeze %dma_start3A_214 : memref<1x80xi32, #tpu.memory_space<vmem>> -> memref<80xi32, #tpu.memory_space<vmem>>
    %dma_start3A_216 = arith.constant 0 : i32
    %dma_start3A_217 = arith.constant 0 : i32
    %dma_start3A_218 = tpu.memref_slice %arg6[%dma_start3A_216, %dma_start3A_217] : memref<10112x16xf32, #tpu.memory_space<vmem_shared>> -> memref<10112x16xf32, #tpu.memory_space<vmem_shared>>
    %dma_start3A_219 = tpu.memref_slice %arg8[%dma_start3A_212] : memref<5x!tpu.dma_semaphore, #tpu.memory_space<semaphore_mem>> -> memref<1x!tpu.dma_semaphore, #tpu.memory_space<semaphore_mem>>
    %dma_start3A_220 = tpu.memref_squeeze %dma_start3A_219 : memref<1x!tpu.dma_semaphore, #tpu.memory_space<semaphore_mem>> -> memref<!tpu.dma_semaphore, #tpu.memory_space<semaphore_mem>>
    tpu.enqueue_indirect_dma source(%arg4 : memref<80x16xf32, #tpu.memory_space<vmem>>) target(%dma_start3A_218 : memref<10112x16xf32, #tpu.memory_space<vmem_shared>>) offsets(%dma_start3A_215 : memref<80xi32, #tpu.memory_space<vmem>>) semaphore(%dma_start3A_220 : memref<!tpu.dma_semaphore, #tpu.memory_space<semaphore_mem>>) {add = true}
    %dma_start3A_221 = arith.constant 3 : i32
    %dma_start3A_222 = arith.constant 3 : i32
    %dma_start3A_223 = arith.constant 0 : i32
    %dma_start3A_224 = tpu.memref_slice %arg5[%dma_start3A_221, %dma_start3A_223] : memref<125x80xi32, #tpu.memory_space<vmem>> -> memref<1x80xi32, #tpu.memory_space<vmem>>
    %dma_start3A_225 = tpu.memref_squeeze %dma_start3A_224 : memref<1x80xi32, #tpu.memory_space<vmem>> -> memref<80xi32, #tpu.memory_space<vmem>>
    %dma_start3A_226 = arith.constant 0 : i32
    %dma_start3A_227 = arith.constant 0 : i32
    %dma_start3A_228 = tpu.memref_slice %arg6[%dma_start3A_226, %dma_start3A_227] : memref<10112x16xf32, #tpu.memory_space<vmem_shared>> -> memref<10112x16xf32, #tpu.memory_space<vmem_shared>>
    %dma_start3A_229 = tpu.memref_slice %arg8[%dma_start3A_222] : memref<5x!tpu.dma_semaphore, #tpu.memory_space<semaphore_mem>> -> memref<1x!tpu.dma_semaphore, #tpu.memory_space<semaphore_mem>>
    %dma_start3A_230 = tpu.memref_squeeze %dma_start3A_229 : memref<1x!tpu.dma_semaphore, #tpu.memory_space<semaphore_mem>> -> memref<!tpu.dma_semaphore, #tpu.memory_space<semaphore_mem>>
    tpu.enqueue_indirect_dma source(%arg4 : memref<80x16xf32, #tpu.memory_space<vmem>>) target(%dma_start3A_228 : memref<10112x16xf32, #tpu.memory_space<vmem_shared>>) offsets(%dma_start3A_225 : memref<80xi32, #tpu.memory_space<vmem>>) semaphore(%dma_start3A_230 : memref<!tpu.dma_semaphore, #tpu.memory_space<semaphore_mem>>) {add = true}
    %dma_start3A_231 = arith.constant 4 : i32
    %dma_start3A_232 = arith.constant 4 : i32
    %dma_start3A_233 = arith.constant 0 : i32
    %dma_start3A_234 = tpu.memref_slice %arg5[%dma_start3A_231, %dma_start3A_233] : memref<125x80xi32, #tpu.memory_space<vmem>> -> memref<1x80xi32, #tpu.memory_space<vmem>>
    %dma_start3A_235 = tpu.memref_squeeze %dma_start3A_234 : memref<1x80xi32, #tpu.memory_space<vmem>> -> memref<80xi32, #tpu.memory_space<vmem>>
    %dma_start3A_236 = arith.constant 0 : i32
    %dma_start3A_237 = arith.constant 0 : i32
    %dma_start3A_238 = tpu.memref_slice %arg6[%dma_start3A_236, %dma_start3A_237] : memref<10112x16xf32, #tpu.memory_space<vmem_shared>> -> memref<10112x16xf32, #tpu.memory_space<vmem_shared>>
    %dma_start3A_239 = tpu.memref_slice %arg8[%dma_start3A_232] : memref<5x!tpu.dma_semaphore, #tpu.memory_space<semaphore_mem>> -> memref<1x!tpu.dma_semaphore, #tpu.memory_space<semaphore_mem>>
    %dma_start3A_240 = tpu.memref_squeeze %dma_start3A_239 : memref<1x!tpu.dma_semaphore, #tpu.memory_space<semaphore_mem>> -> memref<!tpu.dma_semaphore, #tpu.memory_space<semaphore_mem>>
    tpu.enqueue_indirect_dma source(%arg4 : memref<80x16xf32, #tpu.memory_space<vmem>>) target(%dma_start3A_238 : memref<10112x16xf32, #tpu.memory_space<vmem_shared>>) offsets(%dma_start3A_235 : memref<80xi32, #tpu.memory_space<vmem>>) semaphore(%dma_start3A_240 : memref<!tpu.dma_semaphore, #tpu.memory_space<semaphore_mem>>) {add = true}
    %scan3A_241 = arith.constant 0 : i32
    %scan3A_242 = arith.constant 1 : i32
    %scan3A_243 = arith.constant 24 : i32
    %scan3A_244 = arith.addi %scan3A_242, %scan3A_243 : i32
    %scan3A_245 = arith.constant 1 : i32
    %scan3A_246 = scf.for %scan3A_334 = %scan3A_242 to %scan3A_244 step %scan3A_245 iter_args(%scan3A_335 = %scan3A_241) -> (i32)  : i32 {
      %dma_wait3A_336 = arith.constant 0 : i32
      %dma_wait3A_337 = arith.constant 0 : i32
      %dma_wait3A_338 = arith.constant 0 : i32
      %dma_wait3A_339 = tpu.memref_slice %arg5[%dma_wait3A_336, %dma_wait3A_338] : memref<125x80xi32, #tpu.memory_space<vmem>> -> memref<1x80xi32, #tpu.memory_space<vmem>>
      %dma_wait3A_340 = tpu.memref_squeeze %dma_wait3A_339 : memref<1x80xi32, #tpu.memory_space<vmem>> -> memref<80xi32, #tpu.memory_space<vmem>>
      %dma_wait3A_341 = arith.constant 0 : i32
      %dma_wait3A_342 = arith.constant 0 : i32
      %dma_wait3A_343 = tpu.memref_slice %arg6[%dma_wait3A_341, %dma_wait3A_342] : memref<10112x16xf32, #tpu.memory_space<vmem_shared>> -> memref<10112x16xf32, #tpu.memory_space<vmem_shared>>
      %dma_wait3A_344 = tpu.memref_slice %arg8[%dma_wait3A_337] : memref<5x!tpu.dma_semaphore, #tpu.memory_space<semaphore_mem>> -> memref<1x!tpu.dma_semaphore, #tpu.memory_space<semaphore_mem>>
      %dma_wait3A_345 = tpu.memref_squeeze %dma_wait3A_344 : memref<1x!tpu.dma_semaphore, #tpu.memory_space<semaphore_mem>> -> memref<!tpu.dma_semaphore, #tpu.memory_space<semaphore_mem>>
      tpu.wait_indirect_dma semaphore(%dma_wait3A_345 : memref<!tpu.dma_semaphore, #tpu.memory_space<semaphore_mem>>) src(%arg4 : memref<80x16xf32, #tpu.memory_space<vmem>>) dst(%dma_wait3A_343 : memref<10112x16xf32, #tpu.memory_space<vmem_shared>>)
      %mul3A_346 = arith.constant 5 : i32
      %mul3A_347 = arith.muli %scan3A_334, %mul3A_346 : i32
      %add3A_348 = arith.constant 0 : i32
      %add3A_349 = arith.addi %mul3A_347, %add3A_348 : i32
      %dma_start3A_350 = arith.constant 0 : i32
      %dma_start3A_351 = arith.constant 0 : i32
      %dma_start3A_352 = tpu.memref_slice %arg5[%add3A_349, %dma_start3A_351] : memref<125x80xi32, #tpu.memory_space<vmem>> -> memref<1x80xi32, #tpu.memory_space<vmem>>
      %dma_start3A_353 = tpu.memref_squeeze %dma_start3A_352 : memref<1x80xi32, #tpu.memory_space<vmem>> -> memref<80xi32, #tpu.memory_space<vmem>>
      %dma_start3A_354 = arith.constant 0 : i32
      %dma_start3A_355 = arith.constant 0 : i32
      %dma_start3A_356 = tpu.memref_slice %arg6[%dma_start3A_354, %dma_start3A_355] : memref<10112x16xf32, #tpu.memory_space<vmem_shared>> -> memref<10112x16xf32, #tpu.memory_space<vmem_shared>>
      %dma_start3A_357 = tpu.memref_slice %arg8[%dma_start3A_350] : memref<5x!tpu.dma_semaphore, #tpu.memory_space<semaphore_mem>> -> memref<1x!tpu.dma_semaphore, #tpu.memory_space<semaphore_mem>>
      %dma_start3A_358 = tpu.memref_squeeze %dma_start3A_357 : memref<1x!tpu.dma_semaphore, #tpu.memory_space<semaphore_mem>> -> memref<!tpu.dma_semaphore, #tpu.memory_space<semaphore_mem>>
      tpu.enqueue_indirect_dma source(%arg4 : memref<80x16xf32, #tpu.memory_space<vmem>>) target(%dma_start3A_356 : memref<10112x16xf32, #tpu.memory_space<vmem_shared>>) offsets(%dma_start3A_353 : memref<80xi32, #tpu.memory_space<vmem>>) semaphore(%dma_start3A_358 : memref<!tpu.dma_semaphore, #tpu.memory_space<semaphore_mem>>) {add = true}
      %dma_wait3A_359 = arith.constant 0 : i32
      %dma_wait3A_360 = arith.constant 1 : i32
      %dma_wait3A_361 = arith.constant 0 : i32
      %dma_wait3A_362 = tpu.memref_slice %arg5[%dma_wait3A_359, %dma_wait3A_361] : memref<125x80xi32, #tpu.memory_space<vmem>> -> memref<1x80xi32, #tpu.memory_space<vmem>>
      %dma_wait3A_363 = tpu.memref_squeeze %dma_wait3A_362 : memref<1x80xi32, #tpu.memory_space<vmem>> -> memref<80xi32, #tpu.memory_space<vmem>>
      %dma_wait3A_364 = arith.constant 0 : i32
      %dma_wait3A_365 = arith.constant 0 : i32
      %dma_wait3A_366 = tpu.memref_slice %arg6[%dma_wait3A_364, %dma_wait3A_365] : memref<10112x16xf32, #tpu.memory_space<vmem_shared>> -> memref<10112x16xf32, #tpu.memory_space<vmem_shared>>
      %dma_wait3A_367 = tpu.memref_slice %arg8[%dma_wait3A_360] : memref<5x!tpu.dma_semaphore, #tpu.memory_space<semaphore_mem>> -> memref<1x!tpu.dma_semaphore, #tpu.memory_space<semaphore_mem>>
      %dma_wait3A_368 = tpu.memref_squeeze %dma_wait3A_367 : memref<1x!tpu.dma_semaphore, #tpu.memory_space<semaphore_mem>> -> memref<!tpu.dma_semaphore, #tpu.memory_space<semaphore_mem>>
      tpu.wait_indirect_dma semaphore(%dma_wait3A_368 : memref<!tpu.dma_semaphore, #tpu.memory_space<semaphore_mem>>) src(%arg4 : memref<80x16xf32, #tpu.memory_space<vmem>>) dst(%dma_wait3A_366 : memref<10112x16xf32, #tpu.memory_space<vmem_shared>>)
      %mul3A_369 = arith.constant 5 : i32
      %mul3A_370 = arith.muli %scan3A_334, %mul3A_369 : i32
      %add3A_371 = arith.constant 1 : i32
      %add3A_372 = arith.addi %mul3A_370, %add3A_371 : i32
      %dma_start3A_373 = arith.constant 1 : i32
      %dma_start3A_374 = arith.constant 0 : i32
      %dma_start3A_375 = tpu.memref_slice %arg5[%add3A_372, %dma_start3A_374] : memref<125x80xi32, #tpu.memory_space<vmem>> -> memref<1x80xi32, #tpu.memory_space<vmem>>
      %dma_start3A_376 = tpu.memref_squeeze %dma_start3A_375 : memref<1x80xi32, #tpu.memory_space<vmem>> -> memref<80xi32, #tpu.memory_space<vmem>>
      %dma_start3A_377 = arith.constant 0 : i32
      %dma_start3A_378 = arith.constant 0 : i32
      %dma_start3A_379 = tpu.memref_slice %arg6[%dma_start3A_377, %dma_start3A_378] : memref<10112x16xf32, #tpu.memory_space<vmem_shared>> -> memref<10112x16xf32, #tpu.memory_space<vmem_shared>>
      %dma_start3A_380 = tpu.memref_slice %arg8[%dma_start3A_373] : memref<5x!tpu.dma_semaphore, #tpu.memory_space<semaphore_mem>> -> memref<1x!tpu.dma_semaphore, #tpu.memory_space<semaphore_mem>>
      %dma_start3A_381 = tpu.memref_squeeze %dma_start3A_380 : memref<1x!tpu.dma_semaphore, #tpu.memory_space<semaphore_mem>> -> memref<!tpu.dma_semaphore, #tpu.memory_space<semaphore_mem>>
      tpu.enqueue_indirect_dma source(%arg4 : memref<80x16xf32, #tpu.memory_space<vmem>>) target(%dma_start3A_379 : memref<10112x16xf32, #tpu.memory_space<vmem_shared>>) offsets(%dma_start3A_376 : memref<80xi32, #tpu.memory_space<vmem>>) semaphore(%dma_start3A_381 : memref<!tpu.dma_semaphore, #tpu.memory_space<semaphore_mem>>) {add = true}
      %dma_wait3A_382 = arith.constant 0 : i32
      %dma_wait3A_383 = arith.constant 2 : i32
      %dma_wait3A_384 = arith.constant 0 : i32
      %dma_wait3A_385 = tpu.memref_slice %arg5[%dma_wait3A_382, %dma_wait3A_384] : memref<125x80xi32, #tpu.memory_space<vmem>> -> memref<1x80xi32, #tpu.memory_space<vmem>>
      %dma_wait3A_386 = tpu.memref_squeeze %dma_wait3A_385 : memref<1x80xi32, #tpu.memory_space<vmem>> -> memref<80xi32, #tpu.memory_space<vmem>>
      %dma_wait3A_387 = arith.constant 0 : i32
      %dma_wait3A_388 = arith.constant 0 : i32
      %dma_wait3A_389 = tpu.memref_slice %arg6[%dma_wait3A_387, %dma_wait3A_388] : memref<10112x16xf32, #tpu.memory_space<vmem_shared>> -> memref<10112x16xf32, #tpu.memory_space<vmem_shared>>
      %dma_wait3A_390 = tpu.memref_slice %arg8[%dma_wait3A_383] : memref<5x!tpu.dma_semaphore, #tpu.memory_space<semaphore_mem>> -> memref<1x!tpu.dma_semaphore, #tpu.memory_space<semaphore_mem>>
      %dma_wait3A_391 = tpu.memref_squeeze %dma_wait3A_390 : memref<1x!tpu.dma_semaphore, #tpu.memory_space<semaphore_mem>> -> memref<!tpu.dma_semaphore, #tpu.memory_space<semaphore_mem>>
      tpu.wait_indirect_dma semaphore(%dma_wait3A_391 : memref<!tpu.dma_semaphore, #tpu.memory_space<semaphore_mem>>) src(%arg4 : memref<80x16xf32, #tpu.memory_space<vmem>>) dst(%dma_wait3A_389 : memref<10112x16xf32, #tpu.memory_space<vmem_shared>>)
      %mul3A_392 = arith.constant 5 : i32
      %mul3A_393 = arith.muli %scan3A_334, %mul3A_392 : i32
      %add3A_394 = arith.constant 2 : i32
      %add3A_395 = arith.addi %mul3A_393, %add3A_394 : i32
      %dma_start3A_396 = arith.constant 2 : i32
      %dma_start3A_397 = arith.constant 0 : i32
      %dma_start3A_398 = tpu.memref_slice %arg5[%add3A_395, %dma_start3A_397] : memref<125x80xi32, #tpu.memory_space<vmem>> -> memref<1x80xi32, #tpu.memory_space<vmem>>
      %dma_start3A_399 = tpu.memref_squeeze %dma_start3A_398 : memref<1x80xi32, #tpu.memory_space<vmem>> -> memref<80xi32, #tpu.memory_space<vmem>>
      %dma_start3A_400 = arith.constant 0 : i32
      %dma_start3A_401 = arith.constant 0 : i32
      %dma_start3A_402 = tpu.memref_slice %arg6[%dma_start3A_400, %dma_start3A_401] : memref<10112x16xf32, #tpu.memory_space<vmem_shared>> -> memref<10112x16xf32, #tpu.memory_space<vmem_shared>>
      %dma_start3A_403 = tpu.memref_slice %arg8[%dma_start3A_396] : memref<5x!tpu.dma_semaphore, #tpu.memory_space<semaphore_mem>> -> memref<1x!tpu.dma_semaphore, #tpu.memory_space<semaphore_mem>>
      %dma_start3A_404 = tpu.memref_squeeze %dma_start3A_403 : memref<1x!tpu.dma_semaphore, #tpu.memory_space<semaphore_mem>> -> memref<!tpu.dma_semaphore, #tpu.memory_space<semaphore_mem>>
      tpu.enqueue_indirect_dma source(%arg4 : memref<80x16xf32, #tpu.memory_space<vmem>>) target(%dma_start3A_402 : memref<10112x16xf32, #tpu.memory_space<vmem_shared>>) offsets(%dma_start3A_399 : memref<80xi32, #tpu.memory_space<vmem>>) semaphore(%dma_start3A_404 : memref<!tpu.dma_semaphore, #tpu.memory_space<semaphore_mem>>) {add = true}
      %dma_wait3A_405 = arith.constant 0 : i32
      %dma_wait3A_406 = arith.constant 3 : i32
      %dma_wait3A_407 = arith.constant 0 : i32
      %dma_wait3A_408 = tpu.memref_slice %arg5[%dma_wait3A_405, %dma_wait3A_407] : memref<125x80xi32, #tpu.memory_space<vmem>> -> memref<1x80xi32, #tpu.memory_space<vmem>>
      %dma_wait3A_409 = tpu.memref_squeeze %dma_wait3A_408 : memref<1x80xi32, #tpu.memory_space<vmem>> -> memref<80xi32, #tpu.memory_space<vmem>>
      %dma_wait3A_410 = arith.constant 0 : i32
      %dma_wait3A_411 = arith.constant 0 : i32
      %dma_wait3A_412 = tpu.memref_slice %arg6[%dma_wait3A_410, %dma_wait3A_411] : memref<10112x16xf32, #tpu.memory_space<vmem_shared>> -> memref<10112x16xf32, #tpu.memory_space<vmem_shared>>
      %dma_wait3A_413 = tpu.memref_slice %arg8[%dma_wait3A_406] : memref<5x!tpu.dma_semaphore, #tpu.memory_space<semaphore_mem>> -> memref<1x!tpu.dma_semaphore, #tpu.memory_space<semaphore_mem>>
      %dma_wait3A_414 = tpu.memref_squeeze %dma_wait3A_413 : memref<1x!tpu.dma_semaphore, #tpu.memory_space<semaphore_mem>> -> memref<!tpu.dma_semaphore, #tpu.memory_space<semaphore_mem>>
      tpu.wait_indirect_dma semaphore(%dma_wait3A_414 : memref<!tpu.dma_semaphore, #tpu.memory_space<semaphore_mem>>) src(%arg4 : memref<80x16xf32, #tpu.memory_space<vmem>>) dst(%dma_wait3A_412 : memref<10112x16xf32, #tpu.memory_space<vmem_shared>>)
      %mul3A_415 = arith.constant 5 : i32
      %mul3A_416 = arith.muli %scan3A_334, %mul3A_415 : i32
      %add3A_417 = arith.constant 3 : i32
      %add3A_418 = arith.addi %mul3A_416, %add3A_417 : i32
      %dma_start3A_419 = arith.constant 3 : i32
      %dma_start3A_420 = arith.constant 0 : i32
      %dma_start3A_421 = tpu.memref_slice %arg5[%add3A_418, %dma_start3A_420] : memref<125x80xi32, #tpu.memory_space<vmem>> -> memref<1x80xi32, #tpu.memory_space<vmem>>
      %dma_start3A_422 = tpu.memref_squeeze %dma_start3A_421 : memref<1x80xi32, #tpu.memory_space<vmem>> -> memref<80xi32, #tpu.memory_space<vmem>>
      %dma_start3A_423 = arith.constant 0 : i32
      %dma_start3A_424 = arith.constant 0 : i32
      %dma_start3A_425 = tpu.memref_slice %arg6[%dma_start3A_423, %dma_start3A_424] : memref<10112x16xf32, #tpu.memory_space<vmem_shared>> -> memref<10112x16xf32, #tpu.memory_space<vmem_shared>>
      %dma_start3A_426 = tpu.memref_slice %arg8[%dma_start3A_419] : memref<5x!tpu.dma_semaphore, #tpu.memory_space<semaphore_mem>> -> memref<1x!tpu.dma_semaphore, #tpu.memory_space<semaphore_mem>>
      %dma_start3A_427 = tpu.memref_squeeze %dma_start3A_426 : memref<1x!tpu.dma_semaphore, #tpu.memory_space<semaphore_mem>> -> memref<!tpu.dma_semaphore, #tpu.memory_space<semaphore_mem>>
      tpu.enqueue_indirect_dma source(%arg4 : memref<80x16xf32, #tpu.memory_space<vmem>>) target(%dma_start3A_425 : memref<10112x16xf32, #tpu.memory_space<vmem_shared>>) offsets(%dma_start3A_422 : memref<80xi32, #tpu.memory_space<vmem>>) semaphore(%dma_start3A_427 : memref<!tpu.dma_semaphore, #tpu.memory_space<semaphore_mem>>) {add = true}
      %dma_wait3A_428 = arith.constant 0 : i32
      %dma_wait3A_429 = arith.constant 4 : i32
      %dma_wait3A_430 = arith.constant 0 : i32
      %dma_wait3A_431 = tpu.memref_slice %arg5[%dma_wait3A_428, %dma_wait3A_430] : memref<125x80xi32, #tpu.memory_space<vmem>> -> memref<1x80xi32, #tpu.memory_space<vmem>>
      %dma_wait3A_432 = tpu.memref_squeeze %dma_wait3A_431 : memref<1x80xi32, #tpu.memory_space<vmem>> -> memref<80xi32, #tpu.memory_space<vmem>>
      %dma_wait3A_433 = arith.constant 0 : i32
      %dma_wait3A_434 = arith.constant 0 : i32
      %dma_wait3A_435 = tpu.memref_slice %arg6[%dma_wait3A_433, %dma_wait3A_434] : memref<10112x16xf32, #tpu.memory_space<vmem_shared>> -> memref<10112x16xf32, #tpu.memory_space<vmem_shared>>
      %dma_wait3A_436 = tpu.memref_slice %arg8[%dma_wait3A_429] : memref<5x!tpu.dma_semaphore, #tpu.memory_space<semaphore_mem>> -> memref<1x!tpu.dma_semaphore, #tpu.memory_space<semaphore_mem>>
      %dma_wait3A_437 = tpu.memref_squeeze %dma_wait3A_436 : memref<1x!tpu.dma_semaphore, #tpu.memory_space<semaphore_mem>> -> memref<!tpu.dma_semaphore, #tpu.memory_space<semaphore_mem>>
      tpu.wait_indirect_dma semaphore(%dma_wait3A_437 : memref<!tpu.dma_semaphore, #tpu.memory_space<semaphore_mem>>) src(%arg4 : memref<80x16xf32, #tpu.memory_space<vmem>>) dst(%dma_wait3A_435 : memref<10112x16xf32, #tpu.memory_space<vmem_shared>>)
      %mul3A_438 = arith.constant 5 : i32
      %mul3A_439 = arith.muli %scan3A_334, %mul3A_438 : i32
      %add3A_440 = arith.constant 4 : i32
      %add3A_441 = arith.addi %mul3A_439, %add3A_440 : i32
      %dma_start3A_442 = arith.constant 4 : i32
      %dma_start3A_443 = arith.constant 0 : i32
      %dma_start3A_444 = tpu.memref_slice %arg5[%add3A_441, %dma_start3A_443] : memref<125x80xi32, #tpu.memory_space<vmem>> -> memref<1x80xi32, #tpu.memory_space<vmem>>
      %dma_start3A_445 = tpu.memref_squeeze %dma_start3A_444 : memref<1x80xi32, #tpu.memory_space<vmem>> -> memref<80xi32, #tpu.memory_space<vmem>>
      %dma_start3A_446 = arith.constant 0 : i32
      %dma_start3A_447 = arith.constant 0 : i32
      %dma_start3A_448 = tpu.memref_slice %arg6[%dma_start3A_446, %dma_start3A_447] : memref<10112x16xf32, #tpu.memory_space<vmem_shared>> -> memref<10112x16xf32, #tpu.memory_space<vmem_shared>>
      %dma_start3A_449 = tpu.memref_slice %arg8[%dma_start3A_442] : memref<5x!tpu.dma_semaphore, #tpu.memory_space<semaphore_mem>> -> memref<1x!tpu.dma_semaphore, #tpu.memory_space<semaphore_mem>>
      %dma_start3A_450 = tpu.memref_squeeze %dma_start3A_449 : memref<1x!tpu.dma_semaphore, #tpu.memory_space<semaphore_mem>> -> memref<!tpu.dma_semaphore, #tpu.memory_space<semaphore_mem>>
      tpu.enqueue_indirect_dma source(%arg4 : memref<80x16xf32, #tpu.memory_space<vmem>>) target(%dma_start3A_448 : memref<10112x16xf32, #tpu.memory_space<vmem_shared>>) offsets(%dma_start3A_445 : memref<80xi32, #tpu.memory_space<vmem>>) semaphore(%dma_start3A_450 : memref<!tpu.dma_semaphore, #tpu.memory_space<semaphore_mem>>) {add = true}
      %scan3A_451 = arith.constant 0 : i32
      scf.yield %scan3A_451 : i32
    }
    %scan3A_247 = arith.constant 24 : i32
    %dma_wait3A_248 = arith.constant 0 : i32
    %dma_wait3A_249 = arith.constant 0 : i32
    %dma_wait3A_250 = arith.constant 0 : i32
    %dma_wait3A_251 = tpu.memref_slice %arg5[%dma_wait3A_248, %dma_wait3A_250] : memref<125x80xi32, #tpu.memory_space<vmem>> -> memref<1x80xi32, #tpu.memory_space<vmem>>
    %dma_wait3A_252 = tpu.memref_squeeze %dma_wait3A_251 : memref<1x80xi32, #tpu.memory_space<vmem>> -> memref<80xi32, #tpu.memory_space<vmem>>
    %dma_wait3A_253 = arith.constant 0 : i32
    %dma_wait3A_254 = arith.constant 0 : i32
    %dma_wait3A_255 = tpu.memref_slice %arg6[%dma_wait3A_253, %dma_wait3A_254] : memref<10112x16xf32, #tpu.memory_space<vmem_shared>> -> memref<10112x16xf32, #tpu.memory_space<vmem_shared>>
    %dma_wait3A_256 = tpu.memref_slice %arg8[%dma_wait3A_249] : memref<5x!tpu.dma_semaphore, #tpu.memory_space<semaphore_mem>> -> memref<1x!tpu.dma_semaphore, #tpu.memory_space<semaphore_mem>>
    %dma_wait3A_257 = tpu.memref_squeeze %dma_wait3A_256 : memref<1x!tpu.dma_semaphore, #tpu.memory_space<semaphore_mem>> -> memref<!tpu.dma_semaphore, #tpu.memory_space<semaphore_mem>>
    tpu.wait_indirect_dma semaphore(%dma_wait3A_257 : memref<!tpu.dma_semaphore, #tpu.memory_space<semaphore_mem>>) src(%arg4 : memref<80x16xf32, #tpu.memory_space<vmem>>) dst(%dma_wait3A_255 : memref<10112x16xf32, #tpu.memory_space<vmem_shared>>)
    %dma_wait3A_258 = arith.constant 0 : i32
    %dma_wait3A_259 = arith.constant 1 : i32
    %dma_wait3A_260 = arith.constant 0 : i32
    %dma_wait3A_261 = tpu.memref_slice %arg5[%dma_wait3A_258, %dma_wait3A_260] : memref<125x80xi32, #tpu.memory_space<vmem>> -> memref<1x80xi32, #tpu.memory_space<vmem>>
    %dma_wait3A_262 = tpu.memref_squeeze %dma_wait3A_261 : memref<1x80xi32, #tpu.memory_space<vmem>> -> memref<80xi32, #tpu.memory_space<vmem>>
    %dma_wait3A_263 = arith.constant 0 : i32
    %dma_wait3A_264 = arith.constant 0 : i32
    %dma_wait3A_265 = tpu.memref_slice %arg6[%dma_wait3A_263, %dma_wait3A_264] : memref<10112x16xf32, #tpu.memory_space<vmem_shared>> -> memref<10112x16xf32, #tpu.memory_space<vmem_shared>>
    %dma_wait3A_266 = tpu.memref_slice %arg8[%dma_wait3A_259] : memref<5x!tpu.dma_semaphore, #tpu.memory_space<semaphore_mem>> -> memref<1x!tpu.dma_semaphore, #tpu.memory_space<semaphore_mem>>
    %dma_wait3A_267 = tpu.memref_squeeze %dma_wait3A_266 : memref<1x!tpu.dma_semaphore, #tpu.memory_space<semaphore_mem>> -> memref<!tpu.dma_semaphore, #tpu.memory_space<semaphore_mem>>
    tpu.wait_indirect_dma semaphore(%dma_wait3A_267 : memref<!tpu.dma_semaphore, #tpu.memory_space<semaphore_mem>>) src(%arg4 : memref<80x16xf32, #tpu.memory_space<vmem>>) dst(%dma_wait3A_265 : memref<10112x16xf32, #tpu.memory_space<vmem_shared>>)
    %dma_wait3A_268 = arith.constant 0 : i32
    %dma_wait3A_269 = arith.constant 2 : i32
    %dma_wait3A_270 = arith.constant 0 : i32
    %dma_wait3A_271 = tpu.memref_slice %arg5[%dma_wait3A_268, %dma_wait3A_270] : memref<125x80xi32, #tpu.memory_space<vmem>> -> memref<1x80xi32, #tpu.memory_space<vmem>>
    %dma_wait3A_272 = tpu.memref_squeeze %dma_wait3A_271 : memref<1x80xi32, #tpu.memory_space<vmem>> -> memref<80xi32, #tpu.memory_space<vmem>>
    %dma_wait3A_273 = arith.constant 0 : i32
    %dma_wait3A_274 = arith.constant 0 : i32
    %dma_wait3A_275 = tpu.memref_slice %arg6[%dma_wait3A_273, %dma_wait3A_274] : memref<10112x16xf32, #tpu.memory_space<vmem_shared>> -> memref<10112x16xf32, #tpu.memory_space<vmem_shared>>
    %dma_wait3A_276 = tpu.memref_slice %arg8[%dma_wait3A_269] : memref<5x!tpu.dma_semaphore, #tpu.memory_space<semaphore_mem>> -> memref<1x!tpu.dma_semaphore, #tpu.memory_space<semaphore_mem>>
    %dma_wait3A_277 = tpu.memref_squeeze %dma_wait3A_276 : memref<1x!tpu.dma_semaphore, #tpu.memory_space<semaphore_mem>> -> memref<!tpu.dma_semaphore, #tpu.memory_space<semaphore_mem>>
    tpu.wait_indirect_dma semaphore(%dma_wait3A_277 : memref<!tpu.dma_semaphore, #tpu.memory_space<semaphore_mem>>) src(%arg4 : memref<80x16xf32, #tpu.memory_space<vmem>>) dst(%dma_wait3A_275 : memref<10112x16xf32, #tpu.memory_space<vmem_shared>>)
    %dma_wait3A_278 = arith.constant 0 : i32
    %dma_wait3A_279 = arith.constant 3 : i32
    %dma_wait3A_280 = arith.constant 0 : i32
    %dma_wait3A_281 = tpu.memref_slice %arg5[%dma_wait3A_278, %dma_wait3A_280] : memref<125x80xi32, #tpu.memory_space<vmem>> -> memref<1x80xi32, #tpu.memory_space<vmem>>
    %dma_wait3A_282 = tpu.memref_squeeze %dma_wait3A_281 : memref<1x80xi32, #tpu.memory_space<vmem>> -> memref<80xi32, #tpu.memory_space<vmem>>
    %dma_wait3A_283 = arith.constant 0 : i32
    %dma_wait3A_284 = arith.constant 0 : i32
    %dma_wait3A_285 = tpu.memref_slice %arg6[%dma_wait3A_283, %dma_wait3A_284] : memref<10112x16xf32, #tpu.memory_space<vmem_shared>> -> memref<10112x16xf32, #tpu.memory_space<vmem_shared>>
    %dma_wait3A_286 = tpu.memref_slice %arg8[%dma_wait3A_279] : memref<5x!tpu.dma_semaphore, #tpu.memory_space<semaphore_mem>> -> memref<1x!tpu.dma_semaphore, #tpu.memory_space<semaphore_mem>>
    %dma_wait3A_287 = tpu.memref_squeeze %dma_wait3A_286 : memref<1x!tpu.dma_semaphore, #tpu.memory_space<semaphore_mem>> -> memref<!tpu.dma_semaphore, #tpu.memory_space<semaphore_mem>>
    tpu.wait_indirect_dma semaphore(%dma_wait3A_287 : memref<!tpu.dma_semaphore, #tpu.memory_space<semaphore_mem>>) src(%arg4 : memref<80x16xf32, #tpu.memory_space<vmem>>) dst(%dma_wait3A_285 : memref<10112x16xf32, #tpu.memory_space<vmem_shared>>)
    %dma_wait3A_288 = arith.constant 0 : i32
    %dma_wait3A_289 = arith.constant 4 : i32
    %dma_wait3A_290 = arith.constant 0 : i32
    %dma_wait3A_291 = tpu.memref_slice %arg5[%dma_wait3A_288, %dma_wait3A_290] : memref<125x80xi32, #tpu.memory_space<vmem>> -> memref<1x80xi32, #tpu.memory_space<vmem>>
    %dma_wait3A_292 = tpu.memref_squeeze %dma_wait3A_291 : memref<1x80xi32, #tpu.memory_space<vmem>> -> memref<80xi32, #tpu.memory_space<vmem>>
    %dma_wait3A_293 = arith.constant 0 : i32
    %dma_wait3A_294 = arith.constant 0 : i32
    %dma_wait3A_295 = tpu.memref_slice %arg6[%dma_wait3A_293, %dma_wait3A_294] : memref<10112x16xf32, #tpu.memory_space<vmem_shared>> -> memref<10112x16xf32, #tpu.memory_space<vmem_shared>>
    %dma_wait3A_296 = tpu.memref_slice %arg8[%dma_wait3A_289] : memref<5x!tpu.dma_semaphore, #tpu.memory_space<semaphore_mem>> -> memref<1x!tpu.dma_semaphore, #tpu.memory_space<semaphore_mem>>
    %dma_wait3A_297 = tpu.memref_squeeze %dma_wait3A_296 : memref<1x!tpu.dma_semaphore, #tpu.memory_space<semaphore_mem>> -> memref<!tpu.dma_semaphore, #tpu.memory_space<semaphore_mem>>
    tpu.wait_indirect_dma semaphore(%dma_wait3A_297 : memref<!tpu.dma_semaphore, #tpu.memory_space<semaphore_mem>>) src(%arg4 : memref<80x16xf32, #tpu.memory_space<vmem>>) dst(%dma_wait3A_295 : memref<10112x16xf32, #tpu.memory_space<vmem_shared>>)
    %barrier3A_298 = arith.constant 0 : index
    tpu.barrier barrier_id(%barrier3A_298)
    %mul3A_299 = arith.constant 10112 : i32
    %mul3A_300 = arith.muli %arg0, %mul3A_299 : i32
    %add3A_301 = arith.addi %mul3A_300, %mul3A_2 : i32
    %add3A_302 = arith.constant 0 : i32
    %add3A_303 = arith.addi %mul3A_2, %add3A_302 : i32
    "tpu.region"() ({
      %run_scoped3A = tpu.sem_alloc : memref<!tpu.dma_semaphore, #tpu.memory_space<semaphore_mem>>
      %dma_start3A_334 = arith.constant 0 : i32
      %dma_start3A_335 = arith.constant 0 : i32
      %dma_start3A_336 = tpu.memref_slice %arg4[%dma_start3A_334, %dma_start3A_335] : memref<80x16xf32, #tpu.memory_space<vmem>> -> memref<80x16xf32, #tpu.memory_space<vmem>>
      %dma_start3A_337 = arith.constant 0 : i32
      %dma_start3A_338 = tpu.memref_slice %arg6[%add3A_303, %dma_start3A_337] : memref<10112x16xf32, #tpu.memory_space<vmem_shared>> -> memref<80x16xf32, #tpu.memory_space<vmem_shared>>
      %dma_start3A_339 = arith.constant 0 : i32
      %dma_start3A_340 = arith.constant 0 : i32
      %dma_start3A_341 = tpu.memref_slice %arg4[%dma_start3A_339, %dma_start3A_340] : memref<80x16xf32, #tpu.memory_space<vmem>> -> memref<80x16xf32, #tpu.memory_space<vmem>>
      %dma_start3A_342 = arith.constant 0 : i32
      %dma_start3A_343 = tpu.memref_slice %arg6[%add3A_303, %dma_start3A_342] : memref<10112x16xf32, #tpu.memory_space<vmem_shared>> -> memref<80x16xf32, #tpu.memory_space<vmem_shared>>
      tpu.enqueue_dma source(%dma_start3A_343 : memref<80x16xf32, #tpu.memory_space<vmem_shared>>) target(%dma_start3A_341 : memref<80x16xf32, #tpu.memory_space<vmem>>) target_semaphore(%run_scoped3A : memref<!tpu.dma_semaphore, #tpu.memory_space<semaphore_mem>>)
      %dma_wait3A_344 = arith.constant 0 : i32
      %dma_wait3A_345 = arith.constant 0 : i32
      %dma_wait3A_346 = tpu.memref_slice %arg4[%dma_wait3A_344, %dma_wait3A_345] : memref<80x16xf32, #tpu.memory_space<vmem>> -> memref<80x16xf32, #tpu.memory_space<vmem>>
      %dma_wait3A_347 = arith.constant 0 : i32
      %dma_wait3A_348 = tpu.memref_slice %arg6[%add3A_303, %dma_wait3A_347] : memref<10112x16xf32, #tpu.memory_space<vmem_shared>> -> memref<80x16xf32, #tpu.memory_space<vmem_shared>>
      %dma_wait3A_349 = arith.constant 0 : i32
      %dma_wait3A_350 = arith.constant 0 : i32
      %dma_wait3A_351 = tpu.memref_slice %arg4[%dma_wait3A_349, %dma_wait3A_350] : memref<80x16xf32, #tpu.memory_space<vmem>> -> memref<80x16xf32, #tpu.memory_space<vmem>>
      %dma_wait3A_352 = arith.constant 0 : i32
      %dma_wait3A_353 = tpu.memref_slice %arg6[%add3A_303, %dma_wait3A_352] : memref<10112x16xf32, #tpu.memory_space<vmem_shared>> -> memref<80x16xf32, #tpu.memory_space<vmem_shared>>
      tpu.wait_dma2 semaphore(%run_scoped3A : memref<!tpu.dma_semaphore, #tpu.memory_space<semaphore_mem>>) src(%dma_wait3A_353 : memref<80x16xf32, #tpu.memory_space<vmem_shared>>) dst(%dma_wait3A_351 : memref<80x16xf32, #tpu.memory_space<vmem>>)
      tpu.yield
    }) : () -> ()
    %add3A_304 = arith.constant 0 : i32
    %add3A_305 = arith.addi %add3A_301, %add3A_304 : i32
    "tpu.region"() ({
      %run_scoped3A = tpu.sem_alloc : memref<!tpu.dma_semaphore, #tpu.memory_space<semaphore_mem>>
      %dma_start3A_334 = arith.constant 0 : i32
      %dma_start3A_335 = arith.constant 0 : i32
      %dma_start3A_336 = tpu.memref_slice %arg4[%dma_start3A_334, %dma_start3A_335] : memref<80x16xf32, #tpu.memory_space<vmem>> -> memref<80x16xf32, #tpu.memory_space<vmem>>
      %dma_start3A_337 = arith.constant 0 : i32
      %dma_start3A_338 = tpu.memref_slice %arg3[%add3A_305, %dma_start3A_337] : memref<20224x16xf32, #tpu.memory_space<hbm>> -> memref<80x16xf32, #tpu.memory_space<hbm>>
      %dma_start3A_339 = arith.constant 0 : i32
      %dma_start3A_340 = tpu.memref_slice %arg3[%add3A_305, %dma_start3A_339] : memref<20224x16xf32, #tpu.memory_space<hbm>> -> memref<80x16xf32, #tpu.memory_space<hbm>>
      %dma_start3A_341 = arith.constant 0 : i32
      %dma_start3A_342 = arith.constant 0 : i32
      %dma_start3A_343 = tpu.memref_slice %arg4[%dma_start3A_341, %dma_start3A_342] : memref<80x16xf32, #tpu.memory_space<vmem>> -> memref<80x16xf32, #tpu.memory_space<vmem>>
      tpu.enqueue_dma source(%dma_start3A_343 : memref<80x16xf32, #tpu.memory_space<vmem>>) target(%dma_start3A_340 : memref<80x16xf32, #tpu.memory_space<hbm>>) target_semaphore(%run_scoped3A : memref<!tpu.dma_semaphore, #tpu.memory_space<semaphore_mem>>)
      %dma_wait3A_344 = arith.constant 0 : i32
      %dma_wait3A_345 = arith.constant 0 : i32
      %dma_wait3A_346 = tpu.memref_slice %arg4[%dma_wait3A_344, %dma_wait3A_345] : memref<80x16xf32, #tpu.memory_space<vmem>> -> memref<80x16xf32, #tpu.memory_space<vmem>>
      %dma_wait3A_347 = arith.constant 0 : i32
      %dma_wait3A_348 = tpu.memref_slice %arg3[%add3A_305, %dma_wait3A_347] : memref<20224x16xf32, #tpu.memory_space<hbm>> -> memref<80x16xf32, #tpu.memory_space<hbm>>
      %dma_wait3A_349 = arith.constant 0 : i32
      %dma_wait3A_350 = tpu.memref_slice %arg3[%add3A_305, %dma_wait3A_349] : memref<20224x16xf32, #tpu.memory_space<hbm>> -> memref<80x16xf32, #tpu.memory_space<hbm>>
      %dma_wait3A_351 = arith.constant 0 : i32
      %dma_wait3A_352 = arith.constant 0 : i32
      %dma_wait3A_353 = tpu.memref_slice %arg4[%dma_wait3A_351, %dma_wait3A_352] : memref<80x16xf32, #tpu.memory_space<vmem>> -> memref<80x16xf32, #tpu.memory_space<vmem>>
      tpu.wait_dma2 semaphore(%run_scoped3A : memref<!tpu.dma_semaphore, #tpu.memory_space<semaphore_mem>>) src(%dma_wait3A_353 : memref<80x16xf32, #tpu.memory_space<vmem>>) dst(%dma_wait3A_350 : memref<80x16xf32, #tpu.memory_space<hbm>>)
      tpu.yield
    }) : () -> ()
    %add3A_306 = arith.constant 80 : i32
    %add3A_307 = arith.addi %mul3A_2, %add3A_306 : i32
    "tpu.region"() ({
      %run_scoped3A = tpu.sem_alloc : memref<!tpu.dma_semaphore, #tpu.memory_space<semaphore_mem>>
      %dma_start3A_334 = arith.constant 0 : i32
      %dma_start3A_335 = arith.constant 0 : i32
      %dma_start3A_336 = tpu.memref_slice %arg4[%dma_start3A_334, %dma_start3A_335] : memref<80x16xf32, #tpu.memory_space<vmem>> -> memref<80x16xf32, #tpu.memory_space<vmem>>
      %dma_start3A_337 = arith.constant 0 : i32
      %dma_start3A_338 = tpu.memref_slice %arg6[%add3A_307, %dma_start3A_337] : memref<10112x16xf32, #tpu.memory_space<vmem_shared>> -> memref<80x16xf32, #tpu.memory_space<vmem_shared>>
      %dma_start3A_339 = arith.constant 0 : i32
      %dma_start3A_340 = arith.constant 0 : i32
      %dma_start3A_341 = tpu.memref_slice %arg4[%dma_start3A_339, %dma_start3A_340] : memref<80x16xf32, #tpu.memory_space<vmem>> -> memref<80x16xf32, #tpu.memory_space<vmem>>
      %dma_start3A_342 = arith.constant 0 : i32
      %dma_start3A_343 = tpu.memref_slice %arg6[%add3A_307, %dma_start3A_342] : memref<10112x16xf32, #tpu.memory_space<vmem_shared>> -> memref<80x16xf32, #tpu.memory_space<vmem_shared>>
      tpu.enqueue_dma source(%dma_start3A_343 : memref<80x16xf32, #tpu.memory_space<vmem_shared>>) target(%dma_start3A_341 : memref<80x16xf32, #tpu.memory_space<vmem>>) target_semaphore(%run_scoped3A : memref<!tpu.dma_semaphore, #tpu.memory_space<semaphore_mem>>)
      %dma_wait3A_344 = arith.constant 0 : i32
      %dma_wait3A_345 = arith.constant 0 : i32
      %dma_wait3A_346 = tpu.memref_slice %arg4[%dma_wait3A_344, %dma_wait3A_345] : memref<80x16xf32, #tpu.memory_space<vmem>> -> memref<80x16xf32, #tpu.memory_space<vmem>>
      %dma_wait3A_347 = arith.constant 0 : i32
      %dma_wait3A_348 = tpu.memref_slice %arg6[%add3A_307, %dma_wait3A_347] : memref<10112x16xf32, #tpu.memory_space<vmem_shared>> -> memref<80x16xf32, #tpu.memory_space<vmem_shared>>
      %dma_wait3A_349 = arith.constant 0 : i32
      %dma_wait3A_350 = arith.constant 0 : i32
      %dma_wait3A_351 = tpu.memref_slice %arg4[%dma_wait3A_349, %dma_wait3A_350] : memref<80x16xf32, #tpu.memory_space<vmem>> -> memref<80x16xf32, #tpu.memory_space<vmem>>
      %dma_wait3A_352 = arith.constant 0 : i32
      %dma_wait3A_353 = tpu.memref_slice %arg6[%add3A_307, %dma_wait3A_352] : memref<10112x16xf32, #tpu.memory_space<vmem_shared>> -> memref<80x16xf32, #tpu.memory_space<vmem_shared>>
      tpu.wait_dma2 semaphore(%run_scoped3A : memref<!tpu.dma_semaphore, #tpu.memory_space<semaphore_mem>>) src(%dma_wait3A_353 : memref<80x16xf32, #tpu.memory_space<vmem_shared>>) dst(%dma_wait3A_351 : memref<80x16xf32, #tpu.memory_space<vmem>>)
      tpu.yield
    }) : () -> ()
    %add3A_308 = arith.constant 80 : i32
    %add3A_309 = arith.addi %add3A_301, %add3A_308 : i32
    "tpu.region"() ({
      %run_scoped3A = tpu.sem_alloc : memref<!tpu.dma_semaphore, #tpu.memory_space<semaphore_mem>>
      %dma_start3A_334 = arith.constant 0 : i32
      %dma_start3A_335 = arith.constant 0 : i32
      %dma_start3A_336 = tpu.memref_slice %arg4[%dma_start3A_334, %dma_start3A_335] : memref<80x16xf32, #tpu.memory_space<vmem>> -> memref<80x16xf32, #tpu.memory_space<vmem>>
      %dma_start3A_337 = arith.constant 0 : i32
      %dma_start3A_338 = tpu.memref_slice %arg3[%add3A_309, %dma_start3A_337] : memref<20224x16xf32, #tpu.memory_space<hbm>> -> memref<80x16xf32, #tpu.memory_space<hbm>>
      %dma_start3A_339 = arith.constant 0 : i32
      %dma_start3A_340 = tpu.memref_slice %arg3[%add3A_309, %dma_start3A_339] : memref<20224x16xf32, #tpu.memory_space<hbm>> -> memref<80x16xf32, #tpu.memory_space<hbm>>
      %dma_start3A_341 = arith.constant 0 : i32
      %dma_start3A_342 = arith.constant 0 : i32
      %dma_start3A_343 = tpu.memref_slice %arg4[%dma_start3A_341, %dma_start3A_342] : memref<80x16xf32, #tpu.memory_space<vmem>> -> memref<80x16xf32, #tpu.memory_space<vmem>>
      tpu.enqueue_dma source(%dma_start3A_343 : memref<80x16xf32, #tpu.memory_space<vmem>>) target(%dma_start3A_340 : memref<80x16xf32, #tpu.memory_space<hbm>>) target_semaphore(%run_scoped3A : memref<!tpu.dma_semaphore, #tpu.memory_space<semaphore_mem>>)
      %dma_wait3A_344 = arith.constant 0 : i32
      %dma_wait3A_345 = arith.constant 0 : i32
      %dma_wait3A_346 = tpu.memref_slice %arg4[%dma_wait3A_344, %dma_wait3A_345] : memref<80x16xf32, #tpu.memory_space<vmem>> -> memref<80x16xf32, #tpu.memory_space<vmem>>
      %dma_wait3A_347 = arith.constant 0 : i32
      %dma_wait3A_348 = tpu.memref_slice %arg3[%add3A_309, %dma_wait3A_347] : memref<20224x16xf32, #tpu.memory_space<hbm>> -> memref<80x16xf32, #tpu.memory_space<hbm>>
      %dma_wait3A_349 = arith.constant 0 : i32
      %dma_wait3A_350 = tpu.memref_slice %arg3[%add3A_309, %dma_wait3A_349] : memref<20224x16xf32, #tpu.memory_space<hbm>> -> memref<80x16xf32, #tpu.memory_space<hbm>>
      %dma_wait3A_351 = arith.constant 0 : i32
      %dma_wait3A_352 = arith.constant 0 : i32
      %dma_wait3A_353 = tpu.memref_slice %arg4[%dma_wait3A_351, %dma_wait3A_352] : memref<80x16xf32, #tpu.memory_space<vmem>> -> memref<80x16xf32, #tpu.memory_space<vmem>>
      tpu.wait_dma2 semaphore(%run_scoped3A : memref<!tpu.dma_semaphore, #tpu.memory_space<semaphore_mem>>) src(%dma_wait3A_353 : memref<80x16xf32, #tpu.memory_space<vmem>>) dst(%dma_wait3A_350 : memref<80x16xf32, #tpu.memory_space<hbm>>)
      tpu.yield
    }) : () -> ()
    %add3A_310 = arith.constant 160 : i32
    %add3A_311 = arith.addi %mul3A_2, %add3A_310 : i32
    "tpu.region"() ({
      %run_scoped3A = tpu.sem_alloc : memref<!tpu.dma_semaphore, #tpu.memory_space<semaphore_mem>>
      %dma_start3A_334 = arith.constant 0 : i32
      %dma_start3A_335 = arith.constant 0 : i32
      %dma_start3A_336 = tpu.memref_slice %arg4[%dma_start3A_334, %dma_start3A_335] : memref<80x16xf32, #tpu.memory_space<vmem>> -> memref<80x16xf32, #tpu.memory_space<vmem>>
      %dma_start3A_337 = arith.constant 0 : i32
      %dma_start3A_338 = tpu.memref_slice %arg6[%add3A_311, %dma_start3A_337] : memref<10112x16xf32, #tpu.memory_space<vmem_shared>> -> memref<80x16xf32, #tpu.memory_space<vmem_shared>>
      %dma_start3A_339 = arith.constant 0 : i32
      %dma_start3A_340 = arith.constant 0 : i32
      %dma_start3A_341 = tpu.memref_slice %arg4[%dma_start3A_339, %dma_start3A_340] : memref<80x16xf32, #tpu.memory_space<vmem>> -> memref<80x16xf32, #tpu.memory_space<vmem>>
      %dma_start3A_342 = arith.constant 0 : i32
      %dma_start3A_343 = tpu.memref_slice %arg6[%add3A_311, %dma_start3A_342] : memref<10112x16xf32, #tpu.memory_space<vmem_shared>> -> memref<80x16xf32, #tpu.memory_space<vmem_shared>>
      tpu.enqueue_dma source(%dma_start3A_343 : memref<80x16xf32, #tpu.memory_space<vmem_shared>>) target(%dma_start3A_341 : memref<80x16xf32, #tpu.memory_space<vmem>>) target_semaphore(%run_scoped3A : memref<!tpu.dma_semaphore, #tpu.memory_space<semaphore_mem>>)
      %dma_wait3A_344 = arith.constant 0 : i32
      %dma_wait3A_345 = arith.constant 0 : i32
      %dma_wait3A_346 = tpu.memref_slice %arg4[%dma_wait3A_344, %dma_wait3A_345] : memref<80x16xf32, #tpu.memory_space<vmem>> -> memref<80x16xf32, #tpu.memory_space<vmem>>
      %dma_wait3A_347 = arith.constant 0 : i32
      %dma_wait3A_348 = tpu.memref_slice %arg6[%add3A_311, %dma_wait3A_347] : memref<10112x16xf32, #tpu.memory_space<vmem_shared>> -> memref<80x16xf32, #tpu.memory_space<vmem_shared>>
      %dma_wait3A_349 = arith.constant 0 : i32
      %dma_wait3A_350 = arith.constant 0 : i32
      %dma_wait3A_351 = tpu.memref_slice %arg4[%dma_wait3A_349, %dma_wait3A_350] : memref<80x16xf32, #tpu.memory_space<vmem>> -> memref<80x16xf32, #tpu.memory_space<vmem>>
      %dma_wait3A_352 = arith.constant 0 : i32
      %dma_wait3A_353 = tpu.memref_slice %arg6[%add3A_311, %dma_wait3A_352] : memref<10112x16xf32, #tpu.memory_space<vmem_shared>> -> memref<80x16xf32, #tpu.memory_space<vmem_shared>>
      tpu.wait_dma2 semaphore(%run_scoped3A : memref<!tpu.dma_semaphore, #tpu.memory_space<semaphore_mem>>) src(%dma_wait3A_353 : memref<80x16xf32, #tpu.memory_space<vmem_shared>>) dst(%dma_wait3A_351 : memref<80x16xf32, #tpu.memory_space<vmem>>)
      tpu.yield
    }) : () -> ()
    %add3A_312 = arith.constant 160 : i32
    %add3A_313 = arith.addi %add3A_301, %add3A_312 : i32
    "tpu.region"() ({
      %run_scoped3A = tpu.sem_alloc : memref<!tpu.dma_semaphore, #tpu.memory_space<semaphore_mem>>
      %dma_start3A_334 = arith.constant 0 : i32
      %dma_start3A_335 = arith.constant 0 : i32
      %dma_start3A_336 = tpu.memref_slice %arg4[%dma_start3A_334, %dma_start3A_335] : memref<80x16xf32, #tpu.memory_space<vmem>> -> memref<80x16xf32, #tpu.memory_space<vmem>>
      %dma_start3A_337 = arith.constant 0 : i32
      %dma_start3A_338 = tpu.memref_slice %arg3[%add3A_313, %dma_start3A_337] : memref<20224x16xf32, #tpu.memory_space<hbm>> -> memref<80x16xf32, #tpu.memory_space<hbm>>
      %dma_start3A_339 = arith.constant 0 : i32
      %dma_start3A_340 = tpu.memref_slice %arg3[%add3A_313, %dma_start3A_339] : memref<20224x16xf32, #tpu.memory_space<hbm>> -> memref<80x16xf32, #tpu.memory_space<hbm>>
      %dma_start3A_341 = arith.constant 0 : i32
      %dma_start3A_342 = arith.constant 0 : i32
      %dma_start3A_343 = tpu.memref_slice %arg4[%dma_start3A_341, %dma_start3A_342] : memref<80x16xf32, #tpu.memory_space<vmem>> -> memref<80x16xf32, #tpu.memory_space<vmem>>
      tpu.enqueue_dma source(%dma_start3A_343 : memref<80x16xf32, #tpu.memory_space<vmem>>) target(%dma_start3A_340 : memref<80x16xf32, #tpu.memory_space<hbm>>) target_semaphore(%run_scoped3A : memref<!tpu.dma_semaphore, #tpu.memory_space<semaphore_mem>>)
      %dma_wait3A_344 = arith.constant 0 : i32
      %dma_wait3A_345 = arith.constant 0 : i32
      %dma_wait3A_346 = tpu.memref_slice %arg4[%dma_wait3A_344, %dma_wait3A_345] : memref<80x16xf32, #tpu.memory_space<vmem>> -> memref<80x16xf32, #tpu.memory_space<vmem>>
      %dma_wait3A_347 = arith.constant 0 : i32
      %dma_wait3A_348 = tpu.memref_slice %arg3[%add3A_313, %dma_wait3A_347] : memref<20224x16xf32, #tpu.memory_space<hbm>> -> memref<80x16xf32, #tpu.memory_space<hbm>>
      %dma_wait3A_349 = arith.constant 0 : i32
      %dma_wait3A_350 = tpu.memref_slice %arg3[%add3A_313, %dma_wait3A_349] : memref<20224x16xf32, #tpu.memory_space<hbm>> -> memref<80x16xf32, #tpu.memory_space<hbm>>
      %dma_wait3A_351 = arith.constant 0 : i32
      %dma_wait3A_352 = arith.constant 0 : i32
      %dma_wait3A_353 = tpu.memref_slice %arg4[%dma_wait3A_351, %dma_wait3A_352] : memref<80x16xf32, #tpu.memory_space<vmem>> -> memref<80x16xf32, #tpu.memory_space<vmem>>
      tpu.wait_dma2 semaphore(%run_scoped3A : memref<!tpu.dma_semaphore, #tpu.memory_space<semaphore_mem>>) src(%dma_wait3A_353 : memref<80x16xf32, #tpu.memory_space<vmem>>) dst(%dma_wait3A_350 : memref<80x16xf32, #tpu.memory_space<hbm>>)
      tpu.yield
    }) : () -> ()
    %add3A_314 = arith.constant 240 : i32
    %add3A_315 = arith.addi %mul3A_2, %add3A_314 : i32
    "tpu.region"() ({
      %run_scoped3A = tpu.sem_alloc : memref<!tpu.dma_semaphore, #tpu.memory_space<semaphore_mem>>
      %dma_start3A_334 = arith.constant 0 : i32
      %dma_start3A_335 = arith.constant 0 : i32
      %dma_start3A_336 = tpu.memref_slice %arg4[%dma_start3A_334, %dma_start3A_335] : memref<80x16xf32, #tpu.memory_space<vmem>> -> memref<80x16xf32, #tpu.memory_space<vmem>>
      %dma_start3A_337 = arith.constant 0 : i32
      %dma_start3A_338 = tpu.memref_slice %arg6[%add3A_315, %dma_start3A_337] : memref<10112x16xf32, #tpu.memory_space<vmem_shared>> -> memref<80x16xf32, #tpu.memory_space<vmem_shared>>
      %dma_start3A_339 = arith.constant 0 : i32
      %dma_start3A_340 = arith.constant 0 : i32
      %dma_start3A_341 = tpu.memref_slice %arg4[%dma_start3A_339, %dma_start3A_340] : memref<80x16xf32, #tpu.memory_space<vmem>> -> memref<80x16xf32, #tpu.memory_space<vmem>>
      %dma_start3A_342 = arith.constant 0 : i32
      %dma_start3A_343 = tpu.memref_slice %arg6[%add3A_315, %dma_start3A_342] : memref<10112x16xf32, #tpu.memory_space<vmem_shared>> -> memref<80x16xf32, #tpu.memory_space<vmem_shared>>
      tpu.enqueue_dma source(%dma_start3A_343 : memref<80x16xf32, #tpu.memory_space<vmem_shared>>) target(%dma_start3A_341 : memref<80x16xf32, #tpu.memory_space<vmem>>) target_semaphore(%run_scoped3A : memref<!tpu.dma_semaphore, #tpu.memory_space<semaphore_mem>>)
      %dma_wait3A_344 = arith.constant 0 : i32
      %dma_wait3A_345 = arith.constant 0 : i32
      %dma_wait3A_346 = tpu.memref_slice %arg4[%dma_wait3A_344, %dma_wait3A_345] : memref<80x16xf32, #tpu.memory_space<vmem>> -> memref<80x16xf32, #tpu.memory_space<vmem>>
      %dma_wait3A_347 = arith.constant 0 : i32
      %dma_wait3A_348 = tpu.memref_slice %arg6[%add3A_315, %dma_wait3A_347] : memref<10112x16xf32, #tpu.memory_space<vmem_shared>> -> memref<80x16xf32, #tpu.memory_space<vmem_shared>>
      %dma_wait3A_349 = arith.constant 0 : i32
      %dma_wait3A_350 = arith.constant 0 : i32
      %dma_wait3A_351 = tpu.memref_slice %arg4[%dma_wait3A_349, %dma_wait3A_350] : memref<80x16xf32, #tpu.memory_space<vmem>> -> memref<80x16xf32, #tpu.memory_space<vmem>>
      %dma_wait3A_352 = arith.constant 0 : i32
      %dma_wait3A_353 = tpu.memref_slice %arg6[%add3A_315, %dma_wait3A_352] : memref<10112x16xf32, #tpu.memory_space<vmem_shared>> -> memref<80x16xf32, #tpu.memory_space<vmem_shared>>
      tpu.wait_dma2 semaphore(%run_scoped3A : memref<!tpu.dma_semaphore, #tpu.memory_space<semaphore_mem>>) src(%dma_wait3A_353 : memref<80x16xf32, #tpu.memory_space<vmem_shared>>) dst(%dma_wait3A_351 : memref<80x16xf32, #tpu.memory_space<vmem>>)
      tpu.yield
    }) : () -> ()
    %add3A_316 = arith.constant 240 : i32
    %add3A_317 = arith.addi %add3A_301, %add3A_316 : i32
    "tpu.region"() ({
      %run_scoped3A = tpu.sem_alloc : memref<!tpu.dma_semaphore, #tpu.memory_space<semaphore_mem>>
      %dma_start3A_334 = arith.constant 0 : i32
      %dma_start3A_335 = arith.constant 0 : i32
      %dma_start3A_336 = tpu.memref_slice %arg4[%dma_start3A_334, %dma_start3A_335] : memref<80x16xf32, #tpu.memory_space<vmem>> -> memref<80x16xf32, #tpu.memory_space<vmem>>
      %dma_start3A_337 = arith.constant 0 : i32
      %dma_start3A_338 = tpu.memref_slice %arg3[%add3A_317, %dma_start3A_337] : memref<20224x16xf32, #tpu.memory_space<hbm>> -> memref<80x16xf32, #tpu.memory_space<hbm>>
      %dma_start3A_339 = arith.constant 0 : i32
      %dma_start3A_340 = tpu.memref_slice %arg3[%add3A_317, %dma_start3A_339] : memref<20224x16xf32, #tpu.memory_space<hbm>> -> memref<80x16xf32, #tpu.memory_space<hbm>>
      %dma_start3A_341 = arith.constant 0 : i32
      %dma_start3A_342 = arith.constant 0 : i32
      %dma_start3A_343 = tpu.memref_slice %arg4[%dma_start3A_341, %dma_start3A_342] : memref<80x16xf32, #tpu.memory_space<vmem>> -> memref<80x16xf32, #tpu.memory_space<vmem>>
      tpu.enqueue_dma source(%dma_start3A_343 : memref<80x16xf32, #tpu.memory_space<vmem>>) target(%dma_start3A_340 : memref<80x16xf32, #tpu.memory_space<hbm>>) target_semaphore(%run_scoped3A : memref<!tpu.dma_semaphore, #tpu.memory_space<semaphore_mem>>)
      %dma_wait3A_344 = arith.constant 0 : i32
      %dma_wait3A_345 = arith.constant 0 : i32
      %dma_wait3A_346 = tpu.memref_slice %arg4[%dma_wait3A_344, %dma_wait3A_345] : memref<80x16xf32, #tpu.memory_space<vmem>> -> memref<80x16xf32, #tpu.memory_space<vmem>>
      %dma_wait3A_347 = arith.constant 0 : i32
      %dma_wait3A_348 = tpu.memref_slice %arg3[%add3A_317, %dma_wait3A_347] : memref<20224x16xf32, #tpu.memory_space<hbm>> -> memref<80x16xf32, #tpu.memory_space<hbm>>
      %dma_wait3A_349 = arith.constant 0 : i32
      %dma_wait3A_350 = tpu.memref_slice %arg3[%add3A_317, %dma_wait3A_349] : memref<20224x16xf32, #tpu.memory_space<hbm>> -> memref<80x16xf32, #tpu.memory_space<hbm>>
      %dma_wait3A_351 = arith.constant 0 : i32
      %dma_wait3A_352 = arith.constant 0 : i32
      %dma_wait3A_353 = tpu.memref_slice %arg4[%dma_wait3A_351, %dma_wait3A_352] : memref<80x16xf32, #tpu.memory_space<vmem>> -> memref<80x16xf32, #tpu.memory_space<vmem>>
      tpu.wait_dma2 semaphore(%run_scoped3A : memref<!tpu.dma_semaphore, #tpu.memory_space<semaphore_mem>>) src(%dma_wait3A_353 : memref<80x16xf32, #tpu.memory_space<vmem>>) dst(%dma_wait3A_350 : memref<80x16xf32, #tpu.memory_space<hbm>>)
      tpu.yield
    }) : () -> ()
    %add3A_318 = arith.constant 320 : i32
    %add3A_319 = arith.addi %mul3A_2, %add3A_318 : i32
    "tpu.region"() ({
      %run_scoped3A = tpu.sem_alloc : memref<!tpu.dma_semaphore, #tpu.memory_space<semaphore_mem>>
      %dma_start3A_334 = arith.constant 0 : i32
      %dma_start3A_335 = arith.constant 0 : i32
      %dma_start3A_336 = tpu.memref_slice %arg4[%dma_start3A_334, %dma_start3A_335] : memref<80x16xf32, #tpu.memory_space<vmem>> -> memref<80x16xf32, #tpu.memory_space<vmem>>
      %dma_start3A_337 = arith.constant 0 : i32
      %dma_start3A_338 = tpu.memref_slice %arg6[%add3A_319, %dma_start3A_337] : memref<10112x16xf32, #tpu.memory_space<vmem_shared>> -> memref<80x16xf32, #tpu.memory_space<vmem_shared>>
      %dma_start3A_339 = arith.constant 0 : i32
      %dma_start3A_340 = arith.constant 0 : i32
      %dma_start3A_341 = tpu.memref_slice %arg4[%dma_start3A_339, %dma_start3A_340] : memref<80x16xf32, #tpu.memory_space<vmem>> -> memref<80x16xf32, #tpu.memory_space<vmem>>
      %dma_start3A_342 = arith.constant 0 : i32
      %dma_start3A_343 = tpu.memref_slice %arg6[%add3A_319, %dma_start3A_342] : memref<10112x16xf32, #tpu.memory_space<vmem_shared>> -> memref<80x16xf32, #tpu.memory_space<vmem_shared>>
      tpu.enqueue_dma source(%dma_start3A_343 : memref<80x16xf32, #tpu.memory_space<vmem_shared>>) target(%dma_start3A_341 : memref<80x16xf32, #tpu.memory_space<vmem>>) target_semaphore(%run_scoped3A : memref<!tpu.dma_semaphore, #tpu.memory_space<semaphore_mem>>)
      %dma_wait3A_344 = arith.constant 0 : i32
      %dma_wait3A_345 = arith.constant 0 : i32
      %dma_wait3A_346 = tpu.memref_slice %arg4[%dma_wait3A_344, %dma_wait3A_345] : memref<80x16xf32, #tpu.memory_space<vmem>> -> memref<80x16xf32, #tpu.memory_space<vmem>>
      %dma_wait3A_347 = arith.constant 0 : i32
      %dma_wait3A_348 = tpu.memref_slice %arg6[%add3A_319, %dma_wait3A_347] : memref<10112x16xf32, #tpu.memory_space<vmem_shared>> -> memref<80x16xf32, #tpu.memory_space<vmem_shared>>
      %dma_wait3A_349 = arith.constant 0 : i32
      %dma_wait3A_350 = arith.constant 0 : i32
      %dma_wait3A_351 = tpu.memref_slice %arg4[%dma_wait3A_349, %dma_wait3A_350] : memref<80x16xf32, #tpu.memory_space<vmem>> -> memref<80x16xf32, #tpu.memory_space<vmem>>
      %dma_wait3A_352 = arith.constant 0 : i32
      %dma_wait3A_353 = tpu.memref_slice %arg6[%add3A_319, %dma_wait3A_352] : memref<10112x16xf32, #tpu.memory_space<vmem_shared>> -> memref<80x16xf32, #tpu.memory_space<vmem_shared>>
      tpu.wait_dma2 semaphore(%run_scoped3A : memref<!tpu.dma_semaphore, #tpu.memory_space<semaphore_mem>>) src(%dma_wait3A_353 : memref<80x16xf32, #tpu.memory_space<vmem_shared>>) dst(%dma_wait3A_351 : memref<80x16xf32, #tpu.memory_space<vmem>>)
      tpu.yield
    }) : () -> ()
    %add3A_320 = arith.constant 320 : i32
    %add3A_321 = arith.addi %add3A_301, %add3A_320 : i32
    "tpu.region"() ({
      %run_scoped3A = tpu.sem_alloc : memref<!tpu.dma_semaphore, #tpu.memory_space<semaphore_mem>>
      %dma_start3A_334 = arith.constant 0 : i32
      %dma_start3A_335 = arith.constant 0 : i32
      %dma_start3A_336 = tpu.memref_slice %arg4[%dma_start3A_334, %dma_start3A_335] : memref<80x16xf32, #tpu.memory_space<vmem>> -> memref<80x16xf32, #tpu.memory_space<vmem>>
      %dma_start3A_337 = arith.constant 0 : i32
      %dma_start3A_338 = tpu.memref_slice %arg3[%add3A_321, %dma_start3A_337] : memref<20224x16xf32, #tpu.memory_space<hbm>> -> memref<80x16xf32, #tpu.memory_space<hbm>>
      %dma_start3A_339 = arith.constant 0 : i32
      %dma_start3A_340 = tpu.memref_slice %arg3[%add3A_321, %dma_start3A_339] : memref<20224x16xf32, #tpu.memory_space<hbm>> -> memref<80x16xf32, #tpu.memory_space<hbm>>
      %dma_start3A_341 = arith.constant 0 : i32
      %dma_start3A_342 = arith.constant 0 : i32
      %dma_start3A_343 = tpu.memref_slice %arg4[%dma_start3A_341, %dma_start3A_342] : memref<80x16xf32, #tpu.memory_space<vmem>> -> memref<80x16xf32, #tpu.memory_space<vmem>>
      tpu.enqueue_dma source(%dma_start3A_343 : memref<80x16xf32, #tpu.memory_space<vmem>>) target(%dma_start3A_340 : memref<80x16xf32, #tpu.memory_space<hbm>>) target_semaphore(%run_scoped3A : memref<!tpu.dma_semaphore, #tpu.memory_space<semaphore_mem>>)
      %dma_wait3A_344 = arith.constant 0 : i32
      %dma_wait3A_345 = arith.constant 0 : i32
      %dma_wait3A_346 = tpu.memref_slice %arg4[%dma_wait3A_344, %dma_wait3A_345] : memref<80x16xf32, #tpu.memory_space<vmem>> -> memref<80x16xf32, #tpu.memory_space<vmem>>
      %dma_wait3A_347 = arith.constant 0 : i32
      %dma_wait3A_348 = tpu.memref_slice %arg3[%add3A_321, %dma_wait3A_347] : memref<20224x16xf32, #tpu.memory_space<hbm>> -> memref<80x16xf32, #tpu.memory_space<hbm>>
      %dma_wait3A_349 = arith.constant 0 : i32
      %dma_wait3A_350 = tpu.memref_slice %arg3[%add3A_321, %dma_wait3A_349] : memref<20224x16xf32, #tpu.memory_space<hbm>> -> memref<80x16xf32, #tpu.memory_space<hbm>>
      %dma_wait3A_351 = arith.constant 0 : i32
      %dma_wait3A_352 = arith.constant 0 : i32
      %dma_wait3A_353 = tpu.memref_slice %arg4[%dma_wait3A_351, %dma_wait3A_352] : memref<80x16xf32, #tpu.memory_space<vmem>> -> memref<80x16xf32, #tpu.memory_space<vmem>>
      tpu.wait_dma2 semaphore(%run_scoped3A : memref<!tpu.dma_semaphore, #tpu.memory_space<semaphore_mem>>) src(%dma_wait3A_353 : memref<80x16xf32, #tpu.memory_space<vmem>>) dst(%dma_wait3A_350 : memref<80x16xf32, #tpu.memory_space<hbm>>)
      tpu.yield
    }) : () -> ()
    %add3A_322 = arith.constant 400 : i32
    %add3A_323 = arith.addi %mul3A_2, %add3A_322 : i32
    "tpu.region"() ({
      %run_scoped3A = tpu.sem_alloc : memref<!tpu.dma_semaphore, #tpu.memory_space<semaphore_mem>>
      %dma_start3A_334 = arith.constant 0 : i32
      %dma_start3A_335 = arith.constant 0 : i32
      %dma_start3A_336 = tpu.memref_slice %arg4[%dma_start3A_334, %dma_start3A_335] : memref<80x16xf32, #tpu.memory_space<vmem>> -> memref<80x16xf32, #tpu.memory_space<vmem>>
      %dma_start3A_337 = arith.constant 0 : i32
      %dma_start3A_338 = tpu.memref_slice %arg6[%add3A_323, %dma_start3A_337] : memref<10112x16xf32, #tpu.memory_space<vmem_shared>> -> memref<80x16xf32, #tpu.memory_space<vmem_shared>>
      %dma_start3A_339 = arith.constant 0 : i32
      %dma_start3A_340 = arith.constant 0 : i32
      %dma_start3A_341 = tpu.memref_slice %arg4[%dma_start3A_339, %dma_start3A_340] : memref<80x16xf32, #tpu.memory_space<vmem>> -> memref<80x16xf32, #tpu.memory_space<vmem>>
      %dma_start3A_342 = arith.constant 0 : i32
      %dma_start3A_343 = tpu.memref_slice %arg6[%add3A_323, %dma_start3A_342] : memref<10112x16xf32, #tpu.memory_space<vmem_shared>> -> memref<80x16xf32, #tpu.memory_space<vmem_shared>>
      tpu.enqueue_dma source(%dma_start3A_343 : memref<80x16xf32, #tpu.memory_space<vmem_shared>>) target(%dma_start3A_341 : memref<80x16xf32, #tpu.memory_space<vmem>>) target_semaphore(%run_scoped3A : memref<!tpu.dma_semaphore, #tpu.memory_space<semaphore_mem>>)
      %dma_wait3A_344 = arith.constant 0 : i32
      %dma_wait3A_345 = arith.constant 0 : i32
      %dma_wait3A_346 = tpu.memref_slice %arg4[%dma_wait3A_344, %dma_wait3A_345] : memref<80x16xf32, #tpu.memory_space<vmem>> -> memref<80x16xf32, #tpu.memory_space<vmem>>
      %dma_wait3A_347 = arith.constant 0 : i32
      %dma_wait3A_348 = tpu.memref_slice %arg6[%add3A_323, %dma_wait3A_347] : memref<10112x16xf32, #tpu.memory_space<vmem_shared>> -> memref<80x16xf32, #tpu.memory_space<vmem_shared>>
      %dma_wait3A_349 = arith.constant 0 : i32
      %dma_wait3A_350 = arith.constant 0 : i32
      %dma_wait3A_351 = tpu.memref_slice %arg4[%dma_wait3A_349, %dma_wait3A_350] : memref<80x16xf32, #tpu.memory_space<vmem>> -> memref<80x16xf32, #tpu.memory_space<vmem>>
      %dma_wait3A_352 = arith.constant 0 : i32
      %dma_wait3A_353 = tpu.memref_slice %arg6[%add3A_323, %dma_wait3A_352] : memref<10112x16xf32, #tpu.memory_space<vmem_shared>> -> memref<80x16xf32, #tpu.memory_space<vmem_shared>>
      tpu.wait_dma2 semaphore(%run_scoped3A : memref<!tpu.dma_semaphore, #tpu.memory_space<semaphore_mem>>) src(%dma_wait3A_353 : memref<80x16xf32, #tpu.memory_space<vmem_shared>>) dst(%dma_wait3A_351 : memref<80x16xf32, #tpu.memory_space<vmem>>)
      tpu.yield
    }) : () -> ()
    %add3A_324 = arith.constant 400 : i32
    %add3A_325 = arith.addi %add3A_301, %add3A_324 : i32
    "tpu.region"() ({
      %run_scoped3A = tpu.sem_alloc : memref<!tpu.dma_semaphore, #tpu.memory_space<semaphore_mem>>
      %dma_start3A_334 = arith.constant 0 : i32
      %dma_start3A_335 = arith.constant 0 : i32
      %dma_start3A_336 = tpu.memref_slice %arg4[%dma_start3A_334, %dma_start3A_335] : memref<80x16xf32, #tpu.memory_space<vmem>> -> memref<80x16xf32, #tpu.memory_space<vmem>>
      %dma_start3A_337 = arith.constant 0 : i32
      %dma_start3A_338 = tpu.memref_slice %arg3[%add3A_325, %dma_start3A_337] : memref<20224x16xf32, #tpu.memory_space<hbm>> -> memref<80x16xf32, #tpu.memory_space<hbm>>
      %dma_start3A_339 = arith.constant 0 : i32
      %dma_start3A_340 = tpu.memref_slice %arg3[%add3A_325, %dma_start3A_339] : memref<20224x16xf32, #tpu.memory_space<hbm>> -> memref<80x16xf32, #tpu.memory_space<hbm>>
      %dma_start3A_341 = arith.constant 0 : i32
      %dma_start3A_342 = arith.constant 0 : i32
      %dma_start3A_343 = tpu.memref_slice %arg4[%dma_start3A_341, %dma_start3A_342] : memref<80x16xf32, #tpu.memory_space<vmem>> -> memref<80x16xf32, #tpu.memory_space<vmem>>
      tpu.enqueue_dma source(%dma_start3A_343 : memref<80x16xf32, #tpu.memory_space<vmem>>) target(%dma_start3A_340 : memref<80x16xf32, #tpu.memory_space<hbm>>) target_semaphore(%run_scoped3A : memref<!tpu.dma_semaphore, #tpu.memory_space<semaphore_mem>>)
      %dma_wait3A_344 = arith.constant 0 : i32
      %dma_wait3A_345 = arith.constant 0 : i32
      %dma_wait3A_346 = tpu.memref_slice %arg4[%dma_wait3A_344, %dma_wait3A_345] : memref<80x16xf32, #tpu.memory_space<vmem>> -> memref<80x16xf32, #tpu.memory_space<vmem>>
      %dma_wait3A_347 = arith.constant 0 : i32
      %dma_wait3A_348 = tpu.memref_slice %arg3[%add3A_325, %dma_wait3A_347] : memref<20224x16xf32, #tpu.memory_space<hbm>> -> memref<80x16xf32, #tpu.memory_space<hbm>>
      %dma_wait3A_349 = arith.constant 0 : i32
      %dma_wait3A_350 = tpu.memref_slice %arg3[%add3A_325, %dma_wait3A_349] : memref<20224x16xf32, #tpu.memory_space<hbm>> -> memref<80x16xf32, #tpu.memory_space<hbm>>
      %dma_wait3A_351 = arith.constant 0 : i32
      %dma_wait3A_352 = arith.constant 0 : i32
      %dma_wait3A_353 = tpu.memref_slice %arg4[%dma_wait3A_351, %dma_wait3A_352] : memref<80x16xf32, #tpu.memory_space<vmem>> -> memref<80x16xf32, #tpu.memory_space<vmem>>
      tpu.wait_dma2 semaphore(%run_scoped3A : memref<!tpu.dma_semaphore, #tpu.memory_space<semaphore_mem>>) src(%dma_wait3A_353 : memref<80x16xf32, #tpu.memory_space<vmem>>) dst(%dma_wait3A_350 : memref<80x16xf32, #tpu.memory_space<hbm>>)
      tpu.yield
    }) : () -> ()
    %add3A_326 = arith.constant 480 : i32
    %add3A_327 = arith.addi %mul3A_2, %add3A_326 : i32
    "tpu.region"() ({
      %run_scoped3A = tpu.sem_alloc : memref<!tpu.dma_semaphore, #tpu.memory_space<semaphore_mem>>
      %dma_start3A_334 = arith.constant 0 : i32
      %dma_start3A_335 = arith.constant 0 : i32
      %dma_start3A_336 = tpu.memref_slice %arg4[%dma_start3A_334, %dma_start3A_335] : memref<80x16xf32, #tpu.memory_space<vmem>> -> memref<80x16xf32, #tpu.memory_space<vmem>>
      %dma_start3A_337 = arith.constant 0 : i32
      %dma_start3A_338 = tpu.memref_slice %arg6[%add3A_327, %dma_start3A_337] : memref<10112x16xf32, #tpu.memory_space<vmem_shared>> -> memref<80x16xf32, #tpu.memory_space<vmem_shared>>
      %dma_start3A_339 = arith.constant 0 : i32
      %dma_start3A_340 = arith.constant 0 : i32
      %dma_start3A_341 = tpu.memref_slice %arg4[%dma_start3A_339, %dma_start3A_340] : memref<80x16xf32, #tpu.memory_space<vmem>> -> memref<80x16xf32, #tpu.memory_space<vmem>>
      %dma_start3A_342 = arith.constant 0 : i32
      %dma_start3A_343 = tpu.memref_slice %arg6[%add3A_327, %dma_start3A_342] : memref<10112x16xf32, #tpu.memory_space<vmem_shared>> -> memref<80x16xf32, #tpu.memory_space<vmem_shared>>
      tpu.enqueue_dma source(%dma_start3A_343 : memref<80x16xf32, #tpu.memory_space<vmem_shared>>) target(%dma_start3A_341 : memref<80x16xf32, #tpu.memory_space<vmem>>) target_semaphore(%run_scoped3A : memref<!tpu.dma_semaphore, #tpu.memory_space<semaphore_mem>>)
      %dma_wait3A_344 = arith.constant 0 : i32
      %dma_wait3A_345 = arith.constant 0 : i32
      %dma_wait3A_346 = tpu.memref_slice %arg4[%dma_wait3A_344, %dma_wait3A_345] : memref<80x16xf32, #tpu.memory_space<vmem>> -> memref<80x16xf32, #tpu.memory_space<vmem>>
      %dma_wait3A_347 = arith.constant 0 : i32
      %dma_wait3A_348 = tpu.memref_slice %arg6[%add3A_327, %dma_wait3A_347] : memref<10112x16xf32, #tpu.memory_space<vmem_shared>> -> memref<80x16xf32, #tpu.memory_space<vmem_shared>>
      %dma_wait3A_349 = arith.constant 0 : i32
      %dma_wait3A_350 = arith.constant 0 : i32
      %dma_wait3A_351 = tpu.memref_slice %arg4[%dma_wait3A_349, %dma_wait3A_350] : memref<80x16xf32, #tpu.memory_space<vmem>> -> memref<80x16xf32, #tpu.memory_space<vmem>>
      %dma_wait3A_352 = arith.constant 0 : i32
      %dma_wait3A_353 = tpu.memref_slice %arg6[%add3A_327, %dma_wait3A_352] : memref<10112x16xf32, #tpu.memory_space<vmem_shared>> -> memref<80x16xf32, #tpu.memory_space<vmem_shared>>
      tpu.wait_dma2 semaphore(%run_scoped3A : memref<!tpu.dma_semaphore, #tpu.memory_space<semaphore_mem>>) src(%dma_wait3A_353 : memref<80x16xf32, #tpu.memory_space<vmem_shared>>) dst(%dma_wait3A_351 : memref<80x16xf32, #tpu.memory_space<vmem>>)
      tpu.yield
    }) : () -> ()
    %add3A_328 = arith.constant 480 : i32
    %add3A_329 = arith.addi %add3A_301, %add3A_328 : i32
    "tpu.region"() ({
      %run_scoped3A = tpu.sem_alloc : memref<!tpu.dma_semaphore, #tpu.memory_space<semaphore_mem>>
      %dma_start3A_334 = arith.constant 0 : i32
      %dma_start3A_335 = arith.constant 0 : i32
      %dma_start3A_336 = tpu.memref_slice %arg4[%dma_start3A_334, %dma_start3A_335] : memref<80x16xf32, #tpu.memory_space<vmem>> -> memref<80x16xf32, #tpu.memory_space<vmem>>
      %dma_start3A_337 = arith.constant 0 : i32
      %dma_start3A_338 = tpu.memref_slice %arg3[%add3A_329, %dma_start3A_337] : memref<20224x16xf32, #tpu.memory_space<hbm>> -> memref<80x16xf32, #tpu.memory_space<hbm>>
      %dma_start3A_339 = arith.constant 0 : i32
      %dma_start3A_340 = tpu.memref_slice %arg3[%add3A_329, %dma_start3A_339] : memref<20224x16xf32, #tpu.memory_space<hbm>> -> memref<80x16xf32, #tpu.memory_space<hbm>>
      %dma_start3A_341 = arith.constant 0 : i32
      %dma_start3A_342 = arith.constant 0 : i32
      %dma_start3A_343 = tpu.memref_slice %arg4[%dma_start3A_341, %dma_start3A_342] : memref<80x16xf32, #tpu.memory_space<vmem>> -> memref<80x16xf32, #tpu.memory_space<vmem>>
      tpu.enqueue_dma source(%dma_start3A_343 : memref<80x16xf32, #tpu.memory_space<vmem>>) target(%dma_start3A_340 : memref<80x16xf32, #tpu.memory_space<hbm>>) target_semaphore(%run_scoped3A : memref<!tpu.dma_semaphore, #tpu.memory_space<semaphore_mem>>)
      %dma_wait3A_344 = arith.constant 0 : i32
      %dma_wait3A_345 = arith.constant 0 : i32
      %dma_wait3A_346 = tpu.memref_slice %arg4[%dma_wait3A_344, %dma_wait3A_345] : memref<80x16xf32, #tpu.memory_space<vmem>> -> memref<80x16xf32, #tpu.memory_space<vmem>>
      %dma_wait3A_347 = arith.constant 0 : i32
      %dma_wait3A_348 = tpu.memref_slice %arg3[%add3A_329, %dma_wait3A_347] : memref<20224x16xf32, #tpu.memory_space<hbm>> -> memref<80x16xf32, #tpu.memory_space<hbm>>
      %dma_wait3A_349 = arith.constant 0 : i32
      %dma_wait3A_350 = tpu.memref_slice %arg3[%add3A_329, %dma_wait3A_349] : memref<20224x16xf32, #tpu.memory_space<hbm>> -> memref<80x16xf32, #tpu.memory_space<hbm>>
      %dma_wait3A_351 = arith.constant 0 : i32
      %dma_wait3A_352 = arith.constant 0 : i32
      %dma_wait3A_353 = tpu.memref_slice %arg4[%dma_wait3A_351, %dma_wait3A_352] : memref<80x16xf32, #tpu.memory_space<vmem>> -> memref<80x16xf32, #tpu.memory_space<vmem>>
      tpu.wait_dma2 semaphore(%run_scoped3A : memref<!tpu.dma_semaphore, #tpu.memory_space<semaphore_mem>>) src(%dma_wait3A_353 : memref<80x16xf32, #tpu.memory_space<vmem>>) dst(%dma_wait3A_350 : memref<80x16xf32, #tpu.memory_space<hbm>>)
      tpu.yield
    }) : () -> ()
    %add3A_330 = arith.constant 560 : i32
    %add3A_331 = arith.addi %mul3A_2, %add3A_330 : i32
    "tpu.region"() ({
      %run_scoped3A = tpu.sem_alloc : memref<!tpu.dma_semaphore, #tpu.memory_space<semaphore_mem>>
      %dma_start3A_334 = arith.constant 0 : i32
      %dma_start3A_335 = arith.constant 0 : i32
      %dma_start3A_336 = tpu.memref_slice %arg4[%dma_start3A_334, %dma_start3A_335] : memref<80x16xf32, #tpu.memory_space<vmem>> -> memref<72x16xf32, #tpu.memory_space<vmem>>
      %dma_start3A_337 = arith.constant 0 : i32
      %dma_start3A_338 = tpu.memref_slice %arg6[%add3A_331, %dma_start3A_337] : memref<10112x16xf32, #tpu.memory_space<vmem_shared>> -> memref<72x16xf32, #tpu.memory_space<vmem_shared>>
      %dma_start3A_339 = arith.constant 0 : i32
      %dma_start3A_340 = arith.constant 0 : i32
      %dma_start3A_341 = tpu.memref_slice %arg4[%dma_start3A_339, %dma_start3A_340] : memref<80x16xf32, #tpu.memory_space<vmem>> -> memref<72x16xf32, #tpu.memory_space<vmem>>
      %dma_start3A_342 = arith.constant 0 : i32
      %dma_start3A_343 = tpu.memref_slice %arg6[%add3A_331, %dma_start3A_342] : memref<10112x16xf32, #tpu.memory_space<vmem_shared>> -> memref<72x16xf32, #tpu.memory_space<vmem_shared>>
      tpu.enqueue_dma source(%dma_start3A_343 : memref<72x16xf32, #tpu.memory_space<vmem_shared>>) target(%dma_start3A_341 : memref<72x16xf32, #tpu.memory_space<vmem>>) target_semaphore(%run_scoped3A : memref<!tpu.dma_semaphore, #tpu.memory_space<semaphore_mem>>)
      %dma_wait3A_344 = arith.constant 0 : i32
      %dma_wait3A_345 = arith.constant 0 : i32
      %dma_wait3A_346 = tpu.memref_slice %arg4[%dma_wait3A_344, %dma_wait3A_345] : memref<80x16xf32, #tpu.memory_space<vmem>> -> memref<72x16xf32, #tpu.memory_space<vmem>>
      %dma_wait3A_347 = arith.constant 0 : i32
      %dma_wait3A_348 = tpu.memref_slice %arg6[%add3A_331, %dma_wait3A_347] : memref<10112x16xf32, #tpu.memory_space<vmem_shared>> -> memref<72x16xf32, #tpu.memory_space<vmem_shared>>
      %dma_wait3A_349 = arith.constant 0 : i32
      %dma_wait3A_350 = arith.constant 0 : i32
      %dma_wait3A_351 = tpu.memref_slice %arg4[%dma_wait3A_349, %dma_wait3A_350] : memref<80x16xf32, #tpu.memory_space<vmem>> -> memref<72x16xf32, #tpu.memory_space<vmem>>
      %dma_wait3A_352 = arith.constant 0 : i32
      %dma_wait3A_353 = tpu.memref_slice %arg6[%add3A_331, %dma_wait3A_352] : memref<10112x16xf32, #tpu.memory_space<vmem_shared>> -> memref<72x16xf32, #tpu.memory_space<vmem_shared>>
      tpu.wait_dma2 semaphore(%run_scoped3A : memref<!tpu.dma_semaphore, #tpu.memory_space<semaphore_mem>>) src(%dma_wait3A_353 : memref<72x16xf32, #tpu.memory_space<vmem_shared>>) dst(%dma_wait3A_351 : memref<72x16xf32, #tpu.memory_space<vmem>>)
      tpu.yield
    }) : () -> ()
    %add3A_332 = arith.constant 560 : i32
    %add3A_333 = arith.addi %add3A_301, %add3A_332 : i32
    "tpu.region"() ({
      %run_scoped3A = tpu.sem_alloc : memref<!tpu.dma_semaphore, #tpu.memory_space<semaphore_mem>>
      %dma_start3A_334 = arith.constant 0 : i32
      %dma_start3A_335 = arith.constant 0 : i32
      %dma_start3A_336 = tpu.memref_slice %arg4[%dma_start3A_334, %dma_start3A_335] : memref<80x16xf32, #tpu.memory_space<vmem>> -> memref<72x16xf32, #tpu.memory_space<vmem>>
      %dma_start3A_337 = arith.constant 0 : i32
      %dma_start3A_338 = tpu.memref_slice %arg3[%add3A_333, %dma_start3A_337] : memref<20224x16xf32, #tpu.memory_space<hbm>> -> memref<72x16xf32, #tpu.memory_space<hbm>>
      %dma_start3A_339 = arith.constant 0 : i32
      %dma_start3A_340 = tpu.memref_slice %arg3[%add3A_333, %dma_start3A_339] : memref<20224x16xf32, #tpu.memory_space<hbm>> -> memref<72x16xf32, #tpu.memory_space<hbm>>
      %dma_start3A_341 = arith.constant 0 : i32
      %dma_start3A_342 = arith.constant 0 : i32
      %dma_start3A_343 = tpu.memref_slice %arg4[%dma_start3A_341, %dma_start3A_342] : memref<80x16xf32, #tpu.memory_space<vmem>> -> memref<72x16xf32, #tpu.memory_space<vmem>>
      tpu.enqueue_dma source(%dma_start3A_343 : memref<72x16xf32, #tpu.memory_space<vmem>>) target(%dma_start3A_340 : memref<72x16xf32, #tpu.memory_space<hbm>>) target_semaphore(%run_scoped3A : memref<!tpu.dma_semaphore, #tpu.memory_space<semaphore_mem>>)
      %dma_wait3A_344 = arith.constant 0 : i32
      %dma_wait3A_345 = arith.constant 0 : i32
      %dma_wait3A_346 = tpu.memref_slice %arg4[%dma_wait3A_344, %dma_wait3A_345] : memref<80x16xf32, #tpu.memory_space<vmem>> -> memref<72x16xf32, #tpu.memory_space<vmem>>
      %dma_wait3A_347 = arith.constant 0 : i32
      %dma_wait3A_348 = tpu.memref_slice %arg3[%add3A_333, %dma_wait3A_347] : memref<20224x16xf32, #tpu.memory_space<hbm>> -> memref<72x16xf32, #tpu.memory_space<hbm>>
      %dma_wait3A_349 = arith.constant 0 : i32
      %dma_wait3A_350 = tpu.memref_slice %arg3[%add3A_333, %dma_wait3A_349] : memref<20224x16xf32, #tpu.memory_space<hbm>> -> memref<72x16xf32, #tpu.memory_space<hbm>>
      %dma_wait3A_351 = arith.constant 0 : i32
      %dma_wait3A_352 = arith.constant 0 : i32
      %dma_wait3A_353 = tpu.memref_slice %arg4[%dma_wait3A_351, %dma_wait3A_352] : memref<80x16xf32, #tpu.memory_space<vmem>> -> memref<72x16xf32, #tpu.memory_space<vmem>>
      tpu.wait_dma2 semaphore(%run_scoped3A : memref<!tpu.dma_semaphore, #tpu.memory_space<semaphore_mem>>) src(%dma_wait3A_353 : memref<72x16xf32, #tpu.memory_space<vmem>>) dst(%dma_wait3A_350 : memref<72x16xf32, #tpu.memory_space<hbm>>)
      tpu.yield
    }) : () -> ()
    return
  }
}

module attributes {stable_mosaic.version = 14 : i64} {
  func.func @_final_body(%arg0: i32, %arg1: memref<1x1000x128xf32, #tpu.memory_space<vmem>>, %arg2: memref<1x1000x128xf32, #tpu.memory_space<vmem>>, %arg3: memref<1000x128xf32, #tpu.memory_space<vmem>>, %arg4: memref<1x1000x16xf32, #tpu.memory_space<vmem>>, %arg5: memref<1x1000x16xf32, #tpu.memory_space<vmem>>, %arg6: memref<1x128xf32, #tpu.memory_space<vmem>>, %arg7: memref<1000x128xf32, #tpu.memory_space<vmem>>) attributes {dimension_semantics = [#tpu.dimension_semantics<arbitrary>], iteration_bounds = array<i64: 10>, scalar_prefetch = 0 : i64, scratch_operands = 0 : i64, tpu.core_type = #tpu.core_type<tc>, window_params = [{transform_indices = @transform_0, window_bounds = array<i64: 1, 1000, 128>}, {transform_indices = @transform_1, window_bounds = array<i64: 1, 1000, 128>}, {transform_indices = @transform_2, window_bounds = array<i64: 1000, 128>}, {transform_indices = @transform_3, window_bounds = array<i64: 1, 1000, 16>}, {transform_indices = @transform_4, window_bounds = array<i64: 1, 1000, 16>}, {pipeline_mode = #tpu.pipeline_mode<synchronous>, transform_indices = @transform_5, window_bounds = array<i64: 1, 128>}, {transform_indices = @transform_6, window_bounds = array<i64: 1000, 128>}]} {
    %get3A = arith.constant 0 : index
    %get3A_0 = arith.constant 0 : index
    %get3A_1 = arith.constant 0 : index
    %get3A_2 = vector.load %arg4[%get3A, %get3A_0, %get3A_1] : memref<1x1000x16xf32, #tpu.memory_space<vmem>>, vector<1x1000x1xf32>
    %get3A_3 = vector.shape_cast %get3A_2 : vector<1x1000x1xf32> to vector<1000x1xf32>
    %get3A_4 = arith.constant 0 : index
    %get3A_5 = arith.constant 0 : index
    %get3A_6 = arith.constant 0 : index
    %get3A_7 = vector.load %arg5[%get3A_4, %get3A_5, %get3A_6] : memref<1x1000x16xf32, #tpu.memory_space<vmem>>, vector<1x1000x1xf32>
    %get3A_8 = vector.shape_cast %get3A_7 : vector<1x1000x1xf32> to vector<1000x1xf32>
    %add3A = arith.addf %get3A_3, %get3A_8 : vector<1000x1xf32>
    %add3A_9 = arith.constant 1.000000e+00 : f32
    %add3A_10 = vector.broadcast %add3A_9 : f32 to vector<1000x1xf32>
    %add3A_11 = arith.addf %add3A, %add3A_10 : vector<1000x1xf32>
    %rsqrt3A = math.rsqrt %add3A_11 : vector<1000x1xf32>
    %get3A_12 = arith.constant 0 : index
    %get3A_13 = arith.constant 0 : index
    %get3A_14 = arith.constant 0 : index
    %get3A_15 = vector.load %arg1[%get3A_12, %get3A_13, %get3A_14] : memref<1x1000x128xf32, #tpu.memory_space<vmem>>, vector<1x1000x128xf32>
    %get3A_16 = vector.shape_cast %get3A_15 : vector<1x1000x128xf32> to vector<1000x128xf32>
    %get3A_17 = arith.constant 0 : index
    %get3A_18 = arith.constant 0 : index
    %get3A_19 = arith.constant 0 : index
    %get3A_20 = vector.load %arg2[%get3A_17, %get3A_18, %get3A_19] : memref<1x1000x128xf32, #tpu.memory_space<vmem>>, vector<1x1000x128xf32>
    %get3A_21 = vector.shape_cast %get3A_20 : vector<1x1000x128xf32> to vector<1000x128xf32>
    %add3A_22 = arith.addf %get3A_16, %get3A_21 : vector<1000x128xf32>
    %get3A_23 = arith.constant 0 : index
    %get3A_24 = arith.constant 0 : index
    %get3A_25 = vector.load %arg3[%get3A_23, %get3A_24] : memref<1000x128xf32, #tpu.memory_space<vmem>>, vector<1000x128xf32>
    %add3A_26 = arith.addf %add3A_22, %get3A_25 : vector<1000x128xf32>
    %mul3A = vector.broadcast %rsqrt3A : vector<1000x1xf32> to vector<1000x128xf32>
    %mul3A_27 = arith.mulf %mul3A, %add3A_26 : vector<1000x128xf32>
    %get3A_28 = arith.constant 0 : index
    %get3A_29 = arith.constant 0 : index
    %get3A_30 = vector.load %arg6[%get3A_28, %get3A_29] : memref<1x128xf32, #tpu.memory_space<vmem>>, vector<1x128xf32>
    %add3A_31 = vector.broadcast %get3A_30 : vector<1x128xf32> to vector<1000x128xf32>
    %add3A_32 = arith.addf %mul3A_27, %add3A_31 : vector<1000x128xf32>
    %max3A = arith.constant 0.000000e+00 : f32
    %max3A_33 = vector.broadcast %max3A : f32 to vector<1000x128xf32>
    %max3A_34 = arith.maximumf %add3A_32, %max3A_33 : vector<1000x128xf32>
    %swap3A = arith.constant 0 : index
    %swap3A_35 = arith.constant 0 : index
    %swap3A_36 = vector.load %arg7[%swap3A, %swap3A_35] : memref<1000x128xf32, #tpu.memory_space<vmem>>, vector<1000x128xf32>
    tpu.vector_store %arg7[%swap3A, %swap3A_35], %max3A_34 {strides = array<i32>} : memref<1000x128xf32, #tpu.memory_space<vmem>>, vector<1000x128xf32>,
    return
  }
  func.func @transform_0(%arg0: i32) -> (i32, i32, i32) {
    %c0_i32 = arith.constant 0 : i32
    %c0_i32_0 = arith.constant 0 : i32
    %c0_i32_1 = arith.constant 0 : i32
    return %c0_i32, %arg0, %c0_i32_0 : i32, i32, i32
  }
  func.func @transform_1(%arg0: i32) -> (i32, i32, i32) {
    %c1_i32 = arith.constant 1 : i32
    %c0_i32 = arith.constant 0 : i32
    %c0_i32_0 = arith.constant 0 : i32
    return %c1_i32, %arg0, %c0_i32 : i32, i32, i32
  }
  func.func @transform_2(%arg0: i32) -> (i32, i32) {
    %c0_i32 = arith.constant 0 : i32
    %c0_i32_0 = arith.constant 0 : i32
    return %arg0, %c0_i32 : i32, i32
  }
  func.func @transform_3(%arg0: i32) -> (i32, i32, i32) {
    %c0_i32 = arith.constant 0 : i32
    %c0_i32_0 = arith.constant 0 : i32
    %c0_i32_1 = arith.constant 0 : i32
    return %c0_i32, %arg0, %c0_i32_0 : i32, i32, i32
  }
  func.func @transform_4(%arg0: i32) -> (i32, i32, i32) {
    %c1_i32 = arith.constant 1 : i32
    %c0_i32 = arith.constant 0 : i32
    %c0_i32_0 = arith.constant 0 : i32
    return %c1_i32, %arg0, %c0_i32 : i32, i32, i32
  }
  func.func @transform_5(%arg0: i32) -> (i32, i32) {
    %c0_i32 = arith.constant 0 : i32
    %c0_i32_0 = arith.constant 0 : i32
    %c0_i32_1 = arith.constant 0 : i32
    return %c0_i32, %c0_i32_0 : i32, i32
  }
  func.func @transform_6(%arg0: i32) -> (i32, i32) {
    %c0_i32 = arith.constant 0 : i32
    %c0_i32_0 = arith.constant 0 : i32
    return %arg0, %c0_i32 : i32, i32
  }
}

module attributes {stable_mosaic.version = 14 : i64} {
  func.func @_mmscale_body(%arg0: i32, %arg1: memref<1000x128xf32, #tpu.memory_space<vmem>>, %arg2: memref<128x128xf32, #tpu.memory_space<vmem>>, %arg3: memref<1x1000x16xf32, #tpu.memory_space<vmem>>, %arg4: memref<1x1000x16xf32, #tpu.memory_space<vmem>>, %arg5: memref<1000x128xf32, #tpu.memory_space<vmem>>) attributes {dimension_semantics = [#tpu.dimension_semantics<arbitrary>], iteration_bounds = array<i64: 10>, scalar_prefetch = 0 : i64, scratch_operands = 0 : i64, tpu.core_type = #tpu.core_type<tc>, window_params = [{transform_indices = @transform_0, window_bounds = array<i64: 1000, 128>}, {pipeline_mode = #tpu.pipeline_mode<synchronous>, transform_indices = @transform_1, window_bounds = array<i64: 128, 128>}, {transform_indices = @transform_2, window_bounds = array<i64: 1, 1000, 16>}, {transform_indices = @transform_3, window_bounds = array<i64: 1, 1000, 16>}, {transform_indices = @transform_4, window_bounds = array<i64: 1000, 128>}]} {
    %get3A = arith.constant 0 : index
    %get3A_0 = arith.constant 0 : index
    %get3A_1 = arith.constant 0 : index
    %get3A_2 = vector.load %arg3[%get3A, %get3A_0, %get3A_1] : memref<1x1000x16xf32, #tpu.memory_space<vmem>>, vector<1x1000x1xf32>
    %get3A_3 = vector.shape_cast %get3A_2 : vector<1x1000x1xf32> to vector<1000x1xf32>
    %get3A_4 = arith.constant 0 : index
    %get3A_5 = arith.constant 0 : index
    %get3A_6 = arith.constant 0 : index
    %get3A_7 = vector.load %arg4[%get3A_4, %get3A_5, %get3A_6] : memref<1x1000x16xf32, #tpu.memory_space<vmem>>, vector<1x1000x1xf32>
    %get3A_8 = vector.shape_cast %get3A_7 : vector<1x1000x1xf32> to vector<1000x1xf32>
    %add3A = arith.addf %get3A_3, %get3A_8 : vector<1000x1xf32>
    %add3A_9 = arith.constant 1.000000e+00 : f32
    %add3A_10 = vector.broadcast %add3A_9 : f32 to vector<1000x1xf32>
    %add3A_11 = arith.addf %add3A, %add3A_10 : vector<1000x1xf32>
    %get3A_12 = arith.constant 0 : index
    %get3A_13 = arith.constant 0 : index
    %get3A_14 = vector.load %arg1[%get3A_12, %get3A_13] : memref<1000x128xf32, #tpu.memory_space<vmem>>, vector<1000x128xf32>
    %get3A_15 = arith.constant 0 : index
    %get3A_16 = arith.constant 0 : index
    %get3A_17 = vector.load %arg2[%get3A_15, %get3A_16] : memref<128x128xf32, #tpu.memory_space<vmem>>, vector<128x128xf32>
    %dot_general3A = arith.constant dense<0.000000e+00> : vector<1000x128xf32>
    %dot_general3A_18 = tpu.matmul %get3A_14, %get3A_17, %dot_general3A {dimension_numbers = #tpu.dot_dimension_numbers<[1], [0], [0], [1], [0, 0, 1, 1], [], []>, transpose_lhs_hint = false} : vector<1000x128xf32>, vector<128x128xf32>, vector<1000x128xf32> -> vector<1000x128xf32>
    %rsqrt3A = math.rsqrt %add3A_11 : vector<1000x1xf32>
    %mul3A = vector.broadcast %rsqrt3A : vector<1000x1xf32> to vector<1000x128xf32>
    %mul3A_19 = arith.mulf %dot_general3A_18, %mul3A : vector<1000x128xf32>
    %swap3A = arith.constant 0 : index
    %swap3A_20 = arith.constant 0 : index
    %swap3A_21 = vector.load %arg5[%swap3A, %swap3A_20] : memref<1000x128xf32, #tpu.memory_space<vmem>>, vector<1000x128xf32>
    tpu.vector_store %arg5[%swap3A, %swap3A_20], %mul3A_19 {strides = array<i32>} : memref<1000x128xf32, #tpu.memory_space<vmem>>, vector<1000x128xf32>,
    return
  }
  func.func @transform_0(%arg0: i32) -> (i32, i32) {
    %c0_i32 = arith.constant 0 : i32
    %c0_i32_0 = arith.constant 0 : i32
    return %arg0, %c0_i32 : i32, i32
  }
  func.func @transform_1(%arg0: i32) -> (i32, i32) {
    %c0_i32 = arith.constant 0 : i32
    %c0_i32_0 = arith.constant 0 : i32
    %c0_i32_1 = arith.constant 0 : i32
    return %c0_i32, %c0_i32_0 : i32, i32
  }
  func.func @transform_2(%arg0: i32) -> (i32, i32, i32) {
    %c0_i32 = arith.constant 0 : i32
    %c0_i32_0 = arith.constant 0 : i32
    %c0_i32_1 = arith.constant 0 : i32
    return %c0_i32, %arg0, %c0_i32_0 : i32, i32, i32
  }
  func.func @transform_3(%arg0: i32) -> (i32, i32, i32) {
    %c1_i32 = arith.constant 1 : i32
    %c0_i32 = arith.constant 0 : i32
    %c0_i32_0 = arith.constant 0 : i32
    return %c1_i32, %arg0, %c0_i32 : i32, i32, i32
  }
  func.func @transform_4(%arg0: i32) -> (i32, i32) {
    %c0_i32 = arith.constant 0 : i32
    %c0_i32_0 = arith.constant 0 : i32
    return %arg0, %c0_i32 : i32, i32
  }
}

</mosaic_0001>

<sc_bundles>
// kernel: kernel.6.cloned.1.call-start
scs
__scs_entry_jumppad:
0x0: {  	(pc) =	sbr.rel $0x88, $3  }
0x1: {  	(tag) =	ssettag $0x0;
	lr =	simm.s32 $0x1  }
0x2: {  	[smem:$0x3F9D] =	sst lr;
	_ =	strace $0xD0000000  }
0x3: {  	_ = 	snop  }
0x4: {  	_ = 	snop  }
0x5: {  	_ = 	snop  }
0x6: {  	_ = 	snop  }
0x7: {  	_ = 	snop  }
__scs_overlays_trampoline_lowered:
0x8: {  	[smem:$0x3FAC] =	sst s0  }
0x9: {  	[smem:$0x3FAD] =	sst s1  }
0xa: {  	[smem:$0x3FAE] =	sst s2  }
0xb: {  	[smem:$0x3FAF] =	sst s3  }
0xc: {  	[smem:$0x3FB0] =	sst s4  }
0xd: {  	[smem:$0x3FB1] =	sst s5  }
0xe: {  	[smem:$0x3FB2] =	sst s6  }
0xf: {  	[smem:$0x3FB3] =	sst s7  }
0x10: {  	[smem:$0x3FB4] =	sst s8  }
0x11: {  	[smem:$0x3FB5] =	sst s9;
	s0 =	simm.s32 @!p0 $0x0  }
0x12: {  	s1 =	sld [smem:$0x3F9B];
	s0 =	simm.s32 @p0 $0x1  }
0x13: {  	[smem:$0x3FB6] =	sst s0;
	s0 =	simm.s32 @!p1 $0x0  }
0x14: {  	s2 =	sld [smem:$0x3F9A];
	s0 =	simm.s32 @p1 $0x1  }
0x15: {  	[smem:$0x3FB7] =	sst s0;
	s0 =	simm.s32 @!p2 $0x0  }
0x16: {  	s3 =	sld [smem:$0x3FDB];
	s0 =	simm.s32 @p2 $0x1  }
0x17: {  	s4 =	simm.s32 $0x1BF5;
	[smem:$0x3FB9] =	sst s0  }
0x18: {  	s0 =	sld [smem:$0x3F9C];
	_ =	swait.ge [sflag:s4], $0x0  }
0x19: {  	s7 =	sld [smem:$0x3F9D]  }
0x1a: {  	s8 =	sadd.s32 $0xFFFFE003, lr  }
0x1b: {  	s9 =	sadd.s32 $0xFFFFFEF7, lr;
	s5 =	simm.s32 $0xFFFFFFFF;
	p2 =	slt.u32 s8, $0xFFFFF086  }
0x1c: {  	p1 =	slt.u32 s9, $0xF7A;
	s5 =	simm.s32 @!p2 $0x0  }
0x1d: {  	s5 =	simm.s32 @p1 $0x1;
	p0 =	seq.s32 s7, s2  }
0x1e: {  	s7 =	smul.u32 @!p0 $0xF7A, s2;
	p2 =	seq.s32 @!p0 s5, $0x0  }
0x1f: {  	s9 =	smul.u32 $0xF7A, s1;
	s8 =	simm.s32 @!p0 $0x1BF5;
	p2 =	por !p2, p0  }
0x20: {  	[sflag:s8] =	ssyncset.s32 @!p0 $0xFFFFF086;
	s6 =	sadd.s32 @!p0 s3, s7;
	s7 =	simm.s32 @!p0 $0x108  }
0x21: {  	s3 =	sadd.s32 s3, s9;
	s6 =	sadd.s32 @!p0 $0x88, s6;
	s7 =	simm.s32 @p2 $0x1082  }
0x22: {  	[simem:s7], [sflag:s8] =	dma.local @!p0 [hbm:s6], $0xF7A  }
0x23: {  	s9 =	sor.u32 $0xD0000000, s2;
	s6 =	simm.s32 $0x108;
	_ =	swait.ge @!p0 [sflag:s8], $0x0  }
0x24: {  	s3 =	sadd.s32 $0x88, s3;
	s6 =	simm.s32 @!p1 $0x1082;
	[sflag:s4] =	ssyncset.s32 $0xFFFFF086  }
0x25: {  	[simem:s6], [sflag:s4] =	dma.local [hbm:s3], $0xF7A  }
0x26: {  	[smem:$0x3F9D] =	sst s1;
	(tag) =	ssettag s2;
	_ =	strace s9  }
0x27: {  	s1 =	sld [smem:$0x3FAD]  }
0x28: {  	s2 =	sld [smem:$0x3FAE]  }
0x29: {  	s4 =	sld [smem:$0x3FB0]  }
0x2a: {  	p0 =	seq.s32 s5, $0x0;
	s5 =	sld [smem:$0x3FB1]  }
0x2b: {  	s6 =	sld [smem:$0x3FB2]  }
0x2c: {  	s7 =	sld [smem:$0x3FB3]  }
0x2d: {  	s3 =	simm.s32 $0x108;
	s8 =	sld [smem:$0x3FB4]  }
0x2e: {  	s3 =	simm.s32 @!p0 $0x1082;
	s9 =	sld [smem:$0x3FB5]  }
0x2f: {  	lr =	sadd.s32 s0, s3;
	s0 =	sld [smem:$0x3FAC]  }
0x30: {  	s3 =	sld [smem:$0x3FAF]  }
0x31: {  	[smem:$0x3FB8] =	sst s10  }
0x32: {  	s10 =	sld [smem:$0x3FB6];
	_ =	sdelay $0x3  }
0x33: {  	p0 =	seq.s32 s10, $0x1;
	s10 =	sld [smem:$0x3FB8];
	_ =	sdelay $0x3  }
0x34: {  	[smem:$0x3FB8] =	sst s10  }
0x35: {  	s10 =	sld [smem:$0x3FB7];
	_ =	sdelay $0x3  }
0x36: {  	p1 =	seq.s32 s10, $0x1;
	s10 =	sld [smem:$0x3FB8];
	_ =	sdelay $0x3  }
0x37: {  	[smem:$0x3FB8] =	sst s10  }
0x38: {  	s10 =	sld [smem:$0x3FB9]  }
0x39: {  	_ = 	snop;
	(pc) =	sbr.ind lr, $3  }
0x3a: {  	_ = 	snop  }
0x3b: {  	_ = 	snop  }
0x3c: {  	p2 =	seq.s32 s10, $0x1;
	s10 =	sld [smem:$0x3FB8]  }
0x3d: {  	_ =	shalt  }
0x3e: {  	_ =	shalt  }
0x3f: {  	_ =	shalt  }
0x40: {  	_ =	shalt  }
0x41: {  	_ =	shalt  }
0x42: {  	_ =	shalt  }
0x43: {  	_ =	shalt  }
0x44: {  	_ =	shalt  }
0x45: {  	_ =	shalt  }
0x46: {  	_ =	shalt  }
0x47: {  	_ =	shalt  }
0x48: {  	_ =	shalt  }
0x49: {  	_ =	shalt  }
0x4a: {  	_ =	shalt  }
0x4b: {  	_ =	shalt  }
0x4c: {  	_ =	shalt  }
0x4d: {  	_ =	shalt  }
0x4e: {  	_ =	shalt  }
0x4f: {  	_ =	shalt  }
0x50: {  	_ =	shalt  }
0x51: {  	_ =	shalt  }
0x52: {  	_ =	shalt  }
0x53: {  	_ =	shalt  }
0x54: {  	_ =	shalt  }
0x55: {  	_ =	shalt  }
0x56: {  	_ =	shalt  }
0x57: {  	_ =	shalt  }
0x58: {  	_ =	shalt  }
0x59: {  	_ =	shalt  }
0x5a: {  	_ =	shalt  }
0x5b: {  	_ =	shalt  }
0x5c: {  	_ =	shalt  }
0x5d: {  	_ =	shalt  }
0x5e: {  	_ =	shalt  }
0x5f: {  	_ =	shalt  }
0x60: {  	_ =	shalt  }
0x61: {  	_ =	shalt  }
0x62: {  	_ =	shalt  }
0x63: {  	_ =	shalt  }
0x64: {  	_ =	shalt  }
0x65: {  	_ =	shalt  }
0x66: {  	_ =	shalt  }
0x67: {  	_ =	shalt  }
0x68: {  	_ =	shalt  }
0x69: {  	_ =	shalt  }
0x6a: {  	_ =	shalt  }
0x6b: {  	_ =	shalt  }
0x6c: {  	_ =	shalt  }
0x6d: {  	_ =	shalt  }
0x6e: {  	_ =	shalt  }
0x6f: {  	_ =	shalt  }
0x70: {  	_ =	shalt  }
0x71: {  	_ =	shalt  }
0x72: {  	_ =	shalt  }
0x73: {  	_ =	shalt  }
0x74: {  	_ =	shalt  }
0x75: {  	_ =	shalt  }
0x76: {  	_ =	shalt  }
0x77: {  	_ =	shalt  }
0x78: {  	_ =	shalt  }
0x79: {  	_ =	shalt  }
0x7a: {  	_ =	shalt  }
0x7b: {  	_ =	shalt  }
0x7c: {  	_ =	shalt  }
0x7d: {  	_ =	shalt  }
0x7e: {  	_ =	shalt  }
0x7f: {  	_ =	shalt  }
0x80: {  	_ =	shalt  }
0x81: {  	_ =	shalt  }
0x82: {  	_ =	shalt  }
0x83: {  	_ =	shalt  }
0x84: {  	_ =	shalt  }
0x85: {  	_ =	shalt  }
0x86: {  	_ =	shalt  }
0x87: {  	_ =	shalt  }
.Lfunc_end0:
.L_simem_size_0:
called_computation_lowered:
.L_overlay_start_0:
0x88: {  	s2 =	sld [smem:$0x3FD9]  }
0x89: {  	s3 =	sld [smem:$0x3FFE];
	_ =	sdelay $0x1  }
0x8a: {  	s1 =	srdreg.scid  }
0x8b: {  	s0 =	sand.u32 $0x1, s1  }
0x8c: {  	s16 =	sshll.u32 s0, $0xA;
	s2 =	sadd.s32 s3, s2  }
0x8d: {  	s2 =	sadd.s32 s2, s16  }
0x8e: {  	[smem:$0x3FC4] =	sst s2  }
0x8f: {  	_ = 	snop  }
0x90: {  	(tm) =	ssettm $0x1  }
0x91: {  	s17 =	sld [smem:$0x3FFB];
	_ =	sdelay $0x3  }
0x92: {  	_ =	strace s17  }
0x93: {  	s2 =	sld [smem:$0x3FFC];
	_ =	sdelay $0x3  }
0x94: {  	_ =	strace s2  }
0x95: {  	s2 =	sld [smem:$0x3FFD];
	_ =	sdelay $0x3  }
0x96: {  	_ =	strace s2  }
0x97: {  	_ =	strace $0x8FFFFFFF  }
0x98: {  	s18 =	sld [smem:$0x3FDB];
	_ =	sdelay $0x1  }
0x99: {  	s19 =	simm.s32 $_scs_section_size  }
0x9a: {  	s4 =	simm.s32 $_size__tile_overlayer_lowered;
	s5 =	simm.s32 $_tile_overlayer_lowered  }
0x9b: {  	s22 =	simm.s32 $0x1BFF;
	s21 =	sshll.u32 s5, $0x1;
	s2 =	sadd.s32 s19, s18  }
0x9c: {  	s6 =	simm.s32 $0x0;
	s20 =	sshll.u32 s4, $0x1;
	s4 =	sadd.s32 s21, s2  }
0x9d: {  	[timem:s6], [sflag:s22] =	dma.local [hbm:s4], s20  }
0x9e: {  	_ =	swait.ge [sflag:s22], s20  }
0x9f: {  	s3 =	ssub.s32 $0x0, s20;
	[sflag:s22] =	ssyncset.done $0x0  }
0xa0: {  	[sflag:s22] =	ssyncadd.s32 s3;
	_ =	sdelay $0x1  }
0xa1: {  	s23 =	simm.s32 $0x1B8B  }
0xa2: {  	_ =	swait.ge [sflag:s23], $0x1  }
0xa3: {  	[sflag:s23] =	ssyncset.done $0x0  }
0xa4: {  	s25 =	simm.s32 $0x1B8E;
	s24 =	sld [smem:$0x3FFE];
	[sflag:s23] =	ssyncadd.s32 $0xFFFFFFFF  }
0xa5: {  	s26 =	simm.s32 $execute0_lowered;
	[smem:$0x3FD2] =	sst s25  }
0xa6: {  	s4 =	sshll.u32 s26, $0x1;
	_ =	strace $0x80000046;
	[dreg:$0x1] =	wrdreg $0xFFFFFFFF  }
0xa7: {  	s28 =	simm.s32 $_size_execute0_lowered;
	s2 =	sadd.s32 s2, s4;
	[dreg:$0x0] =	wrdreg $0x0  }
0xa8: {  	s4 =	sshll.u32 s28, $0x1;
	[dreg:$0x2] =	wrdreg s2  }
0xa9: {  	[dreg:$0x3] =	wrdreg s4  }
0xaa: {  	[dreg:$0x4] =	wrdreg $0xC0  }
0xab: {  	_ =	task [dreg:s6], $0x5FFFF  }
0xac: {  	[dreg:$0x1] =	wrdreg $0xFFFFFFFF  }
0xad: {  	[dreg:$0x0] =	wrdreg $0x60  }
0xae: {  	[dreg:$0x2] =	wrdreg s24  }
0xaf: {  	[dreg:$0x3] =	wrdreg $0x68000  }
0xb0: {  	[dreg:$0x4] =	wrdreg $0x9  }
0xb1: {  	_ =	task.clear_ibuf [dreg:s6], $0x5FFFF;
	_ =	strace $0x90000046  }
0xb2: {  	s29 =	simm.s32 $0x9;
	_ =	strace $0x80000048  }
0xb3: {  	_ =	swait.ge [sflag:s29], $0x1  }
0xb4: {  	[sflag:s29] =	ssyncadd.s32 $0xFFFFFFFF  }
0xb5: {  	_ =	strace $0x90000048  }
0xb6: {  	_ =	sfence  }
0xb7: {  	s30 =	sld [smem:$0x0];
	_ =	sdelay $0x2  }
0xb8: {  	s31 =	sshll.u32 s1, $0xD;
	s1 =	sshrl.u32 s1, $0x2  }
0xb9: {  	s3 =	sand.u32 $0x4000, s31;
	s1 =	sadd.s32 s1, s30  }
0xba: {  	s0 =	sor.u32 s3, s0;
	s1 =	sshll.u32 s1, $0x11  }
0xbb: {  	s0 =	sor.u32 s1, s0  }
0xbc: {  	s0 =	sadd.s32 $0x8F2B, s0  }
0xbd: {  	[sflag:s0] =	ssyncadd.remote.s32 $0x1  }
0xbe: {  	_ =	sfence.sel $0xFFFF  }
0xbf: {  	[dreg:$0x0] =	wrdreg $0xFFFFFFFF;
	(pc) =	sbr.abs _section_cstart, $3  }
0xc0: {  	[dreg:$0x1] =	wrdreg $0xFFFFFFFF  }
0xc1: {  	_ =	task.clear_ibuf [dreg:s6], $0x2FFFF;
	_ =	strace $0x9FFFFFFF  }
0xc2: {  	(tm) =	ssettm $0x7FFFFFFF  }
0xc3: {  	_ =	shalt  }
tec
execute0_lowered:
.L_overlay_start_1:
0x0: {  	(tag) =	ssettag $0x1  }
0x1: {  	s0 =	srdreg.scid  }
0x2: {  	s9 =	stileid.u32;
	s1 =	rddreg [dreg:$0x0]  }
0x3: {  	s2 =	rddreg [dreg:$0x1];
	s3 =	simm.s32 $0x0;
	s4 =	smul.u32 $0x278, s9  }
0x4: {  	s29 =	simm.s32 $0x6;
	s30 =	simm.s32 $0x8;
	s6 =	smul.u32 $0x4F000, s9  }
0x5: {  	s31 =	simm.s32 $0xA;
	s0 =	sand.u32 $0x1, s0;
	s20 =	smul.u32 $0x4E20, s9  }
0x6: {  	[smem:$0x7FF] =	sst s3;
	s8 =	sshll.u32 s9, $0x1;
	s5 =	smul.u32 $0x2780, s0  }
0x7: {  	_ =	strace $0x80000047;
	s18 =	ssub.s32 $0x2, s0;
	s8 =	sor.u32 s0, s8  }
0x8: {  	s0 =	smul.u32 $0x2710, s0;
	s7 =	sshrl.u32 s18, $0x1;
	s6 =	sshrl.u32 s6, $0x2  }
0x9: {  	s19 =	smul.u32 $0x2710, s8;
	s4 =	sadd.s32 s4, s5;
	s7 =	ssub.s32 s18, s7  }
0xa: {  	s23 =	sadd.s32 s6, s2;
	s0 =	sadd.s32 s0, s20;
	s5 =	sshll.u32 s4, $0x4  }
0xb: {  	s4 =	sadd.s32 $0xB800, s1;
	s10 =	sadd.s32 $0x2800, s23;
	s16 =	smax.u32 s7, $0x1  }
0xc: {  	s11 =	sadd.s32 $0x5000, s23;
	s17 =	sadd.s32 $0x190, s0;
	[dreg:$0xd] =	wrdreg s16  }
0xd: {  	s21 =	sadd.s32 $0x7800, s23;
	s9 =	sadd.s32 $0xC800, s23;
	[dreg:$0xe] =	wrdreg s17  }
0xe: {  	s6 =	sshrl.u32 s19, $0x3;
	s7 =	sadd.s32 $0xF000, s23;
	[dreg:$0x3] =	wrdreg s9  }
0xf: {  	s1 =	sadd.s32 s5, s1;
	s5 =	sadd.s32 s4, s6;
	[dreg:$0x13] =	wrdreg s7  }
0x10: {  	s22 =	sadd.s32 $0xA000, s23;
	s24 =	sadd.s32 $0x15600, s1;
	[dreg:$0x4] =	wrdreg s5  }
0x11: {  	s13 =	sadd.s32 $0x2D0, s0;
	s25 =	sadd.s32 $0x15B00, s1;
	[dreg:$0x5] =	wrdreg s24  }
0x12: {  	s18 =	sadd.s32 $0x280, s0;
	s26 =	sadd.s32 $0x16000, s1;
	[dreg:$0x6] =	wrdreg s25  }
0x13: {  	s19 =	sadd.s32 $0x230, s0;
	s28 =	sadd.s32 $0x16500, s1;
	[dreg:$0x7] =	wrdreg s26  }
0x14: {  	s0 =	sadd.s32 $0x1E0, s0;
	s8 =	sadd.s32 $0x16A00, s1;
	[dreg:$0x8] =	wrdreg s28  }
0x15: {  	s15 =	sshrl.u32 s13, $0x3;
	s12 =	sadd.s32 $0x16F00, s1;
	[dreg:$0x9] =	wrdreg s8  }
0x16: {  	s6 =	sshrl.u32 s19, $0x3;
	s14 =	sadd.s32 $0x17400, s1;
	[dreg:$0xa] =	wrdreg s12  }
0x17: {  	s0 =	sshrl.u32 s0, $0x3;
	s1 =	sadd.s32 $0x17900, s1;
	[dreg:$0xb] =	wrdreg s14  }
0x18: {  	s17 =	simm.s32 $0x1;
	s20 =	sadd.s32 s6, s4;
	[dreg:$0xc] =	wrdreg s1  }
0x19: {  	s19 =	simm.s32 $0x3;
	s0 =	sadd.s32 s0, s4;
	[dreg:$0x11] =	wrdreg s20  }
0x1a: {  	s13 =	simm.s32 $0x50;
	s1 =	sadd.s32 s15, s4;
	[dreg:$0x12] =	wrdreg s0  }
0x1b: {  	s16 =	simm.s32 $0x0;
	s24 =	sadd.s32 $0xA, s5;
	[dreg:$0xf] =	wrdreg s1  }
0x1c: {  	s8 =	sadd.s32 $0x11800, s23;
	s25 =	sadd.s32 $0x14, s5;
	[dreg:$0x15] =	wrdreg s24  }
0x1d: {  	s26 =	sadd.s32 $0x1E, s5;
	s28 =	sadd.s32 $0x28, s5;
	[dreg:$0x16] =	wrdreg s25  }
0x1e: {  	s0 =	simm.s32 $0xB;
	s20 =	simm.s32 $0x4;
	[dreg:$0x17] =	wrdreg s26  }
0x1f: {  	s12 =	simm.s32 $0x5;
	s1 =	sshrl.u32 s18, $0x3;
	[dreg:$0x18] =	wrdreg s28  }
0x20: {  	s14 =	simm.s32 $0x7;
	[dreg:$0x14] =	wrdreg s8;
	s1 =	sadd.s32 s1, s4  }
0x21: {  	v0 =	vimm.f32 $0.0e+00;
	v1 =	vimm.f32 $1.000000000e+00;
	s15 =	simm.s32 $0x9;
	s18 =	simm.s32 $0x2;
	[dreg:$0x10] =	wrdreg s1  }
.LBB2_1:
0x22: {  	s1 =	simm.s32 $0x200;
	s6 =	simm.s32 $0x0  }
.LBB2_2:
0x23: {  	p0 =	sne.s32 s1, $0x9E00;
	[tilespmem:s6+$0x0] =	vst v0;
	s6 =	smov.u32 s1;
	s1 =	sadd.s32 $0x200, s1  }
.Ltmp0:
0x24: {  	(pc) =	sbr.rel @p0 .LBB2_2-.Ltmp0, $2  }
0x25: {  	_ =	sdelay $0x2  }
0x26: {  	s6 =	sshra.s32 s6, $0x2  }
0x27: {  	[tilespmem:s6+$0x0] =	vst v0;
	s1 =	simm.s32 $0x0  }
0x28: {  	[spmem:s23] =	stream.linear.scatter [tilespmem:s1], [sflag:$0xB], $0x2800, $0x38;
	[tilespmem:$0x8F80] =	vst v63  }
0x29: {  	_ =	swait.ge [sflag:s0], $0x2800  }
0x2a: {  	[sflag:s0] =	ssyncset.done $0x0  }
0x2b: {  	[sflag:s0] =	ssyncadd.s32 $0xFFFFD800  }
0x2c: {  	[spmem:s10] =	stream.linear.scatter [tilespmem:s1], [sflag:$0xB], $0x2800, $0x38;
	[tilespmem:$0x8F80] =	vst v63  }
0x2d: {  	_ =	swait.ge [sflag:s0], $0x2800  }
0x2e: {  	[sflag:s0] =	ssyncset.done $0x0  }
0x2f: {  	[sflag:s0] =	ssyncadd.s32 $0xFFFFD800  }
0x30: {  	[spmem:s11] =	stream.linear.scatter [tilespmem:s1], [sflag:$0xB], $0x2800, $0x38;
	[tilespmem:$0x8F80] =	vst v63  }
0x31: {  	_ =	swait.ge [sflag:s0], $0x2800  }
0x32: {  	[sflag:s0] =	ssyncset.done $0x0  }
0x33: {  	[sflag:s0] =	ssyncadd.s32 $0xFFFFD800  }
0x34: {  	[spmem:s21] =	stream.linear.scatter [tilespmem:s1], [sflag:$0xB], $0x2800, $0x38;
	[tilespmem:$0x8F80] =	vst v63  }
0x35: {  	_ =	swait.ge [sflag:s0], $0x2800  }
0x36: {  	[sflag:s0] =	ssyncset.done $0x0  }
0x37: {  	[sflag:s0] =	ssyncadd.s32 $0xFFFFD800  }
0x38: {  	[spmem:s22] =	stream.linear.scatter [tilespmem:s1], [sflag:$0xB], $0x2800, $0x38;
	[tilespmem:$0x8F80] =	vst v63  }
0x39: {  	_ =	swait.ge [sflag:s0], $0x2800  }
0x3a: {  	[sflag:s0] =	ssyncset.done $0x0  }
0x3b: {  	[sflag:s0] =	ssyncadd.s32 $0xFFFFD800  }
0x3c: {  	[spmem:s9] =	stream.linear.scatter [tilespmem:s1], [sflag:$0xB], $0x2800, $0x38;
	[tilespmem:$0x8F80] =	vst v63  }
0x3d: {  	_ =	swait.ge [sflag:s0], $0x2800  }
0x3e: {  	[sflag:s0] =	ssyncset.done $0x0  }
0x3f: {  	[sflag:s0] =	ssyncadd.s32 $0xFFFFD800  }
0x40: {  	[spmem:s7] =	stream.linear.scatter [tilespmem:s1], [sflag:$0xB], $0x2800, $0x38;
	[tilespmem:$0x8F80] =	vst v63  }
0x41: {  	_ =	swait.ge [sflag:s0], $0x2800  }
0x42: {  	[sflag:s0] =	ssyncset.done $0x0  }
0x43: {  	s5 =	smov.u32 s23;
	[sflag:s0] =	ssyncadd.s32 $0xFFFFD800  }
0x44: {  	[spmem:s8] =	stream.linear.scatter [tilespmem:s1], [sflag:$0xB], $0x2400, $0x38;
	[tilespmem:$0x8F80] =	vst v63  }
0x45: {  	s24 =	smov.u32 s10;
	s25 =	smov.u32 s11;
	_ =	swait.ge [sflag:s0], $0x2400  }
0x46: {  	s26 =	smov.u32 s21;
	s28 =	smov.u32 s22;
	[sflag:s0] =	ssyncset.done $0x0  }
0x47: {  	s6 =	simm.s32 $0x0;
	s1 =	simm.s32 $0x200;
	[sflag:s0] =	ssyncadd.s32 $0xFFFFDC00  }
.LBB2_4:
0x48: {  	p0 =	sne.s32 s1, $0x9E00;
	[tilespmem:s6+$0x0] =	vst v1;
	s6 =	smov.u32 s1;
	s1 =	sadd.s32 $0x200, s1  }
.Ltmp1:
0x49: {  	(pc) =	sbr.rel @p0 .LBB2_4-.Ltmp1, $2  }
0x4a: {  	_ =	sdelay $0x2  }
0x4b: {  	s6 =	sshra.s32 s6, $0x2  }
0x4c: {  	[tilespmem:s6+$0x0] =	vst v1;
	s1 =	simm.s32 $0x0;
	s23 =	rddreg [dreg:$0x4];
	s7 =	simm.s32 $0x2800  }
0x4d: {  	[tilespmem:s7], [sflag:$0x1] =	stream.linear.gather [hbm4b:s23+s1], $0x50, $0x38;
	[tilespmem:$0x8F80] =	vst v63  }
0x4e: {  	s8 =	simm.s32 $0x2880;
	s7 =	rddreg [dreg:$0x15]  }
0x4f: {  	[tilespmem:s8], [sflag:$0x2] =	stream.linear.gather [hbm4b:s7+s1], $0x50, $0x38;
	[tilespmem:$0x8F80] =	vst v63  }
0x50: {  	s9 =	rddreg [dreg:$0x16];
	s10 =	simm.s32 $0x2900  }
0x51: {  	[tilespmem:s10], [sflag:$0x3] =	stream.linear.gather [hbm4b:s9+s1], $0x50, $0x38;
	[tilespmem:$0x8F80] =	vst v63  }
0x52: {  	s11 =	rddreg [dreg:$0x17];
	s21 =	simm.s32 $0x2980  }
0x53: {  	[tilespmem:s21], [sflag:$0x4] =	stream.linear.gather [hbm4b:s11+s1], $0x50, $0x38;
	[tilespmem:$0x8F80] =	vst v63  }
0x54: {  	s22 =	rddreg [dreg:$0x18];
	s23 =	simm.s32 $0x2A00  }
0x55: {  	[tilespmem:s23], [sflag:$0x5] =	stream.linear.gather [hbm4b:s22+s1], $0x50, $0x38;
	[tilespmem:$0x8F80] =	vst v63  }
0x56: {  	_ =	swait.ge [sflag:s17], $0x50  }
0x57: {  	s9 =	rddreg [dreg:$0xe]  }
0x58: {  	[sflag:s17] =	ssyncset.done $0x0;
	s8 =	sshrl.u32 s9, $0x3  }
0x59: {  	s10 =	simm.s32 $0x2A80;
	[sflag:s17] =	ssyncadd.s32 $0xFFFFFFB0;
	s1 =	sadd.s32 s4, s8  }
0x5a: {  	[tilespmem:s10], [sflag:$0x1] =	stream.linear.gather [hbm4b:s1+s3], $0x50, $0x38;
	[tilespmem:$0x8F80] =	vst v63  }
0x5b: {  	_ =	swait.ge [sflag:s18], $0x50  }
0x5c: {  	[sflag:s18] =	ssyncset.done $0x0  }
0x5d: {  	s11 =	simm.s32 $0x2B00;
	s10 =	rddreg [dreg:$0x12];
	[sflag:s18] =	ssyncadd.s32 $0xFFFFFFB0  }
0x5e: {  	[tilespmem:s11], [sflag:$0x2] =	stream.linear.gather [hbm4b:s10+s3], $0x50, $0x38;
	[tilespmem:$0x8F80] =	vst v63  }
0x5f: {  	_ =	swait.ge [sflag:s19], $0x50  }
0x60: {  	[sflag:s19] =	ssyncset.done $0x0  }
0x61: {  	s21 =	simm.s32 $0x2B80;
	s22 =	rddreg [dreg:$0x11];
	[sflag:s19] =	ssyncadd.s32 $0xFFFFFFB0  }
0x62: {  	[tilespmem:s21], [sflag:$0x3] =	stream.linear.gather [hbm4b:s22+s3], $0x50, $0x38;
	[tilespmem:$0x8F80] =	vst v63  }
0x63: {  	_ =	swait.ge [sflag:s20], $0x50  }
0x64: {  	s23 =	simm.s32 $0x2C00;
	s9 =	sadd.s32 $0x190, s9;
	[sflag:s20] =	ssyncset.done $0x0  }
0x65: {  	s1 =	simm.s32 $0xA00;
	s8 =	rddreg [dreg:$0x10];
	[sflag:s20] =	ssyncadd.s32 $0xFFFFFFB0  }
0x66: {  	[tilespmem:s23], [sflag:$0x4] =	stream.linear.gather [hbm4b:s8+s3], $0x50, $0x38;
	[tilespmem:$0x8F80] =	vst v63  }
0x67: {  	s6 =	sadd.s32 $0x32, s10;
	s11 =	sadd.s32 $0x32, s22;
	_ =	swait.ge [sflag:s12], $0x50  }
0x68: {  	s21 =	simm.s32 $0x2C80;
	[sflag:s12] =	ssyncset.done $0x0;
	s22 =	rddreg [dreg:$0xf]  }
0x69: {  	s8 =	sadd.s32 $0x32, s8;
	s7 =	sadd.s32 $0x32, s22;
	[sflag:s12] =	ssyncadd.s32 $0xFFFFFFB0  }
.LBB2_6:
0x6a: {  	[tilespmem:s21], [sflag:$0x5] =	stream.linear.gather [hbm4b:s22+s3], $0x50, $0x38;
	[tilespmem:$0x8F80] =	vst v63  }
0x6b: {  	s21 =	smov.u32 s1;
	s22 =	smov.u32 s7  }
0x6c: {  	p0 =	sne.s32 s1, $0xE600;
	s1 =	sadd.s32 $0xA00, s1;
	_ =	swait.ge [sflag:s17], $0x50  }
0x6d: {  	s10 =	sshrl.u32 s9, $0x3;
	s21 =	sshra.s32 s21, $0x2;
	[sflag:s17] =	ssyncset.done $0x0  }
0x6e: {  	s10 =	sadd.s32 s4, s10;
	s23 =	sadd.s32 $0x2A80, s21;
	[sflag:s17] =	ssyncadd.s32 $0xFFFFFFB0  }
0x6f: {  	[tilespmem:s23], [sflag:$0x1] =	stream.linear.gather [hbm4b:s10+s3], $0x50, $0x38;
	[tilespmem:$0x8F80] =	vst v63  }
0x70: {  	_ =	swait.ge [sflag:s18], $0x50  }
0x71: {  	[sflag:s18] =	ssyncset.done $0x0  }
0x72: {  	s10 =	sadd.s32 $0x2B00, s21;
	[sflag:s18] =	ssyncadd.s32 $0xFFFFFFB0  }
0x73: {  	[tilespmem:s10], [sflag:$0x2] =	stream.linear.gather [hbm4b:s6+s3], $0x50, $0x38;
	[tilespmem:$0x8F80] =	vst v63  }
0x74: {  	_ =	swait.ge [sflag:s19], $0x50  }
0x75: {  	[sflag:s19] =	ssyncset.done $0x0  }
0x76: {  	s10 =	sadd.s32 $0x2B80, s21;
	[sflag:s19] =	ssyncadd.s32 $0xFFFFFFB0  }
0x77: {  	[tilespmem:s10], [sflag:$0x3] =	stream.linear.gather [hbm4b:s11+s3], $0x50, $0x38;
	[tilespmem:$0x8F80] =	vst v63  }
0x78: {  	_ =	swait.ge [sflag:s20], $0x50  }
0x79: {  	[sflag:s20] =	ssyncset.done $0x0  }
.Ltmp2:
0x7a: {  	s10 =	sadd.s32 $0x2C00, s21;
	[sflag:s20] =	ssyncadd.s32 $0xFFFFFFB0;
	(pc) =	sbr.rel @p0 .LBB2_6-.Ltmp2, $4  }
0x7b: {  	[tilespmem:s10], [sflag:$0x4] =	stream.linear.gather [hbm4b:s8+s3], $0x50, $0x38;
	[tilespmem:$0x8F80] =	vst v63  }
0x7c: {  	s6 =	sadd.s32 $0x32, s6;
	s11 =	sadd.s32 $0x32, s11;
	_ =	swait.ge [sflag:s12], $0x50  }
0x7d: {  	s7 =	sadd.s32 $0x32, s7;
	s8 =	sadd.s32 $0x32, s8;
	[sflag:s12] =	ssyncset.done $0x0  }
0x7e: {  	s9 =	sadd.s32 $0x190, s9;
	s21 =	sadd.s32 $0x2C80, s21;
	[sflag:s12] =	ssyncadd.s32 $0xFFFFFFB0  }
0x7f: {  	[tilespmem:s21], [sflag:$0x5] =	stream.linear.gather [hbm4b:s22+s3], $0x50, $0x38;
	[tilespmem:$0x8F80] =	vst v63  }
0x80: {  	_ =	swait.ge [sflag:s17], $0x50  }
0x81: {  	[sflag:s17] =	ssyncset.done $0x0  }
0x82: {  	[sflag:s17] =	ssyncadd.s32 $0xFFFFFFB0  }
0x83: {  	_ =	swait.ge [sflag:s18], $0x50  }
0x84: {  	[sflag:s18] =	ssyncset.done $0x0  }
0x85: {  	[sflag:s18] =	ssyncadd.s32 $0xFFFFFFB0  }
0x86: {  	_ =	swait.ge [sflag:s19], $0x50  }
0x87: {  	[sflag:s19] =	ssyncset.done $0x0  }
0x88: {  	[sflag:s19] =	ssyncadd.s32 $0xFFFFFFB0  }
0x89: {  	_ =	swait.ge [sflag:s20], $0x50  }
0x8a: {  	[sflag:s20] =	ssyncset.done $0x0  }
0x8b: {  	[sflag:s20] =	ssyncadd.s32 $0xFFFFFFB0  }
0x8c: {  	_ =	swait.ge [sflag:s12], $0x50  }
0x8d: {  	[sflag:s12] =	ssyncset.done $0x0  }
0x8e: {  	[sflag:s12] =	ssyncadd.s32 $0xFFFFFFB0  }
0x8f: {  	s1 =	simm.s32 $0x2800;
	[bflag:$0x0] =	sbarrier.arrive $0xFFFF  }
0x90: {  	[spmem:s2] =	stream.indirect.scatter.add.f32 [tilespmem:s3], [sflag:$0x6], $0x10, s1, s13, $0xb8;
	[tilespmem:$0x8F80] =	vst v63  }
0x91: {  	s7 =	simm.s32 $0x2880  }
0x92: {  	[spmem:s2] =	stream.indirect.scatter.add.f32 [tilespmem:s3], [sflag:$0x7], $0x10, s7, s13, $0xb8;
	[tilespmem:$0x8F80] =	vst v63  }
0x93: {  	s8 =	simm.s32 $0x2900  }
0x94: {  	[spmem:s2] =	stream.indirect.scatter.add.f32 [tilespmem:s3], [sflag:$0x8], $0x10, s8, s13, $0xb8;
	[tilespmem:$0x8F80] =	vst v63  }
0x95: {  	s9 =	simm.s32 $0x2980  }
0x96: {  	[spmem:s2] =	stream.indirect.scatter.add.f32 [tilespmem:s3], [sflag:$0x9], $0x10, s9, s13, $0xb8;
	[tilespmem:$0x8F80] =	vst v63  }
0x97: {  	s10 =	simm.s32 $0x2A00  }
0x98: {  	[spmem:s2] =	stream.indirect.scatter.add.f32 [tilespmem:s3], [sflag:$0xA], $0x10, s10, s13, $0xb8;
	[tilespmem:$0x8F80] =	vst v63  }
0x99: {  	_ =	swait.ge [sflag:s29], $0x500  }
0x9a: {  	[sflag:s29] =	ssyncset.done $0x0  }
0x9b: {  	s11 =	simm.s32 $0x2A80;
	[sflag:s29] =	ssyncadd.s32 $0xFFFFFB00  }
0x9c: {  	[spmem:s2] =	stream.indirect.scatter.add.f32 [tilespmem:s3], [sflag:$0x6], $0x10, s11, s13, $0xb8;
	[tilespmem:$0x8F80] =	vst v63  }
0x9d: {  	_ =	swait.ge [sflag:s14], $0x500  }
0x9e: {  	[sflag:s14] =	ssyncset.done $0x0  }
0x9f: {  	s21 =	simm.s32 $0x2B00;
	[sflag:s14] =	ssyncadd.s32 $0xFFFFFB00  }
0xa0: {  	[spmem:s2] =	stream.indirect.scatter.add.f32 [tilespmem:s3], [sflag:$0x7], $0x10, s21, s13, $0xb8;
	[tilespmem:$0x8F80] =	vst v63  }
0xa1: {  	_ =	swait.ge [sflag:s30], $0x500  }
0xa2: {  	[sflag:s30] =	ssyncset.done $0x0  }
0xa3: {  	s22 =	simm.s32 $0x2B80;
	[sflag:s30] =	ssyncadd.s32 $0xFFFFFB00  }
0xa4: {  	[spmem:s2] =	stream.indirect.scatter.add.f32 [tilespmem:s3], [sflag:$0x8], $0x10, s22, s13, $0xb8;
	[tilespmem:$0x8F80] =	vst v63  }
0xa5: {  	_ =	swait.ge [sflag:s15], $0x500  }
0xa6: {  	[sflag:s15] =	ssyncset.done $0x0  }
0xa7: {  	s23 =	simm.s32 $0x2C00;
	[sflag:s15] =	ssyncadd.s32 $0xFFFFFB00  }
0xa8: {  	[spmem:s2] =	stream.indirect.scatter.add.f32 [tilespmem:s3], [sflag:$0x9], $0x10, s23, s13, $0xb8;
	[tilespmem:$0x8F80] =	vst v63  }
0xa9: {  	_ =	swait.ge [sflag:s31], $0x500  }
0xaa: {  	[sflag:s31] =	ssyncset.done $0x0  }
0xab: {  	s6 =	simm.s32 $0x2C80;
	s1 =	simm.s32 $0xFFFF1A00;
	[sflag:s31] =	ssyncadd.s32 $0xFFFFFB00  }
.LBB2_8:
0xac: {  	[spmem:s2] =	stream.indirect.scatter.add.f32 [tilespmem:s3], [sflag:$0xA], $0x10, s6, s13, $0xb8;
	[tilespmem:$0x8F80] =	vst v63  }
0xad: {  	s6 =	smov.u32 s1  }
0xae: {  	p0 =	sne.s32 s1, $0xFFFFF600;
	s1 =	sadd.s32 $0xA00, s1;
	_ =	swait.ge [sflag:s29], $0x500  }
0xaf: {  	s6 =	sshra.s32 s6, $0x2;
	[sflag:s29] =	ssyncset.done $0x0  }
0xb0: {  	s7 =	sadd.s32 $0x6680, s6;
	[sflag:s29] =	ssyncadd.s32 $0xFFFFFB00  }
0xb1: {  	[spmem:s2] =	stream.indirect.scatter.add.f32 [tilespmem:s3], [sflag:$0x6], $0x10, s7, s13, $0xb8;
	[tilespmem:$0x8F80] =	vst v63  }
0xb2: {  	_ =	swait.ge [sflag:s14], $0x500  }
0xb3: {  	[sflag:s14] =	ssyncset.done $0x0  }
0xb4: {  	s7 =	sadd.s32 $0x6700, s6;
	[sflag:s14] =	ssyncadd.s32 $0xFFFFFB00  }
0xb5: {  	[spmem:s2] =	stream.indirect.scatter.add.f32 [tilespmem:s3], [sflag:$0x7], $0x10, s7, s13, $0xb8;
	[tilespmem:$0x8F80] =	vst v63  }
0xb6: {  	_ =	swait.ge [sflag:s30], $0x500  }
0xb7: {  	[sflag:s30] =	ssyncset.done $0x0  }
0xb8: {  	s7 =	sadd.s32 $0x6780, s6;
	[sflag:s30] =	ssyncadd.s32 $0xFFFFFB00  }
0xb9: {  	[spmem:s2] =	stream.indirect.scatter.add.f32 [tilespmem:s3], [sflag:$0x8], $0x10, s7, s13, $0xb8;
	[tilespmem:$0x8F80] =	vst v63  }
0xba: {  	_ =	swait.ge [sflag:s15], $0x500  }
0xbb: {  	[sflag:s15] =	ssyncset.done $0x0  }
.Ltmp3:
0xbc: {  	s7 =	sadd.s32 $0x6800, s6;
	[sflag:s15] =	ssyncadd.s32 $0xFFFFFB00;
	(pc) =	sbr.rel @p0 .LBB2_8-.Ltmp3, $4  }
0xbd: {  	[spmem:s2] =	stream.indirect.scatter.add.f32 [tilespmem:s3], [sflag:$0x9], $0x10, s7, s13, $0xb8;
	[tilespmem:$0x8F80] =	vst v63  }
0xbe: {  	_ =	swait.ge [sflag:s31], $0x500  }
0xbf: {  	[sflag:s31] =	ssyncset.done $0x0  }
0xc0: {  	s6 =	sadd.s32 $0x6880, s6;
	[sflag:s31] =	ssyncadd.s32 $0xFFFFFB00  }
0xc1: {  	[spmem:s2] =	stream.indirect.scatter.add.f32 [tilespmem:s3], [sflag:$0xA], $0x10, s6, s13, $0xb8;
	[tilespmem:$0x8F80] =	vst v63  }
0xc2: {  	_ =	swait.ge [sflag:s29], $0x500  }
0xc3: {  	[sflag:s29] =	ssyncset.done $0x0  }
0xc4: {  	[sflag:s29] =	ssyncadd.s32 $0xFFFFFB00  }
0xc5: {  	_ =	swait.ge [sflag:s14], $0x500  }
0xc6: {  	[sflag:s14] =	ssyncset.done $0x0  }
0xc7: {  	[sflag:s14] =	ssyncadd.s32 $0xFFFFFB00  }
0xc8: {  	_ =	swait.ge [sflag:s30], $0x500  }
0xc9: {  	[sflag:s30] =	ssyncset.done $0x0  }
0xca: {  	[sflag:s30] =	ssyncadd.s32 $0xFFFFFB00  }
0xcb: {  	_ =	swait.ge [sflag:s15], $0x500  }
0xcc: {  	[sflag:s15] =	ssyncset.done $0x0  }
0xcd: {  	[sflag:s15] =	ssyncadd.s32 $0xFFFFFB00  }
0xce: {  	_ =	swait.ge [sflag:s31], $0x500  }
0xcf: {  	[sflag:s31] =	ssyncset.done $0x0  }
0xd0: {  	[sflag:s31] =	ssyncadd.s32 $0xFFFFFB00  }
0xd1: {  	[bflag:$0x0] =	sbarrier.arrive $0xFFFF  }
0xd2: {  	[tilespmem:s3], [sflag:$0xB] =	stream.linear.gather [spmem:s5], $0x2800, $0x38;
	[tilespmem:$0x8F80] =	vst v63  }
0xd3: {  	_ =	swait.ge [sflag:s0], $0x2800  }
0xd4: {  	[sflag:s0] =	ssyncset.done $0x0  }
0xd5: {  	s1 =	rddreg [dreg:$0x5];
	[sflag:s0] =	ssyncadd.s32 $0xFFFFD800  }
0xd6: {  	[hbm4b:s1+s3] =	stream.linear.scatter [tilespmem:s3], [sflag:$0xB], $0x2800, $0x38;
	[tilespmem:$0x8F80] =	vst v63  }
0xd7: {  	_ =	swait.ge [sflag:s0], $0x2800  }
0xd8: {  	[sflag:s0] =	ssyncset.done $0x0  }
0xd9: {  	[sflag:s0] =	ssyncadd.s32 $0xFFFFD800  }
0xda: {  	[tilespmem:s3], [sflag:$0xB] =	stream.linear.gather [spmem:s24], $0x2800, $0x38;
	[tilespmem:$0x8F80] =	vst v63  }
0xdb: {  	_ =	swait.ge [sflag:s0], $0x2800  }
0xdc: {  	[sflag:s0] =	ssyncset.done $0x0  }
0xdd: {  	s6 =	rddreg [dreg:$0x6];
	[sflag:s0] =	ssyncadd.s32 $0xFFFFD800  }
0xde: {  	[hbm4b:s6+s3] =	stream.linear.scatter [tilespmem:s3], [sflag:$0xB], $0x2800, $0x38;
	[tilespmem:$0x8F80] =	vst v63  }
0xdf: {  	_ =	swait.ge [sflag:s0], $0x2800  }
0xe0: {  	[sflag:s0] =	ssyncset.done $0x0  }
0xe1: {  	[sflag:s0] =	ssyncadd.s32 $0xFFFFD800  }
0xe2: {  	[tilespmem:s3], [sflag:$0xB] =	stream.linear.gather [spmem:s25], $0x2800, $0x38;
	[tilespmem:$0x8F80] =	vst v63  }
0xe3: {  	_ =	swait.ge [sflag:s0], $0x2800  }
0xe4: {  	[sflag:s0] =	ssyncset.done $0x0  }
0xe5: {  	s7 =	rddreg [dreg:$0x7];
	[sflag:s0] =	ssyncadd.s32 $0xFFFFD800  }
0xe6: {  	[hbm4b:s7+s3] =	stream.linear.scatter [tilespmem:s3], [sflag:$0xB], $0x2800, $0x38;
	[tilespmem:$0x8F80] =	vst v63  }
0xe7: {  	_ =	swait.ge [sflag:s0], $0x2800  }
0xe8: {  	[sflag:s0] =	ssyncset.done $0x0  }
0xe9: {  	[sflag:s0] =	ssyncadd.s32 $0xFFFFD800  }
0xea: {  	[tilespmem:s3], [sflag:$0xB] =	stream.linear.gather [spmem:s26], $0x2800, $0x38;
	[tilespmem:$0x8F80] =	vst v63  }
0xeb: {  	_ =	swait.ge [sflag:s0], $0x2800  }
0xec: {  	[sflag:s0] =	ssyncset.done $0x0  }
0xed: {  	s8 =	rddreg [dreg:$0x8];
	[sflag:s0] =	ssyncadd.s32 $0xFFFFD800  }
0xee: {  	[hbm4b:s8+s3] =	stream.linear.scatter [tilespmem:s3], [sflag:$0xB], $0x2800, $0x38;
	[tilespmem:$0x8F80] =	vst v63  }
0xef: {  	_ =	swait.ge [sflag:s0], $0x2800  }
0xf0: {  	[sflag:s0] =	ssyncset.done $0x0  }
0xf1: {  	[sflag:s0] =	ssyncadd.s32 $0xFFFFD800  }
0xf2: {  	[tilespmem:s3], [sflag:$0xB] =	stream.linear.gather [spmem:s28], $0x2800, $0x38;
	[tilespmem:$0x8F80] =	vst v63  }
0xf3: {  	_ =	swait.ge [sflag:s0], $0x2800  }
0xf4: {  	[sflag:s0] =	ssyncset.done $0x0  }
0xf5: {  	s9 =	rddreg [dreg:$0x9];
	[sflag:s0] =	ssyncadd.s32 $0xFFFFD800  }
0xf6: {  	[hbm4b:s9+s3] =	stream.linear.scatter [tilespmem:s3], [sflag:$0xB], $0x2800, $0x38;
	[tilespmem:$0x8F80] =	vst v63  }
0xf7: {  	_ =	swait.ge [sflag:s0], $0x2800  }
0xf8: {  	[sflag:s0] =	ssyncset.done $0x0  }
0xf9: {  	s9 =	rddreg [dreg:$0x3];
	[sflag:s0] =	ssyncadd.s32 $0xFFFFD800  }
0xfa: {  	[tilespmem:s3], [sflag:$0xB] =	stream.linear.gather [spmem:s9], $0x2800, $0x38;
	[tilespmem:$0x8F80] =	vst v63  }
0xfb: {  	_ =	swait.ge [sflag:s0], $0x2800  }
0xfc: {  	[sflag:s0] =	ssyncset.done $0x0  }
0xfd: {  	s10 =	smov.u32 s24;
	s24 =	rddreg [dreg:$0xa];
	[sflag:s0] =	ssyncadd.s32 $0xFFFFD800  }
0xfe: {  	[hbm4b:s24+s3] =	stream.linear.scatter [tilespmem:s3], [sflag:$0xB], $0x2800, $0x38;
	[tilespmem:$0x8F80] =	vst v63  }
0xff: {  	_ =	swait.ge [sflag:s0], $0x2800  }
0x100: {  	[sflag:s0] =	ssyncset.done $0x0  }
0x101: {  	s7 =	rddreg [dreg:$0x13];
	[sflag:s0] =	ssyncadd.s32 $0xFFFFD800  }
0x102: {  	[tilespmem:s3], [sflag:$0xB] =	stream.linear.gather [spmem:s7], $0x2800, $0x38;
	[tilespmem:$0x8F80] =	vst v63  }
0x103: {  	_ =	swait.ge [sflag:s0], $0x2800  }
0x104: {  	[sflag:s0] =	ssyncset.done $0x0  }
0x105: {  	s11 =	smov.u32 s25;
	s25 =	rddreg [dreg:$0xb];
	[sflag:s0] =	ssyncadd.s32 $0xFFFFD800  }
0x106: {  	[hbm4b:s25+s3] =	stream.linear.scatter [tilespmem:s3], [sflag:$0xB], $0x2800, $0x38;
	[tilespmem:$0x8F80] =	vst v63  }
0x107: {  	_ =	swait.ge [sflag:s0], $0x2800  }
0x108: {  	[sflag:s0] =	ssyncset.done $0x0  }
0x109: {  	s8 =	rddreg [dreg:$0x14];
	[sflag:s0] =	ssyncadd.s32 $0xFFFFD800  }
0x10a: {  	[tilespmem:s3], [sflag:$0xB] =	stream.linear.gather [spmem:s8], $0x2400, $0x38;
	[tilespmem:$0x8F80] =	vst v63  }
0x10b: {  	_ =	swait.ge [sflag:s0], $0x2400  }
0x10c: {  	[sflag:s0] =	ssyncset.done $0x0  }
0x10d: {  	s21 =	smov.u32 s26;
	s26 =	rddreg [dreg:$0xc];
	[sflag:s0] =	ssyncadd.s32 $0xFFFFDC00  }
0x10e: {  	[hbm4b:s26+s3] =	stream.linear.scatter [tilespmem:s3], [sflag:$0xB], $0x2400, $0x38;
	[tilespmem:$0x8F80] =	vst v63  }
0x10f: {  	_ =	swait.ge [sflag:s0], $0x2400  }
0x110: {  	s22 =	smov.u32 s28;
	s16 =	sadd.s32 $0x1, s16;
	s28 =	rddreg [dreg:$0xd]  }
0x111: {  	p0 =	sne.s32 s16, s28  }
.Ltmp4:
0x112: {  	_ = 	snop;
	(pc) =	sbr.rel @p0 .LBB2_1-.Ltmp4, $3  }
0x113: {  	_ =	sdelay $0x1  }
0x114: {  	[sflag:s0] =	ssyncset.done $0x0  }
0x115: {  	s23 =	smov.u32 s5;
	[sflag:s0] =	ssyncadd.s32 $0xFFFFDC00  }
0x116: {  	_ =	sfence.sel $0x180000  }
0x117: {  	[bflag:$0x0] =	sbarrier.arrive $0xFFFF  }
0x118: {  	_ =	strace $0x90000047  }
0x119: {  	s0 =	stileid.u32;
	[bflag:$0x2] =	sbarrier.arrive $0xFFFF  }
0x11a: {  	p0 =	sne.s32 s0, $0x0;
	s0 =	rddreg [dreg:$0x2]  }
0x11b: {  	s0 =	sadd.s32 @!p0 $0x100000, s0  }
0x11c: {  	[sflag:s0] =	ssyncadd.tile.s32 @!p0 $0x1;
	_ =	shalt  }
.Lfunc_end2:
_tile_overlayer_lowered:
.L_overlay_start_2:
0x11d: {  	(tag) =	ssettag $0x2  }
0x11e: {  	s0 =	rddreg [dreg:$0x0];
	s2 =	stileid.u32  }
0x11f: {  	s1 =	rddreg [dreg:$0x1];
	p0 =	sne.s32 s2, $0x0  }
0x120: {  	s3 =	rddreg [dreg:$0x2];
	[bflag:$0x3] =	sbarrier.arrive $0xFFFF;
	s2 =	simm.s32 @!p0 $0x1C0B  }
0x121: {  	[timem:s3], [sflag:s2] =	dma.local @!p0 [hbm:s0], s1  }
0x122: {  	s0 =	simm.s32 @!p0 $0xB  }
0x123: {  	_ =	swait.ge @!p0 [sflag:s0], s1  }
0x124: {  	s1 =	ssub.s32 @!p0 $0x0, s1;
	[sflag:s0] =	ssyncset.done @!p0 $0x0  }
0x125: {  	[sflag:s0] =	ssyncadd.s32 @!p0 s1  }
0x126: {  	[bflag:$0x3] =	sbarrier.arrive $0xFFFF  }
0x127: {  	_ =	shalt  }

// kernel: kernel.9.cloned.1.call-start
scs
__scs_entry_jumppad:
0x0: {  	(pc) =	sbr.rel $0x88, $3  }
0x1: {  	(tag) =	ssettag $0x0;
	lr =	simm.s32 $0x1  }
0x2: {  	[smem:$0x3F9D] =	sst lr;
	_ =	strace $0xD0000000  }
0x3: {  	_ = 	snop  }
0x4: {  	_ = 	snop  }
0x5: {  	_ = 	snop  }
0x6: {  	_ = 	snop  }
0x7: {  	_ = 	snop  }
__scs_overlays_trampoline_lowered:
0x8: {  	[smem:$0x3FAC] =	sst s0  }
0x9: {  	[smem:$0x3FAD] =	sst s1  }
0xa: {  	[smem:$0x3FAE] =	sst s2  }
0xb: {  	[smem:$0x3FAF] =	sst s3  }
0xc: {  	[smem:$0x3FB0] =	sst s4  }
0xd: {  	[smem:$0x3FB1] =	sst s5  }
0xe: {  	[smem:$0x3FB2] =	sst s6  }
0xf: {  	[smem:$0x3FB3] =	sst s7  }
0x10: {  	[smem:$0x3FB4] =	sst s8  }
0x11: {  	[smem:$0x3FB5] =	sst s9;
	s0 =	simm.s32 @!p0 $0x0  }
0x12: {  	s1 =	sld [smem:$0x3F9B];
	s0 =	simm.s32 @p0 $0x1  }
0x13: {  	[smem:$0x3FB6] =	sst s0;
	s0 =	simm.s32 @!p1 $0x0  }
0x14: {  	s2 =	sld [smem:$0x3F9A];
	s0 =	simm.s32 @p1 $0x1  }
0x15: {  	[smem:$0x3FB7] =	sst s0;
	s0 =	simm.s32 @!p2 $0x0  }
0x16: {  	s3 =	sld [smem:$0x3FDB];
	s0 =	simm.s32 @p2 $0x1  }
0x17: {  	s4 =	simm.s32 $0x1BF5;
	[smem:$0x3FB9] =	sst s0  }
0x18: {  	s0 =	sld [smem:$0x3F9C];
	_ =	swait.ge [sflag:s4], $0x0  }
0x19: {  	s7 =	sld [smem:$0x3F9D]  }
0x1a: {  	s8 =	sadd.s32 $0xFFFFE003, lr  }
0x1b: {  	s9 =	sadd.s32 $0xFFFFFEF7, lr;
	s5 =	simm.s32 $0xFFFFFFFF;
	p2 =	slt.u32 s8, $0xFFFFF086  }
0x1c: {  	p1 =	slt.u32 s9, $0xF7A;
	s5 =	simm.s32 @!p2 $0x0  }
0x1d: {  	s5 =	simm.s32 @p1 $0x1;
	p0 =	seq.s32 s7, s2  }
0x1e: {  	s7 =	smul.u32 @!p0 $0xF7A, s2;
	p2 =	seq.s32 @!p0 s5, $0x0  }
0x1f: {  	s9 =	smul.u32 $0xF7A, s1;
	s8 =	simm.s32 @!p0 $0x1BF5;
	p2 =	por !p2, p0  }
0x20: {  	[sflag:s8] =	ssyncset.s32 @!p0 $0xFFFFF086;
	s6 =	sadd.s32 @!p0 s3, s7;
	s7 =	simm.s32 @!p0 $0x108  }
0x21: {  	s3 =	sadd.s32 s3, s9;
	s6 =	sadd.s32 @!p0 $0x88, s6;
	s7 =	simm.s32 @p2 $0x1082  }
0x22: {  	[simem:s7], [sflag:s8] =	dma.local @!p0 [hbm:s6], $0xF7A  }
0x23: {  	s9 =	sor.u32 $0xD0000000, s2;
	s6 =	simm.s32 $0x108;
	_ =	swait.ge @!p0 [sflag:s8], $0x0  }
0x24: {  	s3 =	sadd.s32 $0x88, s3;
	s6 =	simm.s32 @!p1 $0x1082;
	[sflag:s4] =	ssyncset.s32 $0xFFFFF086  }
0x25: {  	[simem:s6], [sflag:s4] =	dma.local [hbm:s3], $0xF7A  }
0x26: {  	[smem:$0x3F9D] =	sst s1;
	(tag) =	ssettag s2;
	_ =	strace s9  }
0x27: {  	s1 =	sld [smem:$0x3FAD]  }
0x28: {  	s2 =	sld [smem:$0x3FAE]  }
0x29: {  	s4 =	sld [smem:$0x3FB0]  }
0x2a: {  	p0 =	seq.s32 s5, $0x0;
	s5 =	sld [smem:$0x3FB1]  }
0x2b: {  	s6 =	sld [smem:$0x3FB2]  }
0x2c: {  	s7 =	sld [smem:$0x3FB3]  }
0x2d: {  	s3 =	simm.s32 $0x108;
	s8 =	sld [smem:$0x3FB4]  }
0x2e: {  	s3 =	simm.s32 @!p0 $0x1082;
	s9 =	sld [smem:$0x3FB5]  }
0x2f: {  	lr =	sadd.s32 s0, s3;
	s0 =	sld [smem:$0x3FAC]  }
0x30: {  	s3 =	sld [smem:$0x3FAF]  }
0x31: {  	[smem:$0x3FB8] =	sst s10  }
0x32: {  	s10 =	sld [smem:$0x3FB6];
	_ =	sdelay $0x3  }
0x33: {  	p0 =	seq.s32 s10, $0x1;
	s10 =	sld [smem:$0x3FB8];
	_ =	sdelay $0x3  }
0x34: {  	[smem:$0x3FB8] =	sst s10  }
0x35: {  	s10 =	sld [smem:$0x3FB7];
	_ =	sdelay $0x3  }
0x36: {  	p1 =	seq.s32 s10, $0x1;
	s10 =	sld [smem:$0x3FB8];
	_ =	sdelay $0x3  }
0x37: {  	[smem:$0x3FB8] =	sst s10  }
0x38: {  	s10 =	sld [smem:$0x3FB9]  }
0x39: {  	_ = 	snop;
	(pc) =	sbr.ind lr, $3  }
0x3a: {  	_ = 	snop  }
0x3b: {  	_ = 	snop  }
0x3c: {  	p2 =	seq.s32 s10, $0x1;
	s10 =	sld [smem:$0x3FB8]  }
0x3d: {  	_ =	shalt  }
0x3e: {  	_ =	shalt  }
0x3f: {  	_ =	shalt  }
0x40: {  	_ =	shalt  }
0x41: {  	_ =	shalt  }
0x42: {  	_ =	shalt  }
0x43: {  	_ =	shalt  }
0x44: {  	_ =	shalt  }
0x45: {  	_ =	shalt  }
0x46: {  	_ =	shalt  }
0x47: {  	_ =	shalt  }
0x48: {  	_ =	shalt  }
0x49: {  	_ =	shalt  }
0x4a: {  	_ =	shalt  }
0x4b: {  	_ =	shalt  }
0x4c: {  	_ =	shalt  }
0x4d: {  	_ =	shalt  }
0x4e: {  	_ =	shalt  }
0x4f: {  	_ =	shalt  }
0x50: {  	_ =	shalt  }
0x51: {  	_ =	shalt  }
0x52: {  	_ =	shalt  }
0x53: {  	_ =	shalt  }
0x54: {  	_ =	shalt  }
0x55: {  	_ =	shalt  }
0x56: {  	_ =	shalt  }
0x57: {  	_ =	shalt  }
0x58: {  	_ =	shalt  }
0x59: {  	_ =	shalt  }
0x5a: {  	_ =	shalt  }
0x5b: {  	_ =	shalt  }
0x5c: {  	_ =	shalt  }
0x5d: {  	_ =	shalt  }
0x5e: {  	_ =	shalt  }
0x5f: {  	_ =	shalt  }
0x60: {  	_ =	shalt  }
0x61: {  	_ =	shalt  }
0x62: {  	_ =	shalt  }
0x63: {  	_ =	shalt  }
0x64: {  	_ =	shalt  }
0x65: {  	_ =	shalt  }
0x66: {  	_ =	shalt  }
0x67: {  	_ =	shalt  }
0x68: {  	_ =	shalt  }
0x69: {  	_ =	shalt  }
0x6a: {  	_ =	shalt  }
0x6b: {  	_ =	shalt  }
0x6c: {  	_ =	shalt  }
0x6d: {  	_ =	shalt  }
0x6e: {  	_ =	shalt  }
0x6f: {  	_ =	shalt  }
0x70: {  	_ =	shalt  }
0x71: {  	_ =	shalt  }
0x72: {  	_ =	shalt  }
0x73: {  	_ =	shalt  }
0x74: {  	_ =	shalt  }
0x75: {  	_ =	shalt  }
0x76: {  	_ =	shalt  }
0x77: {  	_ =	shalt  }
0x78: {  	_ =	shalt  }
0x79: {  	_ =	shalt  }
0x7a: {  	_ =	shalt  }
0x7b: {  	_ =	shalt  }
0x7c: {  	_ =	shalt  }
0x7d: {  	_ =	shalt  }
0x7e: {  	_ =	shalt  }
0x7f: {  	_ =	shalt  }
0x80: {  	_ =	shalt  }
0x81: {  	_ =	shalt  }
0x82: {  	_ =	shalt  }
0x83: {  	_ =	shalt  }
0x84: {  	_ =	shalt  }
0x85: {  	_ =	shalt  }
0x86: {  	_ =	shalt  }
0x87: {  	_ =	shalt  }
.Lfunc_end0:
.L_simem_size_0:
called_computation.1_lowered:
.L_overlay_start_0:
0x88: {  	s2 =	sld [smem:$0x3FD9]  }
0x89: {  	s3 =	sld [smem:$0x3FFE];
	_ =	sdelay $0x1  }
0x8a: {  	s1 =	srdreg.scid  }
0x8b: {  	s0 =	sand.u32 $0x1, s1  }
0x8c: {  	s17 =	sshll.u32 s0, $0xA;
	s2 =	sadd.s32 s3, s2  }
0x8d: {  	s2 =	sadd.s32 s2, s17  }
0x8e: {  	[smem:$0x3FC4] =	sst s2  }
0x8f: {  	_ = 	snop  }
0x90: {  	s2 =	sld [smem:$0x3FD0];
	(tm) =	ssettm $0x1  }
0x91: {  	s18 =	sld [smem:$0x3FFB];
	_ =	sdelay $0x3  }
0x92: {  	_ =	strace s18  }
0x93: {  	s3 =	sld [smem:$0x3FFC];
	_ =	sdelay $0x3  }
0x94: {  	_ =	strace s3  }
0x95: {  	s3 =	sld [smem:$0x3FFD];
	_ =	sdelay $0x3  }
0x96: {  	_ =	strace s3  }
0x97: {  	_ =	strace $0x8FFFFFFF  }
0x98: {  	s19 =	sld [smem:$0x3FDB];
	_ =	sdelay $0x1  }
0x99: {  	s4 =	simm.s32 $_scs_section_size  }
0x9a: {  	s5 =	simm.s32 $_size__tile_overlayer_lowered;
	s6 =	simm.s32 $_tile_overlayer_lowered  }
0x9b: {  	s22 =	simm.s32 $0x1BFF;
	s21 =	sshll.u32 s6, $0x1;
	s3 =	sadd.s32 s4, s19  }
0x9c: {  	s7 =	simm.s32 $0x0;
	s20 =	sshll.u32 s5, $0x1;
	s5 =	sadd.s32 s21, s3  }
0x9d: {  	[timem:s7], [sflag:s22] =	dma.local [hbm:s5], s20  }
0x9e: {  	_ =	swait.ge [sflag:s22], s20  }
0x9f: {  	s4 =	ssub.s32 $0x0, s20;
	[sflag:s22] =	ssyncset.done $0x0  }
0xa0: {  	[sflag:s22] =	ssyncadd.s32 s4;
	_ =	sdelay $0x1  }
0xa1: {  	s23 =	simm.s32 $0x1B8B  }
0xa2: {  	_ =	swait.ge [sflag:s23], $0x1  }
0xa3: {  	[sflag:s23] =	ssyncset.done $0x0  }
0xa4: {  	s25 =	simm.s32 $0x1B8E;
	s24 =	sld [smem:$0x3FFE];
	[sflag:s23] =	ssyncadd.s32 $0xFFFFFFFF  }
0xa5: {  	s26 =	simm.s32 $execute0_lowered;
	[smem:$0x3FD2] =	sst s25  }
0xa6: {  	s5 =	sshll.u32 s26, $0x1;
	_ =	strace $0x80000049;
	[dreg:$0x1] =	wrdreg $0xFFFFFFFF  }
0xa7: {  	s28 =	simm.s32 $_size_execute0_lowered;
	s3 =	sadd.s32 s3, s5;
	[dreg:$0x0] =	wrdreg $0x0  }
0xa8: {  	s5 =	sshll.u32 s28, $0x1;
	[dreg:$0x2] =	wrdreg s3  }
0xa9: {  	[dreg:$0x3] =	wrdreg s5  }
0xaa: {  	[dreg:$0x4] =	wrdreg $0xC0  }
0xab: {  	_ =	task [dreg:s7], $0x5FFFF  }
0xac: {  	[dreg:$0x1] =	wrdreg $0xFFFFFFFF  }
0xad: {  	[dreg:$0x0] =	wrdreg $0x60  }
0xae: {  	[dreg:$0x2] =	wrdreg s2  }
0xaf: {  	[dreg:$0x3] =	wrdreg s24  }
0xb0: {  	[dreg:$0x4] =	wrdreg $0xA4000  }
0xb1: {  	[dreg:$0x5] =	wrdreg $0x9  }
0xb2: {  	_ =	task.clear_ibuf [dreg:s7], $0x6FFFF;
	_ =	strace $0x90000049  }
0xb3: {  	s29 =	simm.s32 $0x9;
	_ =	strace $0x8000004B  }
0xb4: {  	_ =	swait.ge [sflag:s29], $0x1  }
0xb5: {  	[sflag:s29] =	ssyncadd.s32 $0xFFFFFFFF  }
0xb6: {  	_ =	strace $0x9000004B  }
0xb7: {  	_ =	sfence  }
0xb8: {  	s30 =	sld [smem:$0x0];
	_ =	sdelay $0x2  }
0xb9: {  	s31 =	sshll.u32 s1, $0xD;
	s1 =	sshrl.u32 s1, $0x2  }
0xba: {  	s3 =	sand.u32 $0x4000, s31;
	s1 =	sadd.s32 s1, s30  }
0xbb: {  	s0 =	sor.u32 s3, s0;
	s1 =	sshll.u32 s1, $0x11  }
0xbc: {  	s0 =	sor.u32 s1, s0  }
0xbd: {  	s0 =	sadd.s32 $0x8F2B, s0  }
0xbe: {  	[sflag:s0] =	ssyncadd.remote.s32 $0x1  }
0xbf: {  	_ =	sfence.sel $0xFFFF  }
0xc0: {  	[dreg:$0x0] =	wrdreg $0xFFFFFFFF;
	(pc) =	sbr.abs _section_cstart, $3  }
0xc1: {  	[dreg:$0x1] =	wrdreg $0xFFFFFFFF  }
0xc2: {  	_ =	task.clear_ibuf [dreg:s7], $0x2FFFF;
	_ =	strace $0x9FFFFFFF  }
0xc3: {  	(tm) =	ssettm $0x7FFFFFFF  }
tec
execute0_lowered:
.L_overlay_start_1:
0x0: {  	(tag) =	ssettag $0x1  }
0x1: {  	s1 =	rddreg [dreg:$0x0]  }
0x2: {  	s0 =	rddreg [dreg:$0x1]  }
0x3: {  	s31 =	rddreg [dreg:$0x2];
	s11 =	stileid.u32  }
0x4: {  	s4 =	simm.s32 $0x0;
	s2 =	srdreg.scid;
	s7 =	smul.u32 $0x278, s11  }
0x5: {  	[smem:$0x7FF] =	sst s4;
	s12 =	smul.u32 $0x4F000, s11  }
0x6: {  	s2 =	sand.u32 $0x1, s2;
	s9 =	sshll.u32 s11, $0x1;
	s11 =	smul.u32 $0x4E20, s11  }
0x7: {  	s3 =	sadd.s32 $0x1A00, s0;
	s5 =	sadd.s32 $0xB800, s0;
	s8 =	smul.u32 $0x2780, s2  }
0x8: {  	_ =	strace $0x8000004A;
	s9 =	sor.u32 s2, s9;
	s10 =	ssub.s32 $0x2, s2  }
0x9: {  	s2 =	smul.u32 $0x2710, s2;
	[smem:$0x7F6] =	sst s3;
	s7 =	sadd.s32 s7, s8  }
0xa: {  	[smem:$0x7FD] =	sst s5;
	s8 =	smul.u32 $0x2710, s9;
	s7 =	sshll.u32 s7, $0x4  }
0xb: {  	s13 =	sshrl.u32 s10, $0x1;
	s9 =	sshrl.u32 s12, $0x2;
	s0 =	sadd.s32 s7, s0  }
0xc: {  	s7 =	ssub.s32 s10, s13;
	s13 =	sadd.s32 s9, s31;
	s14 =	sshrl.u32 s8, $0x3  }
0xd: {  	s2 =	sadd.s32 s2, s11;
	s15 =	sadd.s32 s3, s14;
	[dreg:$0x6] =	wrdreg s13  }
0xe: {  	s16 =	sadd.s32 s5, s14;
	s17 =	sadd.s32 $0xA, s14;
	[dreg:$0x7] =	wrdreg s15  }
0xf: {  	s18 =	sadd.s32 $0x14, s14;
	s6 =	sadd.s32 $0x64600, s0;
	[dreg:$0x8] =	wrdreg s16  }
0x10: {  	s20 =	sadd.s32 $0x1E, s14;
	s11 =	sadd.s32 $0x65000, s0;
	[dreg:$0x15] =	wrdreg s6  }
0x11: {  	s9 =	sadd.s32 $0x28, s14;
	s14 =	sadd.s32 $0x65A00, s0;
	[dreg:$0x17] =	wrdreg s11  }
0x12: {  	s12 =	sadd.s32 s3, s17;
	[dreg:$0x19] =	wrdreg s14  }
0x13: {  	s10 =	sadd.s32 s5, s17;
	[dreg:$0x9] =	wrdreg s12  }
0x14: {  	s19 =	sadd.s32 s3, s18;
	[dreg:$0xa] =	wrdreg s10  }
0x15: {  	s21 =	sadd.s32 s3, s20;
	[dreg:$0xb] =	wrdreg s19  }
0x16: {  	s22 =	sadd.s32 s3, s9;
	[dreg:$0xd] =	wrdreg s21  }
0x17: {  	s9 =	sadd.s32 s5, s9;
	[dreg:$0xf] =	wrdreg s22  }
0x18: {  	s28 =	simm.s32 $0xA080;
	s15 =	sadd.s32 $0x65F00, s0;
	[dreg:$0x10] =	wrdreg s9  }
0x19: {  	s29 =	simm.s32 $0x50;
	s16 =	sadd.s32 $0x66400, s0;
	[dreg:$0x1a] =	wrdreg s15  }
0x1a: {  	s30 =	simm.s32 $0x7800;
	s17 =	smax.u32 s7, $0x1;
	[dreg:$0x1b] =	wrdreg s16  }
0x1b: {  	s7 =	simm.s32 $0xA000;
	s10 =	sadd.s32 s5, s18;
	[dreg:$0x1d] =	wrdreg s17  }
0x1c: {  	s14 =	simm.s32 $0x1;
	s9 =	sadd.s32 $0x64B00, s0;
	[dreg:$0xc] =	wrdreg s10  }
0x1d: {  	s11 =	simm.s32 $0x0;
	s12 =	sadd.s32 $0x65500, s0;
	[dreg:$0x16] =	wrdreg s9  }
0x1e: {  	s21 =	sadd.s32 $0x190, s8;
	s0 =	sadd.s32 $0x66900, s0;
	[dreg:$0x18] =	wrdreg s12  }
0x1f: {  	s18 =	sadd.s32 $0x280, s2;
	s19 =	sadd.s32 $0x5000, s13;
	[dreg:$0x1c] =	wrdreg s0  }
0x20: {  	s2 =	sadd.s32 $0x230, s2;
	s22 =	sadd.s32 $0xA000, s13;
	[dreg:$0x1f] =	wrdreg s19  }
0x21: {  	s15 =	simm.s32 $0x5;
	s16 =	simm.s32 $0x2;
	[smem:$0x7F9] =	sst s22  }
0x22: {  	s17 =	simm.s32 $0x6;
	s10 =	sadd.s32 s5, s20;
	[dreg:$0x4] =	wrdreg s21  }
0x23: {  	s23 =	sshrl.u32 s21, $0x3;
	s0 =	sshrl.u32 s18, $0x3;
	[dreg:$0xe] =	wrdreg s10  }
0x24: {  	s9 =	sshrl.u32 s2, $0x3;
	s20 =	sadd.s32 $0x7800, s13;
	[smem:$0x7F7] =	sst s0  }
0x25: {  	s18 =	simm.s32 $0xA280;
	s25 =	sadd.s32 s3, s23;
	[smem:$0x7F8] =	sst s20  }
0x26: {  	s10 =	sadd.s32 $0x1E0, s8;
	s8 =	sadd.s32 s5, s23;
	[dreg:$0x11] =	wrdreg s25  }
0x27: {  	s12 =	simm.s32 $0xA300;
	s23 =	sadd.s32 $0xC800, s13;
	[dreg:$0x12] =	wrdreg s8  }
0x28: {  	s19 =	simm.s32 $0xA180;
	s22 =	simm.s32 $0x7;
	[smem:$0x7FA] =	sst s23  }
0x29: {  	s24 =	sshrl.u32 s10, $0x3;
	s25 =	sadd.s32 $0xF000, s13;
	[dreg:$0x5] =	wrdreg s10  }
0x2a: {  	s20 =	simm.s32 $0xA380;
	s26 =	sadd.s32 s3, s24;
	[smem:$0x7FB] =	sst s25  }
0x2b: {  	s8 =	simm.s32 $0x5000;
	s3 =	sadd.s32 s5, s24;
	[dreg:$0x13] =	wrdreg s26  }
0x2c: {  	s23 =	simm.s32 $0x9;
	s24 =	sadd.s32 $0x2800, s13;
	[dreg:$0x14] =	wrdreg s3  }
0x2d: {  	s25 =	simm.s32 $0x3;
	s26 =	sadd.s32 $0x11800, s13;
	[dreg:$0x1e] =	wrdreg s24  }
0x2e: {  	v0 =	vimm.f32 $0.0e+00;
	s3 =	simm.s32 $0xA100;
	[smem:$0x7FC] =	sst s26;
	s26 =	simm.s32 $0xA200  }
.LBB2_1:
0x2f: {  	[smem:$0x7F5] =	sst s11;
	s0 =	simm.s32 $0x0;
	s2 =	simm.s32 $0x200  }
.LBB2_2:
0x30: {  	p0 =	sne.s32 s2, $0x9E00;
	[tilespmem:s0+$0x70] =	vst v0  }
0x31: {  	[tilespmem:s0+$0x0] =	vst v0  }
0x32: {  	[tilespmem:s0+$0x10] =	vst v0  }
.Ltmp0:
0x33: {  	[tilespmem:s0+$0x20] =	vst v0;
	(pc) =	sbr.rel @p0 .LBB2_2-.Ltmp0, $4  }
0x34: {  	[tilespmem:s0+$0x30] =	vst v0  }
0x35: {  	[tilespmem:s0+$0x40] =	vst v0  }
0x36: {  	[tilespmem:s0+$0x50] =	vst v0  }
0x37: {  	[tilespmem:s0+$0x60] =	vst v0;
	s0 =	sshra.s32 s2, $0x2;
	s2 =	sadd.s32 $0x200, s2  }
0x38: {  	[tilespmem:s0+$0x70] =	vst v0  }
0x39: {  	[tilespmem:s0+$0x0] =	vst v0  }
0x3a: {  	[tilespmem:s0+$0x10] =	vst v0  }
0x3b: {  	[tilespmem:s0+$0x20] =	vst v0  }
0x3c: {  	[tilespmem:s0+$0x30] =	vst v0  }
0x3d: {  	[tilespmem:s0+$0x40] =	vst v0  }
0x3e: {  	[tilespmem:s0+$0x50] =	vst v0  }
0x3f: {  	[tilespmem:s0+$0x60] =	vst v0;
	s2 =	simm.s32 $0x11  }
0x40: {  	[spmem:s13] =	stream.linear.scatter [tilespmem:s4], [sflag:$0x11], $0x2800, $0x38;
	[tilespmem:$0x1E000] =	vst v63  }
0x41: {  	_ =	swait.ge [sflag:s2], $0x2800  }
0x42: {  	[sflag:s2] =	ssyncset.done $0x0  }
0x43: {  	[sflag:s2] =	ssyncadd.s32 $0xFFFFD800  }
0x44: {  	[spmem:s24] =	stream.linear.scatter [tilespmem:s4], [sflag:$0x11], $0x2800, $0x38;
	[tilespmem:$0x1E000] =	vst v63  }
0x45: {  	_ =	swait.ge [sflag:s2], $0x2800  }
0x46: {  	[sflag:s2] =	ssyncset.done $0x0  }
0x47: {  	s11 =	rddreg [dreg:$0x1f];
	[sflag:s2] =	ssyncadd.s32 $0xFFFFD800  }
0x48: {  	[spmem:s11] =	stream.linear.scatter [tilespmem:s4], [sflag:$0x11], $0x2800, $0x38;
	[tilespmem:$0x1E000] =	vst v63  }
0x49: {  	_ =	swait.ge [sflag:s2], $0x2800  }
0x4a: {  	s13 =	sld [smem:$0x7F8]  }
0x4b: {  	[sflag:s2] =	ssyncset.done $0x0  }
0x4c: {  	[sflag:s2] =	ssyncadd.s32 $0xFFFFD800  }
0x4d: {  	[spmem:s13] =	stream.linear.scatter [tilespmem:s4], [sflag:$0x11], $0x2800, $0x38;
	[tilespmem:$0x1E000] =	vst v63  }
0x4e: {  	_ =	swait.ge [sflag:s2], $0x2800  }
0x4f: {  	s21 =	sld [smem:$0x7F9]  }
0x50: {  	[sflag:s2] =	ssyncset.done $0x0  }
0x51: {  	[sflag:s2] =	ssyncadd.s32 $0xFFFFD800  }
0x52: {  	[spmem:s21] =	stream.linear.scatter [tilespmem:s4], [sflag:$0x11], $0x2800, $0x38;
	[tilespmem:$0x1E000] =	vst v63  }
0x53: {  	_ =	swait.ge [sflag:s2], $0x2800  }
0x54: {  	s24 =	sld [smem:$0x7FA]  }
0x55: {  	[sflag:s2] =	ssyncset.done $0x0  }
0x56: {  	[sflag:s2] =	ssyncadd.s32 $0xFFFFD800  }
0x57: {  	[spmem:s24] =	stream.linear.scatter [tilespmem:s4], [sflag:$0x11], $0x2800, $0x38;
	[tilespmem:$0x1E000] =	vst v63  }
0x58: {  	_ =	swait.ge [sflag:s2], $0x2800  }
0x59: {  	s5 =	sld [smem:$0x7FB]  }
0x5a: {  	[sflag:s2] =	ssyncset.done $0x0  }
0x5b: {  	[sflag:s2] =	ssyncadd.s32 $0xFFFFD800  }
0x5c: {  	[spmem:s5] =	stream.linear.scatter [tilespmem:s4], [sflag:$0x11], $0x2800, $0x38;
	[tilespmem:$0x1E000] =	vst v63  }
0x5d: {  	_ =	swait.ge [sflag:s2], $0x2800  }
0x5e: {  	s6 =	sld [smem:$0x7FC]  }
0x5f: {  	[sflag:s2] =	ssyncset.done $0x0  }
0x60: {  	[sflag:s2] =	ssyncadd.s32 $0xFFFFD800  }
0x61: {  	[spmem:s6] =	stream.linear.scatter [tilespmem:s4], [sflag:$0x11], $0x2400, $0x38;
	[tilespmem:$0x1E000] =	vst v63  }
0x62: {  	_ =	swait.ge [sflag:s2], $0x2400  }
0x63: {  	[sflag:s2] =	ssyncset.done $0x0  }
0x64: {  	[sflag:s2] =	ssyncadd.s32 $0xFFFFDC00  }
0x65: {  	[bflag:$0x0] =	sbarrier.arrive $0xFFFF  }
0x66: {  	s10 =	rddreg [dreg:$0x7]  }
0x67: {  	[tilespmem:s7], [sflag:$0x1] =	stream.linear.gather [hbm4b:s10+s4], $0x50, $0x38;
	[tilespmem:$0x1E000] =	vst v63  }
0x68: {  	s11 =	rddreg [dreg:$0x8]  }
0x69: {  	[tilespmem:s26], [sflag:$0x5] =	stream.linear.gather [hbm4b:s11+s4], $0x50, $0x38;
	[tilespmem:$0x1E000] =	vst v63  }
0x6a: {  	s13 =	rddreg [dreg:$0x9]  }
0x6b: {  	[tilespmem:s28], [sflag:$0x2] =	stream.linear.gather [hbm4b:s13+s4], $0x50, $0x38;
	[tilespmem:$0x1E000] =	vst v63  }
0x6c: {  	s21 =	rddreg [dreg:$0xa]  }
0x6d: {  	[tilespmem:s18], [sflag:$0x6] =	stream.linear.gather [hbm4b:s21+s4], $0x50, $0x38;
	[tilespmem:$0x1E000] =	vst v63  }
0x6e: {  	s24 =	rddreg [dreg:$0xb]  }
0x6f: {  	[tilespmem:s3], [sflag:$0x3] =	stream.linear.gather [hbm4b:s24+s4], $0x50, $0x38;
	[tilespmem:$0x1E000] =	vst v63  }
0x70: {  	s2 =	rddreg [dreg:$0xc]  }
0x71: {  	[tilespmem:s12], [sflag:$0x7] =	stream.linear.gather [hbm4b:s2+s4], $0x50, $0x38;
	[tilespmem:$0x1E000] =	vst v63  }
0x72: {  	_ =	swait.ge [sflag:s14], $0x50  }
0x73: {  	[sflag:s14] =	ssyncset.done $0x0  }
0x74: {  	[sflag:s14] =	ssyncadd.s32 $0xFFFFFFB0  }
0x75: {  	_ =	swait.ge [sflag:s15], $0x50  }
0x76: {  	[sflag:s15] =	ssyncset.done $0x0  }
0x77: {  	[sflag:s15] =	ssyncadd.s32 $0xFFFFFFB0  }
0x78: {  	[tilespmem:s4], [sflag:$0x9] =	stream.indirect.gather [hbm4b:s1+s29], $0x80, s7, s29, $0xb8;
	[tilespmem:$0x1E000] =	vst v63  }
0x79: {  	_ =	swait.ge [sflag:s16], $0x50  }
0x7a: {  	[sflag:s16] =	ssyncset.done $0x0  }
0x7b: {  	[sflag:s16] =	ssyncadd.s32 $0xFFFFFFB0  }
0x7c: {  	_ =	swait.ge [sflag:s17], $0x50  }
0x7d: {  	[sflag:s17] =	ssyncset.done $0x0  }
0x7e: {  	s11 =	simm.s32 $0x2800;
	[sflag:s17] =	ssyncadd.s32 $0xFFFFFFB0  }
0x7f: {  	[tilespmem:s11], [sflag:$0xA] =	stream.indirect.gather [hbm4b:s1+s29], $0x80, s28, s29, $0xb8;
	[tilespmem:$0x1E000] =	vst v63  }
0x80: {  	s5 =	rddreg [dreg:$0xd]  }
0x81: {  	[tilespmem:s19], [sflag:$0x4] =	stream.linear.gather [hbm4b:s5+s4], $0x50, $0x38;
	[tilespmem:$0x1E000] =	vst v63  }
0x82: {  	s6 =	rddreg [dreg:$0xe]  }
0x83: {  	[tilespmem:s20], [sflag:$0x8] =	stream.linear.gather [hbm4b:s6+s4], $0x50, $0x38;
	[tilespmem:$0x1E000] =	vst v63  }
0x84: {  	_ =	swait.ge [sflag:s25], $0x50  }
0x85: {  	[sflag:s25] =	ssyncset.done $0x0  }
0x86: {  	[sflag:s25] =	ssyncadd.s32 $0xFFFFFFB0  }
0x87: {  	_ =	swait.ge [sflag:s22], $0x50  }
0x88: {  	[sflag:s22] =	ssyncset.done $0x0  }
0x89: {  	[sflag:s22] =	ssyncadd.s32 $0xFFFFFFB0  }
0x8a: {  	[tilespmem:s8], [sflag:$0xB] =	stream.indirect.gather [hbm4b:s1+s29], $0x80, s3, s29, $0xb8;
	[tilespmem:$0x1E000] =	vst v63  }
0x8b: {  	_ =	swait.ge [sflag:s23], $0x2800  }
0x8c: {  	[sflag:s23] =	ssyncset.done $0x0  }
0x8d: {  	s13 =	simm.s32 $0xD;
	[sflag:s23] =	ssyncadd.s32 $0xFFFFD800  }
0x8e: {  	[spmem:s31] =	stream.indirect.scatter.add.f32 [tilespmem:s4], [sflag:$0xD], $0x80, s26, s29, $0xb8;
	[tilespmem:$0x1E000] =	vst v63  }
0x8f: {  	_ =	swait.ge [sflag:s13], $0x2800  }
0x90: {  	[sflag:s13] =	ssyncset.done $0x0  }
0x91: {  	s10 =	rddreg [dreg:$0xf];
	[sflag:s13] =	ssyncadd.s32 $0xFFFFD800  }
0x92: {  	[tilespmem:s7], [sflag:$0x1] =	stream.linear.gather [hbm4b:s10+s4], $0x50, $0x38;
	[tilespmem:$0x1E000] =	vst v63  }
0x93: {  	s24 =	simm.s32 $0x4;
	s21 =	rddreg [dreg:$0x10]  }
0x94: {  	[tilespmem:s26], [sflag:$0x5] =	stream.linear.gather [hbm4b:s21+s4], $0x50, $0x38;
	[tilespmem:$0x1E000] =	vst v63  }
0x95: {  	_ =	swait.ge [sflag:s24], $0x50  }
0x96: {  	[sflag:s24] =	ssyncset.done $0x0  }
0x97: {  	[sflag:s24] =	ssyncadd.s32 $0xFFFFFFB0;
	s24 =	simm.s32 $0x8  }
0x98: {  	_ =	swait.ge [sflag:s24], $0x50  }
0x99: {  	[sflag:s24] =	ssyncset.done $0x0  }
0x9a: {  	s10 =	simm.s32 $0xA;
	[sflag:s24] =	ssyncadd.s32 $0xFFFFFFB0  }
0x9b: {  	[tilespmem:s30], [sflag:$0xC] =	stream.indirect.gather [hbm4b:s1+s29], $0x80, s19, s29, $0xb8;
	[tilespmem:$0x1E000] =	vst v63  }
0x9c: {  	_ =	swait.ge [sflag:s10], $0x2800  }
0x9d: {  	[sflag:s10] =	ssyncset.done $0x0  }
0x9e: {  	s0 =	simm.s32 $0xE;
	[sflag:s10] =	ssyncadd.s32 $0xFFFFD800  }
0x9f: {  	[spmem:s31] =	stream.indirect.scatter.add.f32 [tilespmem:s11], [sflag:$0xE], $0x80, s18, s29, $0xb8;
	[tilespmem:$0x1E000] =	vst v63  }
0xa0: {  	_ =	swait.ge [sflag:s0], $0x2800  }
0xa1: {  	[sflag:s0] =	ssyncset.done $0x0  }
0xa2: {  	s30 =	rddreg [dreg:$0x11];
	[sflag:s0] =	ssyncadd.s32 $0xFFFFD800  }
0xa3: {  	[tilespmem:s28], [sflag:$0x2] =	stream.linear.gather [hbm4b:s30+s4], $0x50, $0x38;
	[tilespmem:$0x1E000] =	vst v63  }
0xa4: {  	s5 =	rddreg [dreg:$0x12]  }
0xa5: {  	[tilespmem:s18], [sflag:$0x6] =	stream.linear.gather [hbm4b:s5+s4], $0x50, $0x38;
	[tilespmem:$0x1E000] =	vst v63  }
0xa6: {  	_ =	swait.ge [sflag:s14], $0x50  }
0xa7: {  	[sflag:s14] =	ssyncset.done $0x0  }
0xa8: {  	[sflag:s14] =	ssyncadd.s32 $0xFFFFFFB0  }
0xa9: {  	_ =	swait.ge [sflag:s15], $0x50  }
0xaa: {  	[sflag:s15] =	ssyncset.done $0x0  }
0xab: {  	s8 =	simm.s32 $0xB;
	[sflag:s15] =	ssyncadd.s32 $0xFFFFFFB0  }
0xac: {  	[tilespmem:s4], [sflag:$0x9] =	stream.indirect.gather [hbm4b:s1+s29], $0x80, s7, s29, $0xb8;
	[tilespmem:$0x1E000] =	vst v63  }
0xad: {  	_ =	swait.ge [sflag:s8], $0x2800  }
0xae: {  	[sflag:s8] =	ssyncset.done $0x0  }
0xaf: {  	s6 =	simm.s32 $0x5000;
	[sflag:s8] =	ssyncadd.s32 $0xFFFFD800  }
0xb0: {  	[spmem:s31] =	stream.indirect.scatter.add.f32 [tilespmem:s6], [sflag:$0xF], $0x80, s12, s29, $0xb8;
	[tilespmem:$0x1E000] =	vst v63  }
0xb1: {  	s12 =	simm.s32 $0xF  }
0xb2: {  	_ =	swait.ge [sflag:s12], $0x2800  }
0xb3: {  	[sflag:s12] =	ssyncset.done $0x0  }
0xb4: {  	s21 =	rddreg [dreg:$0x13];
	[sflag:s12] =	ssyncadd.s32 $0xFFFFD800  }
0xb5: {  	[tilespmem:s3], [sflag:$0x3] =	stream.linear.gather [hbm4b:s21+s4], $0x50, $0x38;
	[tilespmem:$0x1E000] =	vst v63  }
0xb6: {  	s6 =	simm.s32 $0xA300;
	s21 =	rddreg [dreg:$0x14]  }
0xb7: {  	[tilespmem:s6], [sflag:$0x7] =	stream.linear.gather [hbm4b:s21+s4], $0x50, $0x38;
	[tilespmem:$0x1E000] =	vst v63  }
0xb8: {  	_ =	swait.ge [sflag:s16], $0x50  }
0xb9: {  	[sflag:s16] =	ssyncset.done $0x0  }
0xba: {  	[sflag:s16] =	ssyncadd.s32 $0xFFFFFFB0  }
0xbb: {  	_ =	swait.ge [sflag:s17], $0x50  }
0xbc: {  	[sflag:s17] =	ssyncset.done $0x0  }
0xbd: {  	s21 =	simm.s32 $0xC;
	[sflag:s17] =	ssyncadd.s32 $0xFFFFFFB0  }
0xbe: {  	[tilespmem:s11], [sflag:$0xA] =	stream.indirect.gather [hbm4b:s1+s29], $0x80, s28, s29, $0xb8;
	[tilespmem:$0x1E000] =	vst v63  }
0xbf: {  	_ =	swait.ge [sflag:s21], $0x2800  }
0xc0: {  	[sflag:s21] =	ssyncset.done $0x0  }
0xc1: {  	s5 =	simm.s32 $0x7800;
	s6 =	simm.s32 $0x10;
	[sflag:s21] =	ssyncadd.s32 $0xFFFFD800  }
0xc2: {  	[spmem:s31] =	stream.indirect.scatter.add.f32 [tilespmem:s5], [sflag:$0x10], $0x80, s20, s29, $0xb8;
	[tilespmem:$0x1E000] =	vst v63  }
0xc3: {  	_ =	swait.ge [sflag:s6], $0x2800  }
0xc4: {  	[sflag:s6] =	ssyncset.done $0x0  }
0xc5: {  	[sflag:s6] =	ssyncadd.s32 $0xFFFFD800;
	s6 =	sld [smem:$0x7F6];
	_ =	sdelay $0x2  }
0xc6: {  	s5 =	sadd.s32 s6, s9  }
0xc7: {  	[tilespmem:s19], [sflag:$0x4] =	stream.linear.gather [hbm4b:s5+s4], $0x50, $0x38;
	[tilespmem:$0x1E000] =	vst v63  }
0xc8: {  	s5 =	sld [smem:$0x7FD];
	_ =	sdelay $0x2  }
0xc9: {  	s2 =	sadd.s32 s5, s9  }
0xca: {  	[tilespmem:s20], [sflag:$0x8] =	stream.linear.gather [hbm4b:s2+s4], $0x50, $0x38;
	[tilespmem:$0x1E000] =	vst v63  }
0xcb: {  	_ =	swait.ge [sflag:s25], $0x50  }
0xcc: {  	[sflag:s25] =	ssyncset.done $0x0  }
0xcd: {  	[sflag:s25] =	ssyncadd.s32 $0xFFFFFFB0  }
0xce: {  	_ =	swait.ge [sflag:s22], $0x50  }
0xcf: {  	[sflag:s22] =	ssyncset.done $0x0  }
0xd0: {  	s30 =	simm.s32 $0x5000;
	[sflag:s22] =	ssyncadd.s32 $0xFFFFFFB0  }
0xd1: {  	[tilespmem:s30], [sflag:$0xB] =	stream.indirect.gather [hbm4b:s1+s29], $0x80, s3, s29, $0xb8;
	[tilespmem:$0x1E000] =	vst v63  }
0xd2: {  	_ =	swait.ge [sflag:s23], $0x2800  }
0xd3: {  	[sflag:s23] =	ssyncset.done $0x0  }
0xd4: {  	[sflag:s23] =	ssyncadd.s32 $0xFFFFD800  }
0xd5: {  	[spmem:s31] =	stream.indirect.scatter.add.f32 [tilespmem:s4], [sflag:$0xD], $0x80, s26, s29, $0xb8;
	[tilespmem:$0x1E000] =	vst v63  }
0xd6: {  	_ =	swait.ge [sflag:s13], $0x2800  }
0xd7: {  	s30 =	smov.u32 s9;
	s9 =	sld [smem:$0x7F7];
	_ =	sdelay $0x1  }
0xd8: {  	[sflag:s13] =	ssyncset.done $0x0  }
0xd9: {  	[sflag:s13] =	ssyncadd.s32 $0xFFFFD800;
	s23 =	sadd.s32 s6, s9  }
0xda: {  	[tilespmem:s7], [sflag:$0x1] =	stream.linear.gather [hbm4b:s23+s4], $0x50, $0x38;
	[tilespmem:$0x1E000] =	vst v63  }
0xdb: {  	s25 =	sadd.s32 s5, s9  }
0xdc: {  	[tilespmem:s26], [sflag:$0x5] =	stream.linear.gather [hbm4b:s25+s4], $0x50, $0x38;
	[tilespmem:$0x1E000] =	vst v63  }
0xdd: {  	s26 =	simm.s32 $0x4  }
0xde: {  	_ =	swait.ge [sflag:s26], $0x50  }
0xdf: {  	[sflag:s26] =	ssyncset.done $0x0  }
0xe0: {  	[sflag:s26] =	ssyncadd.s32 $0xFFFFFFB0  }
0xe1: {  	_ =	swait.ge [sflag:s24], $0x50  }
0xe2: {  	[sflag:s24] =	ssyncset.done $0x0  }
0xe3: {  	s22 =	simm.s32 $0x7800;
	[sflag:s24] =	ssyncadd.s32 $0xFFFFFFB0  }
0xe4: {  	[tilespmem:s22], [sflag:$0xC] =	stream.indirect.gather [hbm4b:s1+s29], $0x80, s19, s29, $0xb8;
	[tilespmem:$0x1E000] =	vst v63  }
0xe5: {  	_ =	swait.ge [sflag:s10], $0x2800  }
0xe6: {  	s23 =	simm.s32 $0x4;
	[sflag:s10] =	ssyncset.done $0x0  }
0xe7: {  	s25 =	smin.u32 s23, $0x77;
	[sflag:s10] =	ssyncadd.s32 $0xFFFFD800  }
0xe8: {  	[spmem:s31] =	stream.indirect.scatter.add.f32 [tilespmem:s11], [sflag:$0xE], $0x80, s18, s29, $0xb8;
	[tilespmem:$0x1E000] =	vst v63  }
0xe9: {  	s2 =	smul.u32 $0x50, s25;
	_ =	swait.ge [sflag:s0], $0x2800  }
0xea: {  	s26 =	rddreg [dreg:$0x4]  }
0xeb: {  	s2 =	sadd.s32 s2, s26  }
0xec: {  	[sflag:s0] =	ssyncset.done $0x0;
	s2 =	sshrl.u32 s2, $0x3  }
0xed: {  	[sflag:s0] =	ssyncadd.s32 $0xFFFFD800;
	s22 =	sadd.s32 s6, s2  }
0xee: {  	[tilespmem:s28], [sflag:$0x2] =	stream.linear.gather [hbm4b:s22+s4], $0x50, $0x38;
	[tilespmem:$0x1E000] =	vst v63  }
0xef: {  	s2 =	sadd.s32 s5, s2  }
0xf0: {  	[tilespmem:s18], [sflag:$0x6] =	stream.linear.gather [hbm4b:s2+s4], $0x50, $0x38;
	[tilespmem:$0x1E000] =	vst v63  }
0xf1: {  	_ =	swait.ge [sflag:s14], $0x50  }
0xf2: {  	[sflag:s14] =	ssyncset.done $0x0  }
0xf3: {  	[sflag:s14] =	ssyncadd.s32 $0xFFFFFFB0  }
0xf4: {  	_ =	swait.ge [sflag:s15], $0x50  }
0xf5: {  	[sflag:s15] =	ssyncset.done $0x0  }
0xf6: {  	[sflag:s15] =	ssyncadd.s32 $0xFFFFFFB0  }
0xf7: {  	[tilespmem:s4], [sflag:$0x9] =	stream.indirect.gather [hbm4b:s1+s29], $0x80, s7, s29, $0xb8;
	[tilespmem:$0x1E000] =	vst v63  }
0xf8: {  	_ =	swait.ge [sflag:s8], $0x2800  }
0xf9: {  	s20 =	simm.s32 $0x5000;
	[sflag:s8] =	ssyncset.done $0x0  }
0xfa: {  	s23 =	smin.u32 s23, $0x76;
	s24 =	simm.s32 $0xA300;
	[sflag:s8] =	ssyncadd.s32 $0xFFFFD800  }
0xfb: {  	[spmem:s31] =	stream.indirect.scatter.add.f32 [tilespmem:s20], [sflag:$0xF], $0x80, s24, s29, $0xb8;
	[tilespmem:$0x1E000] =	vst v63  }
0xfc: {  	s0 =	smul.u32 $0x50, s23;
	_ =	swait.ge [sflag:s12], $0x2800  }
0xfd: {  	s25 =	rddreg [dreg:$0x5]  }
0xfe: {  	s0 =	sadd.s32 s0, s25  }
0xff: {  	[sflag:s12] =	ssyncset.done $0x0;
	s0 =	sshrl.u32 s0, $0x3  }
0x100: {  	[sflag:s12] =	ssyncadd.s32 $0xFFFFD800;
	s26 =	sadd.s32 s6, s0  }
0x101: {  	[tilespmem:s3], [sflag:$0x3] =	stream.linear.gather [hbm4b:s26+s4], $0x50, $0x38;
	[tilespmem:$0x1E000] =	vst v63  }
0x102: {  	s0 =	sadd.s32 s5, s0  }
0x103: {  	[tilespmem:s24], [sflag:$0x7] =	stream.linear.gather [hbm4b:s0+s4], $0x50, $0x38;
	[tilespmem:$0x1E000] =	vst v63  }
0x104: {  	_ =	swait.ge [sflag:s16], $0x50  }
0x105: {  	[sflag:s16] =	ssyncset.done $0x0  }
0x106: {  	[sflag:s16] =	ssyncadd.s32 $0xFFFFFFB0  }
0x107: {  	s23 =	simm.s32 $0x7;
	_ =	swait.ge [sflag:s17], $0x50  }
0x108: {  	s22 =	simm.s32 $0x3;
	s18 =	simm.s32 $0x6;
	[sflag:s17] =	ssyncset.done $0x0  }
0x109: {  	s15 =	simm.s32 $0x1;
	s8 =	smov.u32 s30;
	[sflag:s17] =	ssyncadd.s32 $0xFFFFFFB0  }
0x10a: {  	[tilespmem:s11], [sflag:$0xA] =	stream.indirect.gather [hbm4b:s1+s29], $0x80, s28, s29, $0xb8;
	[tilespmem:$0x1E000] =	vst v63  }
0x10b: {  	s25 =	sadd.s32 $0x28, s5;
	s3 =	simm.s32 $0x9;
	_ =	swait.ge [sflag:s21], $0x2800  }
0x10c: {  	s24 =	simm.s32 $0x8;
	s0 =	sadd.s32 $0x28, s6;
	[sflag:s21] =	ssyncset.done $0x0  }
0x10d: {  	s16 =	simm.s32 $0x5;
	s17 =	simm.s32 $0x2;
	[sflag:s21] =	ssyncadd.s32 $0xFFFFD800  }
.LBB2_4:
0x10e: {  	s20 =	simm.s32 $0x7800;
	s14 =	simm.s32 $0xA380;
	s10 =	simm.s32 $0x10  }
0x10f: {  	[spmem:s31] =	stream.indirect.scatter.add.f32 [tilespmem:s20], [sflag:$0x10], $0x80, s14, s29, $0xb8;
	[tilespmem:$0x1E000] =	vst v63  }
0x110: {  	_ =	swait.ge [sflag:s10], $0x2800  }
0x111: {  	[sflag:s10] =	ssyncset.done $0x0  }
0x112: {  	s12 =	sadd.s32 s0, s8;
	s19 =	simm.s32 $0xA180;
	[sflag:s10] =	ssyncadd.s32 $0xFFFFD800  }
0x113: {  	[tilespmem:s19], [sflag:$0x4] =	stream.linear.gather [hbm4b:s12+s4], $0x50, $0x38;
	[tilespmem:$0x1E000] =	vst v63  }
0x114: {  	s21 =	sadd.s32 s25, s8  }
0x115: {  	[tilespmem:s14], [sflag:$0x8] =	stream.linear.gather [hbm4b:s21+s4], $0x50, $0x38;
	[tilespmem:$0x1E000] =	vst v63  }
0x116: {  	_ =	swait.ge [sflag:s22], $0x50  }
0x117: {  	[sflag:s22] =	ssyncset.done $0x0  }
0x118: {  	[sflag:s22] =	ssyncadd.s32 $0xFFFFFFB0  }
0x119: {  	_ =	swait.ge [sflag:s23], $0x50  }
0x11a: {  	[sflag:s23] =	ssyncset.done $0x0  }
0x11b: {  	s11 =	simm.s32 $0x5000;
	s21 =	simm.s32 $0xA100;
	[sflag:s23] =	ssyncadd.s32 $0xFFFFFFB0  }
0x11c: {  	[tilespmem:s11], [sflag:$0xB] =	stream.indirect.gather [hbm4b:s1+s29], $0x80, s21, s29, $0xb8;
	[tilespmem:$0x1E000] =	vst v63  }
0x11d: {  	_ =	swait.ge [sflag:s3], $0x2800  }
0x11e: {  	[sflag:s3] =	ssyncset.done $0x0  }
0x11f: {  	s14 =	simm.s32 $0xA200;
	[sflag:s3] =	ssyncadd.s32 $0xFFFFD800  }
0x120: {  	[spmem:s31] =	stream.indirect.scatter.add.f32 [tilespmem:s4], [sflag:$0xD], $0x80, s14, s29, $0xb8;
	[tilespmem:$0x1E000] =	vst v63  }
0x121: {  	_ =	swait.ge [sflag:s13], $0x2800  }
0x122: {  	[sflag:s13] =	ssyncset.done $0x0  }
0x123: {  	s26 =	sadd.s32 s0, s9;
	s7 =	simm.s32 $0xA000;
	[sflag:s13] =	ssyncadd.s32 $0xFFFFD800  }
0x124: {  	[tilespmem:s7], [sflag:$0x1] =	stream.linear.gather [hbm4b:s26+s4], $0x50, $0x38;
	[tilespmem:$0x1E000] =	vst v63  }
0x125: {  	s30 =	sadd.s32 s25, s9;
	s13 =	simm.s32 $0x4  }
0x126: {  	[tilespmem:s14], [sflag:$0x5] =	stream.linear.gather [hbm4b:s30+s4], $0x50, $0x38;
	[tilespmem:$0x1E000] =	vst v63  }
0x127: {  	_ =	swait.ge [sflag:s13], $0x50  }
0x128: {  	[sflag:s13] =	ssyncset.done $0x0  }
0x129: {  	s14 =	simm.s32 $0x8;
	[sflag:s13] =	ssyncadd.s32 $0xFFFFFFB0  }
0x12a: {  	_ =	swait.ge [sflag:s14], $0x50  }
0x12b: {  	[sflag:s14] =	ssyncset.done $0x0  }
0x12c: {  	[sflag:s14] =	ssyncadd.s32 $0xFFFFFFB0  }
0x12d: {  	[tilespmem:s20], [sflag:$0xC] =	stream.indirect.gather [hbm4b:s1+s29], $0x80, s19, s29, $0xb8;
	[tilespmem:$0x1E000] =	vst v63  }
0x12e: {  	s2 =	smov.u32 s24;
	s20 =	simm.s32 $0xA  }
0x12f: {  	s26 =	smin.u32 s2, $0x77;
	_ =	swait.ge [sflag:s20], $0x2800  }
0x130: {  	s10 =	smul.u32 $0x50, s26;
	s26 =	simm.s32 $0xA280;
	[sflag:s20] =	ssyncset.done $0x0  }
0x131: {  	s13 =	simm.s32 $0xE;
	s19 =	simm.s32 $0x2800;
	[sflag:s20] =	ssyncadd.s32 $0xFFFFD800  }
0x132: {  	[spmem:s31] =	stream.indirect.scatter.add.f32 [tilespmem:s19], [sflag:$0xE], $0x80, s26, s29, $0xb8;
	[tilespmem:$0x1E000] =	vst v63  }
0x133: {  	_ =	swait.ge [sflag:s13], $0x2800  }
0x134: {  	s30 =	rddreg [dreg:$0x4]  }
0x135: {  	s10 =	sadd.s32 s10, s30  }
0x136: {  	[sflag:s13] =	ssyncset.done $0x0;
	s10 =	sshrl.u32 s10, $0x3  }
0x137: {  	[sflag:s13] =	ssyncadd.s32 $0xFFFFD800;
	s30 =	simm.s32 $0xA080;
	s20 =	sadd.s32 s6, s10  }
0x138: {  	[tilespmem:s30], [sflag:$0x2] =	stream.linear.gather [hbm4b:s20+s4], $0x50, $0x38;
	[tilespmem:$0x1E000] =	vst v63  }
0x139: {  	s10 =	sadd.s32 s5, s10  }
0x13a: {  	[tilespmem:s26], [sflag:$0x6] =	stream.linear.gather [hbm4b:s10+s4], $0x50, $0x38;
	[tilespmem:$0x1E000] =	vst v63  }
0x13b: {  	_ =	swait.ge [sflag:s15], $0x50  }
0x13c: {  	[sflag:s15] =	ssyncset.done $0x0  }
0x13d: {  	[sflag:s15] =	ssyncadd.s32 $0xFFFFFFB0  }
0x13e: {  	_ =	swait.ge [sflag:s16], $0x50  }
0x13f: {  	[sflag:s16] =	ssyncset.done $0x0  }
0x140: {  	s26 =	simm.s32 $0xB;
	[sflag:s16] =	ssyncadd.s32 $0xFFFFFFB0  }
0x141: {  	[tilespmem:s4], [sflag:$0x9] =	stream.indirect.gather [hbm4b:s1+s29], $0x80, s7, s29, $0xb8;
	[tilespmem:$0x1E000] =	vst v63  }
0x142: {  	_ =	swait.ge [sflag:s26], $0x2800  }
0x143: {  	s2 =	smin.u32 s2, $0x76;
	[sflag:s26] =	ssyncset.done $0x0  }
0x144: {  	s7 =	simm.s32 $0xF;
	[sflag:s26] =	ssyncadd.s32 $0xFFFFD800;
	s26 =	simm.s32 $0xA300  }
0x145: {  	[spmem:s31] =	stream.indirect.scatter.add.f32 [tilespmem:s11], [sflag:$0xF], $0x80, s26, s29, $0xb8;
	[tilespmem:$0x1E000] =	vst v63  }
0x146: {  	s2 =	smul.u32 $0x50, s2;
	_ =	swait.ge [sflag:s7], $0x2800  }
0x147: {  	s11 =	rddreg [dreg:$0x5]  }
0x148: {  	s2 =	sadd.s32 s2, s11  }
0x149: {  	[sflag:s7] =	ssyncset.done $0x0;
	s2 =	sshrl.u32 s2, $0x3  }
0x14a: {  	[sflag:s7] =	ssyncadd.s32 $0xFFFFD800;
	s20 =	sadd.s32 s6, s2  }
0x14b: {  	[tilespmem:s21], [sflag:$0x3] =	stream.linear.gather [hbm4b:s20+s4], $0x50, $0x38;
	[tilespmem:$0x1E000] =	vst v63  }
0x14c: {  	s2 =	sadd.s32 s5, s2  }
0x14d: {  	[tilespmem:s26], [sflag:$0x7] =	stream.linear.gather [hbm4b:s2+s4], $0x50, $0x38;
	[tilespmem:$0x1E000] =	vst v63  }
0x14e: {  	_ =	swait.ge [sflag:s17], $0x50  }
0x14f: {  	[sflag:s17] =	ssyncset.done $0x0  }
0x150: {  	[sflag:s17] =	ssyncadd.s32 $0xFFFFFFB0  }
0x151: {  	_ =	swait.ge [sflag:s18], $0x50  }
0x152: {  	[sflag:s18] =	ssyncset.done $0x0  }
0x153: {  	p0 =	sne.s32 s24, $0x78;
	[sflag:s18] =	ssyncadd.s32 $0xFFFFFFB0  }
0x154: {  	[tilespmem:s19], [sflag:$0xA] =	stream.indirect.gather [hbm4b:s1+s29], $0x80, s30, s29, $0xb8;
	[tilespmem:$0x1E000] =	vst v63  }
.Ltmp1:
0x155: {  	_ = 	snop;
	(pc) =	sbr.rel @p0 .LBB2_4-.Ltmp1, $4  }
0x156: {  	s24 =	sadd.s32 $0x4, s24;
	s30 =	simm.s32 $0xC  }
0x157: {  	s28 =	simm.s32 $0xA200;
	s25 =	sadd.s32 $0x28, s25;
	_ =	swait.ge [sflag:s30], $0x2800  }
0x158: {  	s0 =	sadd.s32 $0x28, s0;
	s12 =	simm.s32 $0xA380;
	[sflag:s30] =	ssyncset.done $0x0  }
0x159: {  	s14 =	simm.s32 $0x7800;
	s13 =	simm.s32 $0xD;
	[sflag:s30] =	ssyncadd.s32 $0xFFFFD800  }
0x15a: {  	[spmem:s31] =	stream.indirect.scatter.add.f32 [tilespmem:s14], [sflag:$0x10], $0x80, s12, s29, $0xb8;
	[tilespmem:$0x1E000] =	vst v63  }
0x15b: {  	s0 =	simm.s32 $0x10  }
0x15c: {  	_ =	swait.ge [sflag:s0], $0x2800  }
0x15d: {  	[sflag:s0] =	ssyncset.done $0x0  }
0x15e: {  	[sflag:s0] =	ssyncadd.s32 $0xFFFFD800  }
0x15f: {  	_ =	swait.ge [sflag:s3], $0x2800  }
0x160: {  	[sflag:s3] =	ssyncset.done $0x0  }
0x161: {  	[sflag:s3] =	ssyncadd.s32 $0xFFFFD800  }
0x162: {  	[spmem:s31] =	stream.indirect.scatter.add.f32 [tilespmem:s4], [sflag:$0xD], $0x80, s28, s29, $0xb8;
	[tilespmem:$0x1E000] =	vst v63  }
0x163: {  	_ =	swait.ge [sflag:s13], $0x2800  }
0x164: {  	[sflag:s13] =	ssyncset.done $0x0  }
0x165: {  	s9 =	simm.s32 $0xA;
	[sflag:s13] =	ssyncadd.s32 $0xFFFFD800  }
0x166: {  	_ =	swait.ge [sflag:s9], $0x2800  }
0x167: {  	[sflag:s9] =	ssyncset.done $0x0  }
0x168: {  	[sflag:s9] =	ssyncadd.s32 $0xFFFFD800  }
0x169: {  	_ =	swait.ge [sflag:s22], $0x50  }
0x16a: {  	[sflag:s22] =	ssyncset.done $0x0  }
0x16b: {  	[sflag:s22] =	ssyncadd.s32 $0xFFFFFFB0  }
0x16c: {  	_ =	swait.ge [sflag:s23], $0x50  }
0x16d: {  	[sflag:s23] =	ssyncset.done $0x0  }
0x16e: {  	[sflag:s23] =	ssyncadd.s32 $0xFFFFFFB0  }
0x16f: {  	[bflag:$0x0] =	sbarrier.arrive $0xFFFF  }
0x170: {  	s2 =	simm.s32 $0x11;
	s13 =	rddreg [dreg:$0x6]  }
0x171: {  	[tilespmem:s4], [sflag:$0x11] =	stream.linear.gather [spmem:s13], $0x2800, $0x38;
	[tilespmem:$0x1E000] =	vst v63  }
0x172: {  	_ =	swait.ge [sflag:s2], $0x2800  }
0x173: {  	[sflag:s2] =	ssyncset.done $0x0  }
0x174: {  	s10 =	rddreg [dreg:$0x15];
	[sflag:s2] =	ssyncadd.s32 $0xFFFFD800  }
0x175: {  	[hbm4b:s10+s4] =	stream.linear.scatter [tilespmem:s4], [sflag:$0x11], $0x2800, $0x38;
	[tilespmem:$0x1E000] =	vst v63  }
0x176: {  	_ =	swait.ge [sflag:s2], $0x2800  }
0x177: {  	[sflag:s2] =	ssyncset.done $0x0  }
0x178: {  	s24 =	rddreg [dreg:$0x1e];
	[sflag:s2] =	ssyncadd.s32 $0xFFFFD800  }
0x179: {  	[tilespmem:s4], [sflag:$0x11] =	stream.linear.gather [spmem:s24], $0x2800, $0x38;
	[tilespmem:$0x1E000] =	vst v63  }
0x17a: {  	_ =	swait.ge [sflag:s2], $0x2800  }
0x17b: {  	[sflag:s2] =	ssyncset.done $0x0  }
0x17c: {  	s11 =	rddreg [dreg:$0x16];
	[sflag:s2] =	ssyncadd.s32 $0xFFFFD800  }
0x17d: {  	[hbm4b:s11+s4] =	stream.linear.scatter [tilespmem:s4], [sflag:$0x11], $0x2800, $0x38;
	[tilespmem:$0x1E000] =	vst v63  }
0x17e: {  	_ =	swait.ge [sflag:s2], $0x2800  }
0x17f: {  	[sflag:s2] =	ssyncset.done $0x0  }
0x180: {  	s12 =	rddreg [dreg:$0x1f];
	[sflag:s2] =	ssyncadd.s32 $0xFFFFD800  }
0x181: {  	[tilespmem:s4], [sflag:$0x11] =	stream.linear.gather [spmem:s12], $0x2800, $0x38;
	[tilespmem:$0x1E000] =	vst v63  }
0x182: {  	_ =	swait.ge [sflag:s2], $0x2800  }
0x183: {  	[sflag:s2] =	ssyncset.done $0x0  }
0x184: {  	s14 =	rddreg [dreg:$0x17];
	[sflag:s2] =	ssyncadd.s32 $0xFFFFD800  }
0x185: {  	[hbm4b:s14+s4] =	stream.linear.scatter [tilespmem:s4], [sflag:$0x11], $0x2800, $0x38;
	[tilespmem:$0x1E000] =	vst v63  }
0x186: {  	_ =	swait.ge [sflag:s2], $0x2800  }
0x187: {  	s15 =	sld [smem:$0x7F8]  }
0x188: {  	[sflag:s2] =	ssyncset.done $0x0  }
0x189: {  	[sflag:s2] =	ssyncadd.s32 $0xFFFFD800  }
0x18a: {  	[tilespmem:s4], [sflag:$0x11] =	stream.linear.gather [spmem:s15], $0x2800, $0x38;
	[tilespmem:$0x1E000] =	vst v63  }
0x18b: {  	_ =	swait.ge [sflag:s2], $0x2800  }
0x18c: {  	[sflag:s2] =	ssyncset.done $0x0  }
0x18d: {  	s16 =	rddreg [dreg:$0x18];
	[sflag:s2] =	ssyncadd.s32 $0xFFFFD800  }
0x18e: {  	[hbm4b:s16+s4] =	stream.linear.scatter [tilespmem:s4], [sflag:$0x11], $0x2800, $0x38;
	[tilespmem:$0x1E000] =	vst v63  }
0x18f: {  	_ =	swait.ge [sflag:s2], $0x2800  }
0x190: {  	s17 =	sld [smem:$0x7F9]  }
0x191: {  	[sflag:s2] =	ssyncset.done $0x0  }
0x192: {  	[sflag:s2] =	ssyncadd.s32 $0xFFFFD800  }
0x193: {  	[tilespmem:s4], [sflag:$0x11] =	stream.linear.gather [spmem:s17], $0x2800, $0x38;
	[tilespmem:$0x1E000] =	vst v63  }
0x194: {  	_ =	swait.ge [sflag:s2], $0x2800  }
0x195: {  	[sflag:s2] =	ssyncset.done $0x0  }
0x196: {  	s18 =	rddreg [dreg:$0x19];
	[sflag:s2] =	ssyncadd.s32 $0xFFFFD800  }
0x197: {  	[hbm4b:s18+s4] =	stream.linear.scatter [tilespmem:s4], [sflag:$0x11], $0x2800, $0x38;
	[tilespmem:$0x1E000] =	vst v63  }
0x198: {  	_ =	swait.ge [sflag:s2], $0x2800  }
0x199: {  	s19 =	sld [smem:$0x7FA]  }
0x19a: {  	[sflag:s2] =	ssyncset.done $0x0  }
0x19b: {  	[sflag:s2] =	ssyncadd.s32 $0xFFFFD800  }
0x19c: {  	[tilespmem:s4], [sflag:$0x11] =	stream.linear.gather [spmem:s19], $0x2800, $0x38;
	[tilespmem:$0x1E000] =	vst v63  }
0x19d: {  	_ =	swait.ge [sflag:s2], $0x2800  }
0x19e: {  	[sflag:s2] =	ssyncset.done $0x0  }
0x19f: {  	s20 =	rddreg [dreg:$0x1a];
	[sflag:s2] =	ssyncadd.s32 $0xFFFFD800  }
0x1a0: {  	[hbm4b:s20+s4] =	stream.linear.scatter [tilespmem:s4], [sflag:$0x11], $0x2800, $0x38;
	[tilespmem:$0x1E000] =	vst v63  }
0x1a1: {  	_ =	swait.ge [sflag:s2], $0x2800  }
0x1a2: {  	s21 =	sld [smem:$0x7FB]  }
0x1a3: {  	[sflag:s2] =	ssyncset.done $0x0  }
0x1a4: {  	[sflag:s2] =	ssyncadd.s32 $0xFFFFD800  }
0x1a5: {  	[tilespmem:s4], [sflag:$0x11] =	stream.linear.gather [spmem:s21], $0x2800, $0x38;
	[tilespmem:$0x1E000] =	vst v63  }
0x1a6: {  	_ =	swait.ge [sflag:s2], $0x2800  }
0x1a7: {  	[sflag:s2] =	ssyncset.done $0x0  }
0x1a8: {  	s22 =	rddreg [dreg:$0x1b];
	[sflag:s2] =	ssyncadd.s32 $0xFFFFD800  }
0x1a9: {  	[hbm4b:s22+s4] =	stream.linear.scatter [tilespmem:s4], [sflag:$0x11], $0x2800, $0x38;
	[tilespmem:$0x1E000] =	vst v63  }
0x1aa: {  	_ =	swait.ge [sflag:s2], $0x2800  }
0x1ab: {  	s23 =	sld [smem:$0x7FC]  }
0x1ac: {  	[sflag:s2] =	ssyncset.done $0x0  }
0x1ad: {  	[sflag:s2] =	ssyncadd.s32 $0xFFFFD800  }
0x1ae: {  	[tilespmem:s4], [sflag:$0x11] =	stream.linear.gather [spmem:s23], $0x2400, $0x38;
	[tilespmem:$0x1E000] =	vst v63  }
0x1af: {  	_ =	swait.ge [sflag:s2], $0x2400  }
0x1b0: {  	[sflag:s2] =	ssyncset.done $0x0  }
0x1b1: {  	s25 =	rddreg [dreg:$0x1c];
	[sflag:s2] =	ssyncadd.s32 $0xFFFFDC00  }
0x1b2: {  	[hbm4b:s25+s4] =	stream.linear.scatter [tilespmem:s4], [sflag:$0x11], $0x2400, $0x38;
	[tilespmem:$0x1E000] =	vst v63  }
0x1b3: {  	_ =	swait.ge [sflag:s2], $0x2400  }
0x1b4: {  	s11 =	sld [smem:$0x7F5];
	_ =	sdelay $0x1  }
0x1b5: {  	s7 =	simm.s32 $0xA000;
	s30 =	simm.s32 $0x7800;
	s3 =	simm.s32 $0xA100  }
0x1b6: {  	s28 =	simm.s32 $0xA080;
	s26 =	rddreg [dreg:$0x1d];
	s11 =	sadd.s32 $0x1, s11  }
0x1b7: {  	s9 =	smov.u32 s8;
	s8 =	simm.s32 $0x5000;
	p0 =	sne.s32 s11, s26  }
.Ltmp2:
0x1b8: {  	s12 =	simm.s32 $0xA300;
	s14 =	simm.s32 $0x1;
	(pc) =	sbr.rel @p0 .LBB2_1-.Ltmp2, $4  }
0x1b9: {  	s15 =	simm.s32 $0x5;
	s16 =	simm.s32 $0x2;
	s17 =	simm.s32 $0x6  }
0x1ba: {  	s18 =	simm.s32 $0xA280;
	s19 =	simm.s32 $0xA180;
	s20 =	simm.s32 $0xA380  }
0x1bb: {  	s22 =	simm.s32 $0x7;
	s23 =	simm.s32 $0x9;
	[sflag:s2] =	ssyncset.done $0x0  }
0x1bc: {  	s25 =	simm.s32 $0x3;
	[sflag:s2] =	ssyncadd.s32 $0xFFFFDC00;
	s26 =	simm.s32 $0xA200  }
0x1bd: {  	_ =	sfence.sel $0x180000  }
0x1be: {  	[bflag:$0x0] =	sbarrier.arrive $0xFFFF  }
0x1bf: {  	_ =	strace $0x9000004A  }
0x1c0: {  	s0 =	stileid.u32;
	[bflag:$0x2] =	sbarrier.arrive $0xFFFF  }
0x1c1: {  	p0 =	sne.s32 s0, $0x0;
	s0 =	rddreg [dreg:$0x3]  }
0x1c2: {  	s0 =	sadd.s32 @!p0 $0x100000, s0  }
0x1c3: {  	[sflag:s0] =	ssyncadd.tile.s32 @!p0 $0x1;
	_ =	shalt  }
.Lfunc_end2:
_tile_overlayer_lowered:
.L_overlay_start_2:
0x1c4: {  	(tag) =	ssettag $0x2  }
0x1c5: {  	s0 =	rddreg [dreg:$0x0];
	s2 =	stileid.u32  }
0x1c6: {  	s1 =	rddreg [dreg:$0x1];
	p0 =	sne.s32 s2, $0x0  }
0x1c7: {  	s3 =	rddreg [dreg:$0x2];
	[bflag:$0x3] =	sbarrier.arrive $0xFFFF;
	s2 =	simm.s32 @!p0 $0x1C11  }
0x1c8: {  	[timem:s3], [sflag:s2] =	dma.local @!p0 [hbm:s0], s1  }
0x1c9: {  	s0 =	simm.s32 @!p0 $0x11  }
0x1ca: {  	_ =	swait.ge @!p0 [sflag:s0], s1  }
0x1cb: {  	s1 =	ssub.s32 @!p0 $0x0, s1;
	[sflag:s0] =	ssyncset.done @!p0 $0x0  }
0x1cc: {  	[sflag:s0] =	ssyncadd.s32 @!p0 s1  }
0x1cd: {  	[bflag:$0x3] =	sbarrier.arrive $0xFFFF  }
0x1ce: {  	_ =	shalt  }

</sc_bundles>
